<compile_context>
chip_gen: v7x
topology: tpu7x:2x2x1
jax: 0.10.2.dev20260603
libtpu: 0.0.44.dev20260713+nightly
codegen_flags: <defaults>
</compile_context>

<pallas_src>
import functools

import jax
import jax.numpy as jnp
from jax import lax
from jax.experimental import pallas as pl
from jax.experimental.pallas import tpu as pltpu
from jax.experimental.pallas import tpu_sc as plsc

_B, _S, _D, _T = 4, 2048, 1024, 128
_N = _B * _S
_N_SC = 2048
_N_TC = _N - _N_SC
_NC, _NS = 2, 16
_NW = _NC * _NS
_NCG = 8
_CW = _D // _NCG
_NTG = _NW // _NCG
_TPG = _N_SC // _NTG
_CH = 256
_NCH = _TPG // _CH
_RPW = _N_SC // _NW
_TCB = 2048
_TCG = _N_TC // _TCB


def _sc_segsum(feat2d, lab1d):
    mesh = plsc.VectorSubcoreMesh(core_axis_name="c", subcore_axis_name="s")

    @functools.partial(
        pl.kernel,
        mesh=mesh,
        out_type=jax.ShapeDtypeStruct((_NTG, _T, _D), jnp.float32),
        scratch_types=[
            pltpu.VMEM((_TPG,), jnp.int32),
            pltpu.VMEM((2, _CH, _CW), jnp.float32),
            pltpu.VMEM((_T, _CW), jnp.float32),
            pltpu.SemaphoreType.DMA,
            pltpu.SemaphoreType.DMA,
        ],
    )
    def k(feat_hbm, lab_hbm, out_sum,
          lab_v, buf_v, acc_v, sem0, sem1):
        c = lax.axis_index("c")
        s = lax.axis_index("s")
        w = s * _NC + c
        tg = w // _NCG
        cg = w % _NCG
        col0 = cg * _CW
        row0 = tg * _TPG

        lab_cp = pltpu.async_copy(
            lab_hbm.at[row0 // _S, pl.ds(row0 % _S, _TPG)], lab_v, sem0)
        pltpu.async_copy(feat_hbm.at[pl.ds(row0, _CH), pl.ds(col0, _CW)],
                         buf_v.at[0], sem1)

        z16 = jnp.zeros((16,), jnp.float32)

        @plsc.parallel_loop(0, _T)
        def zbody(r):
            for cc in range(_CW // 16):
                acc_v[r, pl.ds(cc * 16, 16)] = z16

        lab_cp.wait()

        def chunk(ch, carry):
            pltpu.make_async_copy(
                feat_hbm.at[pl.ds(row0 + ch * _CH, _CH), pl.ds(col0, _CW)],
                buf_v.at[ch % 2], sem1).wait()

            @pl.when(ch + 1 < _NCH)
            def _():
                pltpu.async_copy(
                    feat_hbm.at[pl.ds(row0 + (ch + 1) * _CH, _CH),
                                pl.ds(col0, _CW)],
                    buf_v.at[(ch + 1) % 2], sem1)

            @plsc.parallel_loop(0, _CH // 16, unroll=2)
            def tokgrp(g):
                lvec = lab_v[pl.ds(ch * _CH + g * 16, 16)]
                for j in range(16):
                    lab = lvec[j]
                    vs = [buf_v[ch % 2, g * 16 + j, pl.ds(cc * 16, 16)]
                          for cc in range(_CW // 16)]
                    for cc in range(_CW // 16):
                        plsc.addupdate(acc_v.at[lab, pl.ds(cc * 16, 16)],
                                       vs[cc])

            return carry

        lax.fori_loop(0, _NCH, chunk, 0)

        pltpu.sync_copy(acc_v, out_sum.at[tg, :, pl.ds(col0, _CW)])

    return k(feat2d, lab1d)


def _proto_rank(proto_ref, pp_ref, disc_ref):
    f32 = jnp.float32
    proto = proto_ref[...]
    pp = lax.dot_general(proto, proto, (((1,), (1,)), ((), ())),
                         preferred_element_type=f32)
    pp_ref[...] = pp

    ri = lax.broadcasted_iota(jnp.int32, (_T, _T), 0)
    ci = lax.broadcasted_iota(jnp.int32, (_T, _T), 1)
    eye = (ri == ci).astype(f32)
    pn2_col = jnp.sum(pp * eye, axis=1, keepdims=True)
    pn2_row = jnp.sum(pp * eye, axis=0, keepdims=True)
    pn_col = jnp.maximum(jnp.sqrt(pn2_col), 1e-8)
    pn_row = jnp.maximum(jnp.sqrt(pn2_row), 1e-8)
    sim = pp / (pn_col * pn_row)

    a3 = sim[:, :, None]
    b3 = sim[:, None, :]
    ki = lax.broadcasted_iota(jnp.int32, (_T, _T, _T), 1)
    ji = lax.broadcasted_iota(jnp.int32, (_T, _T, _T), 2)
    gt = (a3 > b3).astype(f32)
    eq = jnp.logical_and(a3 == b3, ki < ji).astype(f32)
    rank = jnp.sum(gt + eq, axis=1)
    disc_ref[...] = jnp.log(rank + 2.0) * 1.4426950408889634


def _tc1_body(lab_ref, labsc_ref, x_ref, proto_ref, fsum_ref, cnt_ref,
              pp_ref, disc_ref):
    f32 = jnp.float32
    i = pl.program_id(0)

    @pl.when(i == 0)
    def _proto_side():
        _proto_rank(proto_ref, pp_ref, disc_ref)

    lab_row = lab_ref[0]
    lab3 = jnp.broadcast_to(lab_row, (_T, _TCB))
    ti = lax.broadcasted_iota(jnp.int32, (_T, _TCB), 0)
    oh_bool = lab3 == ti
    oht = oh_bool.astype(f32)

    part = lax.dot_general(oht, x_ref[...], (((1,), (0,)), ((), ())),
                           preferred_element_type=f32)
    pcnt = jnp.sum(oh_bool.astype(f32), axis=1, keepdims=True)

    @pl.when(i == 0)
    def _init():
        lsc = jnp.broadcast_to(labsc_ref[0], (_T, _N_SC))
        tisc = lax.broadcasted_iota(jnp.int32, (_T, _N_SC), 0)
        csc = jnp.sum((lsc == tisc).astype(f32), axis=1, keepdims=True)
        fsum_ref[...] = part
        cnt_ref[...] = pcnt + csc

    @pl.when(i > 0)
    def _acc():
        fsum_ref[...] = fsum_ref[...] + part
        cnt_ref[...] = cnt_ref[...] + pcnt



def _tc2_body(psum_ref, fsum_ref, cntc_ref, w_ref, b_ref,
              proto_ref, pp_ref, disc_ref, temp_ref, out_ref):
    f32 = jnp.float32
    featsum = jnp.sum(psum_ref[...], axis=0) + fsum_ref[...]
    counts = cntc_ref[...]
    sums = lax.dot_general(featsum, w_ref[...], (((1,), (1,)), ((), ())),
                           preferred_element_type=f32)
    sums = sums + counts * b_ref[...]
    means = sums / jnp.maximum(counts, 1.0)

    mp = lax.dot_general(means, proto_ref[...], (((1,), (1,)), ((), ())),
                         preferred_element_type=f32)
    pp = pp_ref[...]

    ri = lax.broadcasted_iota(jnp.int32, (_T, _T), 0)
    ci = lax.broadcasted_iota(jnp.int32, (_T, _T), 1)
    eye = (ri == ci).astype(f32)

    m2 = jnp.sum(means * means, axis=1, keepdims=True)
    nm = jnp.maximum(jnp.sqrt(m2), 1e-8)
    pn2_row = jnp.sum(pp * eye, axis=0, keepdims=True)
    pn_row = jnp.maximum(jnp.sqrt(pn2_row), 1e-8)

    cos_mp = mp / (nm * pn_row)
    temp = temp_ref[0, 0]
    apd = (-(1.0 - cos_mp) / temp) / disc_ref[...]

    rmax = jnp.max(apd, axis=1, keepdims=True)
    lse = jnp.log(jnp.sum(jnp.exp(apd - rmax), axis=1, keepdims=True)) + rmax
    diag_ap = jnp.sum(apd * eye, axis=1, keepdims=True)
    loss_i = lse - diag_ap
    present = (counts > 0).astype(f32)
    total = jnp.sum(loss_i * present, axis=0, keepdims=True)
    out_ref[...] = total / _T


def kernel(features, labels, W, b, proto, temperature=0.3):
    feat2d = features.reshape(_N, _D)
    lab2d = labels.astype(jnp.int32)

    psum = _sc_segsum(feat2d, lab2d)

    fsum_tc, cnt_tc, pp, disc = pl.pallas_call(
        _tc1_body,
        grid=(_TCG,),
        out_shape=(
            jax.ShapeDtypeStruct((_T, _D), jnp.float32),
            jax.ShapeDtypeStruct((_T, 1), jnp.float32),
            jax.ShapeDtypeStruct((_T, _T), jnp.float32),
            jax.ShapeDtypeStruct((_T, _T), jnp.float32),
        ),
        in_specs=[
            pl.BlockSpec((1, 1, _S), lambda i: (i + _N_SC // _S, 0, 0)),
            pl.BlockSpec((1, 1, _N_SC), lambda i: (0, 0, 0)),
            pl.BlockSpec((_TCB, _D), lambda i: (i + _N_SC // _TCB, 0)),
            pl.BlockSpec((_T, _T), lambda i: (0, 0)),
        ],
        out_specs=(
            pl.BlockSpec((_T, _D), lambda i: (0, 0)),
            pl.BlockSpec((_T, 1), lambda i: (0, 0)),
            pl.BlockSpec((_T, _T), lambda i: (0, 0)),
            pl.BlockSpec((_T, _T), lambda i: (0, 0)),
        ),
    )(lab2d.reshape(_B, 1, _S), lab2d.reshape(_B, 1, _S), feat2d, proto)

    b_row = b.reshape(1, _T).astype(jnp.float32)
    t11 = jnp.asarray(temperature, jnp.float32).reshape(1, 1)
    out = pl.pallas_call(
        _tc2_body,
        out_shape=jax.ShapeDtypeStruct((1, 1), jnp.float32),
        in_specs=[pl.BlockSpec(memory_space=pltpu.VMEM)] * 8
        + [pl.BlockSpec(memory_space=pltpu.SMEM)],
        out_specs=pl.BlockSpec(memory_space=pltpu.VMEM),
    )(psum, fsum_tc, cnt_tc, W.astype(jnp.float32), b_row,
      proto, pp, disc, t11)
    return out.reshape(1)

# --- scband reference (transcript-rebuilt; emitter-appended) ---
"""Pipeline reference for scband-discounted-type-loss-87574383165820 (READ-ONLY COPY).

The authoritative reference and input builder live on the scoring server;
editing this copy changes nothing except your own understanding.
"""

import jax, jax.numpy as jnp
import numpy as np

BATCH, SEQ_LEN, HIDDEN_DIM, NUM_TAGS = 4, 2048, 1024, 128


def setup_inputs(seed: int = 0) -> dict:
    key = jax.random.key(seed)
    k1, k2, k3, k4 = jax.random.split(key, 4)
    features = jax.random.normal(k1, (BATCH, SEQ_LEN, HIDDEN_DIM), dtype=jnp.float32)
    labels = jax.random.randint(k2, (BATCH, SEQ_LEN), 0, NUM_TAGS)
    # Linear(hidden_dim -> num_tags): weight [num_tags, hidden_dim], bias [num_tags]
    W = jax.random.normal(k3, (NUM_TAGS, HIDDEN_DIM), dtype=jnp.float32) * 0.02
    b = jnp.zeros((NUM_TAGS,), dtype=jnp.float32)
    # prototype embedding table [num_tags, num_tags]
    proto = jax.random.normal(k4, (NUM_TAGS, NUM_TAGS), dtype=jnp.float32)
    temperature = jnp.float32(0.3)
    return {"features": features, "labels": labels, "W": W, "b": b, "proto": proto, "temperature": temperature}


def _cosine(a, b, eps=1e-8):
    # cosine similarity along last axis, torch-style eps clamping on norms
    na = jnp.maximum(jnp.linalg.norm(a, axis=-1), eps)
    nb = jnp.maximum(jnp.linalg.norm(b, axis=-1), eps)
    return jnp.sum(a * b, axis=-1) / (na * nb)


def reference(features, labels, W, b, proto, temperature=0.3):
    batch, seq_len, dim = features.shape
    T = proto.shape[0]
    # f_output = lnn(features): [B, S, T] -> flatten tokens
    f = features.reshape(-1, dim) @ W.T + b  # [N, T]
    lab = labels.reshape(-1)
    # scatter_(2, labels, 1) == one-hot over tags; masked_select+mean per tag == masked mean
    onehot = jax.nn.one_hot(lab, T, dtype=f.dtype)  # [N, T]
    counts = jnp.sum(onehot, axis=0)  # [T]
    sums = onehot.T @ f  # [T, T] scatter-add of token logits per tag
    means = sums / jnp.maximum(counts, 1.0)[:, None]  # [T, T] per-tag mean embed
    # cos(type_embed_i, proto_j) for all i, j
    cos_mp = _cosine(means[:, None, :], proto[None, :, :])  # [T, T]
    all_pair = -(1.0 - cos_mp) / temperature  # [T, T]
    # discount from rank of proto-proto cosine similarity (sorted descending)
    sim_pp = _cosine(proto[:, None, :], proto[None, :, :])  # [T, T]
    index = jnp.argsort(-sim_pp, axis=1)  # descending sort indices
    rank = jnp.argsort(index, axis=1)
    discount = jnp.log2((rank + 2).astype(f.dtype))  # [T, T]
    all_pair = all_pair / discount
    logp = jax.nn.log_softmax(all_pair, axis=1)  # softmax over j then log
    loss_i = -jnp.diagonal(logp)  # -log(all_pair[i]) for each tag i
    present = counts > 0  # 'continue' when no tokens of tag i
    type_loss = jnp.sum(jnp.where(present, loss_i, 0.0))
    return (type_loss / T).reshape(1)

if __name__ == "__main__":
    import jax
    _d = setup_inputs()
    print(jax.jit(kernel)(*tuple(_d.values())))

</pallas_src>

<mosaic_0001>
#map = affine_map<(d0, d1) -> (0, 0)>
#map1 = affine_map<(d0, d1) -> (0, 0, 0)>
module attributes {stable_mosaic.version = 14 : i64} {
  func.func @k(%arg0: i32, %arg1: i32, %arg2: memref<8192x1024xf32, #tpu.memory_space<hbm>>, %arg3: memref<4x2048xi32, #tpu.memory_space<hbm>>, %arg4: memref<4x128x1024xf32, #tpu.memory_space<hbm>>, %arg5: memref<512xi32, #tpu.memory_space<vmem>>, %arg6: memref<2x256x128xf32, #tpu.memory_space<vmem>>, %arg7: memref<128x128xf32, #tpu.memory_space<vmem>>, %arg8: memref<!tpu.dma_semaphore, #tpu.memory_space<semaphore_mem>>, %arg9: memref<!tpu.dma_semaphore, #tpu.memory_space<semaphore_mem>>) attributes {dimension_semantics = [#tpu.dimension_semantics<core_parallel>, #tpu.dimension_semantics<subcore_parallel>], iteration_bounds = array<i64: 2, 16>, scalar_prefetch = 0 : i64, scratch_operands = 5 : i64, tpu.core_type = #tpu.core_type<sc_vector_subcore>, window_params = [{transform_indices = #map}, {transform_indices = #map}, {transform_indices = #map1}]} {
    %mul3A = arith.constant 2 : i32
    %mul3A_0 = arith.muli %arg1, %mul3A : i32
    %add3A = arith.addi %mul3A_0, %arg0 : i32
    %jit3A = arith.constant 8 : i32
    %div3A = arith.divsi %add3A, %jit3A : i32
    %sign3A = arith.constant 0 : i32
    %sign3A_1 = arith.cmpi sgt, %add3A, %sign3A : i32
    %sign3A_2 = arith.extui %sign3A_1 : i1 to i32
    %sign3A_3 = arith.constant 0 : i32
    %sign3A_4 = arith.cmpi slt, %add3A, %sign3A_3 : i32
    %sign3A_5 = arith.extui %sign3A_4 : i1 to i32
    %sign3A_6 = arith.subi %sign3A_2, %sign3A_5 : i32
    %sign3A_7 = arith.constant 0 : i32
    %sign3A_8 = arith.cmpi sgt, %jit3A, %sign3A_7 : i32
    %sign3A_9 = arith.extui %sign3A_8 : i1 to i32
    %sign3A_10 = arith.constant 0 : i32
    %sign3A_11 = arith.cmpi slt, %jit3A, %sign3A_10 : i32
    %sign3A_12 = arith.extui %sign3A_11 : i1 to i32
    %sign3A_13 = arith.subi %sign3A_9, %sign3A_12 : i32
    %ne3A = arith.cmpi ne, %sign3A_6, %sign3A_13 : i32
    %rem3A = arith.remsi %add3A, %jit3A : i32
    %ne3A_14 = arith.constant 0 : i32
    %ne3A_15 = arith.cmpi ne, %rem3A, %ne3A_14 : i32
    %and3A = arith.andi %ne3A, %ne3A_15 : i1
    %sub3A = arith.constant 1 : i32
    %sub3A_16 = arith.subi %div3A, %sub3A : i32
    %select_n3A = arith.select %and3A, %sub3A_16, %div3A : i32
    %jit3A_17 = arith.constant 8 : i32
    %eq3A = arith.constant 0 : i32
    %eq3A_18 = arith.cmpi eq, %jit3A_17, %eq3A : i32
    %jit3A_19 = arith.constant 1 : i32
    %select_n3A_20 = arith.select %eq3A_18, %jit3A_19, %jit3A_17 : i32
    %rem3A_21 = arith.remsi %add3A, %select_n3A_20 : i32
    %ne3A_22 = arith.constant 0 : i32
    %ne3A_23 = arith.cmpi ne, %rem3A_21, %ne3A_22 : i32
    %lt3A = arith.constant 0 : i32
    %lt3A_24 = arith.cmpi slt, %rem3A_21, %lt3A : i32
    %lt3A_25 = arith.constant 0 : i32
    %lt3A_26 = arith.cmpi slt, %select_n3A_20, %lt3A_25 : i32
    %ne3A_27 = arith.xori %lt3A_24, %lt3A_26 : i1
    %and3A_28 = arith.andi %ne3A_27, %ne3A_23 : i1
    %add3A_29 = arith.addi %rem3A_21, %select_n3A_20 : i32
    %select_n3A_30 = arith.select %and3A_28, %add3A_29, %rem3A_21 : i32
    %mul3A_31 = arith.constant 128 : i32
    %mul3A_32 = arith.muli %select_n3A_30, %mul3A_31 : i32
    %mul3A_33 = arith.constant 512 : i32
    %mul3A_34 = arith.muli %select_n3A, %mul3A_33 : i32
    %jit3A_35 = arith.constant 2048 : i32
    %div3A_36 = arith.divsi %mul3A_34, %jit3A_35 : i32
    %sign3A_37 = arith.constant 0 : i32
    %sign3A_38 = arith.cmpi sgt, %mul3A_34, %sign3A_37 : i32
    %sign3A_39 = arith.extui %sign3A_38 : i1 to i32
    %sign3A_40 = arith.constant 0 : i32
    %sign3A_41 = arith.cmpi slt, %mul3A_34, %sign3A_40 : i32
    %sign3A_42 = arith.extui %sign3A_41 : i1 to i32
    %sign3A_43 = arith.subi %sign3A_39, %sign3A_42 : i32
    %sign3A_44 = arith.constant 0 : i32
    %sign3A_45 = arith.cmpi sgt, %jit3A_35, %sign3A_44 : i32
    %sign3A_46 = arith.extui %sign3A_45 : i1 to i32
    %sign3A_47 = arith.constant 0 : i32
    %sign3A_48 = arith.cmpi slt, %jit3A_35, %sign3A_47 : i32
    %sign3A_49 = arith.extui %sign3A_48 : i1 to i32
    %sign3A_50 = arith.subi %sign3A_46, %sign3A_49 : i32
    %ne3A_51 = arith.cmpi ne, %sign3A_43, %sign3A_50 : i32
    %rem3A_52 = arith.remsi %mul3A_34, %jit3A_35 : i32
    %ne3A_53 = arith.constant 0 : i32
    %ne3A_54 = arith.cmpi ne, %rem3A_52, %ne3A_53 : i32
    %and3A_55 = arith.andi %ne3A_51, %ne3A_54 : i1
    %sub3A_56 = arith.constant 1 : i32
    %sub3A_57 = arith.subi %div3A_36, %sub3A_56 : i32
    %select_n3A_58 = arith.select %and3A_55, %sub3A_57, %div3A_36 : i32
    %jit3A_59 = arith.constant 2048 : i32
    %eq3A_60 = arith.constant 0 : i32
    %eq3A_61 = arith.cmpi eq, %jit3A_59, %eq3A_60 : i32
    %jit3A_62 = arith.constant 1 : i32
    %select_n3A_63 = arith.select %eq3A_61, %jit3A_62, %jit3A_59 : i32
    %rem3A_64 = arith.remsi %mul3A_34, %select_n3A_63 : i32
    %ne3A_65 = arith.constant 0 : i32
    %ne3A_66 = arith.cmpi ne, %rem3A_64, %ne3A_65 : i32
    %lt3A_67 = arith.constant 0 : i32
    %lt3A_68 = arith.cmpi slt, %rem3A_64, %lt3A_67 : i32
    %lt3A_69 = arith.constant 0 : i32
    %lt3A_70 = arith.cmpi slt, %select_n3A_63, %lt3A_69 : i32
    %ne3A_71 = arith.xori %lt3A_68, %lt3A_70 : i1
    %and3A_72 = arith.andi %ne3A_71, %ne3A_66 : i1
    %add3A_73 = arith.addi %rem3A_64, %select_n3A_63 : i32
    %select_n3A_74 = arith.select %and3A_72, %add3A_73, %rem3A_64 : i32
    %dma_start3A = tpu.memref_slice %arg3[%select_n3A_58, %select_n3A_74] : memref<4x2048xi32, #tpu.memory_space<hbm>> -> memref<1x512xi32, #tpu.memory_space<hbm>>
    %dma_start3A_75 = tpu.memref_squeeze %dma_start3A : memref<1x512xi32, #tpu.memory_space<hbm>> -> memref<512xi32, #tpu.memory_space<hbm>>
    %dma_start3A_76 = tpu.memref_slice %arg3[%select_n3A_58, %select_n3A_74] : memref<4x2048xi32, #tpu.memory_space<hbm>> -> memref<1x512xi32, #tpu.memory_space<hbm>>
    %dma_start3A_77 = tpu.memref_squeeze %dma_start3A_76 : memref<1x512xi32, #tpu.memory_space<hbm>> -> memref<512xi32, #tpu.memory_space<hbm>>
    tpu.enqueue_dma source(%dma_start3A_77 : memref<512xi32, #tpu.memory_space<hbm>>) target(%arg5 : memref<512xi32, #tpu.memory_space<vmem>>) target_semaphore(%arg8 : memref<!tpu.dma_semaphore, #tpu.memory_space<semaphore_mem>>)
    %dma_start3A_78 = arith.constant 0 : i32
    %dma_start3A_79 = arith.constant 0 : i32
    %dma_start3A_80 = arith.constant 0 : i32
    %dma_start3A_81 = tpu.memref_slice %arg6[%dma_start3A_78, %dma_start3A_79, %dma_start3A_80] : memref<2x256x128xf32, #tpu.memory_space<vmem>> -> memref<1x256x128xf32, #tpu.memory_space<vmem>>
    %dma_start3A_82 = tpu.memref_squeeze %dma_start3A_81 : memref<1x256x128xf32, #tpu.memory_space<vmem>> -> memref<256x128xf32, #tpu.memory_space<vmem>>
    %dma_start3A_83 = tpu.memref_slice %arg2[%mul3A_34, %mul3A_32] : memref<8192x1024xf32, #tpu.memory_space<hbm>> -> memref<256x128xf32, #tpu.memory_space<hbm>>
    %dma_start3A_84 = arith.constant 0 : i32
    %dma_start3A_85 = arith.constant 0 : i32
    %dma_start3A_86 = tpu.memref_slice %arg6[%dma_start3A_78, %dma_start3A_84, %dma_start3A_85] : memref<2x256x128xf32, #tpu.memory_space<vmem>> -> memref<1x256x128xf32, #tpu.memory_space<vmem>>
    %dma_start3A_87 = tpu.memref_squeeze %dma_start3A_86 : memref<1x256x128xf32, #tpu.memory_space<vmem>> -> memref<256x128xf32, #tpu.memory_space<vmem>>
    %dma_start3A_88 = tpu.memref_slice %arg2[%mul3A_34, %mul3A_32] : memref<8192x1024xf32, #tpu.memory_space<hbm>> -> memref<256x128xf32, #tpu.memory_space<hbm>>
    tpu.enqueue_dma source(%dma_start3A_88 : memref<256x128xf32, #tpu.memory_space<hbm>>) target(%dma_start3A_87 : memref<256x128xf32, #tpu.memory_space<vmem>>) target_semaphore(%arg9 : memref<!tpu.dma_semaphore, #tpu.memory_space<semaphore_mem>>)
    %broadcast_in_dim3A = arith.constant 0.000000e+00 : f32
    %broadcast_in_dim3A_89 = vector.broadcast %broadcast_in_dim3A : f32 to vector<16xf32>
    %parallel_loop3A = arith.constant 0 : i32
    %parallel_loop3A_90 = arith.constant 128 : i32
    %parallel_loop3A_91 = arith.constant 1 : i32
    scf.for %parallel_loop3A_100 = %parallel_loop3A to %parallel_loop3A_90 step %parallel_loop3A_91  : i32 {
      %parallel_loop3A_101 = arith.index_cast %parallel_loop3A_100 : i32 to index
      %parallel_loop3A_102 = arith.constant 0 : index
      %parallel_loop3A_103 = tpu.vector_load %arg7[%parallel_loop3A_101, %parallel_loop3A_102] {strides = array<i32>} : memref<128x128xf32, #tpu.memory_space<vmem>>, vector<1x16xf32>,
      %parallel_loop3A_104 = vector.shape_cast %parallel_loop3A_103 : vector<1x16xf32> to vector<16xf32>
      %parallel_loop3A_105 = vector.shape_cast %broadcast_in_dim3A_89 : vector<16xf32> to vector<1x16xf32>
      tpu.vector_store %arg7[%parallel_loop3A_101, %parallel_loop3A_102], %parallel_loop3A_105 {strides = array<i32>} : memref<128x128xf32, #tpu.memory_space<vmem>>, vector<1x16xf32>,
      %parallel_loop3A_106 = arith.index_cast %parallel_loop3A_100 : i32 to index
      %parallel_loop3A_107 = arith.constant 16 : index
      %parallel_loop3A_108 = tpu.vector_load %arg7[%parallel_loop3A_106, %parallel_loop3A_107] {strides = array<i32>} : memref<128x128xf32, #tpu.memory_space<vmem>>, vector<1x16xf32>,
      %parallel_loop3A_109 = vector.shape_cast %parallel_loop3A_108 : vector<1x16xf32> to vector<16xf32>
      %parallel_loop3A_110 = vector.shape_cast %broadcast_in_dim3A_89 : vector<16xf32> to vector<1x16xf32>
      tpu.vector_store %arg7[%parallel_loop3A_106, %parallel_loop3A_107], %parallel_loop3A_110 {strides = array<i32>} : memref<128x128xf32, #tpu.memory_space<vmem>>, vector<1x16xf32>,
      %parallel_loop3A_111 = arith.index_cast %parallel_loop3A_100 : i32 to index
      %parallel_loop3A_112 = arith.constant 32 : index
      %parallel_loop3A_113 = tpu.vector_load %arg7[%parallel_loop3A_111, %parallel_loop3A_112] {strides = array<i32>} : memref<128x128xf32, #tpu.memory_space<vmem>>, vector<1x16xf32>,
      %parallel_loop3A_114 = vector.shape_cast %parallel_loop3A_113 : vector<1x16xf32> to vector<16xf32>
      %parallel_loop3A_115 = vector.shape_cast %broadcast_in_dim3A_89 : vector<16xf32> to vector<1x16xf32>
      tpu.vector_store %arg7[%parallel_loop3A_111, %parallel_loop3A_112], %parallel_loop3A_115 {strides = array<i32>} : memref<128x128xf32, #tpu.memory_space<vmem>>, vector<1x16xf32>,
      %parallel_loop3A_116 = arith.index_cast %parallel_loop3A_100 : i32 to index
      %parallel_loop3A_117 = arith.constant 48 : index
      %parallel_loop3A_118 = tpu.vector_load %arg7[%parallel_loop3A_116, %parallel_loop3A_117] {strides = array<i32>} : memref<128x128xf32, #tpu.memory_space<vmem>>, vector<1x16xf32>,
      %parallel_loop3A_119 = vector.shape_cast %parallel_loop3A_118 : vector<1x16xf32> to vector<16xf32>
      %parallel_loop3A_120 = vector.shape_cast %broadcast_in_dim3A_89 : vector<16xf32> to vector<1x16xf32>
      tpu.vector_store %arg7[%parallel_loop3A_116, %parallel_loop3A_117], %parallel_loop3A_120 {strides = array<i32>} : memref<128x128xf32, #tpu.memory_space<vmem>>, vector<1x16xf32>,
      %parallel_loop3A_121 = arith.index_cast %parallel_loop3A_100 : i32 to index
      %parallel_loop3A_122 = arith.constant 64 : index
      %parallel_loop3A_123 = tpu.vector_load %arg7[%parallel_loop3A_121, %parallel_loop3A_122] {strides = array<i32>} : memref<128x128xf32, #tpu.memory_space<vmem>>, vector<1x16xf32>,
      %parallel_loop3A_124 = vector.shape_cast %parallel_loop3A_123 : vector<1x16xf32> to vector<16xf32>
      %parallel_loop3A_125 = vector.shape_cast %broadcast_in_dim3A_89 : vector<16xf32> to vector<1x16xf32>
      tpu.vector_store %arg7[%parallel_loop3A_121, %parallel_loop3A_122], %parallel_loop3A_125 {strides = array<i32>} : memref<128x128xf32, #tpu.memory_space<vmem>>, vector<1x16xf32>,
      %parallel_loop3A_126 = arith.index_cast %parallel_loop3A_100 : i32 to index
      %parallel_loop3A_127 = arith.constant 80 : index
      %parallel_loop3A_128 = tpu.vector_load %arg7[%parallel_loop3A_126, %parallel_loop3A_127] {strides = array<i32>} : memref<128x128xf32, #tpu.memory_space<vmem>>, vector<1x16xf32>,
      %parallel_loop3A_129 = vector.shape_cast %parallel_loop3A_128 : vector<1x16xf32> to vector<16xf32>
      %parallel_loop3A_130 = vector.shape_cast %broadcast_in_dim3A_89 : vector<16xf32> to vector<1x16xf32>
      tpu.vector_store %arg7[%parallel_loop3A_126, %parallel_loop3A_127], %parallel_loop3A_130 {strides = array<i32>} : memref<128x128xf32, #tpu.memory_space<vmem>>, vector<1x16xf32>,
      %parallel_loop3A_131 = arith.index_cast %parallel_loop3A_100 : i32 to index
      %parallel_loop3A_132 = arith.constant 96 : index
      %parallel_loop3A_133 = tpu.vector_load %arg7[%parallel_loop3A_131, %parallel_loop3A_132] {strides = array<i32>} : memref<128x128xf32, #tpu.memory_space<vmem>>, vector<1x16xf32>,
      %parallel_loop3A_134 = vector.shape_cast %parallel_loop3A_133 : vector<1x16xf32> to vector<16xf32>
      %parallel_loop3A_135 = vector.shape_cast %broadcast_in_dim3A_89 : vector<16xf32> to vector<1x16xf32>
      tpu.vector_store %arg7[%parallel_loop3A_131, %parallel_loop3A_132], %parallel_loop3A_135 {strides = array<i32>} : memref<128x128xf32, #tpu.memory_space<vmem>>, vector<1x16xf32>,
      %parallel_loop3A_136 = arith.index_cast %parallel_loop3A_100 : i32 to index
      %parallel_loop3A_137 = arith.constant 112 : index
      %parallel_loop3A_138 = tpu.vector_load %arg7[%parallel_loop3A_136, %parallel_loop3A_137] {strides = array<i32>} : memref<128x128xf32, #tpu.memory_space<vmem>>, vector<1x16xf32>,
      %parallel_loop3A_139 = vector.shape_cast %parallel_loop3A_138 : vector<1x16xf32> to vector<16xf32>
      %parallel_loop3A_140 = vector.shape_cast %broadcast_in_dim3A_89 : vector<16xf32> to vector<1x16xf32>
      tpu.vector_store %arg7[%parallel_loop3A_136, %parallel_loop3A_137], %parallel_loop3A_140 {strides = array<i32>} : memref<128x128xf32, #tpu.memory_space<vmem>>, vector<1x16xf32>,
    } {sc.loop_unroll_factor = 1 : i64, sc.parallel_access}
    %dma_wait3A = tpu.memref_slice %arg3[%select_n3A_58, %select_n3A_74] : memref<4x2048xi32, #tpu.memory_space<hbm>> -> memref<1x512xi32, #tpu.memory_space<hbm>>
    %dma_wait3A_92 = tpu.memref_squeeze %dma_wait3A : memref<1x512xi32, #tpu.memory_space<hbm>> -> memref<512xi32, #tpu.memory_space<hbm>>
    %dma_wait3A_93 = tpu.memref_slice %arg3[%select_n3A_58, %select_n3A_74] : memref<4x2048xi32, #tpu.memory_space<hbm>> -> memref<1x512xi32, #tpu.memory_space<hbm>>
    %dma_wait3A_94 = tpu.memref_squeeze %dma_wait3A_93 : memref<1x512xi32, #tpu.memory_space<hbm>> -> memref<512xi32, #tpu.memory_space<hbm>>
    tpu.wait_dma2 semaphore(%arg8 : memref<!tpu.dma_semaphore, #tpu.memory_space<semaphore_mem>>) src(%dma_wait3A_94 : memref<512xi32, #tpu.memory_space<hbm>>) dst(%arg5 : memref<512xi32, #tpu.memory_space<vmem>>)
    %scan3A = arith.constant 0 : i32
    %scan3A_95 = arith.constant 0 : i32
    %scan3A_96 = arith.constant 2 : i32
    %scan3A_97 = arith.addi %scan3A_95, %scan3A_96 : i32
    %scan3A_98 = arith.constant 1 : i32
    scf.for %scan3A_100 = %scan3A_95 to %scan3A_97 step %scan3A_98  : i32 {
      %mul3A_101 = arith.constant 256 : i32
      %mul3A_102 = arith.muli %scan3A_100, %mul3A_101 : i32
      %add3A_103 = arith.addi %mul3A_34, %mul3A_102 : i32
      %jit3A_104 = arith.constant 2 : i32
      %eq3A_105 = arith.constant 0 : i32
      %eq3A_106 = arith.cmpi eq, %jit3A_104, %eq3A_105 : i32
      %jit3A_107 = arith.constant 1 : i32
      %select_n3A_108 = arith.select %eq3A_106, %jit3A_107, %jit3A_104 : i32
      %rem3A_109 = arith.remsi %scan3A_100, %select_n3A_108 : i32
      %ne3A_110 = arith.constant 0 : i32
      %ne3A_111 = arith.cmpi ne, %rem3A_109, %ne3A_110 : i32
      %lt3A_112 = arith.constant 0 : i32
      %lt3A_113 = arith.cmpi slt, %rem3A_109, %lt3A_112 : i32
      %lt3A_114 = arith.constant 0 : i32
      %lt3A_115 = arith.cmpi slt, %select_n3A_108, %lt3A_114 : i32
      %ne3A_116 = arith.xori %lt3A_113, %lt3A_115 : i1
      %and3A_117 = arith.andi %ne3A_116, %ne3A_111 : i1
      %add3A_118 = arith.addi %rem3A_109, %select_n3A_108 : i32
      %select_n3A_119 = arith.select %and3A_117, %add3A_118, %rem3A_109 : i32
      %dma_wait3A_120 = arith.constant 0 : i32
      %dma_wait3A_121 = arith.constant 0 : i32
      %dma_wait3A_122 = tpu.memref_slice %arg6[%select_n3A_119, %dma_wait3A_120, %dma_wait3A_121] : memref<2x256x128xf32, #tpu.memory_space<vmem>> -> memref<1x256x128xf32, #tpu.memory_space<vmem>>
      %dma_wait3A_123 = tpu.memref_squeeze %dma_wait3A_122 : memref<1x256x128xf32, #tpu.memory_space<vmem>> -> memref<256x128xf32, #tpu.memory_space<vmem>>
      %dma_wait3A_124 = tpu.memref_slice %arg2[%add3A_103, %mul3A_32] : memref<8192x1024xf32, #tpu.memory_space<hbm>> -> memref<256x128xf32, #tpu.memory_space<hbm>>
      %dma_wait3A_125 = arith.constant 0 : i32
      %dma_wait3A_126 = arith.constant 0 : i32
      %dma_wait3A_127 = tpu.memref_slice %arg6[%select_n3A_119, %dma_wait3A_125, %dma_wait3A_126] : memref<2x256x128xf32, #tpu.memory_space<vmem>> -> memref<1x256x128xf32, #tpu.memory_space<vmem>>
      %dma_wait3A_128 = tpu.memref_squeeze %dma_wait3A_127 : memref<1x256x128xf32, #tpu.memory_space<vmem>> -> memref<256x128xf32, #tpu.memory_space<vmem>>
      %dma_wait3A_129 = tpu.memref_slice %arg2[%add3A_103, %mul3A_32] : memref<8192x1024xf32, #tpu.memory_space<hbm>> -> memref<256x128xf32, #tpu.memory_space<hbm>>
      tpu.wait_dma2 semaphore(%arg9 : memref<!tpu.dma_semaphore, #tpu.memory_space<semaphore_mem>>) src(%dma_wait3A_129 : memref<256x128xf32, #tpu.memory_space<hbm>>) dst(%dma_wait3A_128 : memref<256x128xf32, #tpu.memory_space<vmem>>)
      %add3A_130 = arith.constant 1 : i32
      %add3A_131 = arith.addi %scan3A_100, %add3A_130 : i32
      %lt3A_132 = arith.constant 2 : i32
      %lt3A_133 = arith.cmpi slt, %add3A_131, %lt3A_132 : i32
      %convert_element_type3A = arith.extui %lt3A_133 : i1 to i32
      %cond3A = arith.constant 0 : i32
      %cond3A_134 = arith.cmpi ne, %convert_element_type3A, %cond3A : i32
      scf.if %cond3A_134 {
        %add3A_138 = arith.constant 1 : i32
        %add3A_139 = arith.addi %scan3A_100, %add3A_138 : i32
        %mul3A_140 = arith.constant 256 : i32
        %mul3A_141 = arith.muli %add3A_139, %mul3A_140 : i32
        %add3A_142 = arith.addi %mul3A_34, %mul3A_141 : i32
        %add3A_143 = arith.constant 1 : i32
        %add3A_144 = arith.addi %scan3A_100, %add3A_143 : i32
        %jit3A_145 = arith.constant 2 : i32
        %eq3A_146 = arith.constant 0 : i32
        %eq3A_147 = arith.cmpi eq, %jit3A_145, %eq3A_146 : i32
        %jit3A_148 = arith.constant 1 : i32
        %select_n3A_149 = arith.select %eq3A_147, %jit3A_148, %jit3A_145 : i32
        %rem3A_150 = arith.remsi %add3A_144, %select_n3A_149 : i32
        %ne3A_151 = arith.constant 0 : i32
        %ne3A_152 = arith.cmpi ne, %rem3A_150, %ne3A_151 : i32
        %lt3A_153 = arith.constant 0 : i32
        %lt3A_154 = arith.cmpi slt, %rem3A_150, %lt3A_153 : i32
        %lt3A_155 = arith.constant 0 : i32
        %lt3A_156 = arith.cmpi slt, %select_n3A_149, %lt3A_155 : i32
        %ne3A_157 = arith.xori %lt3A_154, %lt3A_156 : i1
        %and3A_158 = arith.andi %ne3A_157, %ne3A_152 : i1
        %add3A_159 = arith.addi %rem3A_150, %select_n3A_149 : i32
        %select_n3A_160 = arith.select %and3A_158, %add3A_159, %rem3A_150 : i32
        %dma_start3A_161 = arith.constant 0 : i32
        %dma_start3A_162 = arith.constant 0 : i32
        %dma_start3A_163 = tpu.memref_slice %arg6[%select_n3A_160, %dma_start3A_161, %dma_start3A_162] : memref<2x256x128xf32, #tpu.memory_space<vmem>> -> memref<1x256x128xf32, #tpu.memory_space<vmem>>
        %dma_start3A_164 = tpu.memref_squeeze %dma_start3A_163 : memref<1x256x128xf32, #tpu.memory_space<vmem>> -> memref<256x128xf32, #tpu.memory_space<vmem>>
        %dma_start3A_165 = tpu.memref_slice %arg2[%add3A_142, %mul3A_32] : memref<8192x1024xf32, #tpu.memory_space<hbm>> -> memref<256x128xf32, #tpu.memory_space<hbm>>
        %dma_start3A_166 = arith.constant 0 : i32
        %dma_start3A_167 = arith.constant 0 : i32
        %dma_start3A_168 = tpu.memref_slice %arg6[%select_n3A_160, %dma_start3A_166, %dma_start3A_167] : memref<2x256x128xf32, #tpu.memory_space<vmem>> -> memref<1x256x128xf32, #tpu.memory_space<vmem>>
        %dma_start3A_169 = tpu.memref_squeeze %dma_start3A_168 : memref<1x256x128xf32, #tpu.memory_space<vmem>> -> memref<256x128xf32, #tpu.memory_space<vmem>>
        %dma_start3A_170 = tpu.memref_slice %arg2[%add3A_142, %mul3A_32] : memref<8192x1024xf32, #tpu.memory_space<hbm>> -> memref<256x128xf32, #tpu.memory_space<hbm>>
        tpu.enqueue_dma source(%dma_start3A_170 : memref<256x128xf32, #tpu.memory_space<hbm>>) target(%dma_start3A_169 : memref<256x128xf32, #tpu.memory_space<vmem>>) target_semaphore(%arg9 : memref<!tpu.dma_semaphore, #tpu.memory_space<semaphore_mem>>)
      } else {
      }
      %parallel_loop3A_135 = arith.constant 0 : i32
      %parallel_loop3A_136 = arith.constant 16 : i32
      %parallel_loop3A_137 = arith.constant 1 : i32
      scf.for %parallel_loop3A_138 = %parallel_loop3A_135 to %parallel_loop3A_136 step %parallel_loop3A_137  : i32 {
        %parallel_loop3A_139 = arith.constant 256 : i32
        %parallel_loop3A_140 = arith.muli %scan3A_100, %parallel_loop3A_139 : i32
        %parallel_loop3A_141 = arith.constant 16 : i32
        %parallel_loop3A_142 = arith.muli %parallel_loop3A_138, %parallel_loop3A_141 : i32
        %parallel_loop3A_143 = arith.addi %parallel_loop3A_140, %parallel_loop3A_142 : i32
        %parallel_loop3A_144 = arith.index_cast %parallel_loop3A_143 : i32 to index
        %parallel_loop3A_145 = tpu.vector_load %arg5[%parallel_loop3A_144] {strides = array<i32>} : memref<512xi32, #tpu.memory_space<vmem>>, vector<16xi32>,
        %parallel_loop3A_146 = vector.shape_cast %parallel_loop3A_145 : vector<16xi32> to vector<16xi32>
        %parallel_loop3A_147 = vector.extract_strided_slice %parallel_loop3A_146 {offsets = [0], sizes = [1], strides = [1]} : vector<16xi32> to vector<1xi32>
        %parallel_loop3A_148 = vector.extract %parallel_loop3A_147[0] : i32 from vector<1xi32>
        %parallel_loop3A_149 = arith.constant 2 : i32
        %parallel_loop3A_150 = arith.constant 0 : i32
        %parallel_loop3A_151 = arith.cmpi eq, %parallel_loop3A_149, %parallel_loop3A_150 : i32
        %parallel_loop3A_152 = arith.constant 1 : i32
        %parallel_loop3A_153 = arith.select %parallel_loop3A_151, %parallel_loop3A_152, %parallel_loop3A_149 : i32
        %parallel_loop3A_154 = arith.remsi %scan3A_100, %parallel_loop3A_153 : i32
        %parallel_loop3A_155 = arith.constant 0 : i32
        %parallel_loop3A_156 = arith.cmpi ne, %parallel_loop3A_154, %parallel_loop3A_155 : i32
        %parallel_loop3A_157 = arith.constant 0 : i32
        %parallel_loop3A_158 = arith.cmpi slt, %parallel_loop3A_154, %parallel_loop3A_157 : i32
        %parallel_loop3A_159 = arith.constant 0 : i32
        %parallel_loop3A_160 = arith.cmpi slt, %parallel_loop3A_153, %parallel_loop3A_159 : i32
        %parallel_loop3A_161 = arith.xori %parallel_loop3A_158, %parallel_loop3A_160 : i1
        %parallel_loop3A_162 = arith.andi %parallel_loop3A_161, %parallel_loop3A_156 : i1
        %parallel_loop3A_163 = arith.addi %parallel_loop3A_154, %parallel_loop3A_153 : i32
        %parallel_loop3A_164 = arith.select %parallel_loop3A_162, %parallel_loop3A_163, %parallel_loop3A_154 : i32
        %parallel_loop3A_165 = arith.constant 16 : i32
        %parallel_loop3A_166 = arith.muli %parallel_loop3A_138, %parallel_loop3A_165 : i32
        %parallel_loop3A_167 = arith.constant 0 : i32
        %parallel_loop3A_168 = arith.addi %parallel_loop3A_166, %parallel_loop3A_167 : i32
        %parallel_loop3A_169 = arith.index_cast %parallel_loop3A_164 : i32 to index
        %parallel_loop3A_170 = arith.index_cast %parallel_loop3A_168 : i32 to index
        %parallel_loop3A_171 = arith.constant 0 : index
        %parallel_loop3A_172 = tpu.vector_load %arg6[%parallel_loop3A_169, %parallel_loop3A_170, %parallel_loop3A_171] {strides = array<i32>} : memref<2x256x128xf32, #tpu.memory_space<vmem>>, vector<1x1x16xf32>,
        %parallel_loop3A_173 = vector.shape_cast %parallel_loop3A_172 : vector<1x1x16xf32> to vector<16xf32>
        %parallel_loop3A_174 = arith.constant 2 : i32
        %parallel_loop3A_175 = arith.constant 0 : i32
        %parallel_loop3A_176 = arith.cmpi eq, %parallel_loop3A_174, %parallel_loop3A_175 : i32
        %parallel_loop3A_177 = arith.constant 1 : i32
        %parallel_loop3A_178 = arith.select %parallel_loop3A_176, %parallel_loop3A_177, %parallel_loop3A_174 : i32
        %parallel_loop3A_179 = arith.remsi %scan3A_100, %parallel_loop3A_178 : i32
        %parallel_loop3A_180 = arith.constant 0 : i32
        %parallel_loop3A_181 = arith.cmpi ne, %parallel_loop3A_179, %parallel_loop3A_180 : i32
        %parallel_loop3A_182 = arith.constant 0 : i32
        %parallel_loop3A_183 = arith.cmpi slt, %parallel_loop3A_179, %parallel_loop3A_182 : i32
        %parallel_loop3A_184 = arith.constant 0 : i32
        %parallel_loop3A_185 = arith.cmpi slt, %parallel_loop3A_178, %parallel_loop3A_184 : i32
        %parallel_loop3A_186 = arith.xori %parallel_loop3A_183, %parallel_loop3A_185 : i1
        %parallel_loop3A_187 = arith.andi %parallel_loop3A_186, %parallel_loop3A_181 : i1
        %parallel_loop3A_188 = arith.addi %parallel_loop3A_179, %parallel_loop3A_178 : i32
        %parallel_loop3A_189 = arith.select %parallel_loop3A_187, %parallel_loop3A_188, %parallel_loop3A_179 : i32
        %parallel_loop3A_190 = arith.constant 16 : i32
        %parallel_loop3A_191 = arith.muli %parallel_loop3A_138, %parallel_loop3A_190 : i32
        %parallel_loop3A_192 = arith.constant 0 : i32
        %parallel_loop3A_193 = arith.addi %parallel_loop3A_191, %parallel_loop3A_192 : i32
        %parallel_loop3A_194 = arith.index_cast %parallel_loop3A_189 : i32 to index
        %parallel_loop3A_195 = arith.index_cast %parallel_loop3A_193 : i32 to index
        %parallel_loop3A_196 = arith.constant 16 : index
        %parallel_loop3A_197 = tpu.vector_load %arg6[%parallel_loop3A_194, %parallel_loop3A_195, %parallel_loop3A_196] {strides = array<i32>} : memref<2x256x128xf32, #tpu.memory_space<vmem>>, vector<1x1x16xf32>,
        %parallel_loop3A_198 = vector.shape_cast %parallel_loop3A_197 : vector<1x1x16xf32> to vector<16xf32>
        %parallel_loop3A_199 = arith.constant 2 : i32
        %parallel_loop3A_200 = arith.constant 0 : i32
        %parallel_loop3A_201 = arith.cmpi eq, %parallel_loop3A_199, %parallel_loop3A_200 : i32
        %parallel_loop3A_202 = arith.constant 1 : i32
        %parallel_loop3A_203 = arith.select %parallel_loop3A_201, %parallel_loop3A_202, %parallel_loop3A_199 : i32
        %parallel_loop3A_204 = arith.remsi %scan3A_100, %parallel_loop3A_203 : i32
        %parallel_loop3A_205 = arith.constant 0 : i32
        %parallel_loop3A_206 = arith.cmpi ne, %parallel_loop3A_204, %parallel_loop3A_205 : i32
        %parallel_loop3A_207 = arith.constant 0 : i32
        %parallel_loop3A_208 = arith.cmpi slt, %parallel_loop3A_204, %parallel_loop3A_207 : i32
        %parallel_loop3A_209 = arith.constant 0 : i32
        %parallel_loop3A_210 = arith.cmpi slt, %parallel_loop3A_203, %parallel_loop3A_209 : i32
        %parallel_loop3A_211 = arith.xori %parallel_loop3A_208, %parallel_loop3A_210 : i1
        %parallel_loop3A_212 = arith.andi %parallel_loop3A_211, %parallel_loop3A_206 : i1
        %parallel_loop3A_213 = arith.addi %parallel_loop3A_204, %parallel_loop3A_203 : i32
        %parallel_loop3A_214 = arith.select %parallel_loop3A_212, %parallel_loop3A_213, %parallel_loop3A_204 : i32
        %parallel_loop3A_215 = arith.constant 16 : i32
        %parallel_loop3A_216 = arith.muli %parallel_loop3A_138, %parallel_loop3A_215 : i32
        %parallel_loop3A_217 = arith.constant 0 : i32
        %parallel_loop3A_218 = arith.addi %parallel_loop3A_216, %parallel_loop3A_217 : i32
        %parallel_loop3A_219 = arith.index_cast %parallel_loop3A_214 : i32 to index
        %parallel_loop3A_220 = arith.index_cast %parallel_loop3A_218 : i32 to index
        %parallel_loop3A_221 = arith.constant 32 : index
        %parallel_loop3A_222 = tpu.vector_load %arg6[%parallel_loop3A_219, %parallel_loop3A_220, %parallel_loop3A_221] {strides = array<i32>} : memref<2x256x128xf32, #tpu.memory_space<vmem>>, vector<1x1x16xf32>,
        %parallel_loop3A_223 = vector.shape_cast %parallel_loop3A_222 : vector<1x1x16xf32> to vector<16xf32>
        %parallel_loop3A_224 = arith.constant 2 : i32
        %parallel_loop3A_225 = arith.constant 0 : i32
        %parallel_loop3A_226 = arith.cmpi eq, %parallel_loop3A_224, %parallel_loop3A_225 : i32
        %parallel_loop3A_227 = arith.constant 1 : i32
        %parallel_loop3A_228 = arith.select %parallel_loop3A_226, %parallel_loop3A_227, %parallel_loop3A_224 : i32
        %parallel_loop3A_229 = arith.remsi %scan3A_100, %parallel_loop3A_228 : i32
        %parallel_loop3A_230 = arith.constant 0 : i32
        %parallel_loop3A_231 = arith.cmpi ne, %parallel_loop3A_229, %parallel_loop3A_230 : i32
        %parallel_loop3A_232 = arith.constant 0 : i32
        %parallel_loop3A_233 = arith.cmpi slt, %parallel_loop3A_229, %parallel_loop3A_232 : i32
        %parallel_loop3A_234 = arith.constant 0 : i32
        %parallel_loop3A_235 = arith.cmpi slt, %parallel_loop3A_228, %parallel_loop3A_234 : i32
        %parallel_loop3A_236 = arith.xori %parallel_loop3A_233, %parallel_loop3A_235 : i1
        %parallel_loop3A_237 = arith.andi %parallel_loop3A_236, %parallel_loop3A_231 : i1
        %parallel_loop3A_238 = arith.addi %parallel_loop3A_229, %parallel_loop3A_228 : i32
        %parallel_loop3A_239 = arith.select %parallel_loop3A_237, %parallel_loop3A_238, %parallel_loop3A_229 : i32
        %parallel_loop3A_240 = arith.constant 16 : i32
        %parallel_loop3A_241 = arith.muli %parallel_loop3A_138, %parallel_loop3A_240 : i32
        %parallel_loop3A_242 = arith.constant 0 : i32
        %parallel_loop3A_243 = arith.addi %parallel_loop3A_241, %parallel_loop3A_242 : i32
        %parallel_loop3A_244 = arith.index_cast %parallel_loop3A_239 : i32 to index
        %parallel_loop3A_245 = arith.index_cast %parallel_loop3A_243 : i32 to index
        %parallel_loop3A_246 = arith.constant 48 : index
        %parallel_loop3A_247 = tpu.vector_load %arg6[%parallel_loop3A_244, %parallel_loop3A_245, %parallel_loop3A_246] {strides = array<i32>} : memref<2x256x128xf32, #tpu.memory_space<vmem>>, vector<1x1x16xf32>,
        %parallel_loop3A_248 = vector.shape_cast %parallel_loop3A_247 : vector<1x1x16xf32> to vector<16xf32>
        %parallel_loop3A_249 = arith.constant 2 : i32
        %parallel_loop3A_250 = arith.constant 0 : i32
        %parallel_loop3A_251 = arith.cmpi eq, %parallel_loop3A_249, %parallel_loop3A_250 : i32
        %parallel_loop3A_252 = arith.constant 1 : i32
        %parallel_loop3A_253 = arith.select %parallel_loop3A_251, %parallel_loop3A_252, %parallel_loop3A_249 : i32
        %parallel_loop3A_254 = arith.remsi %scan3A_100, %parallel_loop3A_253 : i32
        %parallel_loop3A_255 = arith.constant 0 : i32
        %parallel_loop3A_256 = arith.cmpi ne, %parallel_loop3A_254, %parallel_loop3A_255 : i32
        %parallel_loop3A_257 = arith.constant 0 : i32
        %parallel_loop3A_258 = arith.cmpi slt, %parallel_loop3A_254, %parallel_loop3A_257 : i32
        %parallel_loop3A_259 = arith.constant 0 : i32
        %parallel_loop3A_260 = arith.cmpi slt, %parallel_loop3A_253, %parallel_loop3A_259 : i32
        %parallel_loop3A_261 = arith.xori %parallel_loop3A_258, %parallel_loop3A_260 : i1
        %parallel_loop3A_262 = arith.andi %parallel_loop3A_261, %parallel_loop3A_256 : i1
        %parallel_loop3A_263 = arith.addi %parallel_loop3A_254, %parallel_loop3A_253 : i32
        %parallel_loop3A_264 = arith.select %parallel_loop3A_262, %parallel_loop3A_263, %parallel_loop3A_254 : i32
        %parallel_loop3A_265 = arith.constant 16 : i32
        %parallel_loop3A_266 = arith.muli %parallel_loop3A_138, %parallel_loop3A_265 : i32
        %parallel_loop3A_267 = arith.constant 0 : i32
        %parallel_loop3A_268 = arith.addi %parallel_loop3A_266, %parallel_loop3A_267 : i32
        %parallel_loop3A_269 = arith.index_cast %parallel_loop3A_264 : i32 to index
        %parallel_loop3A_270 = arith.index_cast %parallel_loop3A_268 : i32 to index
        %parallel_loop3A_271 = arith.constant 64 : index
        %parallel_loop3A_272 = tpu.vector_load %arg6[%parallel_loop3A_269, %parallel_loop3A_270, %parallel_loop3A_271] {strides = array<i32>} : memref<2x256x128xf32, #tpu.memory_space<vmem>>, vector<1x1x16xf32>,
        %parallel_loop3A_273 = vector.shape_cast %parallel_loop3A_272 : vector<1x1x16xf32> to vector<16xf32>
        %parallel_loop3A_274 = arith.constant 2 : i32
        %parallel_loop3A_275 = arith.constant 0 : i32
        %parallel_loop3A_276 = arith.cmpi eq, %parallel_loop3A_274, %parallel_loop3A_275 : i32
        %parallel_loop3A_277 = arith.constant 1 : i32
        %parallel_loop3A_278 = arith.select %parallel_loop3A_276, %parallel_loop3A_277, %parallel_loop3A_274 : i32
        %parallel_loop3A_279 = arith.remsi %scan3A_100, %parallel_loop3A_278 : i32
        %parallel_loop3A_280 = arith.constant 0 : i32
        %parallel_loop3A_281 = arith.cmpi ne, %parallel_loop3A_279, %parallel_loop3A_280 : i32
        %parallel_loop3A_282 = arith.constant 0 : i32
        %parallel_loop3A_283 = arith.cmpi slt, %parallel_loop3A_279, %parallel_loop3A_282 : i32
        %parallel_loop3A_284 = arith.constant 0 : i32
        %parallel_loop3A_285 = arith.cmpi slt, %parallel_loop3A_278, %parallel_loop3A_284 : i32
        %parallel_loop3A_286 = arith.xori %parallel_loop3A_283, %parallel_loop3A_285 : i1
        %parallel_loop3A_287 = arith.andi %parallel_loop3A_286, %parallel_loop3A_281 : i1
        %parallel_loop3A_288 = arith.addi %parallel_loop3A_279, %parallel_loop3A_278 : i32
        %parallel_loop3A_289 = arith.select %parallel_loop3A_287, %parallel_loop3A_288, %parallel_loop3A_279 : i32
        %parallel_loop3A_290 = arith.constant 16 : i32
        %parallel_loop3A_291 = arith.muli %parallel_loop3A_138, %parallel_loop3A_290 : i32
        %parallel_loop3A_292 = arith.constant 0 : i32
        %parallel_loop3A_293 = arith.addi %parallel_loop3A_291, %parallel_loop3A_292 : i32
        %parallel_loop3A_294 = arith.index_cast %parallel_loop3A_289 : i32 to index
        %parallel_loop3A_295 = arith.index_cast %parallel_loop3A_293 : i32 to index
        %parallel_loop3A_296 = arith.constant 80 : index
        %parallel_loop3A_297 = tpu.vector_load %arg6[%parallel_loop3A_294, %parallel_loop3A_295, %parallel_loop3A_296] {strides = array<i32>} : memref<2x256x128xf32, #tpu.memory_space<vmem>>, vector<1x1x16xf32>,
        %parallel_loop3A_298 = vector.shape_cast %parallel_loop3A_297 : vector<1x1x16xf32> to vector<16xf32>
        %parallel_loop3A_299 = arith.constant 2 : i32
        %parallel_loop3A_300 = arith.constant 0 : i32
        %parallel_loop3A_301 = arith.cmpi eq, %parallel_loop3A_299, %parallel_loop3A_300 : i32
        %parallel_loop3A_302 = arith.constant 1 : i32
        %parallel_loop3A_303 = arith.select %parallel_loop3A_301, %parallel_loop3A_302, %parallel_loop3A_299 : i32
        %parallel_loop3A_304 = arith.remsi %scan3A_100, %parallel_loop3A_303 : i32
        %parallel_loop3A_305 = arith.constant 0 : i32
        %parallel_loop3A_306 = arith.cmpi ne, %parallel_loop3A_304, %parallel_loop3A_305 : i32
        %parallel_loop3A_307 = arith.constant 0 : i32
        %parallel_loop3A_308 = arith.cmpi slt, %parallel_loop3A_304, %parallel_loop3A_307 : i32
        %parallel_loop3A_309 = arith.constant 0 : i32
        %parallel_loop3A_310 = arith.cmpi slt, %parallel_loop3A_303, %parallel_loop3A_309 : i32
        %parallel_loop3A_311 = arith.xori %parallel_loop3A_308, %parallel_loop3A_310 : i1
        %parallel_loop3A_312 = arith.andi %parallel_loop3A_311, %parallel_loop3A_306 : i1
        %parallel_loop3A_313 = arith.addi %parallel_loop3A_304, %parallel_loop3A_303 : i32
        %parallel_loop3A_314 = arith.select %parallel_loop3A_312, %parallel_loop3A_313, %parallel_loop3A_304 : i32
        %parallel_loop3A_315 = arith.constant 16 : i32
        %parallel_loop3A_316 = arith.muli %parallel_loop3A_138, %parallel_loop3A_315 : i32
        %parallel_loop3A_317 = arith.constant 0 : i32
        %parallel_loop3A_318 = arith.addi %parallel_loop3A_316, %parallel_loop3A_317 : i32
        %parallel_loop3A_319 = arith.index_cast %parallel_loop3A_314 : i32 to index
        %parallel_loop3A_320 = arith.index_cast %parallel_loop3A_318 : i32 to index
        %parallel_loop3A_321 = arith.constant 96 : index
        %parallel_loop3A_322 = tpu.vector_load %arg6[%parallel_loop3A_319, %parallel_loop3A_320, %parallel_loop3A_321] {strides = array<i32>} : memref<2x256x128xf32, #tpu.memory_space<vmem>>, vector<1x1x16xf32>,
        %parallel_loop3A_323 = vector.shape_cast %parallel_loop3A_322 : vector<1x1x16xf32> to vector<16xf32>
        %parallel_loop3A_324 = arith.constant 2 : i32
        %parallel_loop3A_325 = arith.constant 0 : i32
        %parallel_loop3A_326 = arith.cmpi eq, %parallel_loop3A_324, %parallel_loop3A_325 : i32
        %parallel_loop3A_327 = arith.constant 1 : i32
        %parallel_loop3A_328 = arith.select %parallel_loop3A_326, %parallel_loop3A_327, %parallel_loop3A_324 : i32
        %parallel_loop3A_329 = arith.remsi %scan3A_100, %parallel_loop3A_328 : i32
        %parallel_loop3A_330 = arith.constant 0 : i32
        %parallel_loop3A_331 = arith.cmpi ne, %parallel_loop3A_329, %parallel_loop3A_330 : i32
        %parallel_loop3A_332 = arith.constant 0 : i32
        %parallel_loop3A_333 = arith.cmpi slt, %parallel_loop3A_329, %parallel_loop3A_332 : i32
        %parallel_loop3A_334 = arith.constant 0 : i32
        %parallel_loop3A_335 = arith.cmpi slt, %parallel_loop3A_328, %parallel_loop3A_334 : i32
        %parallel_loop3A_336 = arith.xori %parallel_loop3A_333, %parallel_loop3A_335 : i1
        %parallel_loop3A_337 = arith.andi %parallel_loop3A_336, %parallel_loop3A_331 : i1
        %parallel_loop3A_338 = arith.addi %parallel_loop3A_329, %parallel_loop3A_328 : i32
        %parallel_loop3A_339 = arith.select %parallel_loop3A_337, %parallel_loop3A_338, %parallel_loop3A_329 : i32
        %parallel_loop3A_340 = arith.constant 16 : i32
        %parallel_loop3A_341 = arith.muli %parallel_loop3A_138, %parallel_loop3A_340 : i32
        %parallel_loop3A_342 = arith.constant 0 : i32
        %parallel_loop3A_343 = arith.addi %parallel_loop3A_341, %parallel_loop3A_342 : i32
        %parallel_loop3A_344 = arith.index_cast %parallel_loop3A_339 : i32 to index
        %parallel_loop3A_345 = arith.index_cast %parallel_loop3A_343 : i32 to index
        %parallel_loop3A_346 = arith.constant 112 : index
        %parallel_loop3A_347 = tpu.vector_load %arg6[%parallel_loop3A_344, %parallel_loop3A_345, %parallel_loop3A_346] {strides = array<i32>} : memref<2x256x128xf32, #tpu.memory_space<vmem>>, vector<1x1x16xf32>,
        %parallel_loop3A_348 = vector.shape_cast %parallel_loop3A_347 : vector<1x1x16xf32> to vector<16xf32>
        %parallel_loop3A_349 = arith.index_cast %parallel_loop3A_148 : i32 to index
        %parallel_loop3A_350 = arith.constant 0 : index
        %parallel_loop3A_351 = tpu.vector_load %arg7[%parallel_loop3A_349, %parallel_loop3A_350] {strides = array<i32>} : memref<128x128xf32, #tpu.memory_space<vmem>>, vector<1x16xf32>,
        %parallel_loop3A_352 = vector.shape_cast %parallel_loop3A_351 : vector<1x16xf32> to vector<16xf32>
        %parallel_loop3A_353 = vector.shape_cast %parallel_loop3A_173 : vector<16xf32> to vector<1x16xf32>
        tpu.vector_store %arg7[%parallel_loop3A_349, %parallel_loop3A_350], %parallel_loop3A_353 {add = true, strides = array<i32>} : memref<128x128xf32, #tpu.memory_space<vmem>>, vector<1x16xf32>,
        %parallel_loop3A_354 = arith.index_cast %parallel_loop3A_148 : i32 to index
        %parallel_loop3A_355 = arith.constant 16 : index
        %parallel_loop3A_356 = tpu.vector_load %arg7[%parallel_loop3A_354, %parallel_loop3A_355] {strides = array<i32>} : memref<128x128xf32, #tpu.memory_space<vmem>>, vector<1x16xf32>,
        %parallel_loop3A_357 = vector.shape_cast %parallel_loop3A_356 : vector<1x16xf32> to vector<16xf32>
        %parallel_loop3A_358 = vector.shape_cast %parallel_loop3A_198 : vector<16xf32> to vector<1x16xf32>
        tpu.vector_store %arg7[%parallel_loop3A_354, %parallel_loop3A_355], %parallel_loop3A_358 {add = true, strides = array<i32>} : memref<128x128xf32, #tpu.memory_space<vmem>>, vector<1x16xf32>,
        %parallel_loop3A_359 = arith.index_cast %parallel_loop3A_148 : i32 to index
        %parallel_loop3A_360 = arith.constant 32 : index
        %parallel_loop3A_361 = tpu.vector_load %arg7[%parallel_loop3A_359, %parallel_loop3A_360] {strides = array<i32>} : memref<128x128xf32, #tpu.memory_space<vmem>>, vector<1x16xf32>,
        %parallel_loop3A_362 = vector.shape_cast %parallel_loop3A_361 : vector<1x16xf32> to vector<16xf32>
        %parallel_loop3A_363 = vector.shape_cast %parallel_loop3A_223 : vector<16xf32> to vector<1x16xf32>
        tpu.vector_store %arg7[%parallel_loop3A_359, %parallel_loop3A_360], %parallel_loop3A_363 {add = true, strides = array<i32>} : memref<128x128xf32, #tpu.memory_space<vmem>>, vector<1x16xf32>,
        %parallel_loop3A_364 = arith.index_cast %parallel_loop3A_148 : i32 to index
        %parallel_loop3A_365 = arith.constant 48 : index
        %parallel_loop3A_366 = tpu.vector_load %arg7[%parallel_loop3A_364, %parallel_loop3A_365] {strides = array<i32>} : memref<128x128xf32, #tpu.memory_space<vmem>>, vector<1x16xf32>,
        %parallel_loop3A_367 = vector.shape_cast %parallel_loop3A_366 : vector<1x16xf32> to vector<16xf32>
        %parallel_loop3A_368 = vector.shape_cast %parallel_loop3A_248 : vector<16xf32> to vector<1x16xf32>
        tpu.vector_store %arg7[%parallel_loop3A_364, %parallel_loop3A_365], %parallel_loop3A_368 {add = true, strides = array<i32>} : memref<128x128xf32, #tpu.memory_space<vmem>>, vector<1x16xf32>,
        %parallel_loop3A_369 = arith.index_cast %parallel_loop3A_148 : i32 to index
        %parallel_loop3A_370 = arith.constant 64 : index
        %parallel_loop3A_371 = tpu.vector_load %arg7[%parallel_loop3A_369, %parallel_loop3A_370] {strides = array<i32>} : memref<128x128xf32, #tpu.memory_space<vmem>>, vector<1x16xf32>,
        %parallel_loop3A_372 = vector.shape_cast %parallel_loop3A_371 : vector<1x16xf32> to vector<16xf32>
        %parallel_loop3A_373 = vector.shape_cast %parallel_loop3A_273 : vector<16xf32> to vector<1x16xf32>
        tpu.vector_store %arg7[%parallel_loop3A_369, %parallel_loop3A_370], %parallel_loop3A_373 {add = true, strides = array<i32>} : memref<128x128xf32, #tpu.memory_space<vmem>>, vector<1x16xf32>,
        %parallel_loop3A_374 = arith.index_cast %parallel_loop3A_148 : i32 to index
        %parallel_loop3A_375 = arith.constant 80 : index
        %parallel_loop3A_376 = tpu.vector_load %arg7[%parallel_loop3A_374, %parallel_loop3A_375] {strides = array<i32>} : memref<128x128xf32, #tpu.memory_space<vmem>>, vector<1x16xf32>,
        %parallel_loop3A_377 = vector.shape_cast %parallel_loop3A_376 : vector<1x16xf32> to vector<16xf32>
        %parallel_loop3A_378 = vector.shape_cast %parallel_loop3A_298 : vector<16xf32> to vector<1x16xf32>
        tpu.vector_store %arg7[%parallel_loop3A_374, %parallel_loop3A_375], %parallel_loop3A_378 {add = true, strides = array<i32>} : memref<128x128xf32, #tpu.memory_space<vmem>>, vector<1x16xf32>,
        %parallel_loop3A_379 = arith.index_cast %parallel_loop3A_148 : i32 to index
        %parallel_loop3A_380 = arith.constant 96 : index
        %parallel_loop3A_381 = tpu.vector_load %arg7[%parallel_loop3A_379, %parallel_loop3A_380] {strides = array<i32>} : memref<128x128xf32, #tpu.memory_space<vmem>>, vector<1x16xf32>,
        %parallel_loop3A_382 = vector.shape_cast %parallel_loop3A_381 : vector<1x16xf32> to vector<16xf32>
        %parallel_loop3A_383 = vector.shape_cast %parallel_loop3A_323 : vector<16xf32> to vector<1x16xf32>
        tpu.vector_store %arg7[%parallel_loop3A_379, %parallel_loop3A_380], %parallel_loop3A_383 {add = true, strides = array<i32>} : memref<128x128xf32, #tpu.memory_space<vmem>>, vector<1x16xf32>,
        %parallel_loop3A_384 = arith.index_cast %parallel_loop3A_148 : i32 to index
        %parallel_loop3A_385 = arith.constant 112 : index
        %parallel_loop3A_386 = tpu.vector_load %arg7[%parallel_loop3A_384, %parallel_loop3A_385] {strides = array<i32>} : memref<128x128xf32, #tpu.memory_space<vmem>>, vector<1x16xf32>,
        %parallel_loop3A_387 = vector.shape_cast %parallel_loop3A_386 : vector<1x16xf32> to vector<16xf32>
        %parallel_loop3A_388 = vector.shape_cast %parallel_loop3A_348 : vector<16xf32> to vector<1x16xf32>
        tpu.vector_store %arg7[%parallel_loop3A_384, %parallel_loop3A_385], %parallel_loop3A_388 {add = true, strides = array<i32>} : memref<128x128xf32, #tpu.memory_space<vmem>>, vector<1x16xf32>,
        %parallel_loop3A_389 = vector.extract_strided_slice %parallel_loop3A_146 {offsets = [1], sizes = [1], strides = [1]} : vector<16xi32> to vector<1xi32>
        %parallel_loop3A_390 = vector.extract %parallel_loop3A_389[0] : i32 from vector<1xi32>
        %parallel_loop3A_391 = arith.constant 2 : i32
        %parallel_loop3A_392 = arith.constant 0 : i32
        %parallel_loop3A_393 = arith.cmpi eq, %parallel_loop3A_391, %parallel_loop3A_392 : i32
        %parallel_loop3A_394 = arith.constant 1 : i32
        %parallel_loop3A_395 = arith.select %parallel_loop3A_393, %parallel_loop3A_394, %parallel_loop3A_391 : i32
        %parallel_loop3A_396 = arith.remsi %scan3A_100, %parallel_loop3A_395 : i32
        %parallel_loop3A_397 = arith.constant 0 : i32
        %parallel_loop3A_398 = arith.cmpi ne, %parallel_loop3A_396, %parallel_loop3A_397 : i32
        %parallel_loop3A_399 = arith.constant 0 : i32
        %parallel_loop3A_400 = arith.cmpi slt, %parallel_loop3A_396, %parallel_loop3A_399 : i32
        %parallel_loop3A_401 = arith.constant 0 : i32
        %parallel_loop3A_402 = arith.cmpi slt, %parallel_loop3A_395, %parallel_loop3A_401 : i32
        %parallel_loop3A_403 = arith.xori %parallel_loop3A_400, %parallel_loop3A_402 : i1
        %parallel_loop3A_404 = arith.andi %parallel_loop3A_403, %parallel_loop3A_398 : i1
        %parallel_loop3A_405 = arith.addi %parallel_loop3A_396, %parallel_loop3A_395 : i32
        %parallel_loop3A_406 = arith.select %parallel_loop3A_404, %parallel_loop3A_405, %parallel_loop3A_396 : i32
        %parallel_loop3A_407 = arith.constant 16 : i32
        %parallel_loop3A_408 = arith.muli %parallel_loop3A_138, %parallel_loop3A_407 : i32
        %parallel_loop3A_409 = arith.constant 1 : i32
        %parallel_loop3A_410 = arith.addi %parallel_loop3A_408, %parallel_loop3A_409 : i32
        %parallel_loop3A_411 = arith.index_cast %parallel_loop3A_406 : i32 to index
        %parallel_loop3A_412 = arith.index_cast %parallel_loop3A_410 : i32 to index
        %parallel_loop3A_413 = arith.constant 0 : index
        %parallel_loop3A_414 = tpu.vector_load %arg6[%parallel_loop3A_411, %parallel_loop3A_412, %parallel_loop3A_413] {strides = array<i32>} : memref<2x256x128xf32, #tpu.memory_space<vmem>>, vector<1x1x16xf32>,
        %parallel_loop3A_415 = vector.shape_cast %parallel_loop3A_414 : vector<1x1x16xf32> to vector<16xf32>
        %parallel_loop3A_416 = arith.constant 2 : i32
        %parallel_loop3A_417 = arith.constant 0 : i32
        %parallel_loop3A_418 = arith.cmpi eq, %parallel_loop3A_416, %parallel_loop3A_417 : i32
        %parallel_loop3A_419 = arith.constant 1 : i32
        %parallel_loop3A_420 = arith.select %parallel_loop3A_418, %parallel_loop3A_419, %parallel_loop3A_416 : i32
        %parallel_loop3A_421 = arith.remsi %scan3A_100, %parallel_loop3A_420 : i32
        %parallel_loop3A_422 = arith.constant 0 : i32
        %parallel_loop3A_423 = arith.cmpi ne, %parallel_loop3A_421, %parallel_loop3A_422 : i32
        %parallel_loop3A_424 = arith.constant 0 : i32
        %parallel_loop3A_425 = arith.cmpi slt, %parallel_loop3A_421, %parallel_loop3A_424 : i32
        %parallel_loop3A_426 = arith.constant 0 : i32
        %parallel_loop3A_427 = arith.cmpi slt, %parallel_loop3A_420, %parallel_loop3A_426 : i32
        %parallel_loop3A_428 = arith.xori %parallel_loop3A_425, %parallel_loop3A_427 : i1
        %parallel_loop3A_429 = arith.andi %parallel_loop3A_428, %parallel_loop3A_423 : i1
        %parallel_loop3A_430 = arith.addi %parallel_loop3A_421, %parallel_loop3A_420 : i32
        %parallel_loop3A_431 = arith.select %parallel_loop3A_429, %parallel_loop3A_430, %parallel_loop3A_421 : i32
        %parallel_loop3A_432 = arith.constant 16 : i32
        %parallel_loop3A_433 = arith.muli %parallel_loop3A_138, %parallel_loop3A_432 : i32
        %parallel_loop3A_434 = arith.constant 1 : i32
        %parallel_loop3A_435 = arith.addi %parallel_loop3A_433, %parallel_loop3A_434 : i32
        %parallel_loop3A_436 = arith.index_cast %parallel_loop3A_431 : i32 to index
        %parallel_loop3A_437 = arith.index_cast %parallel_loop3A_435 : i32 to index
        %parallel_loop3A_438 = arith.constant 16 : index
        %parallel_loop3A_439 = tpu.vector_load %arg6[%parallel_loop3A_436, %parallel_loop3A_437, %parallel_loop3A_438] {strides = array<i32>} : memref<2x256x128xf32, #tpu.memory_space<vmem>>, vector<1x1x16xf32>,
        %parallel_loop3A_440 = vector.shape_cast %parallel_loop3A_439 : vector<1x1x16xf32> to vector<16xf32>
        %parallel_loop3A_441 = arith.constant 2 : i32
        %parallel_loop3A_442 = arith.constant 0 : i32
        %parallel_loop3A_443 = arith.cmpi eq, %parallel_loop3A_441, %parallel_loop3A_442 : i32
        %parallel_loop3A_444 = arith.constant 1 : i32
        %parallel_loop3A_445 = arith.select %parallel_loop3A_443, %parallel_loop3A_444, %parallel_loop3A_441 : i32
        %parallel_loop3A_446 = arith.remsi %scan3A_100, %parallel_loop3A_445 : i32
        %parallel_loop3A_447 = arith.constant 0 : i32
        %parallel_loop3A_448 = arith.cmpi ne, %parallel_loop3A_446, %parallel_loop3A_447 : i32
        %parallel_loop3A_449 = arith.constant 0 : i32
        %parallel_loop3A_450 = arith.cmpi slt, %parallel_loop3A_446, %parallel_loop3A_449 : i32
        %parallel_loop3A_451 = arith.constant 0 : i32
        %parallel_loop3A_452 = arith.cmpi slt, %parallel_loop3A_445, %parallel_loop3A_451 : i32
        %parallel_loop3A_453 = arith.xori %parallel_loop3A_450, %parallel_loop3A_452 : i1
        %parallel_loop3A_454 = arith.andi %parallel_loop3A_453, %parallel_loop3A_448 : i1
        %parallel_loop3A_455 = arith.addi %parallel_loop3A_446, %parallel_loop3A_445 : i32
        %parallel_loop3A_456 = arith.select %parallel_loop3A_454, %parallel_loop3A_455, %parallel_loop3A_446 : i32
        %parallel_loop3A_457 = arith.constant 16 : i32
        %parallel_loop3A_458 = arith.muli %parallel_loop3A_138, %parallel_loop3A_457 : i32
        %parallel_loop3A_459 = arith.constant 1 : i32
        %parallel_loop3A_460 = arith.addi %parallel_loop3A_458, %parallel_loop3A_459 : i32
        %parallel_loop3A_461 = arith.index_cast %parallel_loop3A_456 : i32 to index
        %parallel_loop3A_462 = arith.index_cast %parallel_loop3A_460 : i32 to index
        %parallel_loop3A_463 = arith.constant 32 : index
        %parallel_loop3A_464 = tpu.vector_load %arg6[%parallel_loop3A_461, %parallel_loop3A_462, %parallel_loop3A_463] {strides = array<i32>} : memref<2x256x128xf32, #tpu.memory_space<vmem>>, vector<1x1x16xf32>,
        %parallel_loop3A_465 = vector.shape_cast %parallel_loop3A_464 : vector<1x1x16xf32> to vector<16xf32>
        %parallel_loop3A_466 = arith.constant 2 : i32
        %parallel_loop3A_467 = arith.constant 0 : i32
        %parallel_loop3A_468 = arith.cmpi eq, %parallel_loop3A_466, %parallel_loop3A_467 : i32
        %parallel_loop3A_469 = arith.constant 1 : i32
        %parallel_loop3A_470 = arith.select %parallel_loop3A_468, %parallel_loop3A_469, %parallel_loop3A_466 : i32
        %parallel_loop3A_471 = arith.remsi %scan3A_100, %parallel_loop3A_470 : i32
        %parallel_loop3A_472 = arith.constant 0 : i32
        %parallel_loop3A_473 = arith.cmpi ne, %parallel_loop3A_471, %parallel_loop3A_472 : i32
        %parallel_loop3A_474 = arith.constant 0 : i32
        %parallel_loop3A_475 = arith.cmpi slt, %parallel_loop3A_471, %parallel_loop3A_474 : i32
        %parallel_loop3A_476 = arith.constant 0 : i32
        %parallel_loop3A_477 = arith.cmpi slt, %parallel_loop3A_470, %parallel_loop3A_476 : i32
        %parallel_loop3A_478 = arith.xori %parallel_loop3A_475, %parallel_loop3A_477 : i1
        %parallel_loop3A_479 = arith.andi %parallel_loop3A_478, %parallel_loop3A_473 : i1
        %parallel_loop3A_480 = arith.addi %parallel_loop3A_471, %parallel_loop3A_470 : i32
        %parallel_loop3A_481 = arith.select %parallel_loop3A_479, %parallel_loop3A_480, %parallel_loop3A_471 : i32
        %parallel_loop3A_482 = arith.constant 16 : i32
        %parallel_loop3A_483 = arith.muli %parallel_loop3A_138, %parallel_loop3A_482 : i32
        %parallel_loop3A_484 = arith.constant 1 : i32
        %parallel_loop3A_485 = arith.addi %parallel_loop3A_483, %parallel_loop3A_484 : i32
        %parallel_loop3A_486 = arith.index_cast %parallel_loop3A_481 : i32 to index
        %parallel_loop3A_487 = arith.index_cast %parallel_loop3A_485 : i32 to index
        %parallel_loop3A_488 = arith.constant 48 : index
        %parallel_loop3A_489 = tpu.vector_load %arg6[%parallel_loop3A_486, %parallel_loop3A_487, %parallel_loop3A_488] {strides = array<i32>} : memref<2x256x128xf32, #tpu.memory_space<vmem>>, vector<1x1x16xf32>,
        %parallel_loop3A_490 = vector.shape_cast %parallel_loop3A_489 : vector<1x1x16xf32> to vector<16xf32>
        %parallel_loop3A_491 = arith.constant 2 : i32
        %parallel_loop3A_492 = arith.constant 0 : i32
        %parallel_loop3A_493 = arith.cmpi eq, %parallel_loop3A_491, %parallel_loop3A_492 : i32
        %parallel_loop3A_494 = arith.constant 1 : i32
        %parallel_loop3A_495 = arith.select %parallel_loop3A_493, %parallel_loop3A_494, %parallel_loop3A_491 : i32
        %parallel_loop3A_496 = arith.remsi %scan3A_100, %parallel_loop3A_495 : i32
        %parallel_loop3A_497 = arith.constant 0 : i32
        %parallel_loop3A_498 = arith.cmpi ne, %parallel_loop3A_496, %parallel_loop3A_497 : i32
        %parallel_loop3A_499 = arith.constant 0 : i32
        %parallel_loop3A_500 = arith.cmpi slt, %parallel_loop3A_496, %parallel_loop3A_499 : i32
        %parallel_loop3A_501 = arith.constant 0 : i32
        %parallel_loop3A_502 = arith.cmpi slt, %parallel_loop3A_495, %parallel_loop3A_501 : i32
        %parallel_loop3A_503 = arith.xori %parallel_loop3A_500, %parallel_loop3A_502 : i1
        %parallel_loop3A_504 = arith.andi %parallel_loop3A_503, %parallel_loop3A_498 : i1
        %parallel_loop3A_505 = arith.addi %parallel_loop3A_496, %parallel_loop3A_495 : i32
        %parallel_loop3A_506 = arith.select %parallel_loop3A_504, %parallel_loop3A_505, %parallel_loop3A_496 : i32
        %parallel_loop3A_507 = arith.constant 16 : i32
        %parallel_loop3A_508 = arith.muli %parallel_loop3A_138, %parallel_loop3A_507 : i32
        %parallel_loop3A_509 = arith.constant 1 : i32
        %parallel_loop3A_510 = arith.addi %parallel_loop3A_508, %parallel_loop3A_509 : i32
        %parallel_loop3A_511 = arith.index_cast %parallel_loop3A_506 : i32 to index
        %parallel_loop3A_512 = arith.index_cast %parallel_loop3A_510 : i32 to index
        %parallel_loop3A_513 = arith.constant 64 : index
        %parallel_loop3A_514 = tpu.vector_load %arg6[%parallel_loop3A_511, %parallel_loop3A_512, %parallel_loop3A_513] {strides = array<i32>} : memref<2x256x128xf32, #tpu.memory_space<vmem>>, vector<1x1x16xf32>,
        %parallel_loop3A_515 = vector.shape_cast %parallel_loop3A_514 : vector<1x1x16xf32> to vector<16xf32>
        %parallel_loop3A_516 = arith.constant 2 : i32
        %parallel_loop3A_517 = arith.constant 0 : i32
        %parallel_loop3A_518 = arith.cmpi eq, %parallel_loop3A_516, %parallel_loop3A_517 : i32
        %parallel_loop3A_519 = arith.constant 1 : i32
        %parallel_loop3A_520 = arith.select %parallel_loop3A_518, %parallel_loop3A_519, %parallel_loop3A_516 : i32
        %parallel_loop3A_521 = arith.remsi %scan3A_100, %parallel_loop3A_520 : i32
        %parallel_loop3A_522 = arith.constant 0 : i32
        %parallel_loop3A_523 = arith.cmpi ne, %parallel_loop3A_521, %parallel_loop3A_522 : i32
        %parallel_loop3A_524 = arith.constant 0 : i32
        %parallel_loop3A_525 = arith.cmpi slt, %parallel_loop3A_521, %parallel_loop3A_524 : i32
        %parallel_loop3A_526 = arith.constant 0 : i32
        %parallel_loop3A_527 = arith.cmpi slt, %parallel_loop3A_520, %parallel_loop3A_526 : i32
        %parallel_loop3A_528 = arith.xori %parallel_loop3A_525, %parallel_loop3A_527 : i1
        %parallel_loop3A_529 = arith.andi %parallel_loop3A_528, %parallel_loop3A_523 : i1
        %parallel_loop3A_530 = arith.addi %parallel_loop3A_521, %parallel_loop3A_520 : i32
        %parallel_loop3A_531 = arith.select %parallel_loop3A_529, %parallel_loop3A_530, %parallel_loop3A_521 : i32
        %parallel_loop3A_532 = arith.constant 16 : i32
        %parallel_loop3A_533 = arith.muli %parallel_loop3A_138, %parallel_loop3A_532 : i32
        %parallel_loop3A_534 = arith.constant 1 : i32
        %parallel_loop3A_535 = arith.addi %parallel_loop3A_533, %parallel_loop3A_534 : i32
        %parallel_loop3A_536 = arith.index_cast %parallel_loop3A_531 : i32 to index
        %parallel_loop3A_537 = arith.index_cast %parallel_loop3A_535 : i32 to index
        %parallel_loop3A_538 = arith.constant 80 : index
        %parallel_loop3A_539 = tpu.vector_load %arg6[%parallel_loop3A_536, %parallel_loop3A_537, %parallel_loop3A_538] {strides = array<i32>} : memref<2x256x128xf32, #tpu.memory_space<vmem>>, vector<1x1x16xf32>,
        %parallel_loop3A_540 = vector.shape_cast %parallel_loop3A_539 : vector<1x1x16xf32> to vector<16xf32>
        %parallel_loop3A_541 = arith.constant 2 : i32
        %parallel_loop3A_542 = arith.constant 0 : i32
        %parallel_loop3A_543 = arith.cmpi eq, %parallel_loop3A_541, %parallel_loop3A_542 : i32
        %parallel_loop3A_544 = arith.constant 1 : i32
        %parallel_loop3A_545 = arith.select %parallel_loop3A_543, %parallel_loop3A_544, %parallel_loop3A_541 : i32
        %parallel_loop3A_546 = arith.remsi %scan3A_100, %parallel_loop3A_545 : i32
        %parallel_loop3A_547 = arith.constant 0 : i32
        %parallel_loop3A_548 = arith.cmpi ne, %parallel_loop3A_546, %parallel_loop3A_547 : i32
        %parallel_loop3A_549 = arith.constant 0 : i32
        %parallel_loop3A_550 = arith.cmpi slt, %parallel_loop3A_546, %parallel_loop3A_549 : i32
        %parallel_loop3A_551 = arith.constant 0 : i32
        %parallel_loop3A_552 = arith.cmpi slt, %parallel_loop3A_545, %parallel_loop3A_551 : i32
        %parallel_loop3A_553 = arith.xori %parallel_loop3A_550, %parallel_loop3A_552 : i1
        %parallel_loop3A_554 = arith.andi %parallel_loop3A_553, %parallel_loop3A_548 : i1
        %parallel_loop3A_555 = arith.addi %parallel_loop3A_546, %parallel_loop3A_545 : i32
        %parallel_loop3A_556 = arith.select %parallel_loop3A_554, %parallel_loop3A_555, %parallel_loop3A_546 : i32
        %parallel_loop3A_557 = arith.constant 16 : i32
        %parallel_loop3A_558 = arith.muli %parallel_loop3A_138, %parallel_loop3A_557 : i32
        %parallel_loop3A_559 = arith.constant 1 : i32
        %parallel_loop3A_560 = arith.addi %parallel_loop3A_558, %parallel_loop3A_559 : i32
        %parallel_loop3A_561 = arith.index_cast %parallel_loop3A_556 : i32 to index
        %parallel_loop3A_562 = arith.index_cast %parallel_loop3A_560 : i32 to index
        %parallel_loop3A_563 = arith.constant 96 : index
        %parallel_loop3A_564 = tpu.vector_load %arg6[%parallel_loop3A_561, %parallel_loop3A_562, %parallel_loop3A_563] {strides = array<i32>} : memref<2x256x128xf32, #tpu.memory_space<vmem>>, vector<1x1x16xf32>,
        %parallel_loop3A_565 = vector.shape_cast %parallel_loop3A_564 : vector<1x1x16xf32> to vector<16xf32>
        %parallel_loop3A_566 = arith.constant 2 : i32
        %parallel_loop3A_567 = arith.constant 0 : i32
        %parallel_loop3A_568 = arith.cmpi eq, %parallel_loop3A_566, %parallel_loop3A_567 : i32
        %parallel_loop3A_569 = arith.constant 1 : i32
        %parallel_loop3A_570 = arith.select %parallel_loop3A_568, %parallel_loop3A_569, %parallel_loop3A_566 : i32
        %parallel_loop3A_571 = arith.remsi %scan3A_100, %parallel_loop3A_570 : i32
        %parallel_loop3A_572 = arith.constant 0 : i32
        %parallel_loop3A_573 = arith.cmpi ne, %parallel_loop3A_571, %parallel_loop3A_572 : i32
        %parallel_loop3A_574 = arith.constant 0 : i32
        %parallel_loop3A_575 = arith.cmpi slt, %parallel_loop3A_571, %parallel_loop3A_574 : i32
        %parallel_loop3A_576 = arith.constant 0 : i32
        %parallel_loop3A_577 = arith.cmpi slt, %parallel_loop3A_570, %parallel_loop3A_576 : i32
        %parallel_loop3A_578 = arith.xori %parallel_loop3A_575, %parallel_loop3A_577 : i1
        %parallel_loop3A_579 = arith.andi %parallel_loop3A_578, %parallel_loop3A_573 : i1
        %parallel_loop3A_580 = arith.addi %parallel_loop3A_571, %parallel_loop3A_570 : i32
        %parallel_loop3A_581 = arith.select %parallel_loop3A_579, %parallel_loop3A_580, %parallel_loop3A_571 : i32
        %parallel_loop3A_582 = arith.constant 16 : i32
        %parallel_loop3A_583 = arith.muli %parallel_loop3A_138, %parallel_loop3A_582 : i32
        %parallel_loop3A_584 = arith.constant 1 : i32
        %parallel_loop3A_585 = arith.addi %parallel_loop3A_583, %parallel_loop3A_584 : i32
        %parallel_loop3A_586 = arith.index_cast %parallel_loop3A_581 : i32 to index
        %parallel_loop3A_587 = arith.index_cast %parallel_loop3A_585 : i32 to index
        %parallel_loop3A_588 = arith.constant 112 : index
        %parallel_loop3A_589 = tpu.vector_load %arg6[%parallel_loop3A_586, %parallel_loop3A_587, %parallel_loop3A_588] {strides = array<i32>} : memref<2x256x128xf32, #tpu.memory_space<vmem>>, vector<1x1x16xf32>,
        %parallel_loop3A_590 = vector.shape_cast %parallel_loop3A_589 : vector<1x1x16xf32> to vector<16xf32>
        %parallel_loop3A_591 = arith.index_cast %parallel_loop3A_390 : i32 to index
        %parallel_loop3A_592 = arith.constant 0 : index
        %parallel_loop3A_593 = tpu.vector_load %arg7[%parallel_loop3A_591, %parallel_loop3A_592] {strides = array<i32>} : memref<128x128xf32, #tpu.memory_space<vmem>>, vector<1x16xf32>,
        %parallel_loop3A_594 = vector.shape_cast %parallel_loop3A_593 : vector<1x16xf32> to vector<16xf32>
        %parallel_loop3A_595 = vector.shape_cast %parallel_loop3A_415 : vector<16xf32> to vector<1x16xf32>
        tpu.vector_store %arg7[%parallel_loop3A_591, %parallel_loop3A_592], %parallel_loop3A_595 {add = true, strides = array<i32>} : memref<128x128xf32, #tpu.memory_space<vmem>>, vector<1x16xf32>,
        %parallel_loop3A_596 = arith.index_cast %parallel_loop3A_390 : i32 to index
        %parallel_loop3A_597 = arith.constant 16 : index
        %parallel_loop3A_598 = tpu.vector_load %arg7[%parallel_loop3A_596, %parallel_loop3A_597] {strides = array<i32>} : memref<128x128xf32, #tpu.memory_space<vmem>>, vector<1x16xf32>,
        %parallel_loop3A_599 = vector.shape_cast %parallel_loop3A_598 : vector<1x16xf32> to vector<16xf32>
        %parallel_loop3A_600 = vector.shape_cast %parallel_loop3A_440 : vector<16xf32> to vector<1x16xf32>
        tpu.vector_store %arg7[%parallel_loop3A_596, %parallel_loop3A_597], %parallel_loop3A_600 {add = true, strides = array<i32>} : memref<128x128xf32, #tpu.memory_space<vmem>>, vector<1x16xf32>,
        %parallel_loop3A_601 = arith.index_cast %parallel_loop3A_390 : i32 to index
        %parallel_loop3A_602 = arith.constant 32 : index
        %parallel_loop3A_603 = tpu.vector_load %arg7[%parallel_loop3A_601, %parallel_loop3A_602] {strides = array<i32>} : memref<128x128xf32, #tpu.memory_space<vmem>>, vector<1x16xf32>,
        %parallel_loop3A_604 = vector.shape_cast %parallel_loop3A_603 : vector<1x16xf32> to vector<16xf32>
        %parallel_loop3A_605 = vector.shape_cast %parallel_loop3A_465 : vector<16xf32> to vector<1x16xf32>
        tpu.vector_store %arg7[%parallel_loop3A_601, %parallel_loop3A_602], %parallel_loop3A_605 {add = true, strides = array<i32>} : memref<128x128xf32, #tpu.memory_space<vmem>>, vector<1x16xf32>,
        %parallel_loop3A_606 = arith.index_cast %parallel_loop3A_390 : i32 to index
        %parallel_loop3A_607 = arith.constant 48 : index
        %parallel_loop3A_608 = tpu.vector_load %arg7[%parallel_loop3A_606, %parallel_loop3A_607] {strides = array<i32>} : memref<128x128xf32, #tpu.memory_space<vmem>>, vector<1x16xf32>,
        %parallel_loop3A_609 = vector.shape_cast %parallel_loop3A_608 : vector<1x16xf32> to vector<16xf32>
        %parallel_loop3A_610 = vector.shape_cast %parallel_loop3A_490 : vector<16xf32> to vector<1x16xf32>
        tpu.vector_store %arg7[%parallel_loop3A_606, %parallel_loop3A_607], %parallel_loop3A_610 {add = true, strides = array<i32>} : memref<128x128xf32, #tpu.memory_space<vmem>>, vector<1x16xf32>,
        %parallel_loop3A_611 = arith.index_cast %parallel_loop3A_390 : i32 to index
        %parallel_loop3A_612 = arith.constant 64 : index
        %parallel_loop3A_613 = tpu.vector_load %arg7[%parallel_loop3A_611, %parallel_loop3A_612] {strides = array<i32>} : memref<128x128xf32, #tpu.memory_space<vmem>>, vector<1x16xf32>,
        %parallel_loop3A_614 = vector.shape_cast %parallel_loop3A_613 : vector<1x16xf32> to vector<16xf32>
        %parallel_loop3A_615 = vector.shape_cast %parallel_loop3A_515 : vector<16xf32> to vector<1x16xf32>
        tpu.vector_store %arg7[%parallel_loop3A_611, %parallel_loop3A_612], %parallel_loop3A_615 {add = true, strides = array<i32>} : memref<128x128xf32, #tpu.memory_space<vmem>>, vector<1x16xf32>,
        %parallel_loop3A_616 = arith.index_cast %parallel_loop3A_390 : i32 to index
        %parallel_loop3A_617 = arith.constant 80 : index
        %parallel_loop3A_618 = tpu.vector_load %arg7[%parallel_loop3A_616, %parallel_loop3A_617] {strides = array<i32>} : memref<128x128xf32, #tpu.memory_space<vmem>>, vector<1x16xf32>,
        %parallel_loop3A_619 = vector.shape_cast %parallel_loop3A_618 : vector<1x16xf32> to vector<16xf32>
        %parallel_loop3A_620 = vector.shape_cast %parallel_loop3A_540 : vector<16xf32> to vector<1x16xf32>
        tpu.vector_store %arg7[%parallel_loop3A_616, %parallel_loop3A_617], %parallel_loop3A_620 {add = true, strides = array<i32>} : memref<128x128xf32, #tpu.memory_space<vmem>>, vector<1x16xf32>,
        %parallel_loop3A_621 = arith.index_cast %parallel_loop3A_390 : i32 to index
        %parallel_loop3A_622 = arith.constant 96 : index
        %parallel_loop3A_623 = tpu.vector_load %arg7[%parallel_loop3A_621, %parallel_loop3A_622] {strides = array<i32>} : memref<128x128xf32, #tpu.memory_space<vmem>>, vector<1x16xf32>,
        %parallel_loop3A_624 = vector.shape_cast %parallel_loop3A_623 : vector<1x16xf32> to vector<16xf32>
        %parallel_loop3A_625 = vector.shape_cast %parallel_loop3A_565 : vector<16xf32> to vector<1x16xf32>
        tpu.vector_store %arg7[%parallel_loop3A_621, %parallel_loop3A_622], %parallel_loop3A_625 {add = true, strides = array<i32>} : memref<128x128xf32, #tpu.memory_space<vmem>>, vector<1x16xf32>,
        %parallel_loop3A_626 = arith.index_cast %parallel_loop3A_390 : i32 to index
        %parallel_loop3A_627 = arith.constant 112 : index
        %parallel_loop3A_628 = tpu.vector_load %arg7[%parallel_loop3A_626, %parallel_loop3A_627] {strides = array<i32>} : memref<128x128xf32, #tpu.memory_space<vmem>>, vector<1x16xf32>,
        %parallel_loop3A_629 = vector.shape_cast %parallel_loop3A_628 : vector<1x16xf32> to vector<16xf32>
        %parallel_loop3A_630 = vector.shape_cast %parallel_loop3A_590 : vector<16xf32> to vector<1x16xf32>
        tpu.vector_store %arg7[%parallel_loop3A_626, %parallel_loop3A_627], %parallel_loop3A_630 {add = true, strides = array<i32>} : memref<128x128xf32, #tpu.memory_space<vmem>>, vector<1x16xf32>,
        %parallel_loop3A_631 = vector.extract_strided_slice %parallel_loop3A_146 {offsets = [2], sizes = [1], strides = [1]} : vector<16xi32> to vector<1xi32>
        %parallel_loop3A_632 = vector.extract %parallel_loop3A_631[0] : i32 from vector<1xi32>
        %parallel_loop3A_633 = arith.constant 2 : i32
        %parallel_loop3A_634 = arith.constant 0 : i32
        %parallel_loop3A_635 = arith.cmpi eq, %parallel_loop3A_633, %parallel_loop3A_634 : i32
        %parallel_loop3A_636 = arith.constant 1 : i32
        %parallel_loop3A_637 = arith.select %parallel_loop3A_635, %parallel_loop3A_636, %parallel_loop3A_633 : i32
        %parallel_loop3A_638 = arith.remsi %scan3A_100, %parallel_loop3A_637 : i32
        %parallel_loop3A_639 = arith.constant 0 : i32
        %parallel_loop3A_640 = arith.cmpi ne, %parallel_loop3A_638, %parallel_loop3A_639 : i32
        %parallel_loop3A_641 = arith.constant 0 : i32
        %parallel_loop3A_642 = arith.cmpi slt, %parallel_loop3A_638, %parallel_loop3A_641 : i32
        %parallel_loop3A_643 = arith.constant 0 : i32
        %parallel_loop3A_644 = arith.cmpi slt, %parallel_loop3A_637, %parallel_loop3A_643 : i32
        %parallel_loop3A_645 = arith.xori %parallel_loop3A_642, %parallel_loop3A_644 : i1
        %parallel_loop3A_646 = arith.andi %parallel_loop3A_645, %parallel_loop3A_640 : i1
        %parallel_loop3A_647 = arith.addi %parallel_loop3A_638, %parallel_loop3A_637 : i32
        %parallel_loop3A_648 = arith.select %parallel_loop3A_646, %parallel_loop3A_647, %parallel_loop3A_638 : i32
        %parallel_loop3A_649 = arith.constant 16 : i32
        %parallel_loop3A_650 = arith.muli %parallel_loop3A_138, %parallel_loop3A_649 : i32
        %parallel_loop3A_651 = arith.constant 2 : i32
        %parallel_loop3A_652 = arith.addi %parallel_loop3A_650, %parallel_loop3A_651 : i32
        %parallel_loop3A_653 = arith.index_cast %parallel_loop3A_648 : i32 to index
        %parallel_loop3A_654 = arith.index_cast %parallel_loop3A_652 : i32 to index
        %parallel_loop3A_655 = arith.constant 0 : index
        %parallel_loop3A_656 = tpu.vector_load %arg6[%parallel_loop3A_653, %parallel_loop3A_654, %parallel_loop3A_655] {strides = array<i32>} : memref<2x256x128xf32, #tpu.memory_space<vmem>>, vector<1x1x16xf32>,
        %parallel_loop3A_657 = vector.shape_cast %parallel_loop3A_656 : vector<1x1x16xf32> to vector<16xf32>
        %parallel_loop3A_658 = arith.constant 2 : i32
        %parallel_loop3A_659 = arith.constant 0 : i32
        %parallel_loop3A_660 = arith.cmpi eq, %parallel_loop3A_658, %parallel_loop3A_659 : i32
        %parallel_loop3A_661 = arith.constant 1 : i32
        %parallel_loop3A_662 = arith.select %parallel_loop3A_660, %parallel_loop3A_661, %parallel_loop3A_658 : i32
        %parallel_loop3A_663 = arith.remsi %scan3A_100, %parallel_loop3A_662 : i32
        %parallel_loop3A_664 = arith.constant 0 : i32
        %parallel_loop3A_665 = arith.cmpi ne, %parallel_loop3A_663, %parallel_loop3A_664 : i32
        %parallel_loop3A_666 = arith.constant 0 : i32
        %parallel_loop3A_667 = arith.cmpi slt, %parallel_loop3A_663, %parallel_loop3A_666 : i32
        %parallel_loop3A_668 = arith.constant 0 : i32
        %parallel_loop3A_669 = arith.cmpi slt, %parallel_loop3A_662, %parallel_loop3A_668 : i32
        %parallel_loop3A_670 = arith.xori %parallel_loop3A_667, %parallel_loop3A_669 : i1
        %parallel_loop3A_671 = arith.andi %parallel_loop3A_670, %parallel_loop3A_665 : i1
        %parallel_loop3A_672 = arith.addi %parallel_loop3A_663, %parallel_loop3A_662 : i32
        %parallel_loop3A_673 = arith.select %parallel_loop3A_671, %parallel_loop3A_672, %parallel_loop3A_663 : i32
        %parallel_loop3A_674 = arith.constant 16 : i32
        %parallel_loop3A_675 = arith.muli %parallel_loop3A_138, %parallel_loop3A_674 : i32
        %parallel_loop3A_676 = arith.constant 2 : i32
        %parallel_loop3A_677 = arith.addi %parallel_loop3A_675, %parallel_loop3A_676 : i32
        %parallel_loop3A_678 = arith.index_cast %parallel_loop3A_673 : i32 to index
        %parallel_loop3A_679 = arith.index_cast %parallel_loop3A_677 : i32 to index
        %parallel_loop3A_680 = arith.constant 16 : index
        %parallel_loop3A_681 = tpu.vector_load %arg6[%parallel_loop3A_678, %parallel_loop3A_679, %parallel_loop3A_680] {strides = array<i32>} : memref<2x256x128xf32, #tpu.memory_space<vmem>>, vector<1x1x16xf32>,
        %parallel_loop3A_682 = vector.shape_cast %parallel_loop3A_681 : vector<1x1x16xf32> to vector<16xf32>
        %parallel_loop3A_683 = arith.constant 2 : i32
        %parallel_loop3A_684 = arith.constant 0 : i32
        %parallel_loop3A_685 = arith.cmpi eq, %parallel_loop3A_683, %parallel_loop3A_684 : i32
        %parallel_loop3A_686 = arith.constant 1 : i32
        %parallel_loop3A_687 = arith.select %parallel_loop3A_685, %parallel_loop3A_686, %parallel_loop3A_683 : i32
        %parallel_loop3A_688 = arith.remsi %scan3A_100, %parallel_loop3A_687 : i32
        %parallel_loop3A_689 = arith.constant 0 : i32
        %parallel_loop3A_690 = arith.cmpi ne, %parallel_loop3A_688, %parallel_loop3A_689 : i32
        %parallel_loop3A_691 = arith.constant 0 : i32
        %parallel_loop3A_692 = arith.cmpi slt, %parallel_loop3A_688, %parallel_loop3A_691 : i32
        %parallel_loop3A_693 = arith.constant 0 : i32
        %parallel_loop3A_694 = arith.cmpi slt, %parallel_loop3A_687, %parallel_loop3A_693 : i32
        %parallel_loop3A_695 = arith.xori %parallel_loop3A_692, %parallel_loop3A_694 : i1
        %parallel_loop3A_696 = arith.andi %parallel_loop3A_695, %parallel_loop3A_690 : i1
        %parallel_loop3A_697 = arith.addi %parallel_loop3A_688, %parallel_loop3A_687 : i32
        %parallel_loop3A_698 = arith.select %parallel_loop3A_696, %parallel_loop3A_697, %parallel_loop3A_688 : i32
        %parallel_loop3A_699 = arith.constant 16 : i32
        %parallel_loop3A_700 = arith.muli %parallel_loop3A_138, %parallel_loop3A_699 : i32
        %parallel_loop3A_701 = arith.constant 2 : i32
        %parallel_loop3A_702 = arith.addi %parallel_loop3A_700, %parallel_loop3A_701 : i32
        %parallel_loop3A_703 = arith.index_cast %parallel_loop3A_698 : i32 to index
        %parallel_loop3A_704 = arith.index_cast %parallel_loop3A_702 : i32 to index
        %parallel_loop3A_705 = arith.constant 32 : index
        %parallel_loop3A_706 = tpu.vector_load %arg6[%parallel_loop3A_703, %parallel_loop3A_704, %parallel_loop3A_705] {strides = array<i32>} : memref<2x256x128xf32, #tpu.memory_space<vmem>>, vector<1x1x16xf32>,
        %parallel_loop3A_707 = vector.shape_cast %parallel_loop3A_706 : vector<1x1x16xf32> to vector<16xf32>
        %parallel_loop3A_708 = arith.constant 2 : i32
        %parallel_loop3A_709 = arith.constant 0 : i32
        %parallel_loop3A_710 = arith.cmpi eq, %parallel_loop3A_708, %parallel_loop3A_709 : i32
        %parallel_loop3A_711 = arith.constant 1 : i32
        %parallel_loop3A_712 = arith.select %parallel_loop3A_710, %parallel_loop3A_711, %parallel_loop3A_708 : i32
        %parallel_loop3A_713 = arith.remsi %scan3A_100, %parallel_loop3A_712 : i32
        %parallel_loop3A_714 = arith.constant 0 : i32
        %parallel_loop3A_715 = arith.cmpi ne, %parallel_loop3A_713, %parallel_loop3A_714 : i32
        %parallel_loop3A_716 = arith.constant 0 : i32
        %parallel_loop3A_717 = arith.cmpi slt, %parallel_loop3A_713, %parallel_loop3A_716 : i32
        %parallel_loop3A_718 = arith.constant 0 : i32
        %parallel_loop3A_719 = arith.cmpi slt, %parallel_loop3A_712, %parallel_loop3A_718 : i32
        %parallel_loop3A_720 = arith.xori %parallel_loop3A_717, %parallel_loop3A_719 : i1
        %parallel_loop3A_721 = arith.andi %parallel_loop3A_720, %parallel_loop3A_715 : i1
        %parallel_loop3A_722 = arith.addi %parallel_loop3A_713, %parallel_loop3A_712 : i32
        %parallel_loop3A_723 = arith.select %parallel_loop3A_721, %parallel_loop3A_722, %parallel_loop3A_713 : i32
        %parallel_loop3A_724 = arith.constant 16 : i32
        %parallel_loop3A_725 = arith.muli %parallel_loop3A_138, %parallel_loop3A_724 : i32
        %parallel_loop3A_726 = arith.constant 2 : i32
        %parallel_loop3A_727 = arith.addi %parallel_loop3A_725, %parallel_loop3A_726 : i32
        %parallel_loop3A_728 = arith.index_cast %parallel_loop3A_723 : i32 to index
        %parallel_loop3A_729 = arith.index_cast %parallel_loop3A_727 : i32 to index
        %parallel_loop3A_730 = arith.constant 48 : index
        %parallel_loop3A_731 = tpu.vector_load %arg6[%parallel_loop3A_728, %parallel_loop3A_729, %parallel_loop3A_730] {strides = array<i32>} : memref<2x256x128xf32, #tpu.memory_space<vmem>>, vector<1x1x16xf32>,
        %parallel_loop3A_732 = vector.shape_cast %parallel_loop3A_731 : vector<1x1x16xf32> to vector<16xf32>
        %parallel_loop3A_733 = arith.constant 2 : i32
        %parallel_loop3A_734 = arith.constant 0 : i32
        %parallel_loop3A_735 = arith.cmpi eq, %parallel_loop3A_733, %parallel_loop3A_734 : i32
        %parallel_loop3A_736 = arith.constant 1 : i32
        %parallel_loop3A_737 = arith.select %parallel_loop3A_735, %parallel_loop3A_736, %parallel_loop3A_733 : i32
        %parallel_loop3A_738 = arith.remsi %scan3A_100, %parallel_loop3A_737 : i32
        %parallel_loop3A_739 = arith.constant 0 : i32
        %parallel_loop3A_740 = arith.cmpi ne, %parallel_loop3A_738, %parallel_loop3A_739 : i32
        %parallel_loop3A_741 = arith.constant 0 : i32
        %parallel_loop3A_742 = arith.cmpi slt, %parallel_loop3A_738, %parallel_loop3A_741 : i32
        %parallel_loop3A_743 = arith.constant 0 : i32
        %parallel_loop3A_744 = arith.cmpi slt, %parallel_loop3A_737, %parallel_loop3A_743 : i32
        %parallel_loop3A_745 = arith.xori %parallel_loop3A_742, %parallel_loop3A_744 : i1
        %parallel_loop3A_746 = arith.andi %parallel_loop3A_745, %parallel_loop3A_740 : i1
        %parallel_loop3A_747 = arith.addi %parallel_loop3A_738, %parallel_loop3A_737 : i32
        %parallel_loop3A_748 = arith.select %parallel_loop3A_746, %parallel_loop3A_747, %parallel_loop3A_738 : i32
        %parallel_loop3A_749 = arith.constant 16 : i32
        %parallel_loop3A_750 = arith.muli %parallel_loop3A_138, %parallel_loop3A_749 : i32
        %parallel_loop3A_751 = arith.constant 2 : i32
        %parallel_loop3A_752 = arith.addi %parallel_loop3A_750, %parallel_loop3A_751 : i32
        %parallel_loop3A_753 = arith.index_cast %parallel_loop3A_748 : i32 to index
        %parallel_loop3A_754 = arith.index_cast %parallel_loop3A_752 : i32 to index
        %parallel_loop3A_755 = arith.constant 64 : index
        %parallel_loop3A_756 = tpu.vector_load %arg6[%parallel_loop3A_753, %parallel_loop3A_754, %parallel_loop3A_755] {strides = array<i32>} : memref<2x256x128xf32, #tpu.memory_space<vmem>>, vector<1x1x16xf32>,
        %parallel_loop3A_757 = vector.shape_cast %parallel_loop3A_756 : vector<1x1x16xf32> to vector<16xf32>
        %parallel_loop3A_758 = arith.constant 2 : i32
        %parallel_loop3A_759 = arith.constant 0 : i32
        %parallel_loop3A_760 = arith.cmpi eq, %parallel_loop3A_758, %parallel_loop3A_759 : i32
        %parallel_loop3A_761 = arith.constant 1 : i32
        %parallel_loop3A_762 = arith.select %parallel_loop3A_760, %parallel_loop3A_761, %parallel_loop3A_758 : i32
        %parallel_loop3A_763 = arith.remsi %scan3A_100, %parallel_loop3A_762 : i32
        %parallel_loop3A_764 = arith.constant 0 : i32
        %parallel_loop3A_765 = arith.cmpi ne, %parallel_loop3A_763, %parallel_loop3A_764 : i32
        %parallel_loop3A_766 = arith.constant 0 : i32
        %parallel_loop3A_767 = arith.cmpi slt, %parallel_loop3A_763, %parallel_loop3A_766 : i32
        %parallel_loop3A_768 = arith.constant 0 : i32
        %parallel_loop3A_769 = arith.cmpi slt, %parallel_loop3A_762, %parallel_loop3A_768 : i32
        %parallel_loop3A_770 = arith.xori %parallel_loop3A_767, %parallel_loop3A_769 : i1
        %parallel_loop3A_771 = arith.andi %parallel_loop3A_770, %parallel_loop3A_765 : i1
        %parallel_loop3A_772 = arith.addi %parallel_loop3A_763, %parallel_loop3A_762 : i32
        %parallel_loop3A_773 = arith.select %parallel_loop3A_771, %parallel_loop3A_772, %parallel_loop3A_763 : i32
        %parallel_loop3A_774 = arith.constant 16 : i32
        %parallel_loop3A_775 = arith.muli %parallel_loop3A_138, %parallel_loop3A_774 : i32
        %parallel_loop3A_776 = arith.constant 2 : i32
        %parallel_loop3A_777 = arith.addi %parallel_loop3A_775, %parallel_loop3A_776 : i32
        %parallel_loop3A_778 = arith.index_cast %parallel_loop3A_773 : i32 to index
        %parallel_loop3A_779 = arith.index_cast %parallel_loop3A_777 : i32 to index
        %parallel_loop3A_780 = arith.constant 80 : index
        %parallel_loop3A_781 = tpu.vector_load %arg6[%parallel_loop3A_778, %parallel_loop3A_779, %parallel_loop3A_780] {strides = array<i32>} : memref<2x256x128xf32, #tpu.memory_space<vmem>>, vector<1x1x16xf32>,
        %parallel_loop3A_782 = vector.shape_cast %parallel_loop3A_781 : vector<1x1x16xf32> to vector<16xf32>
        %parallel_loop3A_783 = arith.constant 2 : i32
        %parallel_loop3A_784 = arith.constant 0 : i32
        %parallel_loop3A_785 = arith.cmpi eq, %parallel_loop3A_783, %parallel_loop3A_784 : i32
        %parallel_loop3A_786 = arith.constant 1 : i32
        %parallel_loop3A_787 = arith.select %parallel_loop3A_785, %parallel_loop3A_786, %parallel_loop3A_783 : i32
        %parallel_loop3A_788 = arith.remsi %scan3A_100, %parallel_loop3A_787 : i32
        %parallel_loop3A_789 = arith.constant 0 : i32
        %parallel_loop3A_790 = arith.cmpi ne, %parallel_loop3A_788, %parallel_loop3A_789 : i32
        %parallel_loop3A_791 = arith.constant 0 : i32
        %parallel_loop3A_792 = arith.cmpi slt, %parallel_loop3A_788, %parallel_loop3A_791 : i32
        %parallel_loop3A_793 = arith.constant 0 : i32
        %parallel_loop3A_794 = arith.cmpi slt, %parallel_loop3A_787, %parallel_loop3A_793 : i32
        %parallel_loop3A_795 = arith.xori %parallel_loop3A_792, %parallel_loop3A_794 : i1
        %parallel_loop3A_796 = arith.andi %parallel_loop3A_795, %parallel_loop3A_790 : i1
        %parallel_loop3A_797 = arith.addi %parallel_loop3A_788, %parallel_loop3A_787 : i32
        %parallel_loop3A_798 = arith.select %parallel_loop3A_796, %parallel_loop3A_797, %parallel_loop3A_788 : i32
        %parallel_loop3A_799 = arith.constant 16 : i32
        %parallel_loop3A_800 = arith.muli %parallel_loop3A_138, %parallel_loop3A_799 : i32
        %parallel_loop3A_801 = arith.constant 2 : i32
        %parallel_loop3A_802 = arith.addi %parallel_loop3A_800, %parallel_loop3A_801 : i32
        %parallel_loop3A_803 = arith.index_cast %parallel_loop3A_798 : i32 to index
        %parallel_loop3A_804 = arith.index_cast %parallel_loop3A_802 : i32 to index
        %parallel_loop3A_805 = arith.constant 96 : index
        %parallel_loop3A_806 = tpu.vector_load %arg6[%parallel_loop3A_803, %parallel_loop3A_804, %parallel_loop3A_805] {strides = array<i32>} : memref<2x256x128xf32, #tpu.memory_space<vmem>>, vector<1x1x16xf32>,
        %parallel_loop3A_807 = vector.shape_cast %parallel_loop3A_806 : vector<1x1x16xf32> to vector<16xf32>
        %parallel_loop3A_808 = arith.constant 2 : i32
        %parallel_loop3A_809 = arith.constant 0 : i32
        %parallel_loop3A_810 = arith.cmpi eq, %parallel_loop3A_808, %parallel_loop3A_809 : i32
        %parallel_loop3A_811 = arith.constant 1 : i32
        %parallel_loop3A_812 = arith.select %parallel_loop3A_810, %parallel_loop3A_811, %parallel_loop3A_808 : i32
        %parallel_loop3A_813 = arith.remsi %scan3A_100, %parallel_loop3A_812 : i32
        %parallel_loop3A_814 = arith.constant 0 : i32
        %parallel_loop3A_815 = arith.cmpi ne, %parallel_loop3A_813, %parallel_loop3A_814 : i32
        %parallel_loop3A_816 = arith.constant 0 : i32
        %parallel_loop3A_817 = arith.cmpi slt, %parallel_loop3A_813, %parallel_loop3A_816 : i32
        %parallel_loop3A_818 = arith.constant 0 : i32
        %parallel_loop3A_819 = arith.cmpi slt, %parallel_loop3A_812, %parallel_loop3A_818 : i32
        %parallel_loop3A_820 = arith.xori %parallel_loop3A_817, %parallel_loop3A_819 : i1
        %parallel_loop3A_821 = arith.andi %parallel_loop3A_820, %parallel_loop3A_815 : i1
        %parallel_loop3A_822 = arith.addi %parallel_loop3A_813, %parallel_loop3A_812 : i32
        %parallel_loop3A_823 = arith.select %parallel_loop3A_821, %parallel_loop3A_822, %parallel_loop3A_813 : i32
        %parallel_loop3A_824 = arith.constant 16 : i32
        %parallel_loop3A_825 = arith.muli %parallel_loop3A_138, %parallel_loop3A_824 : i32
        %parallel_loop3A_826 = arith.constant 2 : i32
        %parallel_loop3A_827 = arith.addi %parallel_loop3A_825, %parallel_loop3A_826 : i32
        %parallel_loop3A_828 = arith.index_cast %parallel_loop3A_823 : i32 to index
        %parallel_loop3A_829 = arith.index_cast %parallel_loop3A_827 : i32 to index
        %parallel_loop3A_830 = arith.constant 112 : index
        %parallel_loop3A_831 = tpu.vector_load %arg6[%parallel_loop3A_828, %parallel_loop3A_829, %parallel_loop3A_830] {strides = array<i32>} : memref<2x256x128xf32, #tpu.memory_space<vmem>>, vector<1x1x16xf32>,
        %parallel_loop3A_832 = vector.shape_cast %parallel_loop3A_831 : vector<1x1x16xf32> to vector<16xf32>
        %parallel_loop3A_833 = arith.index_cast %parallel_loop3A_632 : i32 to index
        %parallel_loop3A_834 = arith.constant 0 : index
        %parallel_loop3A_835 = tpu.vector_load %arg7[%parallel_loop3A_833, %parallel_loop3A_834] {strides = array<i32>} : memref<128x128xf32, #tpu.memory_space<vmem>>, vector<1x16xf32>,
        %parallel_loop3A_836 = vector.shape_cast %parallel_loop3A_835 : vector<1x16xf32> to vector<16xf32>
        %parallel_loop3A_837 = vector.shape_cast %parallel_loop3A_657 : vector<16xf32> to vector<1x16xf32>
        tpu.vector_store %arg7[%parallel_loop3A_833, %parallel_loop3A_834], %parallel_loop3A_837 {add = true, strides = array<i32>} : memref<128x128xf32, #tpu.memory_space<vmem>>, vector<1x16xf32>,
        %parallel_loop3A_838 = arith.index_cast %parallel_loop3A_632 : i32 to index
        %parallel_loop3A_839 = arith.constant 16 : index
        %parallel_loop3A_840 = tpu.vector_load %arg7[%parallel_loop3A_838, %parallel_loop3A_839] {strides = array<i32>} : memref<128x128xf32, #tpu.memory_space<vmem>>, vector<1x16xf32>,
        %parallel_loop3A_841 = vector.shape_cast %parallel_loop3A_840 : vector<1x16xf32> to vector<16xf32>
        %parallel_loop3A_842 = vector.shape_cast %parallel_loop3A_682 : vector<16xf32> to vector<1x16xf32>
        tpu.vector_store %arg7[%parallel_loop3A_838, %parallel_loop3A_839], %parallel_loop3A_842 {add = true, strides = array<i32>} : memref<128x128xf32, #tpu.memory_space<vmem>>, vector<1x16xf32>,
        %parallel_loop3A_843 = arith.index_cast %parallel_loop3A_632 : i32 to index
        %parallel_loop3A_844 = arith.constant 32 : index
        %parallel_loop3A_845 = tpu.vector_load %arg7[%parallel_loop3A_843, %parallel_loop3A_844] {strides = array<i32>} : memref<128x128xf32, #tpu.memory_space<vmem>>, vector<1x16xf32>,
        %parallel_loop3A_846 = vector.shape_cast %parallel_loop3A_845 : vector<1x16xf32> to vector<16xf32>
        %parallel_loop3A_847 = vector.shape_cast %parallel_loop3A_707 : vector<16xf32> to vector<1x16xf32>
        tpu.vector_store %arg7[%parallel_loop3A_843, %parallel_loop3A_844], %parallel_loop3A_847 {add = true, strides = array<i32>} : memref<128x128xf32, #tpu.memory_space<vmem>>, vector<1x16xf32>,
        %parallel_loop3A_848 = arith.index_cast %parallel_loop3A_632 : i32 to index
        %parallel_loop3A_849 = arith.constant 48 : index
        %parallel_loop3A_850 = tpu.vector_load %arg7[%parallel_loop3A_848, %parallel_loop3A_849] {strides = array<i32>} : memref<128x128xf32, #tpu.memory_space<vmem>>, vector<1x16xf32>,
        %parallel_loop3A_851 = vector.shape_cast %parallel_loop3A_850 : vector<1x16xf32> to vector<16xf32>
        %parallel_loop3A_852 = vector.shape_cast %parallel_loop3A_732 : vector<16xf32> to vector<1x16xf32>
        tpu.vector_store %arg7[%parallel_loop3A_848, %parallel_loop3A_849], %parallel_loop3A_852 {add = true, strides = array<i32>} : memref<128x128xf32, #tpu.memory_space<vmem>>, vector<1x16xf32>,
        %parallel_loop3A_853 = arith.index_cast %parallel_loop3A_632 : i32 to index
        %parallel_loop3A_854 = arith.constant 64 : index
        %parallel_loop3A_855 = tpu.vector_load %arg7[%parallel_loop3A_853, %parallel_loop3A_854] {strides = array<i32>} : memref<128x128xf32, #tpu.memory_space<vmem>>, vector<1x16xf32>,
        %parallel_loop3A_856 = vector.shape_cast %parallel_loop3A_855 : vector<1x16xf32> to vector<16xf32>
        %parallel_loop3A_857 = vector.shape_cast %parallel_loop3A_757 : vector<16xf32> to vector<1x16xf32>
        tpu.vector_store %arg7[%parallel_loop3A_853, %parallel_loop3A_854], %parallel_loop3A_857 {add = true, strides = array<i32>} : memref<128x128xf32, #tpu.memory_space<vmem>>, vector<1x16xf32>,
        %parallel_loop3A_858 = arith.index_cast %parallel_loop3A_632 : i32 to index
        %parallel_loop3A_859 = arith.constant 80 : index
        %parallel_loop3A_860 = tpu.vector_load %arg7[%parallel_loop3A_858, %parallel_loop3A_859] {strides = array<i32>} : memref<128x128xf32, #tpu.memory_space<vmem>>, vector<1x16xf32>,
        %parallel_loop3A_861 = vector.shape_cast %parallel_loop3A_860 : vector<1x16xf32> to vector<16xf32>
        %parallel_loop3A_862 = vector.shape_cast %parallel_loop3A_782 : vector<16xf32> to vector<1x16xf32>
        tpu.vector_store %arg7[%parallel_loop3A_858, %parallel_loop3A_859], %parallel_loop3A_862 {add = true, strides = array<i32>} : memref<128x128xf32, #tpu.memory_space<vmem>>, vector<1x16xf32>,
        %parallel_loop3A_863 = arith.index_cast %parallel_loop3A_632 : i32 to index
        %parallel_loop3A_864 = arith.constant 96 : index
        %parallel_loop3A_865 = tpu.vector_load %arg7[%parallel_loop3A_863, %parallel_loop3A_864] {strides = array<i32>} : memref<128x128xf32, #tpu.memory_space<vmem>>, vector<1x16xf32>,
        %parallel_loop3A_866 = vector.shape_cast %parallel_loop3A_865 : vector<1x16xf32> to vector<16xf32>
        %parallel_loop3A_867 = vector.shape_cast %parallel_loop3A_807 : vector<16xf32> to vector<1x16xf32>
        tpu.vector_store %arg7[%parallel_loop3A_863, %parallel_loop3A_864], %parallel_loop3A_867 {add = true, strides = array<i32>} : memref<128x128xf32, #tpu.memory_space<vmem>>, vector<1x16xf32>,
        %parallel_loop3A_868 = arith.index_cast %parallel_loop3A_632 : i32 to index
        %parallel_loop3A_869 = arith.constant 112 : index
        %parallel_loop3A_870 = tpu.vector_load %arg7[%parallel_loop3A_868, %parallel_loop3A_869] {strides = array<i32>} : memref<128x128xf32, #tpu.memory_space<vmem>>, vector<1x16xf32>,
        %parallel_loop3A_871 = vector.shape_cast %parallel_loop3A_870 : vector<1x16xf32> to vector<16xf32>
        %parallel_loop3A_872 = vector.shape_cast %parallel_loop3A_832 : vector<16xf32> to vector<1x16xf32>
        tpu.vector_store %arg7[%parallel_loop3A_868, %parallel_loop3A_869], %parallel_loop3A_872 {add = true, strides = array<i32>} : memref<128x128xf32, #tpu.memory_space<vmem>>, vector<1x16xf32>,
        %parallel_loop3A_873 = vector.extract_strided_slice %parallel_loop3A_146 {offsets = [3], sizes = [1], strides = [1]} : vector<16xi32> to vector<1xi32>
        %parallel_loop3A_874 = vector.extract %parallel_loop3A_873[0] : i32 from vector<1xi32>
        %parallel_loop3A_875 = arith.constant 2 : i32
        %parallel_loop3A_876 = arith.constant 0 : i32
        %parallel_loop3A_877 = arith.cmpi eq, %parallel_loop3A_875, %parallel_loop3A_876 : i32
        %parallel_loop3A_878 = arith.constant 1 : i32
        %parallel_loop3A_879 = arith.select %parallel_loop3A_877, %parallel_loop3A_878, %parallel_loop3A_875 : i32
        %parallel_loop3A_880 = arith.remsi %scan3A_100, %parallel_loop3A_879 : i32
        %parallel_loop3A_881 = arith.constant 0 : i32
        %parallel_loop3A_882 = arith.cmpi ne, %parallel_loop3A_880, %parallel_loop3A_881 : i32
        %parallel_loop3A_883 = arith.constant 0 : i32
        %parallel_loop3A_884 = arith.cmpi slt, %parallel_loop3A_880, %parallel_loop3A_883 : i32
        %parallel_loop3A_885 = arith.constant 0 : i32
        %parallel_loop3A_886 = arith.cmpi slt, %parallel_loop3A_879, %parallel_loop3A_885 : i32
        %parallel_loop3A_887 = arith.xori %parallel_loop3A_884, %parallel_loop3A_886 : i1
        %parallel_loop3A_888 = arith.andi %parallel_loop3A_887, %parallel_loop3A_882 : i1
        %parallel_loop3A_889 = arith.addi %parallel_loop3A_880, %parallel_loop3A_879 : i32
        %parallel_loop3A_890 = arith.select %parallel_loop3A_888, %parallel_loop3A_889, %parallel_loop3A_880 : i32
        %parallel_loop3A_891 = arith.constant 16 : i32
        %parallel_loop3A_892 = arith.muli %parallel_loop3A_138, %parallel_loop3A_891 : i32
        %parallel_loop3A_893 = arith.constant 3 : i32
        %parallel_loop3A_894 = arith.addi %parallel_loop3A_892, %parallel_loop3A_893 : i32
        %parallel_loop3A_895 = arith.index_cast %parallel_loop3A_890 : i32 to index
        %parallel_loop3A_896 = arith.index_cast %parallel_loop3A_894 : i32 to index
        %parallel_loop3A_897 = arith.constant 0 : index
        %parallel_loop3A_898 = tpu.vector_load %arg6[%parallel_loop3A_895, %parallel_loop3A_896, %parallel_loop3A_897] {strides = array<i32>} : memref<2x256x128xf32, #tpu.memory_space<vmem>>, vector<1x1x16xf32>,
        %parallel_loop3A_899 = vector.shape_cast %parallel_loop3A_898 : vector<1x1x16xf32> to vector<16xf32>
        %parallel_loop3A_900 = arith.constant 2 : i32
        %parallel_loop3A_901 = arith.constant 0 : i32
        %parallel_loop3A_902 = arith.cmpi eq, %parallel_loop3A_900, %parallel_loop3A_901 : i32
        %parallel_loop3A_903 = arith.constant 1 : i32
        %parallel_loop3A_904 = arith.select %parallel_loop3A_902, %parallel_loop3A_903, %parallel_loop3A_900 : i32
        %parallel_loop3A_905 = arith.remsi %scan3A_100, %parallel_loop3A_904 : i32
        %parallel_loop3A_906 = arith.constant 0 : i32
        %parallel_loop3A_907 = arith.cmpi ne, %parallel_loop3A_905, %parallel_loop3A_906 : i32
        %parallel_loop3A_908 = arith.constant 0 : i32
        %parallel_loop3A_909 = arith.cmpi slt, %parallel_loop3A_905, %parallel_loop3A_908 : i32
        %parallel_loop3A_910 = arith.constant 0 : i32
        %parallel_loop3A_911 = arith.cmpi slt, %parallel_loop3A_904, %parallel_loop3A_910 : i32
        %parallel_loop3A_912 = arith.xori %parallel_loop3A_909, %parallel_loop3A_911 : i1
        %parallel_loop3A_913 = arith.andi %parallel_loop3A_912, %parallel_loop3A_907 : i1
        %parallel_loop3A_914 = arith.addi %parallel_loop3A_905, %parallel_loop3A_904 : i32
        %parallel_loop3A_915 = arith.select %parallel_loop3A_913, %parallel_loop3A_914, %parallel_loop3A_905 : i32
        %parallel_loop3A_916 = arith.constant 16 : i32
        %parallel_loop3A_917 = arith.muli %parallel_loop3A_138, %parallel_loop3A_916 : i32
        %parallel_loop3A_918 = arith.constant 3 : i32
        %parallel_loop3A_919 = arith.addi %parallel_loop3A_917, %parallel_loop3A_918 : i32
        %parallel_loop3A_920 = arith.index_cast %parallel_loop3A_915 : i32 to index
        %parallel_loop3A_921 = arith.index_cast %parallel_loop3A_919 : i32 to index
        %parallel_loop3A_922 = arith.constant 16 : index
        %parallel_loop3A_923 = tpu.vector_load %arg6[%parallel_loop3A_920, %parallel_loop3A_921, %parallel_loop3A_922] {strides = array<i32>} : memref<2x256x128xf32, #tpu.memory_space<vmem>>, vector<1x1x16xf32>,
        %parallel_loop3A_924 = vector.shape_cast %parallel_loop3A_923 : vector<1x1x16xf32> to vector<16xf32>
        %parallel_loop3A_925 = arith.constant 2 : i32
        %parallel_loop3A_926 = arith.constant 0 : i32
        %parallel_loop3A_927 = arith.cmpi eq, %parallel_loop3A_925, %parallel_loop3A_926 : i32
        %parallel_loop3A_928 = arith.constant 1 : i32
        %parallel_loop3A_929 = arith.select %parallel_loop3A_927, %parallel_loop3A_928, %parallel_loop3A_925 : i32
        %parallel_loop3A_930 = arith.remsi %scan3A_100, %parallel_loop3A_929 : i32
        %parallel_loop3A_931 = arith.constant 0 : i32
        %parallel_loop3A_932 = arith.cmpi ne, %parallel_loop3A_930, %parallel_loop3A_931 : i32
        %parallel_loop3A_933 = arith.constant 0 : i32
        %parallel_loop3A_934 = arith.cmpi slt, %parallel_loop3A_930, %parallel_loop3A_933 : i32
        %parallel_loop3A_935 = arith.constant 0 : i32
        %parallel_loop3A_936 = arith.cmpi slt, %parallel_loop3A_929, %parallel_loop3A_935 : i32
        %parallel_loop3A_937 = arith.xori %parallel_loop3A_934, %parallel_loop3A_936 : i1
        %parallel_loop3A_938 = arith.andi %parallel_loop3A_937, %parallel_loop3A_932 : i1
        %parallel_loop3A_939 = arith.addi %parallel_loop3A_930, %parallel_loop3A_929 : i32
        %parallel_loop3A_940 = arith.select %parallel_loop3A_938, %parallel_loop3A_939, %parallel_loop3A_930 : i32
        %parallel_loop3A_941 = arith.constant 16 : i32
        %parallel_loop3A_942 = arith.muli %parallel_loop3A_138, %parallel_loop3A_941 : i32
        %parallel_loop3A_943 = arith.constant 3 : i32
        %parallel_loop3A_944 = arith.addi %parallel_loop3A_942, %parallel_loop3A_943 : i32
        %parallel_loop3A_945 = arith.index_cast %parallel_loop3A_940 : i32 to index
        %parallel_loop3A_946 = arith.index_cast %parallel_loop3A_944 : i32 to index
        %parallel_loop3A_947 = arith.constant 32 : index
        %parallel_loop3A_948 = tpu.vector_load %arg6[%parallel_loop3A_945, %parallel_loop3A_946, %parallel_loop3A_947] {strides = array<i32>} : memref<2x256x128xf32, #tpu.memory_space<vmem>>, vector<1x1x16xf32>,
        %parallel_loop3A_949 = vector.shape_cast %parallel_loop3A_948 : vector<1x1x16xf32> to vector<16xf32>
        %parallel_loop3A_950 = arith.constant 2 : i32
        %parallel_loop3A_951 = arith.constant 0 : i32
        %parallel_loop3A_952 = arith.cmpi eq, %parallel_loop3A_950, %parallel_loop3A_951 : i32
        %parallel_loop3A_953 = arith.constant 1 : i32
        %parallel_loop3A_954 = arith.select %parallel_loop3A_952, %parallel_loop3A_953, %parallel_loop3A_950 : i32
        %parallel_loop3A_955 = arith.remsi %scan3A_100, %parallel_loop3A_954 : i32
        %parallel_loop3A_956 = arith.constant 0 : i32
        %parallel_loop3A_957 = arith.cmpi ne, %parallel_loop3A_955, %parallel_loop3A_956 : i32
        %parallel_loop3A_958 = arith.constant 0 : i32
        %parallel_loop3A_959 = arith.cmpi slt, %parallel_loop3A_955, %parallel_loop3A_958 : i32
        %parallel_loop3A_960 = arith.constant 0 : i32
        %parallel_loop3A_961 = arith.cmpi slt, %parallel_loop3A_954, %parallel_loop3A_960 : i32
        %parallel_loop3A_962 = arith.xori %parallel_loop3A_959, %parallel_loop3A_961 : i1
        %parallel_loop3A_963 = arith.andi %parallel_loop3A_962, %parallel_loop3A_957 : i1
        %parallel_loop3A_964 = arith.addi %parallel_loop3A_955, %parallel_loop3A_954 : i32
        %parallel_loop3A_965 = arith.select %parallel_loop3A_963, %parallel_loop3A_964, %parallel_loop3A_955 : i32
        %parallel_loop3A_966 = arith.constant 16 : i32
        %parallel_loop3A_967 = arith.muli %parallel_loop3A_138, %parallel_loop3A_966 : i32
        %parallel_loop3A_968 = arith.constant 3 : i32
        %parallel_loop3A_969 = arith.addi %parallel_loop3A_967, %parallel_loop3A_968 : i32
        %parallel_loop3A_970 = arith.index_cast %parallel_loop3A_965 : i32 to index
        %parallel_loop3A_971 = arith.index_cast %parallel_loop3A_969 : i32 to index
        %parallel_loop3A_972 = arith.constant 48 : index
        %parallel_loop3A_973 = tpu.vector_load %arg6[%parallel_loop3A_970, %parallel_loop3A_971, %parallel_loop3A_972] {strides = array<i32>} : memref<2x256x128xf32, #tpu.memory_space<vmem>>, vector<1x1x16xf32>,
        %parallel_loop3A_974 = vector.shape_cast %parallel_loop3A_973 : vector<1x1x16xf32> to vector<16xf32>
        %parallel_loop3A_975 = arith.constant 2 : i32
        %parallel_loop3A_976 = arith.constant 0 : i32
        %parallel_loop3A_977 = arith.cmpi eq, %parallel_loop3A_975, %parallel_loop3A_976 : i32
        %parallel_loop3A_978 = arith.constant 1 : i32
        %parallel_loop3A_979 = arith.select %parallel_loop3A_977, %parallel_loop3A_978, %parallel_loop3A_975 : i32
        %parallel_loop3A_980 = arith.remsi %scan3A_100, %parallel_loop3A_979 : i32
        %parallel_loop3A_981 = arith.constant 0 : i32
        %parallel_loop3A_982 = arith.cmpi ne, %parallel_loop3A_980, %parallel_loop3A_981 : i32
        %parallel_loop3A_983 = arith.constant 0 : i32
        %parallel_loop3A_984 = arith.cmpi slt, %parallel_loop3A_980, %parallel_loop3A_983 : i32
        %parallel_loop3A_985 = arith.constant 0 : i32
        %parallel_loop3A_986 = arith.cmpi slt, %parallel_loop3A_979, %parallel_loop3A_985 : i32
        %parallel_loop3A_987 = arith.xori %parallel_loop3A_984, %parallel_loop3A_986 : i1
        %parallel_loop3A_988 = arith.andi %parallel_loop3A_987, %parallel_loop3A_982 : i1
        %parallel_loop3A_989 = arith.addi %parallel_loop3A_980, %parallel_loop3A_979 : i32
        %parallel_loop3A_990 = arith.select %parallel_loop3A_988, %parallel_loop3A_989, %parallel_loop3A_980 : i32
        %parallel_loop3A_991 = arith.constant 16 : i32
        %parallel_loop3A_992 = arith.muli %parallel_loop3A_138, %parallel_loop3A_991 : i32
        %parallel_loop3A_993 = arith.constant 3 : i32
        %parallel_loop3A_994 = arith.addi %parallel_loop3A_992, %parallel_loop3A_993 : i32
        %parallel_loop3A_995 = arith.index_cast %parallel_loop3A_990 : i32 to index
        %parallel_loop3A_996 = arith.index_cast %parallel_loop3A_994 : i32 to index
        %parallel_loop3A_997 = arith.constant 64 : index
        %parallel_loop3A_998 = tpu.vector_load %arg6[%parallel_loop3A_995, %parallel_loop3A_996, %parallel_loop3A_997] {strides = array<i32>} : memref<2x256x128xf32, #tpu.memory_space<vmem>>, vector<1x1x16xf32>,
        %parallel_loop3A_999 = vector.shape_cast %parallel_loop3A_998 : vector<1x1x16xf32> to vector<16xf32>
        %parallel_loop3A_1000 = arith.constant 2 : i32
        %parallel_loop3A_1001 = arith.constant 0 : i32
        %parallel_loop3A_1002 = arith.cmpi eq, %parallel_loop3A_1000, %parallel_loop3A_1001 : i32
        %parallel_loop3A_1003 = arith.constant 1 : i32
        %parallel_loop3A_1004 = arith.select %parallel_loop3A_1002, %parallel_loop3A_1003, %parallel_loop3A_1000 : i32
        %parallel_loop3A_1005 = arith.remsi %scan3A_100, %parallel_loop3A_1004 : i32
        %parallel_loop3A_1006 = arith.constant 0 : i32
        %parallel_loop3A_1007 = arith.cmpi ne, %parallel_loop3A_1005, %parallel_loop3A_1006 : i32
        %parallel_loop3A_1008 = arith.constant 0 : i32
        %parallel_loop3A_1009 = arith.cmpi slt, %parallel_loop3A_1005, %parallel_loop3A_1008 : i32
        %parallel_loop3A_1010 = arith.constant 0 : i32
        %parallel_loop3A_1011 = arith.cmpi slt, %parallel_loop3A_1004, %parallel_loop3A_1010 : i32
        %parallel_loop3A_1012 = arith.xori %parallel_loop3A_1009, %parallel_loop3A_1011 : i1
        %parallel_loop3A_1013 = arith.andi %parallel_loop3A_1012, %parallel_loop3A_1007 : i1
        %parallel_loop3A_1014 = arith.addi %parallel_loop3A_1005, %parallel_loop3A_1004 : i32
        %parallel_loop3A_1015 = arith.select %parallel_loop3A_1013, %parallel_loop3A_1014, %parallel_loop3A_1005 : i32
        %parallel_loop3A_1016 = arith.constant 16 : i32
        %parallel_loop3A_1017 = arith.muli %parallel_loop3A_138, %parallel_loop3A_1016 : i32
        %parallel_loop3A_1018 = arith.constant 3 : i32
        %parallel_loop3A_1019 = arith.addi %parallel_loop3A_1017, %parallel_loop3A_1018 : i32
        %parallel_loop3A_1020 = arith.index_cast %parallel_loop3A_1015 : i32 to index
        %parallel_loop3A_1021 = arith.index_cast %parallel_loop3A_1019 : i32 to index
        %parallel_loop3A_1022 = arith.constant 80 : index
        %parallel_loop3A_1023 = tpu.vector_load %arg6[%parallel_loop3A_1020, %parallel_loop3A_1021, %parallel_loop3A_1022] {strides = array<i32>} : memref<2x256x128xf32, #tpu.memory_space<vmem>>, vector<1x1x16xf32>,
        %parallel_loop3A_1024 = vector.shape_cast %parallel_loop3A_1023 : vector<1x1x16xf32> to vector<16xf32>
        %parallel_loop3A_1025 = arith.constant 2 : i32
        %parallel_loop3A_1026 = arith.constant 0 : i32
        %parallel_loop3A_1027 = arith.cmpi eq, %parallel_loop3A_1025, %parallel_loop3A_1026 : i32
        %parallel_loop3A_1028 = arith.constant 1 : i32
        %parallel_loop3A_1029 = arith.select %parallel_loop3A_1027, %parallel_loop3A_1028, %parallel_loop3A_1025 : i32
        %parallel_loop3A_1030 = arith.remsi %scan3A_100, %parallel_loop3A_1029 : i32
        %parallel_loop3A_1031 = arith.constant 0 : i32
        %parallel_loop3A_1032 = arith.cmpi ne, %parallel_loop3A_1030, %parallel_loop3A_1031 : i32
        %parallel_loop3A_1033 = arith.constant 0 : i32
        %parallel_loop3A_1034 = arith.cmpi slt, %parallel_loop3A_1030, %parallel_loop3A_1033 : i32
        %parallel_loop3A_1035 = arith.constant 0 : i32
        %parallel_loop3A_1036 = arith.cmpi slt, %parallel_loop3A_1029, %parallel_loop3A_1035 : i32
        %parallel_loop3A_1037 = arith.xori %parallel_loop3A_1034, %parallel_loop3A_1036 : i1
        %parallel_loop3A_1038 = arith.andi %parallel_loop3A_1037, %parallel_loop3A_1032 : i1
        %parallel_loop3A_1039 = arith.addi %parallel_loop3A_1030, %parallel_loop3A_1029 : i32
        %parallel_loop3A_1040 = arith.select %parallel_loop3A_1038, %parallel_loop3A_1039, %parallel_loop3A_1030 : i32
        %parallel_loop3A_1041 = arith.constant 16 : i32
        %parallel_loop3A_1042 = arith.muli %parallel_loop3A_138, %parallel_loop3A_1041 : i32
        %parallel_loop3A_1043 = arith.constant 3 : i32
        %parallel_loop3A_1044 = arith.addi %parallel_loop3A_1042, %parallel_loop3A_1043 : i32
        %parallel_loop3A_1045 = arith.index_cast %parallel_loop3A_1040 : i32 to index
        %parallel_loop3A_1046 = arith.index_cast %parallel_loop3A_1044 : i32 to index
        %parallel_loop3A_1047 = arith.constant 96 : index
        %parallel_loop3A_1048 = tpu.vector_load %arg6[%parallel_loop3A_1045, %parallel_loop3A_1046, %parallel_loop3A_1047] {strides = array<i32>} : memref<2x256x128xf32, #tpu.memory_space<vmem>>, vector<1x1x16xf32>,
        %parallel_loop3A_1049 = vector.shape_cast %parallel_loop3A_1048 : vector<1x1x16xf32> to vector<16xf32>
        %parallel_loop3A_1050 = arith.constant 2 : i32
        %parallel_loop3A_1051 = arith.constant 0 : i32
        %parallel_loop3A_1052 = arith.cmpi eq, %parallel_loop3A_1050, %parallel_loop3A_1051 : i32
        %parallel_loop3A_1053 = arith.constant 1 : i32
        %parallel_loop3A_1054 = arith.select %parallel_loop3A_1052, %parallel_loop3A_1053, %parallel_loop3A_1050 : i32
        %parallel_loop3A_1055 = arith.remsi %scan3A_100, %parallel_loop3A_1054 : i32
        %parallel_loop3A_1056 = arith.constant 0 : i32
        %parallel_loop3A_1057 = arith.cmpi ne, %parallel_loop3A_1055, %parallel_loop3A_1056 : i32
        %parallel_loop3A_1058 = arith.constant 0 : i32
        %parallel_loop3A_1059 = arith.cmpi slt, %parallel_loop3A_1055, %parallel_loop3A_1058 : i32
        %parallel_loop3A_1060 = arith.constant 0 : i32
        %parallel_loop3A_1061 = arith.cmpi slt, %parallel_loop3A_1054, %parallel_loop3A_1060 : i32
        %parallel_loop3A_1062 = arith.xori %parallel_loop3A_1059, %parallel_loop3A_1061 : i1
        %parallel_loop3A_1063 = arith.andi %parallel_loop3A_1062, %parallel_loop3A_1057 : i1
        %parallel_loop3A_1064 = arith.addi %parallel_loop3A_1055, %parallel_loop3A_1054 : i32
        %parallel_loop3A_1065 = arith.select %parallel_loop3A_1063, %parallel_loop3A_1064, %parallel_loop3A_1055 : i32
        %parallel_loop3A_1066 = arith.constant 16 : i32
        %parallel_loop3A_1067 = arith.muli %parallel_loop3A_138, %parallel_loop3A_1066 : i32
        %parallel_loop3A_1068 = arith.constant 3 : i32
        %parallel_loop3A_1069 = arith.addi %parallel_loop3A_1067, %parallel_loop3A_1068 : i32
        %parallel_loop3A_1070 = arith.index_cast %parallel_loop3A_1065 : i32 to index
        %parallel_loop3A_1071 = arith.index_cast %parallel_loop3A_1069 : i32 to index
        %parallel_loop3A_1072 = arith.constant 112 : index
        %parallel_loop3A_1073 = tpu.vector_load %arg6[%parallel_loop3A_1070, %parallel_loop3A_1071, %parallel_loop3A_1072] {strides = array<i32>} : memref<2x256x128xf32, #tpu.memory_space<vmem>>, vector<1x1x16xf32>,
        %parallel_loop3A_1074 = vector.shape_cast %parallel_loop3A_1073 : vector<1x1x16xf32> to vector<16xf32>
        %parallel_loop3A_1075 = arith.index_cast %parallel_loop3A_874 : i32 to index
        %parallel_loop3A_1076 = arith.constant 0 : index
        %parallel_loop3A_1077 = tpu.vector_load %arg7[%parallel_loop3A_1075, %parallel_loop3A_1076] {strides = array<i32>} : memref<128x128xf32, #tpu.memory_space<vmem>>, vector<1x16xf32>,
        %parallel_loop3A_1078 = vector.shape_cast %parallel_loop3A_1077 : vector<1x16xf32> to vector<16xf32>
        %parallel_loop3A_1079 = vector.shape_cast %parallel_loop3A_899 : vector<16xf32> to vector<1x16xf32>
        tpu.vector_store %arg7[%parallel_loop3A_1075, %parallel_loop3A_1076], %parallel_loop3A_1079 {add = true, strides = array<i32>} : memref<128x128xf32, #tpu.memory_space<vmem>>, vector<1x16xf32>,
        %parallel_loop3A_1080 = arith.index_cast %parallel_loop3A_874 : i32 to index
        %parallel_loop3A_1081 = arith.constant 16 : index
        %parallel_loop3A_1082 = tpu.vector_load %arg7[%parallel_loop3A_1080, %parallel_loop3A_1081] {strides = array<i32>} : memref<128x128xf32, #tpu.memory_space<vmem>>, vector<1x16xf32>,
        %parallel_loop3A_1083 = vector.shape_cast %parallel_loop3A_1082 : vector<1x16xf32> to vector<16xf32>
        %parallel_loop3A_1084 = vector.shape_cast %parallel_loop3A_924 : vector<16xf32> to vector<1x16xf32>
        tpu.vector_store %arg7[%parallel_loop3A_1080, %parallel_loop3A_1081], %parallel_loop3A_1084 {add = true, strides = array<i32>} : memref<128x128xf32, #tpu.memory_space<vmem>>, vector<1x16xf32>,
        %parallel_loop3A_1085 = arith.index_cast %parallel_loop3A_874 : i32 to index
        %parallel_loop3A_1086 = arith.constant 32 : index
        %parallel_loop3A_1087 = tpu.vector_load %arg7[%parallel_loop3A_1085, %parallel_loop3A_1086] {strides = array<i32>} : memref<128x128xf32, #tpu.memory_space<vmem>>, vector<1x16xf32>,
        %parallel_loop3A_1088 = vector.shape_cast %parallel_loop3A_1087 : vector<1x16xf32> to vector<16xf32>
        %parallel_loop3A_1089 = vector.shape_cast %parallel_loop3A_949 : vector<16xf32> to vector<1x16xf32>
        tpu.vector_store %arg7[%parallel_loop3A_1085, %parallel_loop3A_1086], %parallel_loop3A_1089 {add = true, strides = array<i32>} : memref<128x128xf32, #tpu.memory_space<vmem>>, vector<1x16xf32>,
        %parallel_loop3A_1090 = arith.index_cast %parallel_loop3A_874 : i32 to index
        %parallel_loop3A_1091 = arith.constant 48 : index
        %parallel_loop3A_1092 = tpu.vector_load %arg7[%parallel_loop3A_1090, %parallel_loop3A_1091] {strides = array<i32>} : memref<128x128xf32, #tpu.memory_space<vmem>>, vector<1x16xf32>,
        %parallel_loop3A_1093 = vector.shape_cast %parallel_loop3A_1092 : vector<1x16xf32> to vector<16xf32>
        %parallel_loop3A_1094 = vector.shape_cast %parallel_loop3A_974 : vector<16xf32> to vector<1x16xf32>
        tpu.vector_store %arg7[%parallel_loop3A_1090, %parallel_loop3A_1091], %parallel_loop3A_1094 {add = true, strides = array<i32>} : memref<128x128xf32, #tpu.memory_space<vmem>>, vector<1x16xf32>,
        %parallel_loop3A_1095 = arith.index_cast %parallel_loop3A_874 : i32 to index
        %parallel_loop3A_1096 = arith.constant 64 : index
        %parallel_loop3A_1097 = tpu.vector_load %arg7[%parallel_loop3A_1095, %parallel_loop3A_1096] {strides = array<i32>} : memref<128x128xf32, #tpu.memory_space<vmem>>, vector<1x16xf32>,
        %parallel_loop3A_1098 = vector.shape_cast %parallel_loop3A_1097 : vector<1x16xf32> to vector<16xf32>
        %parallel_loop3A_1099 = vector.shape_cast %parallel_loop3A_999 : vector<16xf32> to vector<1x16xf32>
        tpu.vector_store %arg7[%parallel_loop3A_1095, %parallel_loop3A_1096], %parallel_loop3A_1099 {add = true, strides = array<i32>} : memref<128x128xf32, #tpu.memory_space<vmem>>, vector<1x16xf32>,
        %parallel_loop3A_1100 = arith.index_cast %parallel_loop3A_874 : i32 to index
        %parallel_loop3A_1101 = arith.constant 80 : index
        %parallel_loop3A_1102 = tpu.vector_load %arg7[%parallel_loop3A_1100, %parallel_loop3A_1101] {strides = array<i32>} : memref<128x128xf32, #tpu.memory_space<vmem>>, vector<1x16xf32>,
        %parallel_loop3A_1103 = vector.shape_cast %parallel_loop3A_1102 : vector<1x16xf32> to vector<16xf32>
        %parallel_loop3A_1104 = vector.shape_cast %parallel_loop3A_1024 : vector<16xf32> to vector<1x16xf32>
        tpu.vector_store %arg7[%parallel_loop3A_1100, %parallel_loop3A_1101], %parallel_loop3A_1104 {add = true, strides = array<i32>} : memref<128x128xf32, #tpu.memory_space<vmem>>, vector<1x16xf32>,
        %parallel_loop3A_1105 = arith.index_cast %parallel_loop3A_874 : i32 to index
        %parallel_loop3A_1106 = arith.constant 96 : index
        %parallel_loop3A_1107 = tpu.vector_load %arg7[%parallel_loop3A_1105, %parallel_loop3A_1106] {strides = array<i32>} : memref<128x128xf32, #tpu.memory_space<vmem>>, vector<1x16xf32>,
        %parallel_loop3A_1108 = vector.shape_cast %parallel_loop3A_1107 : vector<1x16xf32> to vector<16xf32>
        %parallel_loop3A_1109 = vector.shape_cast %parallel_loop3A_1049 : vector<16xf32> to vector<1x16xf32>
        tpu.vector_store %arg7[%parallel_loop3A_1105, %parallel_loop3A_1106], %parallel_loop3A_1109 {add = true, strides = array<i32>} : memref<128x128xf32, #tpu.memory_space<vmem>>, vector<1x16xf32>,
        %parallel_loop3A_1110 = arith.index_cast %parallel_loop3A_874 : i32 to index
        %parallel_loop3A_1111 = arith.constant 112 : index
        %parallel_loop3A_1112 = tpu.vector_load %arg7[%parallel_loop3A_1110, %parallel_loop3A_1111] {strides = array<i32>} : memref<128x128xf32, #tpu.memory_space<vmem>>, vector<1x16xf32>,
        %parallel_loop3A_1113 = vector.shape_cast %parallel_loop3A_1112 : vector<1x16xf32> to vector<16xf32>
        %parallel_loop3A_1114 = vector.shape_cast %parallel_loop3A_1074 : vector<16xf32> to vector<1x16xf32>
        tpu.vector_store %arg7[%parallel_loop3A_1110, %parallel_loop3A_1111], %parallel_loop3A_1114 {add = true, strides = array<i32>} : memref<128x128xf32, #tpu.memory_space<vmem>>, vector<1x16xf32>,
        %parallel_loop3A_1115 = vector.extract_strided_slice %parallel_loop3A_146 {offsets = [4], sizes = [1], strides = [1]} : vector<16xi32> to vector<1xi32>
        %parallel_loop3A_1116 = vector.extract %parallel_loop3A_1115[0] : i32 from vector<1xi32>
        %parallel_loop3A_1117 = arith.constant 2 : i32
        %parallel_loop3A_1118 = arith.constant 0 : i32
        %parallel_loop3A_1119 = arith.cmpi eq, %parallel_loop3A_1117, %parallel_loop3A_1118 : i32
        %parallel_loop3A_1120 = arith.constant 1 : i32
        %parallel_loop3A_1121 = arith.select %parallel_loop3A_1119, %parallel_loop3A_1120, %parallel_loop3A_1117 : i32
        %parallel_loop3A_1122 = arith.remsi %scan3A_100, %parallel_loop3A_1121 : i32
        %parallel_loop3A_1123 = arith.constant 0 : i32
        %parallel_loop3A_1124 = arith.cmpi ne, %parallel_loop3A_1122, %parallel_loop3A_1123 : i32
        %parallel_loop3A_1125 = arith.constant 0 : i32
        %parallel_loop3A_1126 = arith.cmpi slt, %parallel_loop3A_1122, %parallel_loop3A_1125 : i32
        %parallel_loop3A_1127 = arith.constant 0 : i32
        %parallel_loop3A_1128 = arith.cmpi slt, %parallel_loop3A_1121, %parallel_loop3A_1127 : i32
        %parallel_loop3A_1129 = arith.xori %parallel_loop3A_1126, %parallel_loop3A_1128 : i1
        %parallel_loop3A_1130 = arith.andi %parallel_loop3A_1129, %parallel_loop3A_1124 : i1
        %parallel_loop3A_1131 = arith.addi %parallel_loop3A_1122, %parallel_loop3A_1121 : i32
        %parallel_loop3A_1132 = arith.select %parallel_loop3A_1130, %parallel_loop3A_1131, %parallel_loop3A_1122 : i32
        %parallel_loop3A_1133 = arith.constant 16 : i32
        %parallel_loop3A_1134 = arith.muli %parallel_loop3A_138, %parallel_loop3A_1133 : i32
        %parallel_loop3A_1135 = arith.constant 4 : i32
        %parallel_loop3A_1136 = arith.addi %parallel_loop3A_1134, %parallel_loop3A_1135 : i32
        %parallel_loop3A_1137 = arith.index_cast %parallel_loop3A_1132 : i32 to index
        %parallel_loop3A_1138 = arith.index_cast %parallel_loop3A_1136 : i32 to index
        %parallel_loop3A_1139 = arith.constant 0 : index
        %parallel_loop3A_1140 = tpu.vector_load %arg6[%parallel_loop3A_1137, %parallel_loop3A_1138, %parallel_loop3A_1139] {strides = array<i32>} : memref<2x256x128xf32, #tpu.memory_space<vmem>>, vector<1x1x16xf32>,
        %parallel_loop3A_1141 = vector.shape_cast %parallel_loop3A_1140 : vector<1x1x16xf32> to vector<16xf32>
        %parallel_loop3A_1142 = arith.constant 2 : i32
        %parallel_loop3A_1143 = arith.constant 0 : i32
        %parallel_loop3A_1144 = arith.cmpi eq, %parallel_loop3A_1142, %parallel_loop3A_1143 : i32
        %parallel_loop3A_1145 = arith.constant 1 : i32
        %parallel_loop3A_1146 = arith.select %parallel_loop3A_1144, %parallel_loop3A_1145, %parallel_loop3A_1142 : i32
        %parallel_loop3A_1147 = arith.remsi %scan3A_100, %parallel_loop3A_1146 : i32
        %parallel_loop3A_1148 = arith.constant 0 : i32
        %parallel_loop3A_1149 = arith.cmpi ne, %parallel_loop3A_1147, %parallel_loop3A_1148 : i32
        %parallel_loop3A_1150 = arith.constant 0 : i32
        %parallel_loop3A_1151 = arith.cmpi slt, %parallel_loop3A_1147, %parallel_loop3A_1150 : i32
        %parallel_loop3A_1152 = arith.constant 0 : i32
        %parallel_loop3A_1153 = arith.cmpi slt, %parallel_loop3A_1146, %parallel_loop3A_1152 : i32
        %parallel_loop3A_1154 = arith.xori %parallel_loop3A_1151, %parallel_loop3A_1153 : i1
        %parallel_loop3A_1155 = arith.andi %parallel_loop3A_1154, %parallel_loop3A_1149 : i1
        %parallel_loop3A_1156 = arith.addi %parallel_loop3A_1147, %parallel_loop3A_1146 : i32
        %parallel_loop3A_1157 = arith.select %parallel_loop3A_1155, %parallel_loop3A_1156, %parallel_loop3A_1147 : i32
        %parallel_loop3A_1158 = arith.constant 16 : i32
        %parallel_loop3A_1159 = arith.muli %parallel_loop3A_138, %parallel_loop3A_1158 : i32
        %parallel_loop3A_1160 = arith.constant 4 : i32
        %parallel_loop3A_1161 = arith.addi %parallel_loop3A_1159, %parallel_loop3A_1160 : i32
        %parallel_loop3A_1162 = arith.index_cast %parallel_loop3A_1157 : i32 to index
        %parallel_loop3A_1163 = arith.index_cast %parallel_loop3A_1161 : i32 to index
        %parallel_loop3A_1164 = arith.constant 16 : index
        %parallel_loop3A_1165 = tpu.vector_load %arg6[%parallel_loop3A_1162, %parallel_loop3A_1163, %parallel_loop3A_1164] {strides = array<i32>} : memref<2x256x128xf32, #tpu.memory_space<vmem>>, vector<1x1x16xf32>,
        %parallel_loop3A_1166 = vector.shape_cast %parallel_loop3A_1165 : vector<1x1x16xf32> to vector<16xf32>
        %parallel_loop3A_1167 = arith.constant 2 : i32
        %parallel_loop3A_1168 = arith.constant 0 : i32
        %parallel_loop3A_1169 = arith.cmpi eq, %parallel_loop3A_1167, %parallel_loop3A_1168 : i32
        %parallel_loop3A_1170 = arith.constant 1 : i32
        %parallel_loop3A_1171 = arith.select %parallel_loop3A_1169, %parallel_loop3A_1170, %parallel_loop3A_1167 : i32
        %parallel_loop3A_1172 = arith.remsi %scan3A_100, %parallel_loop3A_1171 : i32
        %parallel_loop3A_1173 = arith.constant 0 : i32
        %parallel_loop3A_1174 = arith.cmpi ne, %parallel_loop3A_1172, %parallel_loop3A_1173 : i32
        %parallel_loop3A_1175 = arith.constant 0 : i32
        %parallel_loop3A_1176 = arith.cmpi slt, %parallel_loop3A_1172, %parallel_loop3A_1175 : i32
        %parallel_loop3A_1177 = arith.constant 0 : i32
        %parallel_loop3A_1178 = arith.cmpi slt, %parallel_loop3A_1171, %parallel_loop3A_1177 : i32
        %parallel_loop3A_1179 = arith.xori %parallel_loop3A_1176, %parallel_loop3A_1178 : i1
        %parallel_loop3A_1180 = arith.andi %parallel_loop3A_1179, %parallel_loop3A_1174 : i1
        %parallel_loop3A_1181 = arith.addi %parallel_loop3A_1172, %parallel_loop3A_1171 : i32
        %parallel_loop3A_1182 = arith.select %parallel_loop3A_1180, %parallel_loop3A_1181, %parallel_loop3A_1172 : i32
        %parallel_loop3A_1183 = arith.constant 16 : i32
        %parallel_loop3A_1184 = arith.muli %parallel_loop3A_138, %parallel_loop3A_1183 : i32
        %parallel_loop3A_1185 = arith.constant 4 : i32
        %parallel_loop3A_1186 = arith.addi %parallel_loop3A_1184, %parallel_loop3A_1185 : i32
        %parallel_loop3A_1187 = arith.index_cast %parallel_loop3A_1182 : i32 to index
        %parallel_loop3A_1188 = arith.index_cast %parallel_loop3A_1186 : i32 to index
        %parallel_loop3A_1189 = arith.constant 32 : index
        %parallel_loop3A_1190 = tpu.vector_load %arg6[%parallel_loop3A_1187, %parallel_loop3A_1188, %parallel_loop3A_1189] {strides = array<i32>} : memref<2x256x128xf32, #tpu.memory_space<vmem>>, vector<1x1x16xf32>,
        %parallel_loop3A_1191 = vector.shape_cast %parallel_loop3A_1190 : vector<1x1x16xf32> to vector<16xf32>
        %parallel_loop3A_1192 = arith.constant 2 : i32
        %parallel_loop3A_1193 = arith.constant 0 : i32
        %parallel_loop3A_1194 = arith.cmpi eq, %parallel_loop3A_1192, %parallel_loop3A_1193 : i32
        %parallel_loop3A_1195 = arith.constant 1 : i32
        %parallel_loop3A_1196 = arith.select %parallel_loop3A_1194, %parallel_loop3A_1195, %parallel_loop3A_1192 : i32
        %parallel_loop3A_1197 = arith.remsi %scan3A_100, %parallel_loop3A_1196 : i32
        %parallel_loop3A_1198 = arith.constant 0 : i32
        %parallel_loop3A_1199 = arith.cmpi ne, %parallel_loop3A_1197, %parallel_loop3A_1198 : i32
        %parallel_loop3A_1200 = arith.constant 0 : i32
        %parallel_loop3A_1201 = arith.cmpi slt, %parallel_loop3A_1197, %parallel_loop3A_1200 : i32
        %parallel_loop3A_1202 = arith.constant 0 : i32
        %parallel_loop3A_1203 = arith.cmpi slt, %parallel_loop3A_1196, %parallel_loop3A_1202 : i32
        %parallel_loop3A_1204 = arith.xori %parallel_loop3A_1201, %parallel_loop3A_1203 : i1
        %parallel_loop3A_1205 = arith.andi %parallel_loop3A_1204, %parallel_loop3A_1199 : i1
        %parallel_loop3A_1206 = arith.addi %parallel_loop3A_1197, %parallel_loop3A_1196 : i32
        %parallel_loop3A_1207 = arith.select %parallel_loop3A_1205, %parallel_loop3A_1206, %parallel_loop3A_1197 : i32
        %parallel_loop3A_1208 = arith.constant 16 : i32
        %parallel_loop3A_1209 = arith.muli %parallel_loop3A_138, %parallel_loop3A_1208 : i32
        %parallel_loop3A_1210 = arith.constant 4 : i32
        %parallel_loop3A_1211 = arith.addi %parallel_loop3A_1209, %parallel_loop3A_1210 : i32
        %parallel_loop3A_1212 = arith.index_cast %parallel_loop3A_1207 : i32 to index
        %parallel_loop3A_1213 = arith.index_cast %parallel_loop3A_1211 : i32 to index
        %parallel_loop3A_1214 = arith.constant 48 : index
        %parallel_loop3A_1215 = tpu.vector_load %arg6[%parallel_loop3A_1212, %parallel_loop3A_1213, %parallel_loop3A_1214] {strides = array<i32>} : memref<2x256x128xf32, #tpu.memory_space<vmem>>, vector<1x1x16xf32>,
        %parallel_loop3A_1216 = vector.shape_cast %parallel_loop3A_1215 : vector<1x1x16xf32> to vector<16xf32>
        %parallel_loop3A_1217 = arith.constant 2 : i32
        %parallel_loop3A_1218 = arith.constant 0 : i32
        %parallel_loop3A_1219 = arith.cmpi eq, %parallel_loop3A_1217, %parallel_loop3A_1218 : i32
        %parallel_loop3A_1220 = arith.constant 1 : i32
        %parallel_loop3A_1221 = arith.select %parallel_loop3A_1219, %parallel_loop3A_1220, %parallel_loop3A_1217 : i32
        %parallel_loop3A_1222 = arith.remsi %scan3A_100, %parallel_loop3A_1221 : i32
        %parallel_loop3A_1223 = arith.constant 0 : i32
        %parallel_loop3A_1224 = arith.cmpi ne, %parallel_loop3A_1222, %parallel_loop3A_1223 : i32
        %parallel_loop3A_1225 = arith.constant 0 : i32
        %parallel_loop3A_1226 = arith.cmpi slt, %parallel_loop3A_1222, %parallel_loop3A_1225 : i32
        %parallel_loop3A_1227 = arith.constant 0 : i32
        %parallel_loop3A_1228 = arith.cmpi slt, %parallel_loop3A_1221, %parallel_loop3A_1227 : i32
        %parallel_loop3A_1229 = arith.xori %parallel_loop3A_1226, %parallel_loop3A_1228 : i1
        %parallel_loop3A_1230 = arith.andi %parallel_loop3A_1229, %parallel_loop3A_1224 : i1
        %parallel_loop3A_1231 = arith.addi %parallel_loop3A_1222, %parallel_loop3A_1221 : i32
        %parallel_loop3A_1232 = arith.select %parallel_loop3A_1230, %parallel_loop3A_1231, %parallel_loop3A_1222 : i32
        %parallel_loop3A_1233 = arith.constant 16 : i32
        %parallel_loop3A_1234 = arith.muli %parallel_loop3A_138, %parallel_loop3A_1233 : i32
        %parallel_loop3A_1235 = arith.constant 4 : i32
        %parallel_loop3A_1236 = arith.addi %parallel_loop3A_1234, %parallel_loop3A_1235 : i32
        %parallel_loop3A_1237 = arith.index_cast %parallel_loop3A_1232 : i32 to index
        %parallel_loop3A_1238 = arith.index_cast %parallel_loop3A_1236 : i32 to index
        %parallel_loop3A_1239 = arith.constant 64 : index
        %parallel_loop3A_1240 = tpu.vector_load %arg6[%parallel_loop3A_1237, %parallel_loop3A_1238, %parallel_loop3A_1239] {strides = array<i32>} : memref<2x256x128xf32, #tpu.memory_space<vmem>>, vector<1x1x16xf32>,
        %parallel_loop3A_1241 = vector.shape_cast %parallel_loop3A_1240 : vector<1x1x16xf32> to vector<16xf32>
        %parallel_loop3A_1242 = arith.constant 2 : i32
        %parallel_loop3A_1243 = arith.constant 0 : i32
        %parallel_loop3A_1244 = arith.cmpi eq, %parallel_loop3A_1242, %parallel_loop3A_1243 : i32
        %parallel_loop3A_1245 = arith.constant 1 : i32
        %parallel_loop3A_1246 = arith.select %parallel_loop3A_1244, %parallel_loop3A_1245, %parallel_loop3A_1242 : i32
        %parallel_loop3A_1247 = arith.remsi %scan3A_100, %parallel_loop3A_1246 : i32
        %parallel_loop3A_1248 = arith.constant 0 : i32
        %parallel_loop3A_1249 = arith.cmpi ne, %parallel_loop3A_1247, %parallel_loop3A_1248 : i32
        %parallel_loop3A_1250 = arith.constant 0 : i32
        %parallel_loop3A_1251 = arith.cmpi slt, %parallel_loop3A_1247, %parallel_loop3A_1250 : i32
        %parallel_loop3A_1252 = arith.constant 0 : i32
        %parallel_loop3A_1253 = arith.cmpi slt, %parallel_loop3A_1246, %parallel_loop3A_1252 : i32
        %parallel_loop3A_1254 = arith.xori %parallel_loop3A_1251, %parallel_loop3A_1253 : i1
        %parallel_loop3A_1255 = arith.andi %parallel_loop3A_1254, %parallel_loop3A_1249 : i1
        %parallel_loop3A_1256 = arith.addi %parallel_loop3A_1247, %parallel_loop3A_1246 : i32
        %parallel_loop3A_1257 = arith.select %parallel_loop3A_1255, %parallel_loop3A_1256, %parallel_loop3A_1247 : i32
        %parallel_loop3A_1258 = arith.constant 16 : i32
        %parallel_loop3A_1259 = arith.muli %parallel_loop3A_138, %parallel_loop3A_1258 : i32
        %parallel_loop3A_1260 = arith.constant 4 : i32
        %parallel_loop3A_1261 = arith.addi %parallel_loop3A_1259, %parallel_loop3A_1260 : i32
        %parallel_loop3A_1262 = arith.index_cast %parallel_loop3A_1257 : i32 to index
        %parallel_loop3A_1263 = arith.index_cast %parallel_loop3A_1261 : i32 to index
        %parallel_loop3A_1264 = arith.constant 80 : index
        %parallel_loop3A_1265 = tpu.vector_load %arg6[%parallel_loop3A_1262, %parallel_loop3A_1263, %parallel_loop3A_1264] {strides = array<i32>} : memref<2x256x128xf32, #tpu.memory_space<vmem>>, vector<1x1x16xf32>,
        %parallel_loop3A_1266 = vector.shape_cast %parallel_loop3A_1265 : vector<1x1x16xf32> to vector<16xf32>
        %parallel_loop3A_1267 = arith.constant 2 : i32
        %parallel_loop3A_1268 = arith.constant 0 : i32
        %parallel_loop3A_1269 = arith.cmpi eq, %parallel_loop3A_1267, %parallel_loop3A_1268 : i32
        %parallel_loop3A_1270 = arith.constant 1 : i32
        %parallel_loop3A_1271 = arith.select %parallel_loop3A_1269, %parallel_loop3A_1270, %parallel_loop3A_1267 : i32
        %parallel_loop3A_1272 = arith.remsi %scan3A_100, %parallel_loop3A_1271 : i32
        %parallel_loop3A_1273 = arith.constant 0 : i32
        %parallel_loop3A_1274 = arith.cmpi ne, %parallel_loop3A_1272, %parallel_loop3A_1273 : i32
        %parallel_loop3A_1275 = arith.constant 0 : i32
        %parallel_loop3A_1276 = arith.cmpi slt, %parallel_loop3A_1272, %parallel_loop3A_1275 : i32
        %parallel_loop3A_1277 = arith.constant 0 : i32
        %parallel_loop3A_1278 = arith.cmpi slt, %parallel_loop3A_1271, %parallel_loop3A_1277 : i32
        %parallel_loop3A_1279 = arith.xori %parallel_loop3A_1276, %parallel_loop3A_1278 : i1
        %parallel_loop3A_1280 = arith.andi %parallel_loop3A_1279, %parallel_loop3A_1274 : i1
        %parallel_loop3A_1281 = arith.addi %parallel_loop3A_1272, %parallel_loop3A_1271 : i32
        %parallel_loop3A_1282 = arith.select %parallel_loop3A_1280, %parallel_loop3A_1281, %parallel_loop3A_1272 : i32
        %parallel_loop3A_1283 = arith.constant 16 : i32
        %parallel_loop3A_1284 = arith.muli %parallel_loop3A_138, %parallel_loop3A_1283 : i32
        %parallel_loop3A_1285 = arith.constant 4 : i32
        %parallel_loop3A_1286 = arith.addi %parallel_loop3A_1284, %parallel_loop3A_1285 : i32
        %parallel_loop3A_1287 = arith.index_cast %parallel_loop3A_1282 : i32 to index
        %parallel_loop3A_1288 = arith.index_cast %parallel_loop3A_1286 : i32 to index
        %parallel_loop3A_1289 = arith.constant 96 : index
        %parallel_loop3A_1290 = tpu.vector_load %arg6[%parallel_loop3A_1287, %parallel_loop3A_1288, %parallel_loop3A_1289] {strides = array<i32>} : memref<2x256x128xf32, #tpu.memory_space<vmem>>, vector<1x1x16xf32>,
        %parallel_loop3A_1291 = vector.shape_cast %parallel_loop3A_1290 : vector<1x1x16xf32> to vector<16xf32>
        %parallel_loop3A_1292 = arith.constant 2 : i32
        %parallel_loop3A_1293 = arith.constant 0 : i32
        %parallel_loop3A_1294 = arith.cmpi eq, %parallel_loop3A_1292, %parallel_loop3A_1293 : i32
        %parallel_loop3A_1295 = arith.constant 1 : i32
        %parallel_loop3A_1296 = arith.select %parallel_loop3A_1294, %parallel_loop3A_1295, %parallel_loop3A_1292 : i32
        %parallel_loop3A_1297 = arith.remsi %scan3A_100, %parallel_loop3A_1296 : i32
        %parallel_loop3A_1298 = arith.constant 0 : i32
        %parallel_loop3A_1299 = arith.cmpi ne, %parallel_loop3A_1297, %parallel_loop3A_1298 : i32
        %parallel_loop3A_1300 = arith.constant 0 : i32
        %parallel_loop3A_1301 = arith.cmpi slt, %parallel_loop3A_1297, %parallel_loop3A_1300 : i32
        %parallel_loop3A_1302 = arith.constant 0 : i32
        %parallel_loop3A_1303 = arith.cmpi slt, %parallel_loop3A_1296, %parallel_loop3A_1302 : i32
        %parallel_loop3A_1304 = arith.xori %parallel_loop3A_1301, %parallel_loop3A_1303 : i1
        %parallel_loop3A_1305 = arith.andi %parallel_loop3A_1304, %parallel_loop3A_1299 : i1
        %parallel_loop3A_1306 = arith.addi %parallel_loop3A_1297, %parallel_loop3A_1296 : i32
        %parallel_loop3A_1307 = arith.select %parallel_loop3A_1305, %parallel_loop3A_1306, %parallel_loop3A_1297 : i32
        %parallel_loop3A_1308 = arith.constant 16 : i32
        %parallel_loop3A_1309 = arith.muli %parallel_loop3A_138, %parallel_loop3A_1308 : i32
        %parallel_loop3A_1310 = arith.constant 4 : i32
        %parallel_loop3A_1311 = arith.addi %parallel_loop3A_1309, %parallel_loop3A_1310 : i32
        %parallel_loop3A_1312 = arith.index_cast %parallel_loop3A_1307 : i32 to index
        %parallel_loop3A_1313 = arith.index_cast %parallel_loop3A_1311 : i32 to index
        %parallel_loop3A_1314 = arith.constant 112 : index
        %parallel_loop3A_1315 = tpu.vector_load %arg6[%parallel_loop3A_1312, %parallel_loop3A_1313, %parallel_loop3A_1314] {strides = array<i32>} : memref<2x256x128xf32, #tpu.memory_space<vmem>>, vector<1x1x16xf32>,
        %parallel_loop3A_1316 = vector.shape_cast %parallel_loop3A_1315 : vector<1x1x16xf32> to vector<16xf32>
        %parallel_loop3A_1317 = arith.index_cast %parallel_loop3A_1116 : i32 to index
        %parallel_loop3A_1318 = arith.constant 0 : index
        %parallel_loop3A_1319 = tpu.vector_load %arg7[%parallel_loop3A_1317, %parallel_loop3A_1318] {strides = array<i32>} : memref<128x128xf32, #tpu.memory_space<vmem>>, vector<1x16xf32>,
        %parallel_loop3A_1320 = vector.shape_cast %parallel_loop3A_1319 : vector<1x16xf32> to vector<16xf32>
        %parallel_loop3A_1321 = vector.shape_cast %parallel_loop3A_1141 : vector<16xf32> to vector<1x16xf32>
        tpu.vector_store %arg7[%parallel_loop3A_1317, %parallel_loop3A_1318], %parallel_loop3A_1321 {add = true, strides = array<i32>} : memref<128x128xf32, #tpu.memory_space<vmem>>, vector<1x16xf32>,
        %parallel_loop3A_1322 = arith.index_cast %parallel_loop3A_1116 : i32 to index
        %parallel_loop3A_1323 = arith.constant 16 : index
        %parallel_loop3A_1324 = tpu.vector_load %arg7[%parallel_loop3A_1322, %parallel_loop3A_1323] {strides = array<i32>} : memref<128x128xf32, #tpu.memory_space<vmem>>, vector<1x16xf32>,
        %parallel_loop3A_1325 = vector.shape_cast %parallel_loop3A_1324 : vector<1x16xf32> to vector<16xf32>
        %parallel_loop3A_1326 = vector.shape_cast %parallel_loop3A_1166 : vector<16xf32> to vector<1x16xf32>
        tpu.vector_store %arg7[%parallel_loop3A_1322, %parallel_loop3A_1323], %parallel_loop3A_1326 {add = true, strides = array<i32>} : memref<128x128xf32, #tpu.memory_space<vmem>>, vector<1x16xf32>,
        %parallel_loop3A_1327 = arith.index_cast %parallel_loop3A_1116 : i32 to index
        %parallel_loop3A_1328 = arith.constant 32 : index
        %parallel_loop3A_1329 = tpu.vector_load %arg7[%parallel_loop3A_1327, %parallel_loop3A_1328] {strides = array<i32>} : memref<128x128xf32, #tpu.memory_space<vmem>>, vector<1x16xf32>,
        %parallel_loop3A_1330 = vector.shape_cast %parallel_loop3A_1329 : vector<1x16xf32> to vector<16xf32>
        %parallel_loop3A_1331 = vector.shape_cast %parallel_loop3A_1191 : vector<16xf32> to vector<1x16xf32>
        tpu.vector_store %arg7[%parallel_loop3A_1327, %parallel_loop3A_1328], %parallel_loop3A_1331 {add = true, strides = array<i32>} : memref<128x128xf32, #tpu.memory_space<vmem>>, vector<1x16xf32>,
        %parallel_loop3A_1332 = arith.index_cast %parallel_loop3A_1116 : i32 to index
        %parallel_loop3A_1333 = arith.constant 48 : index
        %parallel_loop3A_1334 = tpu.vector_load %arg7[%parallel_loop3A_1332, %parallel_loop3A_1333] {strides = array<i32>} : memref<128x128xf32, #tpu.memory_space<vmem>>, vector<1x16xf32>,
        %parallel_loop3A_1335 = vector.shape_cast %parallel_loop3A_1334 : vector<1x16xf32> to vector<16xf32>
        %parallel_loop3A_1336 = vector.shape_cast %parallel_loop3A_1216 : vector<16xf32> to vector<1x16xf32>
        tpu.vector_store %arg7[%parallel_loop3A_1332, %parallel_loop3A_1333], %parallel_loop3A_1336 {add = true, strides = array<i32>} : memref<128x128xf32, #tpu.memory_space<vmem>>, vector<1x16xf32>,
        %parallel_loop3A_1337 = arith.index_cast %parallel_loop3A_1116 : i32 to index
        %parallel_loop3A_1338 = arith.constant 64 : index
        %parallel_loop3A_1339 = tpu.vector_load %arg7[%parallel_loop3A_1337, %parallel_loop3A_1338] {strides = array<i32>} : memref<128x128xf32, #tpu.memory_space<vmem>>, vector<1x16xf32>,
        %parallel_loop3A_1340 = vector.shape_cast %parallel_loop3A_1339 : vector<1x16xf32> to vector<16xf32>
        %parallel_loop3A_1341 = vector.shape_cast %parallel_loop3A_1241 : vector<16xf32> to vector<1x16xf32>
        tpu.vector_store %arg7[%parallel_loop3A_1337, %parallel_loop3A_1338], %parallel_loop3A_1341 {add = true, strides = array<i32>} : memref<128x128xf32, #tpu.memory_space<vmem>>, vector<1x16xf32>,
        %parallel_loop3A_1342 = arith.index_cast %parallel_loop3A_1116 : i32 to index
        %parallel_loop3A_1343 = arith.constant 80 : index
        %parallel_loop3A_1344 = tpu.vector_load %arg7[%parallel_loop3A_1342, %parallel_loop3A_1343] {strides = array<i32>} : memref<128x128xf32, #tpu.memory_space<vmem>>, vector<1x16xf32>,
        %parallel_loop3A_1345 = vector.shape_cast %parallel_loop3A_1344 : vector<1x16xf32> to vector<16xf32>
        %parallel_loop3A_1346 = vector.shape_cast %parallel_loop3A_1266 : vector<16xf32> to vector<1x16xf32>
        tpu.vector_store %arg7[%parallel_loop3A_1342, %parallel_loop3A_1343], %parallel_loop3A_1346 {add = true, strides = array<i32>} : memref<128x128xf32, #tpu.memory_space<vmem>>, vector<1x16xf32>,
        %parallel_loop3A_1347 = arith.index_cast %parallel_loop3A_1116 : i32 to index
        %parallel_loop3A_1348 = arith.constant 96 : index
        %parallel_loop3A_1349 = tpu.vector_load %arg7[%parallel_loop3A_1347, %parallel_loop3A_1348] {strides = array<i32>} : memref<128x128xf32, #tpu.memory_space<vmem>>, vector<1x16xf32>,
        %parallel_loop3A_1350 = vector.shape_cast %parallel_loop3A_1349 : vector<1x16xf32> to vector<16xf32>
        %parallel_loop3A_1351 = vector.shape_cast %parallel_loop3A_1291 : vector<16xf32> to vector<1x16xf32>
        tpu.vector_store %arg7[%parallel_loop3A_1347, %parallel_loop3A_1348], %parallel_loop3A_1351 {add = true, strides = array<i32>} : memref<128x128xf32, #tpu.memory_space<vmem>>, vector<1x16xf32>,
        %parallel_loop3A_1352 = arith.index_cast %parallel_loop3A_1116 : i32 to index
        %parallel_loop3A_1353 = arith.constant 112 : index
        %parallel_loop3A_1354 = tpu.vector_load %arg7[%parallel_loop3A_1352, %parallel_loop3A_1353] {strides = array<i32>} : memref<128x128xf32, #tpu.memory_space<vmem>>, vector<1x16xf32>,
        %parallel_loop3A_1355 = vector.shape_cast %parallel_loop3A_1354 : vector<1x16xf32> to vector<16xf32>
        %parallel_loop3A_1356 = vector.shape_cast %parallel_loop3A_1316 : vector<16xf32> to vector<1x16xf32>
        tpu.vector_store %arg7[%parallel_loop3A_1352, %parallel_loop3A_1353], %parallel_loop3A_1356 {add = true, strides = array<i32>} : memref<128x128xf32, #tpu.memory_space<vmem>>, vector<1x16xf32>,
        %parallel_loop3A_1357 = vector.extract_strided_slice %parallel_loop3A_146 {offsets = [5], sizes = [1], strides = [1]} : vector<16xi32> to vector<1xi32>
        %parallel_loop3A_1358 = vector.extract %parallel_loop3A_1357[0] : i32 from vector<1xi32>
        %parallel_loop3A_1359 = arith.constant 2 : i32
        %parallel_loop3A_1360 = arith.constant 0 : i32
        %parallel_loop3A_1361 = arith.cmpi eq, %parallel_loop3A_1359, %parallel_loop3A_1360 : i32
        %parallel_loop3A_1362 = arith.constant 1 : i32
        %parallel_loop3A_1363 = arith.select %parallel_loop3A_1361, %parallel_loop3A_1362, %parallel_loop3A_1359 : i32
        %parallel_loop3A_1364 = arith.remsi %scan3A_100, %parallel_loop3A_1363 : i32
        %parallel_loop3A_1365 = arith.constant 0 : i32
        %parallel_loop3A_1366 = arith.cmpi ne, %parallel_loop3A_1364, %parallel_loop3A_1365 : i32
        %parallel_loop3A_1367 = arith.constant 0 : i32
        %parallel_loop3A_1368 = arith.cmpi slt, %parallel_loop3A_1364, %parallel_loop3A_1367 : i32
        %parallel_loop3A_1369 = arith.constant 0 : i32
        %parallel_loop3A_1370 = arith.cmpi slt, %parallel_loop3A_1363, %parallel_loop3A_1369 : i32
        %parallel_loop3A_1371 = arith.xori %parallel_loop3A_1368, %parallel_loop3A_1370 : i1
        %parallel_loop3A_1372 = arith.andi %parallel_loop3A_1371, %parallel_loop3A_1366 : i1
        %parallel_loop3A_1373 = arith.addi %parallel_loop3A_1364, %parallel_loop3A_1363 : i32
        %parallel_loop3A_1374 = arith.select %parallel_loop3A_1372, %parallel_loop3A_1373, %parallel_loop3A_1364 : i32
        %parallel_loop3A_1375 = arith.constant 16 : i32
        %parallel_loop3A_1376 = arith.muli %parallel_loop3A_138, %parallel_loop3A_1375 : i32
        %parallel_loop3A_1377 = arith.constant 5 : i32
        %parallel_loop3A_1378 = arith.addi %parallel_loop3A_1376, %parallel_loop3A_1377 : i32
        %parallel_loop3A_1379 = arith.index_cast %parallel_loop3A_1374 : i32 to index
        %parallel_loop3A_1380 = arith.index_cast %parallel_loop3A_1378 : i32 to index
        %parallel_loop3A_1381 = arith.constant 0 : index
        %parallel_loop3A_1382 = tpu.vector_load %arg6[%parallel_loop3A_1379, %parallel_loop3A_1380, %parallel_loop3A_1381] {strides = array<i32>} : memref<2x256x128xf32, #tpu.memory_space<vmem>>, vector<1x1x16xf32>,
        %parallel_loop3A_1383 = vector.shape_cast %parallel_loop3A_1382 : vector<1x1x16xf32> to vector<16xf32>
        %parallel_loop3A_1384 = arith.constant 2 : i32
        %parallel_loop3A_1385 = arith.constant 0 : i32
        %parallel_loop3A_1386 = arith.cmpi eq, %parallel_loop3A_1384, %parallel_loop3A_1385 : i32
        %parallel_loop3A_1387 = arith.constant 1 : i32
        %parallel_loop3A_1388 = arith.select %parallel_loop3A_1386, %parallel_loop3A_1387, %parallel_loop3A_1384 : i32
        %parallel_loop3A_1389 = arith.remsi %scan3A_100, %parallel_loop3A_1388 : i32
        %parallel_loop3A_1390 = arith.constant 0 : i32
        %parallel_loop3A_1391 = arith.cmpi ne, %parallel_loop3A_1389, %parallel_loop3A_1390 : i32
        %parallel_loop3A_1392 = arith.constant 0 : i32
        %parallel_loop3A_1393 = arith.cmpi slt, %parallel_loop3A_1389, %parallel_loop3A_1392 : i32
        %parallel_loop3A_1394 = arith.constant 0 : i32
        %parallel_loop3A_1395 = arith.cmpi slt, %parallel_loop3A_1388, %parallel_loop3A_1394 : i32
        %parallel_loop3A_1396 = arith.xori %parallel_loop3A_1393, %parallel_loop3A_1395 : i1
        %parallel_loop3A_1397 = arith.andi %parallel_loop3A_1396, %parallel_loop3A_1391 : i1
        %parallel_loop3A_1398 = arith.addi %parallel_loop3A_1389, %parallel_loop3A_1388 : i32
        %parallel_loop3A_1399 = arith.select %parallel_loop3A_1397, %parallel_loop3A_1398, %parallel_loop3A_1389 : i32
        %parallel_loop3A_1400 = arith.constant 16 : i32
        %parallel_loop3A_1401 = arith.muli %parallel_loop3A_138, %parallel_loop3A_1400 : i32
        %parallel_loop3A_1402 = arith.constant 5 : i32
        %parallel_loop3A_1403 = arith.addi %parallel_loop3A_1401, %parallel_loop3A_1402 : i32
        %parallel_loop3A_1404 = arith.index_cast %parallel_loop3A_1399 : i32 to index
        %parallel_loop3A_1405 = arith.index_cast %parallel_loop3A_1403 : i32 to index
        %parallel_loop3A_1406 = arith.constant 16 : index
        %parallel_loop3A_1407 = tpu.vector_load %arg6[%parallel_loop3A_1404, %parallel_loop3A_1405, %parallel_loop3A_1406] {strides = array<i32>} : memref<2x256x128xf32, #tpu.memory_space<vmem>>, vector<1x1x16xf32>,
        %parallel_loop3A_1408 = vector.shape_cast %parallel_loop3A_1407 : vector<1x1x16xf32> to vector<16xf32>
        %parallel_loop3A_1409 = arith.constant 2 : i32
        %parallel_loop3A_1410 = arith.constant 0 : i32
        %parallel_loop3A_1411 = arith.cmpi eq, %parallel_loop3A_1409, %parallel_loop3A_1410 : i32
        %parallel_loop3A_1412 = arith.constant 1 : i32
        %parallel_loop3A_1413 = arith.select %parallel_loop3A_1411, %parallel_loop3A_1412, %parallel_loop3A_1409 : i32
        %parallel_loop3A_1414 = arith.remsi %scan3A_100, %parallel_loop3A_1413 : i32
        %parallel_loop3A_1415 = arith.constant 0 : i32
        %parallel_loop3A_1416 = arith.cmpi ne, %parallel_loop3A_1414, %parallel_loop3A_1415 : i32
        %parallel_loop3A_1417 = arith.constant 0 : i32
        %parallel_loop3A_1418 = arith.cmpi slt, %parallel_loop3A_1414, %parallel_loop3A_1417 : i32
        %parallel_loop3A_1419 = arith.constant 0 : i32
        %parallel_loop3A_1420 = arith.cmpi slt, %parallel_loop3A_1413, %parallel_loop3A_1419 : i32
        %parallel_loop3A_1421 = arith.xori %parallel_loop3A_1418, %parallel_loop3A_1420 : i1
        %parallel_loop3A_1422 = arith.andi %parallel_loop3A_1421, %parallel_loop3A_1416 : i1
        %parallel_loop3A_1423 = arith.addi %parallel_loop3A_1414, %parallel_loop3A_1413 : i32
        %parallel_loop3A_1424 = arith.select %parallel_loop3A_1422, %parallel_loop3A_1423, %parallel_loop3A_1414 : i32
        %parallel_loop3A_1425 = arith.constant 16 : i32
        %parallel_loop3A_1426 = arith.muli %parallel_loop3A_138, %parallel_loop3A_1425 : i32
        %parallel_loop3A_1427 = arith.constant 5 : i32
        %parallel_loop3A_1428 = arith.addi %parallel_loop3A_1426, %parallel_loop3A_1427 : i32
        %parallel_loop3A_1429 = arith.index_cast %parallel_loop3A_1424 : i32 to index
        %parallel_loop3A_1430 = arith.index_cast %parallel_loop3A_1428 : i32 to index
        %parallel_loop3A_1431 = arith.constant 32 : index
        %parallel_loop3A_1432 = tpu.vector_load %arg6[%parallel_loop3A_1429, %parallel_loop3A_1430, %parallel_loop3A_1431] {strides = array<i32>} : memref<2x256x128xf32, #tpu.memory_space<vmem>>, vector<1x1x16xf32>,
        %parallel_loop3A_1433 = vector.shape_cast %parallel_loop3A_1432 : vector<1x1x16xf32> to vector<16xf32>
        %parallel_loop3A_1434 = arith.constant 2 : i32
        %parallel_loop3A_1435 = arith.constant 0 : i32
        %parallel_loop3A_1436 = arith.cmpi eq, %parallel_loop3A_1434, %parallel_loop3A_1435 : i32
        %parallel_loop3A_1437 = arith.constant 1 : i32
        %parallel_loop3A_1438 = arith.select %parallel_loop3A_1436, %parallel_loop3A_1437, %parallel_loop3A_1434 : i32
        %parallel_loop3A_1439 = arith.remsi %scan3A_100, %parallel_loop3A_1438 : i32
        %parallel_loop3A_1440 = arith.constant 0 : i32
        %parallel_loop3A_1441 = arith.cmpi ne, %parallel_loop3A_1439, %parallel_loop3A_1440 : i32
        %parallel_loop3A_1442 = arith.constant 0 : i32
        %parallel_loop3A_1443 = arith.cmpi slt, %parallel_loop3A_1439, %parallel_loop3A_1442 : i32
        %parallel_loop3A_1444 = arith.constant 0 : i32
        %parallel_loop3A_1445 = arith.cmpi slt, %parallel_loop3A_1438, %parallel_loop3A_1444 : i32
        %parallel_loop3A_1446 = arith.xori %parallel_loop3A_1443, %parallel_loop3A_1445 : i1
        %parallel_loop3A_1447 = arith.andi %parallel_loop3A_1446, %parallel_loop3A_1441 : i1
        %parallel_loop3A_1448 = arith.addi %parallel_loop3A_1439, %parallel_loop3A_1438 : i32
        %parallel_loop3A_1449 = arith.select %parallel_loop3A_1447, %parallel_loop3A_1448, %parallel_loop3A_1439 : i32
        %parallel_loop3A_1450 = arith.constant 16 : i32
        %parallel_loop3A_1451 = arith.muli %parallel_loop3A_138, %parallel_loop3A_1450 : i32
        %parallel_loop3A_1452 = arith.constant 5 : i32
        %parallel_loop3A_1453 = arith.addi %parallel_loop3A_1451, %parallel_loop3A_1452 : i32
        %parallel_loop3A_1454 = arith.index_cast %parallel_loop3A_1449 : i32 to index
        %parallel_loop3A_1455 = arith.index_cast %parallel_loop3A_1453 : i32 to index
        %parallel_loop3A_1456 = arith.constant 48 : index
        %parallel_loop3A_1457 = tpu.vector_load %arg6[%parallel_loop3A_1454, %parallel_loop3A_1455, %parallel_loop3A_1456] {strides = array<i32>} : memref<2x256x128xf32, #tpu.memory_space<vmem>>, vector<1x1x16xf32>,
        %parallel_loop3A_1458 = vector.shape_cast %parallel_loop3A_1457 : vector<1x1x16xf32> to vector<16xf32>
        %parallel_loop3A_1459 = arith.constant 2 : i32
        %parallel_loop3A_1460 = arith.constant 0 : i32
        %parallel_loop3A_1461 = arith.cmpi eq, %parallel_loop3A_1459, %parallel_loop3A_1460 : i32
        %parallel_loop3A_1462 = arith.constant 1 : i32
        %parallel_loop3A_1463 = arith.select %parallel_loop3A_1461, %parallel_loop3A_1462, %parallel_loop3A_1459 : i32
        %parallel_loop3A_1464 = arith.remsi %scan3A_100, %parallel_loop3A_1463 : i32
        %parallel_loop3A_1465 = arith.constant 0 : i32
        %parallel_loop3A_1466 = arith.cmpi ne, %parallel_loop3A_1464, %parallel_loop3A_1465 : i32
        %parallel_loop3A_1467 = arith.constant 0 : i32
        %parallel_loop3A_1468 = arith.cmpi slt, %parallel_loop3A_1464, %parallel_loop3A_1467 : i32
        %parallel_loop3A_1469 = arith.constant 0 : i32
        %parallel_loop3A_1470 = arith.cmpi slt, %parallel_loop3A_1463, %parallel_loop3A_1469 : i32
        %parallel_loop3A_1471 = arith.xori %parallel_loop3A_1468, %parallel_loop3A_1470 : i1
        %parallel_loop3A_1472 = arith.andi %parallel_loop3A_1471, %parallel_loop3A_1466 : i1
        %parallel_loop3A_1473 = arith.addi %parallel_loop3A_1464, %parallel_loop3A_1463 : i32
        %parallel_loop3A_1474 = arith.select %parallel_loop3A_1472, %parallel_loop3A_1473, %parallel_loop3A_1464 : i32
        %parallel_loop3A_1475 = arith.constant 16 : i32
        %parallel_loop3A_1476 = arith.muli %parallel_loop3A_138, %parallel_loop3A_1475 : i32
        %parallel_loop3A_1477 = arith.constant 5 : i32
        %parallel_loop3A_1478 = arith.addi %parallel_loop3A_1476, %parallel_loop3A_1477 : i32
        %parallel_loop3A_1479 = arith.index_cast %parallel_loop3A_1474 : i32 to index
        %parallel_loop3A_1480 = arith.index_cast %parallel_loop3A_1478 : i32 to index
        %parallel_loop3A_1481 = arith.constant 64 : index
        %parallel_loop3A_1482 = tpu.vector_load %arg6[%parallel_loop3A_1479, %parallel_loop3A_1480, %parallel_loop3A_1481] {strides = array<i32>} : memref<2x256x128xf32, #tpu.memory_space<vmem>>, vector<1x1x16xf32>,
        %parallel_loop3A_1483 = vector.shape_cast %parallel_loop3A_1482 : vector<1x1x16xf32> to vector<16xf32>
        %parallel_loop3A_1484 = arith.constant 2 : i32
        %parallel_loop3A_1485 = arith.constant 0 : i32
        %parallel_loop3A_1486 = arith.cmpi eq, %parallel_loop3A_1484, %parallel_loop3A_1485 : i32
        %parallel_loop3A_1487 = arith.constant 1 : i32
        %parallel_loop3A_1488 = arith.select %parallel_loop3A_1486, %parallel_loop3A_1487, %parallel_loop3A_1484 : i32
        %parallel_loop3A_1489 = arith.remsi %scan3A_100, %parallel_loop3A_1488 : i32
        %parallel_loop3A_1490 = arith.constant 0 : i32
        %parallel_loop3A_1491 = arith.cmpi ne, %parallel_loop3A_1489, %parallel_loop3A_1490 : i32
        %parallel_loop3A_1492 = arith.constant 0 : i32
        %parallel_loop3A_1493 = arith.cmpi slt, %parallel_loop3A_1489, %parallel_loop3A_1492 : i32
        %parallel_loop3A_1494 = arith.constant 0 : i32
        %parallel_loop3A_1495 = arith.cmpi slt, %parallel_loop3A_1488, %parallel_loop3A_1494 : i32
        %parallel_loop3A_1496 = arith.xori %parallel_loop3A_1493, %parallel_loop3A_1495 : i1
        %parallel_loop3A_1497 = arith.andi %parallel_loop3A_1496, %parallel_loop3A_1491 : i1
        %parallel_loop3A_1498 = arith.addi %parallel_loop3A_1489, %parallel_loop3A_1488 : i32
        %parallel_loop3A_1499 = arith.select %parallel_loop3A_1497, %parallel_loop3A_1498, %parallel_loop3A_1489 : i32
        %parallel_loop3A_1500 = arith.constant 16 : i32
        %parallel_loop3A_1501 = arith.muli %parallel_loop3A_138, %parallel_loop3A_1500 : i32
        %parallel_loop3A_1502 = arith.constant 5 : i32
        %parallel_loop3A_1503 = arith.addi %parallel_loop3A_1501, %parallel_loop3A_1502 : i32
        %parallel_loop3A_1504 = arith.index_cast %parallel_loop3A_1499 : i32 to index
        %parallel_loop3A_1505 = arith.index_cast %parallel_loop3A_1503 : i32 to index
        %parallel_loop3A_1506 = arith.constant 80 : index
        %parallel_loop3A_1507 = tpu.vector_load %arg6[%parallel_loop3A_1504, %parallel_loop3A_1505, %parallel_loop3A_1506] {strides = array<i32>} : memref<2x256x128xf32, #tpu.memory_space<vmem>>, vector<1x1x16xf32>,
        %parallel_loop3A_1508 = vector.shape_cast %parallel_loop3A_1507 : vector<1x1x16xf32> to vector<16xf32>
        %parallel_loop3A_1509 = arith.constant 2 : i32
        %parallel_loop3A_1510 = arith.constant 0 : i32
        %parallel_loop3A_1511 = arith.cmpi eq, %parallel_loop3A_1509, %parallel_loop3A_1510 : i32
        %parallel_loop3A_1512 = arith.constant 1 : i32
        %parallel_loop3A_1513 = arith.select %parallel_loop3A_1511, %parallel_loop3A_1512, %parallel_loop3A_1509 : i32
        %parallel_loop3A_1514 = arith.remsi %scan3A_100, %parallel_loop3A_1513 : i32
        %parallel_loop3A_1515 = arith.constant 0 : i32
        %parallel_loop3A_1516 = arith.cmpi ne, %parallel_loop3A_1514, %parallel_loop3A_1515 : i32
        %parallel_loop3A_1517 = arith.constant 0 : i32
        %parallel_loop3A_1518 = arith.cmpi slt, %parallel_loop3A_1514, %parallel_loop3A_1517 : i32
        %parallel_loop3A_1519 = arith.constant 0 : i32
        %parallel_loop3A_1520 = arith.cmpi slt, %parallel_loop3A_1513, %parallel_loop3A_1519 : i32
        %parallel_loop3A_1521 = arith.xori %parallel_loop3A_1518, %parallel_loop3A_1520 : i1
        %parallel_loop3A_1522 = arith.andi %parallel_loop3A_1521, %parallel_loop3A_1516 : i1
        %parallel_loop3A_1523 = arith.addi %parallel_loop3A_1514, %parallel_loop3A_1513 : i32
        %parallel_loop3A_1524 = arith.select %parallel_loop3A_1522, %parallel_loop3A_1523, %parallel_loop3A_1514 : i32
        %parallel_loop3A_1525 = arith.constant 16 : i32
        %parallel_loop3A_1526 = arith.muli %parallel_loop3A_138, %parallel_loop3A_1525 : i32
        %parallel_loop3A_1527 = arith.constant 5 : i32
        %parallel_loop3A_1528 = arith.addi %parallel_loop3A_1526, %parallel_loop3A_1527 : i32
        %parallel_loop3A_1529 = arith.index_cast %parallel_loop3A_1524 : i32 to index
        %parallel_loop3A_1530 = arith.index_cast %parallel_loop3A_1528 : i32 to index
        %parallel_loop3A_1531 = arith.constant 96 : index
        %parallel_loop3A_1532 = tpu.vector_load %arg6[%parallel_loop3A_1529, %parallel_loop3A_1530, %parallel_loop3A_1531] {strides = array<i32>} : memref<2x256x128xf32, #tpu.memory_space<vmem>>, vector<1x1x16xf32>,
        %parallel_loop3A_1533 = vector.shape_cast %parallel_loop3A_1532 : vector<1x1x16xf32> to vector<16xf32>
        %parallel_loop3A_1534 = arith.constant 2 : i32
        %parallel_loop3A_1535 = arith.constant 0 : i32
        %parallel_loop3A_1536 = arith.cmpi eq, %parallel_loop3A_1534, %parallel_loop3A_1535 : i32
        %parallel_loop3A_1537 = arith.constant 1 : i32
        %parallel_loop3A_1538 = arith.select %parallel_loop3A_1536, %parallel_loop3A_1537, %parallel_loop3A_1534 : i32
        %parallel_loop3A_1539 = arith.remsi %scan3A_100, %parallel_loop3A_1538 : i32
        %parallel_loop3A_1540 = arith.constant 0 : i32
        %parallel_loop3A_1541 = arith.cmpi ne, %parallel_loop3A_1539, %parallel_loop3A_1540 : i32
        %parallel_loop3A_1542 = arith.constant 0 : i32
        %parallel_loop3A_1543 = arith.cmpi slt, %parallel_loop3A_1539, %parallel_loop3A_1542 : i32
        %parallel_loop3A_1544 = arith.constant 0 : i32
        %parallel_loop3A_1545 = arith.cmpi slt, %parallel_loop3A_1538, %parallel_loop3A_1544 : i32
        %parallel_loop3A_1546 = arith.xori %parallel_loop3A_1543, %parallel_loop3A_1545 : i1
        %parallel_loop3A_1547 = arith.andi %parallel_loop3A_1546, %parallel_loop3A_1541 : i1
        %parallel_loop3A_1548 = arith.addi %parallel_loop3A_1539, %parallel_loop3A_1538 : i32
        %parallel_loop3A_1549 = arith.select %parallel_loop3A_1547, %parallel_loop3A_1548, %parallel_loop3A_1539 : i32
        %parallel_loop3A_1550 = arith.constant 16 : i32
        %parallel_loop3A_1551 = arith.muli %parallel_loop3A_138, %parallel_loop3A_1550 : i32
        %parallel_loop3A_1552 = arith.constant 5 : i32
        %parallel_loop3A_1553 = arith.addi %parallel_loop3A_1551, %parallel_loop3A_1552 : i32
        %parallel_loop3A_1554 = arith.index_cast %parallel_loop3A_1549 : i32 to index
        %parallel_loop3A_1555 = arith.index_cast %parallel_loop3A_1553 : i32 to index
        %parallel_loop3A_1556 = arith.constant 112 : index
        %parallel_loop3A_1557 = tpu.vector_load %arg6[%parallel_loop3A_1554, %parallel_loop3A_1555, %parallel_loop3A_1556] {strides = array<i32>} : memref<2x256x128xf32, #tpu.memory_space<vmem>>, vector<1x1x16xf32>,
        %parallel_loop3A_1558 = vector.shape_cast %parallel_loop3A_1557 : vector<1x1x16xf32> to vector<16xf32>
        %parallel_loop3A_1559 = arith.index_cast %parallel_loop3A_1358 : i32 to index
        %parallel_loop3A_1560 = arith.constant 0 : index
        %parallel_loop3A_1561 = tpu.vector_load %arg7[%parallel_loop3A_1559, %parallel_loop3A_1560] {strides = array<i32>} : memref<128x128xf32, #tpu.memory_space<vmem>>, vector<1x16xf32>,
        %parallel_loop3A_1562 = vector.shape_cast %parallel_loop3A_1561 : vector<1x16xf32> to vector<16xf32>
        %parallel_loop3A_1563 = vector.shape_cast %parallel_loop3A_1383 : vector<16xf32> to vector<1x16xf32>
        tpu.vector_store %arg7[%parallel_loop3A_1559, %parallel_loop3A_1560], %parallel_loop3A_1563 {add = true, strides = array<i32>} : memref<128x128xf32, #tpu.memory_space<vmem>>, vector<1x16xf32>,
        %parallel_loop3A_1564 = arith.index_cast %parallel_loop3A_1358 : i32 to index
        %parallel_loop3A_1565 = arith.constant 16 : index
        %parallel_loop3A_1566 = tpu.vector_load %arg7[%parallel_loop3A_1564, %parallel_loop3A_1565] {strides = array<i32>} : memref<128x128xf32, #tpu.memory_space<vmem>>, vector<1x16xf32>,
        %parallel_loop3A_1567 = vector.shape_cast %parallel_loop3A_1566 : vector<1x16xf32> to vector<16xf32>
        %parallel_loop3A_1568 = vector.shape_cast %parallel_loop3A_1408 : vector<16xf32> to vector<1x16xf32>
        tpu.vector_store %arg7[%parallel_loop3A_1564, %parallel_loop3A_1565], %parallel_loop3A_1568 {add = true, strides = array<i32>} : memref<128x128xf32, #tpu.memory_space<vmem>>, vector<1x16xf32>,
        %parallel_loop3A_1569 = arith.index_cast %parallel_loop3A_1358 : i32 to index
        %parallel_loop3A_1570 = arith.constant 32 : index
        %parallel_loop3A_1571 = tpu.vector_load %arg7[%parallel_loop3A_1569, %parallel_loop3A_1570] {strides = array<i32>} : memref<128x128xf32, #tpu.memory_space<vmem>>, vector<1x16xf32>,
        %parallel_loop3A_1572 = vector.shape_cast %parallel_loop3A_1571 : vector<1x16xf32> to vector<16xf32>
        %parallel_loop3A_1573 = vector.shape_cast %parallel_loop3A_1433 : vector<16xf32> to vector<1x16xf32>
        tpu.vector_store %arg7[%parallel_loop3A_1569, %parallel_loop3A_1570], %parallel_loop3A_1573 {add = true, strides = array<i32>} : memref<128x128xf32, #tpu.memory_space<vmem>>, vector<1x16xf32>,
        %parallel_loop3A_1574 = arith.index_cast %parallel_loop3A_1358 : i32 to index
        %parallel_loop3A_1575 = arith.constant 48 : index
        %parallel_loop3A_1576 = tpu.vector_load %arg7[%parallel_loop3A_1574, %parallel_loop3A_1575] {strides = array<i32>} : memref<128x128xf32, #tpu.memory_space<vmem>>, vector<1x16xf32>,
        %parallel_loop3A_1577 = vector.shape_cast %parallel_loop3A_1576 : vector<1x16xf32> to vector<16xf32>
        %parallel_loop3A_1578 = vector.shape_cast %parallel_loop3A_1458 : vector<16xf32> to vector<1x16xf32>
        tpu.vector_store %arg7[%parallel_loop3A_1574, %parallel_loop3A_1575], %parallel_loop3A_1578 {add = true, strides = array<i32>} : memref<128x128xf32, #tpu.memory_space<vmem>>, vector<1x16xf32>,
        %parallel_loop3A_1579 = arith.index_cast %parallel_loop3A_1358 : i32 to index
        %parallel_loop3A_1580 = arith.constant 64 : index
        %parallel_loop3A_1581 = tpu.vector_load %arg7[%parallel_loop3A_1579, %parallel_loop3A_1580] {strides = array<i32>} : memref<128x128xf32, #tpu.memory_space<vmem>>, vector<1x16xf32>,
        %parallel_loop3A_1582 = vector.shape_cast %parallel_loop3A_1581 : vector<1x16xf32> to vector<16xf32>
        %parallel_loop3A_1583 = vector.shape_cast %parallel_loop3A_1483 : vector<16xf32> to vector<1x16xf32>
        tpu.vector_store %arg7[%parallel_loop3A_1579, %parallel_loop3A_1580], %parallel_loop3A_1583 {add = true, strides = array<i32>} : memref<128x128xf32, #tpu.memory_space<vmem>>, vector<1x16xf32>,
        %parallel_loop3A_1584 = arith.index_cast %parallel_loop3A_1358 : i32 to index
        %parallel_loop3A_1585 = arith.constant 80 : index
        %parallel_loop3A_1586 = tpu.vector_load %arg7[%parallel_loop3A_1584, %parallel_loop3A_1585] {strides = array<i32>} : memref<128x128xf32, #tpu.memory_space<vmem>>, vector<1x16xf32>,
        %parallel_loop3A_1587 = vector.shape_cast %parallel_loop3A_1586 : vector<1x16xf32> to vector<16xf32>
        %parallel_loop3A_1588 = vector.shape_cast %parallel_loop3A_1508 : vector<16xf32> to vector<1x16xf32>
        tpu.vector_store %arg7[%parallel_loop3A_1584, %parallel_loop3A_1585], %parallel_loop3A_1588 {add = true, strides = array<i32>} : memref<128x128xf32, #tpu.memory_space<vmem>>, vector<1x16xf32>,
        %parallel_loop3A_1589 = arith.index_cast %parallel_loop3A_1358 : i32 to index
        %parallel_loop3A_1590 = arith.constant 96 : index
        %parallel_loop3A_1591 = tpu.vector_load %arg7[%parallel_loop3A_1589, %parallel_loop3A_1590] {strides = array<i32>} : memref<128x128xf32, #tpu.memory_space<vmem>>, vector<1x16xf32>,
        %parallel_loop3A_1592 = vector.shape_cast %parallel_loop3A_1591 : vector<1x16xf32> to vector<16xf32>
        %parallel_loop3A_1593 = vector.shape_cast %parallel_loop3A_1533 : vector<16xf32> to vector<1x16xf32>
        tpu.vector_store %arg7[%parallel_loop3A_1589, %parallel_loop3A_1590], %parallel_loop3A_1593 {add = true, strides = array<i32>} : memref<128x128xf32, #tpu.memory_space<vmem>>, vector<1x16xf32>,
        %parallel_loop3A_1594 = arith.index_cast %parallel_loop3A_1358 : i32 to index
        %parallel_loop3A_1595 = arith.constant 112 : index
        %parallel_loop3A_1596 = tpu.vector_load %arg7[%parallel_loop3A_1594, %parallel_loop3A_1595] {strides = array<i32>} : memref<128x128xf32, #tpu.memory_space<vmem>>, vector<1x16xf32>,
        %parallel_loop3A_1597 = vector.shape_cast %parallel_loop3A_1596 : vector<1x16xf32> to vector<16xf32>
        %parallel_loop3A_1598 = vector.shape_cast %parallel_loop3A_1558 : vector<16xf32> to vector<1x16xf32>
        tpu.vector_store %arg7[%parallel_loop3A_1594, %parallel_loop3A_1595], %parallel_loop3A_1598 {add = true, strides = array<i32>} : memref<128x128xf32, #tpu.memory_space<vmem>>, vector<1x16xf32>,
        %parallel_loop3A_1599 = vector.extract_strided_slice %parallel_loop3A_146 {offsets = [6], sizes = [1], strides = [1]} : vector<16xi32> to vector<1xi32>
        %parallel_loop3A_1600 = vector.extract %parallel_loop3A_1599[0] : i32 from vector<1xi32>
        %parallel_loop3A_1601 = arith.constant 2 : i32
        %parallel_loop3A_1602 = arith.constant 0 : i32
        %parallel_loop3A_1603 = arith.cmpi eq, %parallel_loop3A_1601, %parallel_loop3A_1602 : i32
        %parallel_loop3A_1604 = arith.constant 1 : i32
        %parallel_loop3A_1605 = arith.select %parallel_loop3A_1603, %parallel_loop3A_1604, %parallel_loop3A_1601 : i32
        %parallel_loop3A_1606 = arith.remsi %scan3A_100, %parallel_loop3A_1605 : i32
        %parallel_loop3A_1607 = arith.constant 0 : i32
        %parallel_loop3A_1608 = arith.cmpi ne, %parallel_loop3A_1606, %parallel_loop3A_1607 : i32
        %parallel_loop3A_1609 = arith.constant 0 : i32
        %parallel_loop3A_1610 = arith.cmpi slt, %parallel_loop3A_1606, %parallel_loop3A_1609 : i32
        %parallel_loop3A_1611 = arith.constant 0 : i32
        %parallel_loop3A_1612 = arith.cmpi slt, %parallel_loop3A_1605, %parallel_loop3A_1611 : i32
        %parallel_loop3A_1613 = arith.xori %parallel_loop3A_1610, %parallel_loop3A_1612 : i1
        %parallel_loop3A_1614 = arith.andi %parallel_loop3A_1613, %parallel_loop3A_1608 : i1
        %parallel_loop3A_1615 = arith.addi %parallel_loop3A_1606, %parallel_loop3A_1605 : i32
        %parallel_loop3A_1616 = arith.select %parallel_loop3A_1614, %parallel_loop3A_1615, %parallel_loop3A_1606 : i32
        %parallel_loop3A_1617 = arith.constant 16 : i32
        %parallel_loop3A_1618 = arith.muli %parallel_loop3A_138, %parallel_loop3A_1617 : i32
        %parallel_loop3A_1619 = arith.constant 6 : i32
        %parallel_loop3A_1620 = arith.addi %parallel_loop3A_1618, %parallel_loop3A_1619 : i32
        %parallel_loop3A_1621 = arith.index_cast %parallel_loop3A_1616 : i32 to index
        %parallel_loop3A_1622 = arith.index_cast %parallel_loop3A_1620 : i32 to index
        %parallel_loop3A_1623 = arith.constant 0 : index
        %parallel_loop3A_1624 = tpu.vector_load %arg6[%parallel_loop3A_1621, %parallel_loop3A_1622, %parallel_loop3A_1623] {strides = array<i32>} : memref<2x256x128xf32, #tpu.memory_space<vmem>>, vector<1x1x16xf32>,
        %parallel_loop3A_1625 = vector.shape_cast %parallel_loop3A_1624 : vector<1x1x16xf32> to vector<16xf32>
        %parallel_loop3A_1626 = arith.constant 2 : i32
        %parallel_loop3A_1627 = arith.constant 0 : i32
        %parallel_loop3A_1628 = arith.cmpi eq, %parallel_loop3A_1626, %parallel_loop3A_1627 : i32
        %parallel_loop3A_1629 = arith.constant 1 : i32
        %parallel_loop3A_1630 = arith.select %parallel_loop3A_1628, %parallel_loop3A_1629, %parallel_loop3A_1626 : i32
        %parallel_loop3A_1631 = arith.remsi %scan3A_100, %parallel_loop3A_1630 : i32
        %parallel_loop3A_1632 = arith.constant 0 : i32
        %parallel_loop3A_1633 = arith.cmpi ne, %parallel_loop3A_1631, %parallel_loop3A_1632 : i32
        %parallel_loop3A_1634 = arith.constant 0 : i32
        %parallel_loop3A_1635 = arith.cmpi slt, %parallel_loop3A_1631, %parallel_loop3A_1634 : i32
        %parallel_loop3A_1636 = arith.constant 0 : i32
        %parallel_loop3A_1637 = arith.cmpi slt, %parallel_loop3A_1630, %parallel_loop3A_1636 : i32
        %parallel_loop3A_1638 = arith.xori %parallel_loop3A_1635, %parallel_loop3A_1637 : i1
        %parallel_loop3A_1639 = arith.andi %parallel_loop3A_1638, %parallel_loop3A_1633 : i1
        %parallel_loop3A_1640 = arith.addi %parallel_loop3A_1631, %parallel_loop3A_1630 : i32
        %parallel_loop3A_1641 = arith.select %parallel_loop3A_1639, %parallel_loop3A_1640, %parallel_loop3A_1631 : i32
        %parallel_loop3A_1642 = arith.constant 16 : i32
        %parallel_loop3A_1643 = arith.muli %parallel_loop3A_138, %parallel_loop3A_1642 : i32
        %parallel_loop3A_1644 = arith.constant 6 : i32
        %parallel_loop3A_1645 = arith.addi %parallel_loop3A_1643, %parallel_loop3A_1644 : i32
        %parallel_loop3A_1646 = arith.index_cast %parallel_loop3A_1641 : i32 to index
        %parallel_loop3A_1647 = arith.index_cast %parallel_loop3A_1645 : i32 to index
        %parallel_loop3A_1648 = arith.constant 16 : index
        %parallel_loop3A_1649 = tpu.vector_load %arg6[%parallel_loop3A_1646, %parallel_loop3A_1647, %parallel_loop3A_1648] {strides = array<i32>} : memref<2x256x128xf32, #tpu.memory_space<vmem>>, vector<1x1x16xf32>,
        %parallel_loop3A_1650 = vector.shape_cast %parallel_loop3A_1649 : vector<1x1x16xf32> to vector<16xf32>
        %parallel_loop3A_1651 = arith.constant 2 : i32
        %parallel_loop3A_1652 = arith.constant 0 : i32
        %parallel_loop3A_1653 = arith.cmpi eq, %parallel_loop3A_1651, %parallel_loop3A_1652 : i32
        %parallel_loop3A_1654 = arith.constant 1 : i32
        %parallel_loop3A_1655 = arith.select %parallel_loop3A_1653, %parallel_loop3A_1654, %parallel_loop3A_1651 : i32
        %parallel_loop3A_1656 = arith.remsi %scan3A_100, %parallel_loop3A_1655 : i32
        %parallel_loop3A_1657 = arith.constant 0 : i32
        %parallel_loop3A_1658 = arith.cmpi ne, %parallel_loop3A_1656, %parallel_loop3A_1657 : i32
        %parallel_loop3A_1659 = arith.constant 0 : i32
        %parallel_loop3A_1660 = arith.cmpi slt, %parallel_loop3A_1656, %parallel_loop3A_1659 : i32
        %parallel_loop3A_1661 = arith.constant 0 : i32
        %parallel_loop3A_1662 = arith.cmpi slt, %parallel_loop3A_1655, %parallel_loop3A_1661 : i32
        %parallel_loop3A_1663 = arith.xori %parallel_loop3A_1660, %parallel_loop3A_1662 : i1
        %parallel_loop3A_1664 = arith.andi %parallel_loop3A_1663, %parallel_loop3A_1658 : i1
        %parallel_loop3A_1665 = arith.addi %parallel_loop3A_1656, %parallel_loop3A_1655 : i32
        %parallel_loop3A_1666 = arith.select %parallel_loop3A_1664, %parallel_loop3A_1665, %parallel_loop3A_1656 : i32
        %parallel_loop3A_1667 = arith.constant 16 : i32
        %parallel_loop3A_1668 = arith.muli %parallel_loop3A_138, %parallel_loop3A_1667 : i32
        %parallel_loop3A_1669 = arith.constant 6 : i32
        %parallel_loop3A_1670 = arith.addi %parallel_loop3A_1668, %parallel_loop3A_1669 : i32
        %parallel_loop3A_1671 = arith.index_cast %parallel_loop3A_1666 : i32 to index
        %parallel_loop3A_1672 = arith.index_cast %parallel_loop3A_1670 : i32 to index
        %parallel_loop3A_1673 = arith.constant 32 : index
        %parallel_loop3A_1674 = tpu.vector_load %arg6[%parallel_loop3A_1671, %parallel_loop3A_1672, %parallel_loop3A_1673] {strides = array<i32>} : memref<2x256x128xf32, #tpu.memory_space<vmem>>, vector<1x1x16xf32>,
        %parallel_loop3A_1675 = vector.shape_cast %parallel_loop3A_1674 : vector<1x1x16xf32> to vector<16xf32>
        %parallel_loop3A_1676 = arith.constant 2 : i32
        %parallel_loop3A_1677 = arith.constant 0 : i32
        %parallel_loop3A_1678 = arith.cmpi eq, %parallel_loop3A_1676, %parallel_loop3A_1677 : i32
        %parallel_loop3A_1679 = arith.constant 1 : i32
        %parallel_loop3A_1680 = arith.select %parallel_loop3A_1678, %parallel_loop3A_1679, %parallel_loop3A_1676 : i32
        %parallel_loop3A_1681 = arith.remsi %scan3A_100, %parallel_loop3A_1680 : i32
        %parallel_loop3A_1682 = arith.constant 0 : i32
        %parallel_loop3A_1683 = arith.cmpi ne, %parallel_loop3A_1681, %parallel_loop3A_1682 : i32
        %parallel_loop3A_1684 = arith.constant 0 : i32
        %parallel_loop3A_1685 = arith.cmpi slt, %parallel_loop3A_1681, %parallel_loop3A_1684 : i32
        %parallel_loop3A_1686 = arith.constant 0 : i32
        %parallel_loop3A_1687 = arith.cmpi slt, %parallel_loop3A_1680, %parallel_loop3A_1686 : i32
        %parallel_loop3A_1688 = arith.xori %parallel_loop3A_1685, %parallel_loop3A_1687 : i1
        %parallel_loop3A_1689 = arith.andi %parallel_loop3A_1688, %parallel_loop3A_1683 : i1
        %parallel_loop3A_1690 = arith.addi %parallel_loop3A_1681, %parallel_loop3A_1680 : i32
        %parallel_loop3A_1691 = arith.select %parallel_loop3A_1689, %parallel_loop3A_1690, %parallel_loop3A_1681 : i32
        %parallel_loop3A_1692 = arith.constant 16 : i32
        %parallel_loop3A_1693 = arith.muli %parallel_loop3A_138, %parallel_loop3A_1692 : i32
        %parallel_loop3A_1694 = arith.constant 6 : i32
        %parallel_loop3A_1695 = arith.addi %parallel_loop3A_1693, %parallel_loop3A_1694 : i32
        %parallel_loop3A_1696 = arith.index_cast %parallel_loop3A_1691 : i32 to index
        %parallel_loop3A_1697 = arith.index_cast %parallel_loop3A_1695 : i32 to index
        %parallel_loop3A_1698 = arith.constant 48 : index
        %parallel_loop3A_1699 = tpu.vector_load %arg6[%parallel_loop3A_1696, %parallel_loop3A_1697, %parallel_loop3A_1698] {strides = array<i32>} : memref<2x256x128xf32, #tpu.memory_space<vmem>>, vector<1x1x16xf32>,
        %parallel_loop3A_1700 = vector.shape_cast %parallel_loop3A_1699 : vector<1x1x16xf32> to vector<16xf32>
        %parallel_loop3A_1701 = arith.constant 2 : i32
        %parallel_loop3A_1702 = arith.constant 0 : i32
        %parallel_loop3A_1703 = arith.cmpi eq, %parallel_loop3A_1701, %parallel_loop3A_1702 : i32
        %parallel_loop3A_1704 = arith.constant 1 : i32
        %parallel_loop3A_1705 = arith.select %parallel_loop3A_1703, %parallel_loop3A_1704, %parallel_loop3A_1701 : i32
        %parallel_loop3A_1706 = arith.remsi %scan3A_100, %parallel_loop3A_1705 : i32
        %parallel_loop3A_1707 = arith.constant 0 : i32
        %parallel_loop3A_1708 = arith.cmpi ne, %parallel_loop3A_1706, %parallel_loop3A_1707 : i32
        %parallel_loop3A_1709 = arith.constant 0 : i32
        %parallel_loop3A_1710 = arith.cmpi slt, %parallel_loop3A_1706, %parallel_loop3A_1709 : i32
        %parallel_loop3A_1711 = arith.constant 0 : i32
        %parallel_loop3A_1712 = arith.cmpi slt, %parallel_loop3A_1705, %parallel_loop3A_1711 : i32
        %parallel_loop3A_1713 = arith.xori %parallel_loop3A_1710, %parallel_loop3A_1712 : i1
        %parallel_loop3A_1714 = arith.andi %parallel_loop3A_1713, %parallel_loop3A_1708 : i1
        %parallel_loop3A_1715 = arith.addi %parallel_loop3A_1706, %parallel_loop3A_1705 : i32
        %parallel_loop3A_1716 = arith.select %parallel_loop3A_1714, %parallel_loop3A_1715, %parallel_loop3A_1706 : i32
        %parallel_loop3A_1717 = arith.constant 16 : i32
        %parallel_loop3A_1718 = arith.muli %parallel_loop3A_138, %parallel_loop3A_1717 : i32
        %parallel_loop3A_1719 = arith.constant 6 : i32
        %parallel_loop3A_1720 = arith.addi %parallel_loop3A_1718, %parallel_loop3A_1719 : i32
        %parallel_loop3A_1721 = arith.index_cast %parallel_loop3A_1716 : i32 to index
        %parallel_loop3A_1722 = arith.index_cast %parallel_loop3A_1720 : i32 to index
        %parallel_loop3A_1723 = arith.constant 64 : index
        %parallel_loop3A_1724 = tpu.vector_load %arg6[%parallel_loop3A_1721, %parallel_loop3A_1722, %parallel_loop3A_1723] {strides = array<i32>} : memref<2x256x128xf32, #tpu.memory_space<vmem>>, vector<1x1x16xf32>,
        %parallel_loop3A_1725 = vector.shape_cast %parallel_loop3A_1724 : vector<1x1x16xf32> to vector<16xf32>
        %parallel_loop3A_1726 = arith.constant 2 : i32
        %parallel_loop3A_1727 = arith.constant 0 : i32
        %parallel_loop3A_1728 = arith.cmpi eq, %parallel_loop3A_1726, %parallel_loop3A_1727 : i32
        %parallel_loop3A_1729 = arith.constant 1 : i32
        %parallel_loop3A_1730 = arith.select %parallel_loop3A_1728, %parallel_loop3A_1729, %parallel_loop3A_1726 : i32
        %parallel_loop3A_1731 = arith.remsi %scan3A_100, %parallel_loop3A_1730 : i32
        %parallel_loop3A_1732 = arith.constant 0 : i32
        %parallel_loop3A_1733 = arith.cmpi ne, %parallel_loop3A_1731, %parallel_loop3A_1732 : i32
        %parallel_loop3A_1734 = arith.constant 0 : i32
        %parallel_loop3A_1735 = arith.cmpi slt, %parallel_loop3A_1731, %parallel_loop3A_1734 : i32
        %parallel_loop3A_1736 = arith.constant 0 : i32
        %parallel_loop3A_1737 = arith.cmpi slt, %parallel_loop3A_1730, %parallel_loop3A_1736 : i32
        %parallel_loop3A_1738 = arith.xori %parallel_loop3A_1735, %parallel_loop3A_1737 : i1
        %parallel_loop3A_1739 = arith.andi %parallel_loop3A_1738, %parallel_loop3A_1733 : i1
        %parallel_loop3A_1740 = arith.addi %parallel_loop3A_1731, %parallel_loop3A_1730 : i32
        %parallel_loop3A_1741 = arith.select %parallel_loop3A_1739, %parallel_loop3A_1740, %parallel_loop3A_1731 : i32
        %parallel_loop3A_1742 = arith.constant 16 : i32
        %parallel_loop3A_1743 = arith.muli %parallel_loop3A_138, %parallel_loop3A_1742 : i32
        %parallel_loop3A_1744 = arith.constant 6 : i32
        %parallel_loop3A_1745 = arith.addi %parallel_loop3A_1743, %parallel_loop3A_1744 : i32
        %parallel_loop3A_1746 = arith.index_cast %parallel_loop3A_1741 : i32 to index
        %parallel_loop3A_1747 = arith.index_cast %parallel_loop3A_1745 : i32 to index
        %parallel_loop3A_1748 = arith.constant 80 : index
        %parallel_loop3A_1749 = tpu.vector_load %arg6[%parallel_loop3A_1746, %parallel_loop3A_1747, %parallel_loop3A_1748] {strides = array<i32>} : memref<2x256x128xf32, #tpu.memory_space<vmem>>, vector<1x1x16xf32>,
        %parallel_loop3A_1750 = vector.shape_cast %parallel_loop3A_1749 : vector<1x1x16xf32> to vector<16xf32>
        %parallel_loop3A_1751 = arith.constant 2 : i32
        %parallel_loop3A_1752 = arith.constant 0 : i32
        %parallel_loop3A_1753 = arith.cmpi eq, %parallel_loop3A_1751, %parallel_loop3A_1752 : i32
        %parallel_loop3A_1754 = arith.constant 1 : i32
        %parallel_loop3A_1755 = arith.select %parallel_loop3A_1753, %parallel_loop3A_1754, %parallel_loop3A_1751 : i32
        %parallel_loop3A_1756 = arith.remsi %scan3A_100, %parallel_loop3A_1755 : i32
        %parallel_loop3A_1757 = arith.constant 0 : i32
        %parallel_loop3A_1758 = arith.cmpi ne, %parallel_loop3A_1756, %parallel_loop3A_1757 : i32
        %parallel_loop3A_1759 = arith.constant 0 : i32
        %parallel_loop3A_1760 = arith.cmpi slt, %parallel_loop3A_1756, %parallel_loop3A_1759 : i32
        %parallel_loop3A_1761 = arith.constant 0 : i32
        %parallel_loop3A_1762 = arith.cmpi slt, %parallel_loop3A_1755, %parallel_loop3A_1761 : i32
        %parallel_loop3A_1763 = arith.xori %parallel_loop3A_1760, %parallel_loop3A_1762 : i1
        %parallel_loop3A_1764 = arith.andi %parallel_loop3A_1763, %parallel_loop3A_1758 : i1
        %parallel_loop3A_1765 = arith.addi %parallel_loop3A_1756, %parallel_loop3A_1755 : i32
        %parallel_loop3A_1766 = arith.select %parallel_loop3A_1764, %parallel_loop3A_1765, %parallel_loop3A_1756 : i32
        %parallel_loop3A_1767 = arith.constant 16 : i32
        %parallel_loop3A_1768 = arith.muli %parallel_loop3A_138, %parallel_loop3A_1767 : i32
        %parallel_loop3A_1769 = arith.constant 6 : i32
        %parallel_loop3A_1770 = arith.addi %parallel_loop3A_1768, %parallel_loop3A_1769 : i32
        %parallel_loop3A_1771 = arith.index_cast %parallel_loop3A_1766 : i32 to index
        %parallel_loop3A_1772 = arith.index_cast %parallel_loop3A_1770 : i32 to index
        %parallel_loop3A_1773 = arith.constant 96 : index
        %parallel_loop3A_1774 = tpu.vector_load %arg6[%parallel_loop3A_1771, %parallel_loop3A_1772, %parallel_loop3A_1773] {strides = array<i32>} : memref<2x256x128xf32, #tpu.memory_space<vmem>>, vector<1x1x16xf32>,
        %parallel_loop3A_1775 = vector.shape_cast %parallel_loop3A_1774 : vector<1x1x16xf32> to vector<16xf32>
        %parallel_loop3A_1776 = arith.constant 2 : i32
        %parallel_loop3A_1777 = arith.constant 0 : i32
        %parallel_loop3A_1778 = arith.cmpi eq, %parallel_loop3A_1776, %parallel_loop3A_1777 : i32
        %parallel_loop3A_1779 = arith.constant 1 : i32
        %parallel_loop3A_1780 = arith.select %parallel_loop3A_1778, %parallel_loop3A_1779, %parallel_loop3A_1776 : i32
        %parallel_loop3A_1781 = arith.remsi %scan3A_100, %parallel_loop3A_1780 : i32
        %parallel_loop3A_1782 = arith.constant 0 : i32
        %parallel_loop3A_1783 = arith.cmpi ne, %parallel_loop3A_1781, %parallel_loop3A_1782 : i32
        %parallel_loop3A_1784 = arith.constant 0 : i32
        %parallel_loop3A_1785 = arith.cmpi slt, %parallel_loop3A_1781, %parallel_loop3A_1784 : i32
        %parallel_loop3A_1786 = arith.constant 0 : i32
        %parallel_loop3A_1787 = arith.cmpi slt, %parallel_loop3A_1780, %parallel_loop3A_1786 : i32
        %parallel_loop3A_1788 = arith.xori %parallel_loop3A_1785, %parallel_loop3A_1787 : i1
        %parallel_loop3A_1789 = arith.andi %parallel_loop3A_1788, %parallel_loop3A_1783 : i1
        %parallel_loop3A_1790 = arith.addi %parallel_loop3A_1781, %parallel_loop3A_1780 : i32
        %parallel_loop3A_1791 = arith.select %parallel_loop3A_1789, %parallel_loop3A_1790, %parallel_loop3A_1781 : i32
        %parallel_loop3A_1792 = arith.constant 16 : i32
        %parallel_loop3A_1793 = arith.muli %parallel_loop3A_138, %parallel_loop3A_1792 : i32
        %parallel_loop3A_1794 = arith.constant 6 : i32
        %parallel_loop3A_1795 = arith.addi %parallel_loop3A_1793, %parallel_loop3A_1794 : i32
        %parallel_loop3A_1796 = arith.index_cast %parallel_loop3A_1791 : i32 to index
        %parallel_loop3A_1797 = arith.index_cast %parallel_loop3A_1795 : i32 to index
        %parallel_loop3A_1798 = arith.constant 112 : index
        %parallel_loop3A_1799 = tpu.vector_load %arg6[%parallel_loop3A_1796, %parallel_loop3A_1797, %parallel_loop3A_1798] {strides = array<i32>} : memref<2x256x128xf32, #tpu.memory_space<vmem>>, vector<1x1x16xf32>,
        %parallel_loop3A_1800 = vector.shape_cast %parallel_loop3A_1799 : vector<1x1x16xf32> to vector<16xf32>
        %parallel_loop3A_1801 = arith.index_cast %parallel_loop3A_1600 : i32 to index
        %parallel_loop3A_1802 = arith.constant 0 : index
        %parallel_loop3A_1803 = tpu.vector_load %arg7[%parallel_loop3A_1801, %parallel_loop3A_1802] {strides = array<i32>} : memref<128x128xf32, #tpu.memory_space<vmem>>, vector<1x16xf32>,
        %parallel_loop3A_1804 = vector.shape_cast %parallel_loop3A_1803 : vector<1x16xf32> to vector<16xf32>
        %parallel_loop3A_1805 = vector.shape_cast %parallel_loop3A_1625 : vector<16xf32> to vector<1x16xf32>
        tpu.vector_store %arg7[%parallel_loop3A_1801, %parallel_loop3A_1802], %parallel_loop3A_1805 {add = true, strides = array<i32>} : memref<128x128xf32, #tpu.memory_space<vmem>>, vector<1x16xf32>,
        %parallel_loop3A_1806 = arith.index_cast %parallel_loop3A_1600 : i32 to index
        %parallel_loop3A_1807 = arith.constant 16 : index
        %parallel_loop3A_1808 = tpu.vector_load %arg7[%parallel_loop3A_1806, %parallel_loop3A_1807] {strides = array<i32>} : memref<128x128xf32, #tpu.memory_space<vmem>>, vector<1x16xf32>,
        %parallel_loop3A_1809 = vector.shape_cast %parallel_loop3A_1808 : vector<1x16xf32> to vector<16xf32>
        %parallel_loop3A_1810 = vector.shape_cast %parallel_loop3A_1650 : vector<16xf32> to vector<1x16xf32>
        tpu.vector_store %arg7[%parallel_loop3A_1806, %parallel_loop3A_1807], %parallel_loop3A_1810 {add = true, strides = array<i32>} : memref<128x128xf32, #tpu.memory_space<vmem>>, vector<1x16xf32>,
        %parallel_loop3A_1811 = arith.index_cast %parallel_loop3A_1600 : i32 to index
        %parallel_loop3A_1812 = arith.constant 32 : index
        %parallel_loop3A_1813 = tpu.vector_load %arg7[%parallel_loop3A_1811, %parallel_loop3A_1812] {strides = array<i32>} : memref<128x128xf32, #tpu.memory_space<vmem>>, vector<1x16xf32>,
        %parallel_loop3A_1814 = vector.shape_cast %parallel_loop3A_1813 : vector<1x16xf32> to vector<16xf32>
        %parallel_loop3A_1815 = vector.shape_cast %parallel_loop3A_1675 : vector<16xf32> to vector<1x16xf32>
        tpu.vector_store %arg7[%parallel_loop3A_1811, %parallel_loop3A_1812], %parallel_loop3A_1815 {add = true, strides = array<i32>} : memref<128x128xf32, #tpu.memory_space<vmem>>, vector<1x16xf32>,
        %parallel_loop3A_1816 = arith.index_cast %parallel_loop3A_1600 : i32 to index
        %parallel_loop3A_1817 = arith.constant 48 : index
        %parallel_loop3A_1818 = tpu.vector_load %arg7[%parallel_loop3A_1816, %parallel_loop3A_1817] {strides = array<i32>} : memref<128x128xf32, #tpu.memory_space<vmem>>, vector<1x16xf32>,
        %parallel_loop3A_1819 = vector.shape_cast %parallel_loop3A_1818 : vector<1x16xf32> to vector<16xf32>
        %parallel_loop3A_1820 = vector.shape_cast %parallel_loop3A_1700 : vector<16xf32> to vector<1x16xf32>
        tpu.vector_store %arg7[%parallel_loop3A_1816, %parallel_loop3A_1817], %parallel_loop3A_1820 {add = true, strides = array<i32>} : memref<128x128xf32, #tpu.memory_space<vmem>>, vector<1x16xf32>,
        %parallel_loop3A_1821 = arith.index_cast %parallel_loop3A_1600 : i32 to index
        %parallel_loop3A_1822 = arith.constant 64 : index
        %parallel_loop3A_1823 = tpu.vector_load %arg7[%parallel_loop3A_1821, %parallel_loop3A_1822] {strides = array<i32>} : memref<128x128xf32, #tpu.memory_space<vmem>>, vector<1x16xf32>,
        %parallel_loop3A_1824 = vector.shape_cast %parallel_loop3A_1823 : vector<1x16xf32> to vector<16xf32>
        %parallel_loop3A_1825 = vector.shape_cast %parallel_loop3A_1725 : vector<16xf32> to vector<1x16xf32>
        tpu.vector_store %arg7[%parallel_loop3A_1821, %parallel_loop3A_1822], %parallel_loop3A_1825 {add = true, strides = array<i32>} : memref<128x128xf32, #tpu.memory_space<vmem>>, vector<1x16xf32>,
        %parallel_loop3A_1826 = arith.index_cast %parallel_loop3A_1600 : i32 to index
        %parallel_loop3A_1827 = arith.constant 80 : index
        %parallel_loop3A_1828 = tpu.vector_load %arg7[%parallel_loop3A_1826, %parallel_loop3A_1827] {strides = array<i32>} : memref<128x128xf32, #tpu.memory_space<vmem>>, vector<1x16xf32>,
        %parallel_loop3A_1829 = vector.shape_cast %parallel_loop3A_1828 : vector<1x16xf32> to vector<16xf32>
        %parallel_loop3A_1830 = vector.shape_cast %parallel_loop3A_1750 : vector<16xf32> to vector<1x16xf32>
        tpu.vector_store %arg7[%parallel_loop3A_1826, %parallel_loop3A_1827], %parallel_loop3A_1830 {add = true, strides = array<i32>} : memref<128x128xf32, #tpu.memory_space<vmem>>, vector<1x16xf32>,
        %parallel_loop3A_1831 = arith.index_cast %parallel_loop3A_1600 : i32 to index
        %parallel_loop3A_1832 = arith.constant 96 : index
        %parallel_loop3A_1833 = tpu.vector_load %arg7[%parallel_loop3A_1831, %parallel_loop3A_1832] {strides = array<i32>} : memref<128x128xf32, #tpu.memory_space<vmem>>, vector<1x16xf32>,
        %parallel_loop3A_1834 = vector.shape_cast %parallel_loop3A_1833 : vector<1x16xf32> to vector<16xf32>
        %parallel_loop3A_1835 = vector.shape_cast %parallel_loop3A_1775 : vector<16xf32> to vector<1x16xf32>
        tpu.vector_store %arg7[%parallel_loop3A_1831, %parallel_loop3A_1832], %parallel_loop3A_1835 {add = true, strides = array<i32>} : memref<128x128xf32, #tpu.memory_space<vmem>>, vector<1x16xf32>,
        %parallel_loop3A_1836 = arith.index_cast %parallel_loop3A_1600 : i32 to index
        %parallel_loop3A_1837 = arith.constant 112 : index
        %parallel_loop3A_1838 = tpu.vector_load %arg7[%parallel_loop3A_1836, %parallel_loop3A_1837] {strides = array<i32>} : memref<128x128xf32, #tpu.memory_space<vmem>>, vector<1x16xf32>,
        %parallel_loop3A_1839 = vector.shape_cast %parallel_loop3A_1838 : vector<1x16xf32> to vector<16xf32>
        %parallel_loop3A_1840 = vector.shape_cast %parallel_loop3A_1800 : vector<16xf32> to vector<1x16xf32>
        tpu.vector_store %arg7[%parallel_loop3A_1836, %parallel_loop3A_1837], %parallel_loop3A_1840 {add = true, strides = array<i32>} : memref<128x128xf32, #tpu.memory_space<vmem>>, vector<1x16xf32>,
        %parallel_loop3A_1841 = vector.extract_strided_slice %parallel_loop3A_146 {offsets = [7], sizes = [1], strides = [1]} : vector<16xi32> to vector<1xi32>
        %parallel_loop3A_1842 = vector.extract %parallel_loop3A_1841[0] : i32 from vector<1xi32>
        %parallel_loop3A_1843 = arith.constant 2 : i32
        %parallel_loop3A_1844 = arith.constant 0 : i32
        %parallel_loop3A_1845 = arith.cmpi eq, %parallel_loop3A_1843, %parallel_loop3A_1844 : i32
        %parallel_loop3A_1846 = arith.constant 1 : i32
        %parallel_loop3A_1847 = arith.select %parallel_loop3A_1845, %parallel_loop3A_1846, %parallel_loop3A_1843 : i32
        %parallel_loop3A_1848 = arith.remsi %scan3A_100, %parallel_loop3A_1847 : i32
        %parallel_loop3A_1849 = arith.constant 0 : i32
        %parallel_loop3A_1850 = arith.cmpi ne, %parallel_loop3A_1848, %parallel_loop3A_1849 : i32
        %parallel_loop3A_1851 = arith.constant 0 : i32
        %parallel_loop3A_1852 = arith.cmpi slt, %parallel_loop3A_1848, %parallel_loop3A_1851 : i32
        %parallel_loop3A_1853 = arith.constant 0 : i32
        %parallel_loop3A_1854 = arith.cmpi slt, %parallel_loop3A_1847, %parallel_loop3A_1853 : i32
        %parallel_loop3A_1855 = arith.xori %parallel_loop3A_1852, %parallel_loop3A_1854 : i1
        %parallel_loop3A_1856 = arith.andi %parallel_loop3A_1855, %parallel_loop3A_1850 : i1
        %parallel_loop3A_1857 = arith.addi %parallel_loop3A_1848, %parallel_loop3A_1847 : i32
        %parallel_loop3A_1858 = arith.select %parallel_loop3A_1856, %parallel_loop3A_1857, %parallel_loop3A_1848 : i32
        %parallel_loop3A_1859 = arith.constant 16 : i32
        %parallel_loop3A_1860 = arith.muli %parallel_loop3A_138, %parallel_loop3A_1859 : i32
        %parallel_loop3A_1861 = arith.constant 7 : i32
        %parallel_loop3A_1862 = arith.addi %parallel_loop3A_1860, %parallel_loop3A_1861 : i32
        %parallel_loop3A_1863 = arith.index_cast %parallel_loop3A_1858 : i32 to index
        %parallel_loop3A_1864 = arith.index_cast %parallel_loop3A_1862 : i32 to index
        %parallel_loop3A_1865 = arith.constant 0 : index
        %parallel_loop3A_1866 = tpu.vector_load %arg6[%parallel_loop3A_1863, %parallel_loop3A_1864, %parallel_loop3A_1865] {strides = array<i32>} : memref<2x256x128xf32, #tpu.memory_space<vmem>>, vector<1x1x16xf32>,
        %parallel_loop3A_1867 = vector.shape_cast %parallel_loop3A_1866 : vector<1x1x16xf32> to vector<16xf32>
        %parallel_loop3A_1868 = arith.constant 2 : i32
        %parallel_loop3A_1869 = arith.constant 0 : i32
        %parallel_loop3A_1870 = arith.cmpi eq, %parallel_loop3A_1868, %parallel_loop3A_1869 : i32
        %parallel_loop3A_1871 = arith.constant 1 : i32
        %parallel_loop3A_1872 = arith.select %parallel_loop3A_1870, %parallel_loop3A_1871, %parallel_loop3A_1868 : i32
        %parallel_loop3A_1873 = arith.remsi %scan3A_100, %parallel_loop3A_1872 : i32
        %parallel_loop3A_1874 = arith.constant 0 : i32
        %parallel_loop3A_1875 = arith.cmpi ne, %parallel_loop3A_1873, %parallel_loop3A_1874 : i32
        %parallel_loop3A_1876 = arith.constant 0 : i32
        %parallel_loop3A_1877 = arith.cmpi slt, %parallel_loop3A_1873, %parallel_loop3A_1876 : i32
        %parallel_loop3A_1878 = arith.constant 0 : i32
        %parallel_loop3A_1879 = arith.cmpi slt, %parallel_loop3A_1872, %parallel_loop3A_1878 : i32
        %parallel_loop3A_1880 = arith.xori %parallel_loop3A_1877, %parallel_loop3A_1879 : i1
        %parallel_loop3A_1881 = arith.andi %parallel_loop3A_1880, %parallel_loop3A_1875 : i1
        %parallel_loop3A_1882 = arith.addi %parallel_loop3A_1873, %parallel_loop3A_1872 : i32
        %parallel_loop3A_1883 = arith.select %parallel_loop3A_1881, %parallel_loop3A_1882, %parallel_loop3A_1873 : i32
        %parallel_loop3A_1884 = arith.constant 16 : i32
        %parallel_loop3A_1885 = arith.muli %parallel_loop3A_138, %parallel_loop3A_1884 : i32
        %parallel_loop3A_1886 = arith.constant 7 : i32
        %parallel_loop3A_1887 = arith.addi %parallel_loop3A_1885, %parallel_loop3A_1886 : i32
        %parallel_loop3A_1888 = arith.index_cast %parallel_loop3A_1883 : i32 to index
        %parallel_loop3A_1889 = arith.index_cast %parallel_loop3A_1887 : i32 to index
        %parallel_loop3A_1890 = arith.constant 16 : index
        %parallel_loop3A_1891 = tpu.vector_load %arg6[%parallel_loop3A_1888, %parallel_loop3A_1889, %parallel_loop3A_1890] {strides = array<i32>} : memref<2x256x128xf32, #tpu.memory_space<vmem>>, vector<1x1x16xf32>,
        %parallel_loop3A_1892 = vector.shape_cast %parallel_loop3A_1891 : vector<1x1x16xf32> to vector<16xf32>
        %parallel_loop3A_1893 = arith.constant 2 : i32
        %parallel_loop3A_1894 = arith.constant 0 : i32
        %parallel_loop3A_1895 = arith.cmpi eq, %parallel_loop3A_1893, %parallel_loop3A_1894 : i32
        %parallel_loop3A_1896 = arith.constant 1 : i32
        %parallel_loop3A_1897 = arith.select %parallel_loop3A_1895, %parallel_loop3A_1896, %parallel_loop3A_1893 : i32
        %parallel_loop3A_1898 = arith.remsi %scan3A_100, %parallel_loop3A_1897 : i32
        %parallel_loop3A_1899 = arith.constant 0 : i32
        %parallel_loop3A_1900 = arith.cmpi ne, %parallel_loop3A_1898, %parallel_loop3A_1899 : i32
        %parallel_loop3A_1901 = arith.constant 0 : i32
        %parallel_loop3A_1902 = arith.cmpi slt, %parallel_loop3A_1898, %parallel_loop3A_1901 : i32
        %parallel_loop3A_1903 = arith.constant 0 : i32
        %parallel_loop3A_1904 = arith.cmpi slt, %parallel_loop3A_1897, %parallel_loop3A_1903 : i32
        %parallel_loop3A_1905 = arith.xori %parallel_loop3A_1902, %parallel_loop3A_1904 : i1
        %parallel_loop3A_1906 = arith.andi %parallel_loop3A_1905, %parallel_loop3A_1900 : i1
        %parallel_loop3A_1907 = arith.addi %parallel_loop3A_1898, %parallel_loop3A_1897 : i32
        %parallel_loop3A_1908 = arith.select %parallel_loop3A_1906, %parallel_loop3A_1907, %parallel_loop3A_1898 : i32
        %parallel_loop3A_1909 = arith.constant 16 : i32
        %parallel_loop3A_1910 = arith.muli %parallel_loop3A_138, %parallel_loop3A_1909 : i32
        %parallel_loop3A_1911 = arith.constant 7 : i32
        %parallel_loop3A_1912 = arith.addi %parallel_loop3A_1910, %parallel_loop3A_1911 : i32
        %parallel_loop3A_1913 = arith.index_cast %parallel_loop3A_1908 : i32 to index
        %parallel_loop3A_1914 = arith.index_cast %parallel_loop3A_1912 : i32 to index
        %parallel_loop3A_1915 = arith.constant 32 : index
        %parallel_loop3A_1916 = tpu.vector_load %arg6[%parallel_loop3A_1913, %parallel_loop3A_1914, %parallel_loop3A_1915] {strides = array<i32>} : memref<2x256x128xf32, #tpu.memory_space<vmem>>, vector<1x1x16xf32>,
        %parallel_loop3A_1917 = vector.shape_cast %parallel_loop3A_1916 : vector<1x1x16xf32> to vector<16xf32>
        %parallel_loop3A_1918 = arith.constant 2 : i32
        %parallel_loop3A_1919 = arith.constant 0 : i32
        %parallel_loop3A_1920 = arith.cmpi eq, %parallel_loop3A_1918, %parallel_loop3A_1919 : i32
        %parallel_loop3A_1921 = arith.constant 1 : i32
        %parallel_loop3A_1922 = arith.select %parallel_loop3A_1920, %parallel_loop3A_1921, %parallel_loop3A_1918 : i32
        %parallel_loop3A_1923 = arith.remsi %scan3A_100, %parallel_loop3A_1922 : i32
        %parallel_loop3A_1924 = arith.constant 0 : i32
        %parallel_loop3A_1925 = arith.cmpi ne, %parallel_loop3A_1923, %parallel_loop3A_1924 : i32
        %parallel_loop3A_1926 = arith.constant 0 : i32
        %parallel_loop3A_1927 = arith.cmpi slt, %parallel_loop3A_1923, %parallel_loop3A_1926 : i32
        %parallel_loop3A_1928 = arith.constant 0 : i32
        %parallel_loop3A_1929 = arith.cmpi slt, %parallel_loop3A_1922, %parallel_loop3A_1928 : i32
        %parallel_loop3A_1930 = arith.xori %parallel_loop3A_1927, %parallel_loop3A_1929 : i1
        %parallel_loop3A_1931 = arith.andi %parallel_loop3A_1930, %parallel_loop3A_1925 : i1
        %parallel_loop3A_1932 = arith.addi %parallel_loop3A_1923, %parallel_loop3A_1922 : i32
        %parallel_loop3A_1933 = arith.select %parallel_loop3A_1931, %parallel_loop3A_1932, %parallel_loop3A_1923 : i32
        %parallel_loop3A_1934 = arith.constant 16 : i32
        %parallel_loop3A_1935 = arith.muli %parallel_loop3A_138, %parallel_loop3A_1934 : i32
        %parallel_loop3A_1936 = arith.constant 7 : i32
        %parallel_loop3A_1937 = arith.addi %parallel_loop3A_1935, %parallel_loop3A_1936 : i32
        %parallel_loop3A_1938 = arith.index_cast %parallel_loop3A_1933 : i32 to index
        %parallel_loop3A_1939 = arith.index_cast %parallel_loop3A_1937 : i32 to index
        %parallel_loop3A_1940 = arith.constant 48 : index
        %parallel_loop3A_1941 = tpu.vector_load %arg6[%parallel_loop3A_1938, %parallel_loop3A_1939, %parallel_loop3A_1940] {strides = array<i32>} : memref<2x256x128xf32, #tpu.memory_space<vmem>>, vector<1x1x16xf32>,
        %parallel_loop3A_1942 = vector.shape_cast %parallel_loop3A_1941 : vector<1x1x16xf32> to vector<16xf32>
        %parallel_loop3A_1943 = arith.constant 2 : i32
        %parallel_loop3A_1944 = arith.constant 0 : i32
        %parallel_loop3A_1945 = arith.cmpi eq, %parallel_loop3A_1943, %parallel_loop3A_1944 : i32
        %parallel_loop3A_1946 = arith.constant 1 : i32
        %parallel_loop3A_1947 = arith.select %parallel_loop3A_1945, %parallel_loop3A_1946, %parallel_loop3A_1943 : i32
        %parallel_loop3A_1948 = arith.remsi %scan3A_100, %parallel_loop3A_1947 : i32
        %parallel_loop3A_1949 = arith.constant 0 : i32
        %parallel_loop3A_1950 = arith.cmpi ne, %parallel_loop3A_1948, %parallel_loop3A_1949 : i32
        %parallel_loop3A_1951 = arith.constant 0 : i32
        %parallel_loop3A_1952 = arith.cmpi slt, %parallel_loop3A_1948, %parallel_loop3A_1951 : i32
        %parallel_loop3A_1953 = arith.constant 0 : i32
        %parallel_loop3A_1954 = arith.cmpi slt, %parallel_loop3A_1947, %parallel_loop3A_1953 : i32
        %parallel_loop3A_1955 = arith.xori %parallel_loop3A_1952, %parallel_loop3A_1954 : i1
        %parallel_loop3A_1956 = arith.andi %parallel_loop3A_1955, %parallel_loop3A_1950 : i1
        %parallel_loop3A_1957 = arith.addi %parallel_loop3A_1948, %parallel_loop3A_1947 : i32
        %parallel_loop3A_1958 = arith.select %parallel_loop3A_1956, %parallel_loop3A_1957, %parallel_loop3A_1948 : i32
        %parallel_loop3A_1959 = arith.constant 16 : i32
        %parallel_loop3A_1960 = arith.muli %parallel_loop3A_138, %parallel_loop3A_1959 : i32
        %parallel_loop3A_1961 = arith.constant 7 : i32
        %parallel_loop3A_1962 = arith.addi %parallel_loop3A_1960, %parallel_loop3A_1961 : i32
        %parallel_loop3A_1963 = arith.index_cast %parallel_loop3A_1958 : i32 to index
        %parallel_loop3A_1964 = arith.index_cast %parallel_loop3A_1962 : i32 to index
        %parallel_loop3A_1965 = arith.constant 64 : index
        %parallel_loop3A_1966 = tpu.vector_load %arg6[%parallel_loop3A_1963, %parallel_loop3A_1964, %parallel_loop3A_1965] {strides = array<i32>} : memref<2x256x128xf32, #tpu.memory_space<vmem>>, vector<1x1x16xf32>,
        %parallel_loop3A_1967 = vector.shape_cast %parallel_loop3A_1966 : vector<1x1x16xf32> to vector<16xf32>
        %parallel_loop3A_1968 = arith.constant 2 : i32
        %parallel_loop3A_1969 = arith.constant 0 : i32
        %parallel_loop3A_1970 = arith.cmpi eq, %parallel_loop3A_1968, %parallel_loop3A_1969 : i32
        %parallel_loop3A_1971 = arith.constant 1 : i32
        %parallel_loop3A_1972 = arith.select %parallel_loop3A_1970, %parallel_loop3A_1971, %parallel_loop3A_1968 : i32
        %parallel_loop3A_1973 = arith.remsi %scan3A_100, %parallel_loop3A_1972 : i32
        %parallel_loop3A_1974 = arith.constant 0 : i32
        %parallel_loop3A_1975 = arith.cmpi ne, %parallel_loop3A_1973, %parallel_loop3A_1974 : i32
        %parallel_loop3A_1976 = arith.constant 0 : i32
        %parallel_loop3A_1977 = arith.cmpi slt, %parallel_loop3A_1973, %parallel_loop3A_1976 : i32
        %parallel_loop3A_1978 = arith.constant 0 : i32
        %parallel_loop3A_1979 = arith.cmpi slt, %parallel_loop3A_1972, %parallel_loop3A_1978 : i32
        %parallel_loop3A_1980 = arith.xori %parallel_loop3A_1977, %parallel_loop3A_1979 : i1
        %parallel_loop3A_1981 = arith.andi %parallel_loop3A_1980, %parallel_loop3A_1975 : i1
        %parallel_loop3A_1982 = arith.addi %parallel_loop3A_1973, %parallel_loop3A_1972 : i32
        %parallel_loop3A_1983 = arith.select %parallel_loop3A_1981, %parallel_loop3A_1982, %parallel_loop3A_1973 : i32
        %parallel_loop3A_1984 = arith.constant 16 : i32
        %parallel_loop3A_1985 = arith.muli %parallel_loop3A_138, %parallel_loop3A_1984 : i32
        %parallel_loop3A_1986 = arith.constant 7 : i32
        %parallel_loop3A_1987 = arith.addi %parallel_loop3A_1985, %parallel_loop3A_1986 : i32
        %parallel_loop3A_1988 = arith.index_cast %parallel_loop3A_1983 : i32 to index
        %parallel_loop3A_1989 = arith.index_cast %parallel_loop3A_1987 : i32 to index
        %parallel_loop3A_1990 = arith.constant 80 : index
        %parallel_loop3A_1991 = tpu.vector_load %arg6[%parallel_loop3A_1988, %parallel_loop3A_1989, %parallel_loop3A_1990] {strides = array<i32>} : memref<2x256x128xf32, #tpu.memory_space<vmem>>, vector<1x1x16xf32>,
        %parallel_loop3A_1992 = vector.shape_cast %parallel_loop3A_1991 : vector<1x1x16xf32> to vector<16xf32>
        %parallel_loop3A_1993 = arith.constant 2 : i32
        %parallel_loop3A_1994 = arith.constant 0 : i32
        %parallel_loop3A_1995 = arith.cmpi eq, %parallel_loop3A_1993, %parallel_loop3A_1994 : i32
        %parallel_loop3A_1996 = arith.constant 1 : i32
        %parallel_loop3A_1997 = arith.select %parallel_loop3A_1995, %parallel_loop3A_1996, %parallel_loop3A_1993 : i32
        %parallel_loop3A_1998 = arith.remsi %scan3A_100, %parallel_loop3A_1997 : i32
        %parallel_loop3A_1999 = arith.constant 0 : i32
        %parallel_loop3A_2000 = arith.cmpi ne, %parallel_loop3A_1998, %parallel_loop3A_1999 : i32
        %parallel_loop3A_2001 = arith.constant 0 : i32
        %parallel_loop3A_2002 = arith.cmpi slt, %parallel_loop3A_1998, %parallel_loop3A_2001 : i32
        %parallel_loop3A_2003 = arith.constant 0 : i32
        %parallel_loop3A_2004 = arith.cmpi slt, %parallel_loop3A_1997, %parallel_loop3A_2003 : i32
        %parallel_loop3A_2005 = arith.xori %parallel_loop3A_2002, %parallel_loop3A_2004 : i1
        %parallel_loop3A_2006 = arith.andi %parallel_loop3A_2005, %parallel_loop3A_2000 : i1
        %parallel_loop3A_2007 = arith.addi %parallel_loop3A_1998, %parallel_loop3A_1997 : i32
        %parallel_loop3A_2008 = arith.select %parallel_loop3A_2006, %parallel_loop3A_2007, %parallel_loop3A_1998 : i32
        %parallel_loop3A_2009 = arith.constant 16 : i32
        %parallel_loop3A_2010 = arith.muli %parallel_loop3A_138, %parallel_loop3A_2009 : i32
        %parallel_loop3A_2011 = arith.constant 7 : i32
        %parallel_loop3A_2012 = arith.addi %parallel_loop3A_2010, %parallel_loop3A_2011 : i32
        %parallel_loop3A_2013 = arith.index_cast %parallel_loop3A_2008 : i32 to index
        %parallel_loop3A_2014 = arith.index_cast %parallel_loop3A_2012 : i32 to index
        %parallel_loop3A_2015 = arith.constant 96 : index
        %parallel_loop3A_2016 = tpu.vector_load %arg6[%parallel_loop3A_2013, %parallel_loop3A_2014, %parallel_loop3A_2015] {strides = array<i32>} : memref<2x256x128xf32, #tpu.memory_space<vmem>>, vector<1x1x16xf32>,
        %parallel_loop3A_2017 = vector.shape_cast %parallel_loop3A_2016 : vector<1x1x16xf32> to vector<16xf32>
        %parallel_loop3A_2018 = arith.constant 2 : i32
        %parallel_loop3A_2019 = arith.constant 0 : i32
        %parallel_loop3A_2020 = arith.cmpi eq, %parallel_loop3A_2018, %parallel_loop3A_2019 : i32
        %parallel_loop3A_2021 = arith.constant 1 : i32
        %parallel_loop3A_2022 = arith.select %parallel_loop3A_2020, %parallel_loop3A_2021, %parallel_loop3A_2018 : i32
        %parallel_loop3A_2023 = arith.remsi %scan3A_100, %parallel_loop3A_2022 : i32
        %parallel_loop3A_2024 = arith.constant 0 : i32
        %parallel_loop3A_2025 = arith.cmpi ne, %parallel_loop3A_2023, %parallel_loop3A_2024 : i32
        %parallel_loop3A_2026 = arith.constant 0 : i32
        %parallel_loop3A_2027 = arith.cmpi slt, %parallel_loop3A_2023, %parallel_loop3A_2026 : i32
        %parallel_loop3A_2028 = arith.constant 0 : i32
        %parallel_loop3A_2029 = arith.cmpi slt, %parallel_loop3A_2022, %parallel_loop3A_2028 : i32
        %parallel_loop3A_2030 = arith.xori %parallel_loop3A_2027, %parallel_loop3A_2029 : i1
        %parallel_loop3A_2031 = arith.andi %parallel_loop3A_2030, %parallel_loop3A_2025 : i1
        %parallel_loop3A_2032 = arith.addi %parallel_loop3A_2023, %parallel_loop3A_2022 : i32
        %parallel_loop3A_2033 = arith.select %parallel_loop3A_2031, %parallel_loop3A_2032, %parallel_loop3A_2023 : i32
        %parallel_loop3A_2034 = arith.constant 16 : i32
        %parallel_loop3A_2035 = arith.muli %parallel_loop3A_138, %parallel_loop3A_2034 : i32
        %parallel_loop3A_2036 = arith.constant 7 : i32
        %parallel_loop3A_2037 = arith.addi %parallel_loop3A_2035, %parallel_loop3A_2036 : i32
        %parallel_loop3A_2038 = arith.index_cast %parallel_loop3A_2033 : i32 to index
        %parallel_loop3A_2039 = arith.index_cast %parallel_loop3A_2037 : i32 to index
        %parallel_loop3A_2040 = arith.constant 112 : index
        %parallel_loop3A_2041 = tpu.vector_load %arg6[%parallel_loop3A_2038, %parallel_loop3A_2039, %parallel_loop3A_2040] {strides = array<i32>} : memref<2x256x128xf32, #tpu.memory_space<vmem>>, vector<1x1x16xf32>,
        %parallel_loop3A_2042 = vector.shape_cast %parallel_loop3A_2041 : vector<1x1x16xf32> to vector<16xf32>
        %parallel_loop3A_2043 = arith.index_cast %parallel_loop3A_1842 : i32 to index
        %parallel_loop3A_2044 = arith.constant 0 : index
        %parallel_loop3A_2045 = tpu.vector_load %arg7[%parallel_loop3A_2043, %parallel_loop3A_2044] {strides = array<i32>} : memref<128x128xf32, #tpu.memory_space<vmem>>, vector<1x16xf32>,
        %parallel_loop3A_2046 = vector.shape_cast %parallel_loop3A_2045 : vector<1x16xf32> to vector<16xf32>
        %parallel_loop3A_2047 = vector.shape_cast %parallel_loop3A_1867 : vector<16xf32> to vector<1x16xf32>
        tpu.vector_store %arg7[%parallel_loop3A_2043, %parallel_loop3A_2044], %parallel_loop3A_2047 {add = true, strides = array<i32>} : memref<128x128xf32, #tpu.memory_space<vmem>>, vector<1x16xf32>,
        %parallel_loop3A_2048 = arith.index_cast %parallel_loop3A_1842 : i32 to index
        %parallel_loop3A_2049 = arith.constant 16 : index
        %parallel_loop3A_2050 = tpu.vector_load %arg7[%parallel_loop3A_2048, %parallel_loop3A_2049] {strides = array<i32>} : memref<128x128xf32, #tpu.memory_space<vmem>>, vector<1x16xf32>,
        %parallel_loop3A_2051 = vector.shape_cast %parallel_loop3A_2050 : vector<1x16xf32> to vector<16xf32>
        %parallel_loop3A_2052 = vector.shape_cast %parallel_loop3A_1892 : vector<16xf32> to vector<1x16xf32>
        tpu.vector_store %arg7[%parallel_loop3A_2048, %parallel_loop3A_2049], %parallel_loop3A_2052 {add = true, strides = array<i32>} : memref<128x128xf32, #tpu.memory_space<vmem>>, vector<1x16xf32>,
        %parallel_loop3A_2053 = arith.index_cast %parallel_loop3A_1842 : i32 to index
        %parallel_loop3A_2054 = arith.constant 32 : index
        %parallel_loop3A_2055 = tpu.vector_load %arg7[%parallel_loop3A_2053, %parallel_loop3A_2054] {strides = array<i32>} : memref<128x128xf32, #tpu.memory_space<vmem>>, vector<1x16xf32>,
        %parallel_loop3A_2056 = vector.shape_cast %parallel_loop3A_2055 : vector<1x16xf32> to vector<16xf32>
        %parallel_loop3A_2057 = vector.shape_cast %parallel_loop3A_1917 : vector<16xf32> to vector<1x16xf32>
        tpu.vector_store %arg7[%parallel_loop3A_2053, %parallel_loop3A_2054], %parallel_loop3A_2057 {add = true, strides = array<i32>} : memref<128x128xf32, #tpu.memory_space<vmem>>, vector<1x16xf32>,
        %parallel_loop3A_2058 = arith.index_cast %parallel_loop3A_1842 : i32 to index
        %parallel_loop3A_2059 = arith.constant 48 : index
        %parallel_loop3A_2060 = tpu.vector_load %arg7[%parallel_loop3A_2058, %parallel_loop3A_2059] {strides = array<i32>} : memref<128x128xf32, #tpu.memory_space<vmem>>, vector<1x16xf32>,
        %parallel_loop3A_2061 = vector.shape_cast %parallel_loop3A_2060 : vector<1x16xf32> to vector<16xf32>
        %parallel_loop3A_2062 = vector.shape_cast %parallel_loop3A_1942 : vector<16xf32> to vector<1x16xf32>
        tpu.vector_store %arg7[%parallel_loop3A_2058, %parallel_loop3A_2059], %parallel_loop3A_2062 {add = true, strides = array<i32>} : memref<128x128xf32, #tpu.memory_space<vmem>>, vector<1x16xf32>,
        %parallel_loop3A_2063 = arith.index_cast %parallel_loop3A_1842 : i32 to index
        %parallel_loop3A_2064 = arith.constant 64 : index
        %parallel_loop3A_2065 = tpu.vector_load %arg7[%parallel_loop3A_2063, %parallel_loop3A_2064] {strides = array<i32>} : memref<128x128xf32, #tpu.memory_space<vmem>>, vector<1x16xf32>,
        %parallel_loop3A_2066 = vector.shape_cast %parallel_loop3A_2065 : vector<1x16xf32> to vector<16xf32>
        %parallel_loop3A_2067 = vector.shape_cast %parallel_loop3A_1967 : vector<16xf32> to vector<1x16xf32>
        tpu.vector_store %arg7[%parallel_loop3A_2063, %parallel_loop3A_2064], %parallel_loop3A_2067 {add = true, strides = array<i32>} : memref<128x128xf32, #tpu.memory_space<vmem>>, vector<1x16xf32>,
        %parallel_loop3A_2068 = arith.index_cast %parallel_loop3A_1842 : i32 to index
        %parallel_loop3A_2069 = arith.constant 80 : index
        %parallel_loop3A_2070 = tpu.vector_load %arg7[%parallel_loop3A_2068, %parallel_loop3A_2069] {strides = array<i32>} : memref<128x128xf32, #tpu.memory_space<vmem>>, vector<1x16xf32>,
        %parallel_loop3A_2071 = vector.shape_cast %parallel_loop3A_2070 : vector<1x16xf32> to vector<16xf32>
        %parallel_loop3A_2072 = vector.shape_cast %parallel_loop3A_1992 : vector<16xf32> to vector<1x16xf32>
        tpu.vector_store %arg7[%parallel_loop3A_2068, %parallel_loop3A_2069], %parallel_loop3A_2072 {add = true, strides = array<i32>} : memref<128x128xf32, #tpu.memory_space<vmem>>, vector<1x16xf32>,
        %parallel_loop3A_2073 = arith.index_cast %parallel_loop3A_1842 : i32 to index
        %parallel_loop3A_2074 = arith.constant 96 : index
        %parallel_loop3A_2075 = tpu.vector_load %arg7[%parallel_loop3A_2073, %parallel_loop3A_2074] {strides = array<i32>} : memref<128x128xf32, #tpu.memory_space<vmem>>, vector<1x16xf32>,
        %parallel_loop3A_2076 = vector.shape_cast %parallel_loop3A_2075 : vector<1x16xf32> to vector<16xf32>
        %parallel_loop3A_2077 = vector.shape_cast %parallel_loop3A_2017 : vector<16xf32> to vector<1x16xf32>
        tpu.vector_store %arg7[%parallel_loop3A_2073, %parallel_loop3A_2074], %parallel_loop3A_2077 {add = true, strides = array<i32>} : memref<128x128xf32, #tpu.memory_space<vmem>>, vector<1x16xf32>,
        %parallel_loop3A_2078 = arith.index_cast %parallel_loop3A_1842 : i32 to index
        %parallel_loop3A_2079 = arith.constant 112 : index
        %parallel_loop3A_2080 = tpu.vector_load %arg7[%parallel_loop3A_2078, %parallel_loop3A_2079] {strides = array<i32>} : memref<128x128xf32, #tpu.memory_space<vmem>>, vector<1x16xf32>,
        %parallel_loop3A_2081 = vector.shape_cast %parallel_loop3A_2080 : vector<1x16xf32> to vector<16xf32>
        %parallel_loop3A_2082 = vector.shape_cast %parallel_loop3A_2042 : vector<16xf32> to vector<1x16xf32>
        tpu.vector_store %arg7[%parallel_loop3A_2078, %parallel_loop3A_2079], %parallel_loop3A_2082 {add = true, strides = array<i32>} : memref<128x128xf32, #tpu.memory_space<vmem>>, vector<1x16xf32>,
        %parallel_loop3A_2083 = vector.extract_strided_slice %parallel_loop3A_146 {offsets = [8], sizes = [1], strides = [1]} : vector<16xi32> to vector<1xi32>
        %parallel_loop3A_2084 = vector.extract %parallel_loop3A_2083[0] : i32 from vector<1xi32>
        %parallel_loop3A_2085 = arith.constant 2 : i32
        %parallel_loop3A_2086 = arith.constant 0 : i32
        %parallel_loop3A_2087 = arith.cmpi eq, %parallel_loop3A_2085, %parallel_loop3A_2086 : i32
        %parallel_loop3A_2088 = arith.constant 1 : i32
        %parallel_loop3A_2089 = arith.select %parallel_loop3A_2087, %parallel_loop3A_2088, %parallel_loop3A_2085 : i32
        %parallel_loop3A_2090 = arith.remsi %scan3A_100, %parallel_loop3A_2089 : i32
        %parallel_loop3A_2091 = arith.constant 0 : i32
        %parallel_loop3A_2092 = arith.cmpi ne, %parallel_loop3A_2090, %parallel_loop3A_2091 : i32
        %parallel_loop3A_2093 = arith.constant 0 : i32
        %parallel_loop3A_2094 = arith.cmpi slt, %parallel_loop3A_2090, %parallel_loop3A_2093 : i32
        %parallel_loop3A_2095 = arith.constant 0 : i32
        %parallel_loop3A_2096 = arith.cmpi slt, %parallel_loop3A_2089, %parallel_loop3A_2095 : i32
        %parallel_loop3A_2097 = arith.xori %parallel_loop3A_2094, %parallel_loop3A_2096 : i1
        %parallel_loop3A_2098 = arith.andi %parallel_loop3A_2097, %parallel_loop3A_2092 : i1
        %parallel_loop3A_2099 = arith.addi %parallel_loop3A_2090, %parallel_loop3A_2089 : i32
        %parallel_loop3A_2100 = arith.select %parallel_loop3A_2098, %parallel_loop3A_2099, %parallel_loop3A_2090 : i32
        %parallel_loop3A_2101 = arith.constant 16 : i32
        %parallel_loop3A_2102 = arith.muli %parallel_loop3A_138, %parallel_loop3A_2101 : i32
        %parallel_loop3A_2103 = arith.constant 8 : i32
        %parallel_loop3A_2104 = arith.addi %parallel_loop3A_2102, %parallel_loop3A_2103 : i32
        %parallel_loop3A_2105 = arith.index_cast %parallel_loop3A_2100 : i32 to index
        %parallel_loop3A_2106 = arith.index_cast %parallel_loop3A_2104 : i32 to index
        %parallel_loop3A_2107 = arith.constant 0 : index
        %parallel_loop3A_2108 = tpu.vector_load %arg6[%parallel_loop3A_2105, %parallel_loop3A_2106, %parallel_loop3A_2107] {strides = array<i32>} : memref<2x256x128xf32, #tpu.memory_space<vmem>>, vector<1x1x16xf32>,
        %parallel_loop3A_2109 = vector.shape_cast %parallel_loop3A_2108 : vector<1x1x16xf32> to vector<16xf32>
        %parallel_loop3A_2110 = arith.constant 2 : i32
        %parallel_loop3A_2111 = arith.constant 0 : i32
        %parallel_loop3A_2112 = arith.cmpi eq, %parallel_loop3A_2110, %parallel_loop3A_2111 : i32
        %parallel_loop3A_2113 = arith.constant 1 : i32
        %parallel_loop3A_2114 = arith.select %parallel_loop3A_2112, %parallel_loop3A_2113, %parallel_loop3A_2110 : i32
        %parallel_loop3A_2115 = arith.remsi %scan3A_100, %parallel_loop3A_2114 : i32
        %parallel_loop3A_2116 = arith.constant 0 : i32
        %parallel_loop3A_2117 = arith.cmpi ne, %parallel_loop3A_2115, %parallel_loop3A_2116 : i32
        %parallel_loop3A_2118 = arith.constant 0 : i32
        %parallel_loop3A_2119 = arith.cmpi slt, %parallel_loop3A_2115, %parallel_loop3A_2118 : i32
        %parallel_loop3A_2120 = arith.constant 0 : i32
        %parallel_loop3A_2121 = arith.cmpi slt, %parallel_loop3A_2114, %parallel_loop3A_2120 : i32
        %parallel_loop3A_2122 = arith.xori %parallel_loop3A_2119, %parallel_loop3A_2121 : i1
        %parallel_loop3A_2123 = arith.andi %parallel_loop3A_2122, %parallel_loop3A_2117 : i1
        %parallel_loop3A_2124 = arith.addi %parallel_loop3A_2115, %parallel_loop3A_2114 : i32
        %parallel_loop3A_2125 = arith.select %parallel_loop3A_2123, %parallel_loop3A_2124, %parallel_loop3A_2115 : i32
        %parallel_loop3A_2126 = arith.constant 16 : i32
        %parallel_loop3A_2127 = arith.muli %parallel_loop3A_138, %parallel_loop3A_2126 : i32
        %parallel_loop3A_2128 = arith.constant 8 : i32
        %parallel_loop3A_2129 = arith.addi %parallel_loop3A_2127, %parallel_loop3A_2128 : i32
        %parallel_loop3A_2130 = arith.index_cast %parallel_loop3A_2125 : i32 to index
        %parallel_loop3A_2131 = arith.index_cast %parallel_loop3A_2129 : i32 to index
        %parallel_loop3A_2132 = arith.constant 16 : index
        %parallel_loop3A_2133 = tpu.vector_load %arg6[%parallel_loop3A_2130, %parallel_loop3A_2131, %parallel_loop3A_2132] {strides = array<i32>} : memref<2x256x128xf32, #tpu.memory_space<vmem>>, vector<1x1x16xf32>,
        %parallel_loop3A_2134 = vector.shape_cast %parallel_loop3A_2133 : vector<1x1x16xf32> to vector<16xf32>
        %parallel_loop3A_2135 = arith.constant 2 : i32
        %parallel_loop3A_2136 = arith.constant 0 : i32
        %parallel_loop3A_2137 = arith.cmpi eq, %parallel_loop3A_2135, %parallel_loop3A_2136 : i32
        %parallel_loop3A_2138 = arith.constant 1 : i32
        %parallel_loop3A_2139 = arith.select %parallel_loop3A_2137, %parallel_loop3A_2138, %parallel_loop3A_2135 : i32
        %parallel_loop3A_2140 = arith.remsi %scan3A_100, %parallel_loop3A_2139 : i32
        %parallel_loop3A_2141 = arith.constant 0 : i32
        %parallel_loop3A_2142 = arith.cmpi ne, %parallel_loop3A_2140, %parallel_loop3A_2141 : i32
        %parallel_loop3A_2143 = arith.constant 0 : i32
        %parallel_loop3A_2144 = arith.cmpi slt, %parallel_loop3A_2140, %parallel_loop3A_2143 : i32
        %parallel_loop3A_2145 = arith.constant 0 : i32
        %parallel_loop3A_2146 = arith.cmpi slt, %parallel_loop3A_2139, %parallel_loop3A_2145 : i32
        %parallel_loop3A_2147 = arith.xori %parallel_loop3A_2144, %parallel_loop3A_2146 : i1
        %parallel_loop3A_2148 = arith.andi %parallel_loop3A_2147, %parallel_loop3A_2142 : i1
        %parallel_loop3A_2149 = arith.addi %parallel_loop3A_2140, %parallel_loop3A_2139 : i32
        %parallel_loop3A_2150 = arith.select %parallel_loop3A_2148, %parallel_loop3A_2149, %parallel_loop3A_2140 : i32
        %parallel_loop3A_2151 = arith.constant 16 : i32
        %parallel_loop3A_2152 = arith.muli %parallel_loop3A_138, %parallel_loop3A_2151 : i32
        %parallel_loop3A_2153 = arith.constant 8 : i32
        %parallel_loop3A_2154 = arith.addi %parallel_loop3A_2152, %parallel_loop3A_2153 : i32
        %parallel_loop3A_2155 = arith.index_cast %parallel_loop3A_2150 : i32 to index
        %parallel_loop3A_2156 = arith.index_cast %parallel_loop3A_2154 : i32 to index
        %parallel_loop3A_2157 = arith.constant 32 : index
        %parallel_loop3A_2158 = tpu.vector_load %arg6[%parallel_loop3A_2155, %parallel_loop3A_2156, %parallel_loop3A_2157] {strides = array<i32>} : memref<2x256x128xf32, #tpu.memory_space<vmem>>, vector<1x1x16xf32>,
        %parallel_loop3A_2159 = vector.shape_cast %parallel_loop3A_2158 : vector<1x1x16xf32> to vector<16xf32>
        %parallel_loop3A_2160 = arith.constant 2 : i32
        %parallel_loop3A_2161 = arith.constant 0 : i32
        %parallel_loop3A_2162 = arith.cmpi eq, %parallel_loop3A_2160, %parallel_loop3A_2161 : i32
        %parallel_loop3A_2163 = arith.constant 1 : i32
        %parallel_loop3A_2164 = arith.select %parallel_loop3A_2162, %parallel_loop3A_2163, %parallel_loop3A_2160 : i32
        %parallel_loop3A_2165 = arith.remsi %scan3A_100, %parallel_loop3A_2164 : i32
        %parallel_loop3A_2166 = arith.constant 0 : i32
        %parallel_loop3A_2167 = arith.cmpi ne, %parallel_loop3A_2165, %parallel_loop3A_2166 : i32
        %parallel_loop3A_2168 = arith.constant 0 : i32
        %parallel_loop3A_2169 = arith.cmpi slt, %parallel_loop3A_2165, %parallel_loop3A_2168 : i32
        %parallel_loop3A_2170 = arith.constant 0 : i32
        %parallel_loop3A_2171 = arith.cmpi slt, %parallel_loop3A_2164, %parallel_loop3A_2170 : i32
        %parallel_loop3A_2172 = arith.xori %parallel_loop3A_2169, %parallel_loop3A_2171 : i1
        %parallel_loop3A_2173 = arith.andi %parallel_loop3A_2172, %parallel_loop3A_2167 : i1
        %parallel_loop3A_2174 = arith.addi %parallel_loop3A_2165, %parallel_loop3A_2164 : i32
        %parallel_loop3A_2175 = arith.select %parallel_loop3A_2173, %parallel_loop3A_2174, %parallel_loop3A_2165 : i32
        %parallel_loop3A_2176 = arith.constant 16 : i32
        %parallel_loop3A_2177 = arith.muli %parallel_loop3A_138, %parallel_loop3A_2176 : i32
        %parallel_loop3A_2178 = arith.constant 8 : i32
        %parallel_loop3A_2179 = arith.addi %parallel_loop3A_2177, %parallel_loop3A_2178 : i32
        %parallel_loop3A_2180 = arith.index_cast %parallel_loop3A_2175 : i32 to index
        %parallel_loop3A_2181 = arith.index_cast %parallel_loop3A_2179 : i32 to index
        %parallel_loop3A_2182 = arith.constant 48 : index
        %parallel_loop3A_2183 = tpu.vector_load %arg6[%parallel_loop3A_2180, %parallel_loop3A_2181, %parallel_loop3A_2182] {strides = array<i32>} : memref<2x256x128xf32, #tpu.memory_space<vmem>>, vector<1x1x16xf32>,
        %parallel_loop3A_2184 = vector.shape_cast %parallel_loop3A_2183 : vector<1x1x16xf32> to vector<16xf32>
        %parallel_loop3A_2185 = arith.constant 2 : i32
        %parallel_loop3A_2186 = arith.constant 0 : i32
        %parallel_loop3A_2187 = arith.cmpi eq, %parallel_loop3A_2185, %parallel_loop3A_2186 : i32
        %parallel_loop3A_2188 = arith.constant 1 : i32
        %parallel_loop3A_2189 = arith.select %parallel_loop3A_2187, %parallel_loop3A_2188, %parallel_loop3A_2185 : i32
        %parallel_loop3A_2190 = arith.remsi %scan3A_100, %parallel_loop3A_2189 : i32
        %parallel_loop3A_2191 = arith.constant 0 : i32
        %parallel_loop3A_2192 = arith.cmpi ne, %parallel_loop3A_2190, %parallel_loop3A_2191 : i32
        %parallel_loop3A_2193 = arith.constant 0 : i32
        %parallel_loop3A_2194 = arith.cmpi slt, %parallel_loop3A_2190, %parallel_loop3A_2193 : i32
        %parallel_loop3A_2195 = arith.constant 0 : i32
        %parallel_loop3A_2196 = arith.cmpi slt, %parallel_loop3A_2189, %parallel_loop3A_2195 : i32
        %parallel_loop3A_2197 = arith.xori %parallel_loop3A_2194, %parallel_loop3A_2196 : i1
        %parallel_loop3A_2198 = arith.andi %parallel_loop3A_2197, %parallel_loop3A_2192 : i1
        %parallel_loop3A_2199 = arith.addi %parallel_loop3A_2190, %parallel_loop3A_2189 : i32
        %parallel_loop3A_2200 = arith.select %parallel_loop3A_2198, %parallel_loop3A_2199, %parallel_loop3A_2190 : i32
        %parallel_loop3A_2201 = arith.constant 16 : i32
        %parallel_loop3A_2202 = arith.muli %parallel_loop3A_138, %parallel_loop3A_2201 : i32
        %parallel_loop3A_2203 = arith.constant 8 : i32
        %parallel_loop3A_2204 = arith.addi %parallel_loop3A_2202, %parallel_loop3A_2203 : i32
        %parallel_loop3A_2205 = arith.index_cast %parallel_loop3A_2200 : i32 to index
        %parallel_loop3A_2206 = arith.index_cast %parallel_loop3A_2204 : i32 to index
        %parallel_loop3A_2207 = arith.constant 64 : index
        %parallel_loop3A_2208 = tpu.vector_load %arg6[%parallel_loop3A_2205, %parallel_loop3A_2206, %parallel_loop3A_2207] {strides = array<i32>} : memref<2x256x128xf32, #tpu.memory_space<vmem>>, vector<1x1x16xf32>,
        %parallel_loop3A_2209 = vector.shape_cast %parallel_loop3A_2208 : vector<1x1x16xf32> to vector<16xf32>
        %parallel_loop3A_2210 = arith.constant 2 : i32
        %parallel_loop3A_2211 = arith.constant 0 : i32
        %parallel_loop3A_2212 = arith.cmpi eq, %parallel_loop3A_2210, %parallel_loop3A_2211 : i32
        %parallel_loop3A_2213 = arith.constant 1 : i32
        %parallel_loop3A_2214 = arith.select %parallel_loop3A_2212, %parallel_loop3A_2213, %parallel_loop3A_2210 : i32
        %parallel_loop3A_2215 = arith.remsi %scan3A_100, %parallel_loop3A_2214 : i32
        %parallel_loop3A_2216 = arith.constant 0 : i32
        %parallel_loop3A_2217 = arith.cmpi ne, %parallel_loop3A_2215, %parallel_loop3A_2216 : i32
        %parallel_loop3A_2218 = arith.constant 0 : i32
        %parallel_loop3A_2219 = arith.cmpi slt, %parallel_loop3A_2215, %parallel_loop3A_2218 : i32
        %parallel_loop3A_2220 = arith.constant 0 : i32
        %parallel_loop3A_2221 = arith.cmpi slt, %parallel_loop3A_2214, %parallel_loop3A_2220 : i32
        %parallel_loop3A_2222 = arith.xori %parallel_loop3A_2219, %parallel_loop3A_2221 : i1
        %parallel_loop3A_2223 = arith.andi %parallel_loop3A_2222, %parallel_loop3A_2217 : i1
        %parallel_loop3A_2224 = arith.addi %parallel_loop3A_2215, %parallel_loop3A_2214 : i32
        %parallel_loop3A_2225 = arith.select %parallel_loop3A_2223, %parallel_loop3A_2224, %parallel_loop3A_2215 : i32
        %parallel_loop3A_2226 = arith.constant 16 : i32
        %parallel_loop3A_2227 = arith.muli %parallel_loop3A_138, %parallel_loop3A_2226 : i32
        %parallel_loop3A_2228 = arith.constant 8 : i32
        %parallel_loop3A_2229 = arith.addi %parallel_loop3A_2227, %parallel_loop3A_2228 : i32
        %parallel_loop3A_2230 = arith.index_cast %parallel_loop3A_2225 : i32 to index
        %parallel_loop3A_2231 = arith.index_cast %parallel_loop3A_2229 : i32 to index
        %parallel_loop3A_2232 = arith.constant 80 : index
        %parallel_loop3A_2233 = tpu.vector_load %arg6[%parallel_loop3A_2230, %parallel_loop3A_2231, %parallel_loop3A_2232] {strides = array<i32>} : memref<2x256x128xf32, #tpu.memory_space<vmem>>, vector<1x1x16xf32>,
        %parallel_loop3A_2234 = vector.shape_cast %parallel_loop3A_2233 : vector<1x1x16xf32> to vector<16xf32>
        %parallel_loop3A_2235 = arith.constant 2 : i32
        %parallel_loop3A_2236 = arith.constant 0 : i32
        %parallel_loop3A_2237 = arith.cmpi eq, %parallel_loop3A_2235, %parallel_loop3A_2236 : i32
        %parallel_loop3A_2238 = arith.constant 1 : i32
        %parallel_loop3A_2239 = arith.select %parallel_loop3A_2237, %parallel_loop3A_2238, %parallel_loop3A_2235 : i32
        %parallel_loop3A_2240 = arith.remsi %scan3A_100, %parallel_loop3A_2239 : i32
        %parallel_loop3A_2241 = arith.constant 0 : i32
        %parallel_loop3A_2242 = arith.cmpi ne, %parallel_loop3A_2240, %parallel_loop3A_2241 : i32
        %parallel_loop3A_2243 = arith.constant 0 : i32
        %parallel_loop3A_2244 = arith.cmpi slt, %parallel_loop3A_2240, %parallel_loop3A_2243 : i32
        %parallel_loop3A_2245 = arith.constant 0 : i32
        %parallel_loop3A_2246 = arith.cmpi slt, %parallel_loop3A_2239, %parallel_loop3A_2245 : i32
        %parallel_loop3A_2247 = arith.xori %parallel_loop3A_2244, %parallel_loop3A_2246 : i1
        %parallel_loop3A_2248 = arith.andi %parallel_loop3A_2247, %parallel_loop3A_2242 : i1
        %parallel_loop3A_2249 = arith.addi %parallel_loop3A_2240, %parallel_loop3A_2239 : i32
        %parallel_loop3A_2250 = arith.select %parallel_loop3A_2248, %parallel_loop3A_2249, %parallel_loop3A_2240 : i32
        %parallel_loop3A_2251 = arith.constant 16 : i32
        %parallel_loop3A_2252 = arith.muli %parallel_loop3A_138, %parallel_loop3A_2251 : i32
        %parallel_loop3A_2253 = arith.constant 8 : i32
        %parallel_loop3A_2254 = arith.addi %parallel_loop3A_2252, %parallel_loop3A_2253 : i32
        %parallel_loop3A_2255 = arith.index_cast %parallel_loop3A_2250 : i32 to index
        %parallel_loop3A_2256 = arith.index_cast %parallel_loop3A_2254 : i32 to index
        %parallel_loop3A_2257 = arith.constant 96 : index
        %parallel_loop3A_2258 = tpu.vector_load %arg6[%parallel_loop3A_2255, %parallel_loop3A_2256, %parallel_loop3A_2257] {strides = array<i32>} : memref<2x256x128xf32, #tpu.memory_space<vmem>>, vector<1x1x16xf32>,
        %parallel_loop3A_2259 = vector.shape_cast %parallel_loop3A_2258 : vector<1x1x16xf32> to vector<16xf32>
        %parallel_loop3A_2260 = arith.constant 2 : i32
        %parallel_loop3A_2261 = arith.constant 0 : i32
        %parallel_loop3A_2262 = arith.cmpi eq, %parallel_loop3A_2260, %parallel_loop3A_2261 : i32
        %parallel_loop3A_2263 = arith.constant 1 : i32
        %parallel_loop3A_2264 = arith.select %parallel_loop3A_2262, %parallel_loop3A_2263, %parallel_loop3A_2260 : i32
        %parallel_loop3A_2265 = arith.remsi %scan3A_100, %parallel_loop3A_2264 : i32
        %parallel_loop3A_2266 = arith.constant 0 : i32
        %parallel_loop3A_2267 = arith.cmpi ne, %parallel_loop3A_2265, %parallel_loop3A_2266 : i32
        %parallel_loop3A_2268 = arith.constant 0 : i32
        %parallel_loop3A_2269 = arith.cmpi slt, %parallel_loop3A_2265, %parallel_loop3A_2268 : i32
        %parallel_loop3A_2270 = arith.constant 0 : i32
        %parallel_loop3A_2271 = arith.cmpi slt, %parallel_loop3A_2264, %parallel_loop3A_2270 : i32
        %parallel_loop3A_2272 = arith.xori %parallel_loop3A_2269, %parallel_loop3A_2271 : i1
        %parallel_loop3A_2273 = arith.andi %parallel_loop3A_2272, %parallel_loop3A_2267 : i1
        %parallel_loop3A_2274 = arith.addi %parallel_loop3A_2265, %parallel_loop3A_2264 : i32
        %parallel_loop3A_2275 = arith.select %parallel_loop3A_2273, %parallel_loop3A_2274, %parallel_loop3A_2265 : i32
        %parallel_loop3A_2276 = arith.constant 16 : i32
        %parallel_loop3A_2277 = arith.muli %parallel_loop3A_138, %parallel_loop3A_2276 : i32
        %parallel_loop3A_2278 = arith.constant 8 : i32
        %parallel_loop3A_2279 = arith.addi %parallel_loop3A_2277, %parallel_loop3A_2278 : i32
        %parallel_loop3A_2280 = arith.index_cast %parallel_loop3A_2275 : i32 to index
        %parallel_loop3A_2281 = arith.index_cast %parallel_loop3A_2279 : i32 to index
        %parallel_loop3A_2282 = arith.constant 112 : index
        %parallel_loop3A_2283 = tpu.vector_load %arg6[%parallel_loop3A_2280, %parallel_loop3A_2281, %parallel_loop3A_2282] {strides = array<i32>} : memref<2x256x128xf32, #tpu.memory_space<vmem>>, vector<1x1x16xf32>,
        %parallel_loop3A_2284 = vector.shape_cast %parallel_loop3A_2283 : vector<1x1x16xf32> to vector<16xf32>
        %parallel_loop3A_2285 = arith.index_cast %parallel_loop3A_2084 : i32 to index
        %parallel_loop3A_2286 = arith.constant 0 : index
        %parallel_loop3A_2287 = tpu.vector_load %arg7[%parallel_loop3A_2285, %parallel_loop3A_2286] {strides = array<i32>} : memref<128x128xf32, #tpu.memory_space<vmem>>, vector<1x16xf32>,
        %parallel_loop3A_2288 = vector.shape_cast %parallel_loop3A_2287 : vector<1x16xf32> to vector<16xf32>
        %parallel_loop3A_2289 = vector.shape_cast %parallel_loop3A_2109 : vector<16xf32> to vector<1x16xf32>
        tpu.vector_store %arg7[%parallel_loop3A_2285, %parallel_loop3A_2286], %parallel_loop3A_2289 {add = true, strides = array<i32>} : memref<128x128xf32, #tpu.memory_space<vmem>>, vector<1x16xf32>,
        %parallel_loop3A_2290 = arith.index_cast %parallel_loop3A_2084 : i32 to index
        %parallel_loop3A_2291 = arith.constant 16 : index
        %parallel_loop3A_2292 = tpu.vector_load %arg7[%parallel_loop3A_2290, %parallel_loop3A_2291] {strides = array<i32>} : memref<128x128xf32, #tpu.memory_space<vmem>>, vector<1x16xf32>,
        %parallel_loop3A_2293 = vector.shape_cast %parallel_loop3A_2292 : vector<1x16xf32> to vector<16xf32>
        %parallel_loop3A_2294 = vector.shape_cast %parallel_loop3A_2134 : vector<16xf32> to vector<1x16xf32>
        tpu.vector_store %arg7[%parallel_loop3A_2290, %parallel_loop3A_2291], %parallel_loop3A_2294 {add = true, strides = array<i32>} : memref<128x128xf32, #tpu.memory_space<vmem>>, vector<1x16xf32>,
        %parallel_loop3A_2295 = arith.index_cast %parallel_loop3A_2084 : i32 to index
        %parallel_loop3A_2296 = arith.constant 32 : index
        %parallel_loop3A_2297 = tpu.vector_load %arg7[%parallel_loop3A_2295, %parallel_loop3A_2296] {strides = array<i32>} : memref<128x128xf32, #tpu.memory_space<vmem>>, vector<1x16xf32>,
        %parallel_loop3A_2298 = vector.shape_cast %parallel_loop3A_2297 : vector<1x16xf32> to vector<16xf32>
        %parallel_loop3A_2299 = vector.shape_cast %parallel_loop3A_2159 : vector<16xf32> to vector<1x16xf32>
        tpu.vector_store %arg7[%parallel_loop3A_2295, %parallel_loop3A_2296], %parallel_loop3A_2299 {add = true, strides = array<i32>} : memref<128x128xf32, #tpu.memory_space<vmem>>, vector<1x16xf32>,
        %parallel_loop3A_2300 = arith.index_cast %parallel_loop3A_2084 : i32 to index
        %parallel_loop3A_2301 = arith.constant 48 : index
        %parallel_loop3A_2302 = tpu.vector_load %arg7[%parallel_loop3A_2300, %parallel_loop3A_2301] {strides = array<i32>} : memref<128x128xf32, #tpu.memory_space<vmem>>, vector<1x16xf32>,
        %parallel_loop3A_2303 = vector.shape_cast %parallel_loop3A_2302 : vector<1x16xf32> to vector<16xf32>
        %parallel_loop3A_2304 = vector.shape_cast %parallel_loop3A_2184 : vector<16xf32> to vector<1x16xf32>
        tpu.vector_store %arg7[%parallel_loop3A_2300, %parallel_loop3A_2301], %parallel_loop3A_2304 {add = true, strides = array<i32>} : memref<128x128xf32, #tpu.memory_space<vmem>>, vector<1x16xf32>,
        %parallel_loop3A_2305 = arith.index_cast %parallel_loop3A_2084 : i32 to index
        %parallel_loop3A_2306 = arith.constant 64 : index
        %parallel_loop3A_2307 = tpu.vector_load %arg7[%parallel_loop3A_2305, %parallel_loop3A_2306] {strides = array<i32>} : memref<128x128xf32, #tpu.memory_space<vmem>>, vector<1x16xf32>,
        %parallel_loop3A_2308 = vector.shape_cast %parallel_loop3A_2307 : vector<1x16xf32> to vector<16xf32>
        %parallel_loop3A_2309 = vector.shape_cast %parallel_loop3A_2209 : vector<16xf32> to vector<1x16xf32>
        tpu.vector_store %arg7[%parallel_loop3A_2305, %parallel_loop3A_2306], %parallel_loop3A_2309 {add = true, strides = array<i32>} : memref<128x128xf32, #tpu.memory_space<vmem>>, vector<1x16xf32>,
        %parallel_loop3A_2310 = arith.index_cast %parallel_loop3A_2084 : i32 to index
        %parallel_loop3A_2311 = arith.constant 80 : index
        %parallel_loop3A_2312 = tpu.vector_load %arg7[%parallel_loop3A_2310, %parallel_loop3A_2311] {strides = array<i32>} : memref<128x128xf32, #tpu.memory_space<vmem>>, vector<1x16xf32>,
        %parallel_loop3A_2313 = vector.shape_cast %parallel_loop3A_2312 : vector<1x16xf32> to vector<16xf32>
        %parallel_loop3A_2314 = vector.shape_cast %parallel_loop3A_2234 : vector<16xf32> to vector<1x16xf32>
        tpu.vector_store %arg7[%parallel_loop3A_2310, %parallel_loop3A_2311], %parallel_loop3A_2314 {add = true, strides = array<i32>} : memref<128x128xf32, #tpu.memory_space<vmem>>, vector<1x16xf32>,
        %parallel_loop3A_2315 = arith.index_cast %parallel_loop3A_2084 : i32 to index
        %parallel_loop3A_2316 = arith.constant 96 : index
        %parallel_loop3A_2317 = tpu.vector_load %arg7[%parallel_loop3A_2315, %parallel_loop3A_2316] {strides = array<i32>} : memref<128x128xf32, #tpu.memory_space<vmem>>, vector<1x16xf32>,
        %parallel_loop3A_2318 = vector.shape_cast %parallel_loop3A_2317 : vector<1x16xf32> to vector<16xf32>
        %parallel_loop3A_2319 = vector.shape_cast %parallel_loop3A_2259 : vector<16xf32> to vector<1x16xf32>
        tpu.vector_store %arg7[%parallel_loop3A_2315, %parallel_loop3A_2316], %parallel_loop3A_2319 {add = true, strides = array<i32>} : memref<128x128xf32, #tpu.memory_space<vmem>>, vector<1x16xf32>,
        %parallel_loop3A_2320 = arith.index_cast %parallel_loop3A_2084 : i32 to index
        %parallel_loop3A_2321 = arith.constant 112 : index
        %parallel_loop3A_2322 = tpu.vector_load %arg7[%parallel_loop3A_2320, %parallel_loop3A_2321] {strides = array<i32>} : memref<128x128xf32, #tpu.memory_space<vmem>>, vector<1x16xf32>,
        %parallel_loop3A_2323 = vector.shape_cast %parallel_loop3A_2322 : vector<1x16xf32> to vector<16xf32>
        %parallel_loop3A_2324 = vector.shape_cast %parallel_loop3A_2284 : vector<16xf32> to vector<1x16xf32>
        tpu.vector_store %arg7[%parallel_loop3A_2320, %parallel_loop3A_2321], %parallel_loop3A_2324 {add = true, strides = array<i32>} : memref<128x128xf32, #tpu.memory_space<vmem>>, vector<1x16xf32>,
        %parallel_loop3A_2325 = vector.extract_strided_slice %parallel_loop3A_146 {offsets = [9], sizes = [1], strides = [1]} : vector<16xi32> to vector<1xi32>
        %parallel_loop3A_2326 = vector.extract %parallel_loop3A_2325[0] : i32 from vector<1xi32>
        %parallel_loop3A_2327 = arith.constant 2 : i32
        %parallel_loop3A_2328 = arith.constant 0 : i32
        %parallel_loop3A_2329 = arith.cmpi eq, %parallel_loop3A_2327, %parallel_loop3A_2328 : i32
        %parallel_loop3A_2330 = arith.constant 1 : i32
        %parallel_loop3A_2331 = arith.select %parallel_loop3A_2329, %parallel_loop3A_2330, %parallel_loop3A_2327 : i32
        %parallel_loop3A_2332 = arith.remsi %scan3A_100, %parallel_loop3A_2331 : i32
        %parallel_loop3A_2333 = arith.constant 0 : i32
        %parallel_loop3A_2334 = arith.cmpi ne, %parallel_loop3A_2332, %parallel_loop3A_2333 : i32
        %parallel_loop3A_2335 = arith.constant 0 : i32
        %parallel_loop3A_2336 = arith.cmpi slt, %parallel_loop3A_2332, %parallel_loop3A_2335 : i32
        %parallel_loop3A_2337 = arith.constant 0 : i32
        %parallel_loop3A_2338 = arith.cmpi slt, %parallel_loop3A_2331, %parallel_loop3A_2337 : i32
        %parallel_loop3A_2339 = arith.xori %parallel_loop3A_2336, %parallel_loop3A_2338 : i1
        %parallel_loop3A_2340 = arith.andi %parallel_loop3A_2339, %parallel_loop3A_2334 : i1
        %parallel_loop3A_2341 = arith.addi %parallel_loop3A_2332, %parallel_loop3A_2331 : i32
        %parallel_loop3A_2342 = arith.select %parallel_loop3A_2340, %parallel_loop3A_2341, %parallel_loop3A_2332 : i32
        %parallel_loop3A_2343 = arith.constant 16 : i32
        %parallel_loop3A_2344 = arith.muli %parallel_loop3A_138, %parallel_loop3A_2343 : i32
        %parallel_loop3A_2345 = arith.constant 9 : i32
        %parallel_loop3A_2346 = arith.addi %parallel_loop3A_2344, %parallel_loop3A_2345 : i32
        %parallel_loop3A_2347 = arith.index_cast %parallel_loop3A_2342 : i32 to index
        %parallel_loop3A_2348 = arith.index_cast %parallel_loop3A_2346 : i32 to index
        %parallel_loop3A_2349 = arith.constant 0 : index
        %parallel_loop3A_2350 = tpu.vector_load %arg6[%parallel_loop3A_2347, %parallel_loop3A_2348, %parallel_loop3A_2349] {strides = array<i32>} : memref<2x256x128xf32, #tpu.memory_space<vmem>>, vector<1x1x16xf32>,
        %parallel_loop3A_2351 = vector.shape_cast %parallel_loop3A_2350 : vector<1x1x16xf32> to vector<16xf32>
        %parallel_loop3A_2352 = arith.constant 2 : i32
        %parallel_loop3A_2353 = arith.constant 0 : i32
        %parallel_loop3A_2354 = arith.cmpi eq, %parallel_loop3A_2352, %parallel_loop3A_2353 : i32
        %parallel_loop3A_2355 = arith.constant 1 : i32
        %parallel_loop3A_2356 = arith.select %parallel_loop3A_2354, %parallel_loop3A_2355, %parallel_loop3A_2352 : i32
        %parallel_loop3A_2357 = arith.remsi %scan3A_100, %parallel_loop3A_2356 : i32
        %parallel_loop3A_2358 = arith.constant 0 : i32
        %parallel_loop3A_2359 = arith.cmpi ne, %parallel_loop3A_2357, %parallel_loop3A_2358 : i32
        %parallel_loop3A_2360 = arith.constant 0 : i32
        %parallel_loop3A_2361 = arith.cmpi slt, %parallel_loop3A_2357, %parallel_loop3A_2360 : i32
        %parallel_loop3A_2362 = arith.constant 0 : i32
        %parallel_loop3A_2363 = arith.cmpi slt, %parallel_loop3A_2356, %parallel_loop3A_2362 : i32
        %parallel_loop3A_2364 = arith.xori %parallel_loop3A_2361, %parallel_loop3A_2363 : i1
        %parallel_loop3A_2365 = arith.andi %parallel_loop3A_2364, %parallel_loop3A_2359 : i1
        %parallel_loop3A_2366 = arith.addi %parallel_loop3A_2357, %parallel_loop3A_2356 : i32
        %parallel_loop3A_2367 = arith.select %parallel_loop3A_2365, %parallel_loop3A_2366, %parallel_loop3A_2357 : i32
        %parallel_loop3A_2368 = arith.constant 16 : i32
        %parallel_loop3A_2369 = arith.muli %parallel_loop3A_138, %parallel_loop3A_2368 : i32
        %parallel_loop3A_2370 = arith.constant 9 : i32
        %parallel_loop3A_2371 = arith.addi %parallel_loop3A_2369, %parallel_loop3A_2370 : i32
        %parallel_loop3A_2372 = arith.index_cast %parallel_loop3A_2367 : i32 to index
        %parallel_loop3A_2373 = arith.index_cast %parallel_loop3A_2371 : i32 to index
        %parallel_loop3A_2374 = arith.constant 16 : index
        %parallel_loop3A_2375 = tpu.vector_load %arg6[%parallel_loop3A_2372, %parallel_loop3A_2373, %parallel_loop3A_2374] {strides = array<i32>} : memref<2x256x128xf32, #tpu.memory_space<vmem>>, vector<1x1x16xf32>,
        %parallel_loop3A_2376 = vector.shape_cast %parallel_loop3A_2375 : vector<1x1x16xf32> to vector<16xf32>
        %parallel_loop3A_2377 = arith.constant 2 : i32
        %parallel_loop3A_2378 = arith.constant 0 : i32
        %parallel_loop3A_2379 = arith.cmpi eq, %parallel_loop3A_2377, %parallel_loop3A_2378 : i32
        %parallel_loop3A_2380 = arith.constant 1 : i32
        %parallel_loop3A_2381 = arith.select %parallel_loop3A_2379, %parallel_loop3A_2380, %parallel_loop3A_2377 : i32
        %parallel_loop3A_2382 = arith.remsi %scan3A_100, %parallel_loop3A_2381 : i32
        %parallel_loop3A_2383 = arith.constant 0 : i32
        %parallel_loop3A_2384 = arith.cmpi ne, %parallel_loop3A_2382, %parallel_loop3A_2383 : i32
        %parallel_loop3A_2385 = arith.constant 0 : i32
        %parallel_loop3A_2386 = arith.cmpi slt, %parallel_loop3A_2382, %parallel_loop3A_2385 : i32
        %parallel_loop3A_2387 = arith.constant 0 : i32
        %parallel_loop3A_2388 = arith.cmpi slt, %parallel_loop3A_2381, %parallel_loop3A_2387 : i32
        %parallel_loop3A_2389 = arith.xori %parallel_loop3A_2386, %parallel_loop3A_2388 : i1
        %parallel_loop3A_2390 = arith.andi %parallel_loop3A_2389, %parallel_loop3A_2384 : i1
        %parallel_loop3A_2391 = arith.addi %parallel_loop3A_2382, %parallel_loop3A_2381 : i32
        %parallel_loop3A_2392 = arith.select %parallel_loop3A_2390, %parallel_loop3A_2391, %parallel_loop3A_2382 : i32
        %parallel_loop3A_2393 = arith.constant 16 : i32
        %parallel_loop3A_2394 = arith.muli %parallel_loop3A_138, %parallel_loop3A_2393 : i32
        %parallel_loop3A_2395 = arith.constant 9 : i32
        %parallel_loop3A_2396 = arith.addi %parallel_loop3A_2394, %parallel_loop3A_2395 : i32
        %parallel_loop3A_2397 = arith.index_cast %parallel_loop3A_2392 : i32 to index
        %parallel_loop3A_2398 = arith.index_cast %parallel_loop3A_2396 : i32 to index
        %parallel_loop3A_2399 = arith.constant 32 : index
        %parallel_loop3A_2400 = tpu.vector_load %arg6[%parallel_loop3A_2397, %parallel_loop3A_2398, %parallel_loop3A_2399] {strides = array<i32>} : memref<2x256x128xf32, #tpu.memory_space<vmem>>, vector<1x1x16xf32>,
        %parallel_loop3A_2401 = vector.shape_cast %parallel_loop3A_2400 : vector<1x1x16xf32> to vector<16xf32>
        %parallel_loop3A_2402 = arith.constant 2 : i32
        %parallel_loop3A_2403 = arith.constant 0 : i32
        %parallel_loop3A_2404 = arith.cmpi eq, %parallel_loop3A_2402, %parallel_loop3A_2403 : i32
        %parallel_loop3A_2405 = arith.constant 1 : i32
        %parallel_loop3A_2406 = arith.select %parallel_loop3A_2404, %parallel_loop3A_2405, %parallel_loop3A_2402 : i32
        %parallel_loop3A_2407 = arith.remsi %scan3A_100, %parallel_loop3A_2406 : i32
        %parallel_loop3A_2408 = arith.constant 0 : i32
        %parallel_loop3A_2409 = arith.cmpi ne, %parallel_loop3A_2407, %parallel_loop3A_2408 : i32
        %parallel_loop3A_2410 = arith.constant 0 : i32
        %parallel_loop3A_2411 = arith.cmpi slt, %parallel_loop3A_2407, %parallel_loop3A_2410 : i32
        %parallel_loop3A_2412 = arith.constant 0 : i32
        %parallel_loop3A_2413 = arith.cmpi slt, %parallel_loop3A_2406, %parallel_loop3A_2412 : i32
        %parallel_loop3A_2414 = arith.xori %parallel_loop3A_2411, %parallel_loop3A_2413 : i1
        %parallel_loop3A_2415 = arith.andi %parallel_loop3A_2414, %parallel_loop3A_2409 : i1
        %parallel_loop3A_2416 = arith.addi %parallel_loop3A_2407, %parallel_loop3A_2406 : i32
        %parallel_loop3A_2417 = arith.select %parallel_loop3A_2415, %parallel_loop3A_2416, %parallel_loop3A_2407 : i32
        %parallel_loop3A_2418 = arith.constant 16 : i32
        %parallel_loop3A_2419 = arith.muli %parallel_loop3A_138, %parallel_loop3A_2418 : i32
        %parallel_loop3A_2420 = arith.constant 9 : i32
        %parallel_loop3A_2421 = arith.addi %parallel_loop3A_2419, %parallel_loop3A_2420 : i32
        %parallel_loop3A_2422 = arith.index_cast %parallel_loop3A_2417 : i32 to index
        %parallel_loop3A_2423 = arith.index_cast %parallel_loop3A_2421 : i32 to index
        %parallel_loop3A_2424 = arith.constant 48 : index
        %parallel_loop3A_2425 = tpu.vector_load %arg6[%parallel_loop3A_2422, %parallel_loop3A_2423, %parallel_loop3A_2424] {strides = array<i32>} : memref<2x256x128xf32, #tpu.memory_space<vmem>>, vector<1x1x16xf32>,
        %parallel_loop3A_2426 = vector.shape_cast %parallel_loop3A_2425 : vector<1x1x16xf32> to vector<16xf32>
        %parallel_loop3A_2427 = arith.constant 2 : i32
        %parallel_loop3A_2428 = arith.constant 0 : i32
        %parallel_loop3A_2429 = arith.cmpi eq, %parallel_loop3A_2427, %parallel_loop3A_2428 : i32
        %parallel_loop3A_2430 = arith.constant 1 : i32
        %parallel_loop3A_2431 = arith.select %parallel_loop3A_2429, %parallel_loop3A_2430, %parallel_loop3A_2427 : i32
        %parallel_loop3A_2432 = arith.remsi %scan3A_100, %parallel_loop3A_2431 : i32
        %parallel_loop3A_2433 = arith.constant 0 : i32
        %parallel_loop3A_2434 = arith.cmpi ne, %parallel_loop3A_2432, %parallel_loop3A_2433 : i32
        %parallel_loop3A_2435 = arith.constant 0 : i32
        %parallel_loop3A_2436 = arith.cmpi slt, %parallel_loop3A_2432, %parallel_loop3A_2435 : i32
        %parallel_loop3A_2437 = arith.constant 0 : i32
        %parallel_loop3A_2438 = arith.cmpi slt, %parallel_loop3A_2431, %parallel_loop3A_2437 : i32
        %parallel_loop3A_2439 = arith.xori %parallel_loop3A_2436, %parallel_loop3A_2438 : i1
        %parallel_loop3A_2440 = arith.andi %parallel_loop3A_2439, %parallel_loop3A_2434 : i1
        %parallel_loop3A_2441 = arith.addi %parallel_loop3A_2432, %parallel_loop3A_2431 : i32
        %parallel_loop3A_2442 = arith.select %parallel_loop3A_2440, %parallel_loop3A_2441, %parallel_loop3A_2432 : i32
        %parallel_loop3A_2443 = arith.constant 16 : i32
        %parallel_loop3A_2444 = arith.muli %parallel_loop3A_138, %parallel_loop3A_2443 : i32
        %parallel_loop3A_2445 = arith.constant 9 : i32
        %parallel_loop3A_2446 = arith.addi %parallel_loop3A_2444, %parallel_loop3A_2445 : i32
        %parallel_loop3A_2447 = arith.index_cast %parallel_loop3A_2442 : i32 to index
        %parallel_loop3A_2448 = arith.index_cast %parallel_loop3A_2446 : i32 to index
        %parallel_loop3A_2449 = arith.constant 64 : index
        %parallel_loop3A_2450 = tpu.vector_load %arg6[%parallel_loop3A_2447, %parallel_loop3A_2448, %parallel_loop3A_2449] {strides = array<i32>} : memref<2x256x128xf32, #tpu.memory_space<vmem>>, vector<1x1x16xf32>,
        %parallel_loop3A_2451 = vector.shape_cast %parallel_loop3A_2450 : vector<1x1x16xf32> to vector<16xf32>
        %parallel_loop3A_2452 = arith.constant 2 : i32
        %parallel_loop3A_2453 = arith.constant 0 : i32
        %parallel_loop3A_2454 = arith.cmpi eq, %parallel_loop3A_2452, %parallel_loop3A_2453 : i32
        %parallel_loop3A_2455 = arith.constant 1 : i32
        %parallel_loop3A_2456 = arith.select %parallel_loop3A_2454, %parallel_loop3A_2455, %parallel_loop3A_2452 : i32
        %parallel_loop3A_2457 = arith.remsi %scan3A_100, %parallel_loop3A_2456 : i32
        %parallel_loop3A_2458 = arith.constant 0 : i32
        %parallel_loop3A_2459 = arith.cmpi ne, %parallel_loop3A_2457, %parallel_loop3A_2458 : i32
        %parallel_loop3A_2460 = arith.constant 0 : i32
        %parallel_loop3A_2461 = arith.cmpi slt, %parallel_loop3A_2457, %parallel_loop3A_2460 : i32
        %parallel_loop3A_2462 = arith.constant 0 : i32
        %parallel_loop3A_2463 = arith.cmpi slt, %parallel_loop3A_2456, %parallel_loop3A_2462 : i32
        %parallel_loop3A_2464 = arith.xori %parallel_loop3A_2461, %parallel_loop3A_2463 : i1
        %parallel_loop3A_2465 = arith.andi %parallel_loop3A_2464, %parallel_loop3A_2459 : i1
        %parallel_loop3A_2466 = arith.addi %parallel_loop3A_2457, %parallel_loop3A_2456 : i32
        %parallel_loop3A_2467 = arith.select %parallel_loop3A_2465, %parallel_loop3A_2466, %parallel_loop3A_2457 : i32
        %parallel_loop3A_2468 = arith.constant 16 : i32
        %parallel_loop3A_2469 = arith.muli %parallel_loop3A_138, %parallel_loop3A_2468 : i32
        %parallel_loop3A_2470 = arith.constant 9 : i32
        %parallel_loop3A_2471 = arith.addi %parallel_loop3A_2469, %parallel_loop3A_2470 : i32
        %parallel_loop3A_2472 = arith.index_cast %parallel_loop3A_2467 : i32 to index
        %parallel_loop3A_2473 = arith.index_cast %parallel_loop3A_2471 : i32 to index
        %parallel_loop3A_2474 = arith.constant 80 : index
        %parallel_loop3A_2475 = tpu.vector_load %arg6[%parallel_loop3A_2472, %parallel_loop3A_2473, %parallel_loop3A_2474] {strides = array<i32>} : memref<2x256x128xf32, #tpu.memory_space<vmem>>, vector<1x1x16xf32>,
        %parallel_loop3A_2476 = vector.shape_cast %parallel_loop3A_2475 : vector<1x1x16xf32> to vector<16xf32>
        %parallel_loop3A_2477 = arith.constant 2 : i32
        %parallel_loop3A_2478 = arith.constant 0 : i32
        %parallel_loop3A_2479 = arith.cmpi eq, %parallel_loop3A_2477, %parallel_loop3A_2478 : i32
        %parallel_loop3A_2480 = arith.constant 1 : i32
        %parallel_loop3A_2481 = arith.select %parallel_loop3A_2479, %parallel_loop3A_2480, %parallel_loop3A_2477 : i32
        %parallel_loop3A_2482 = arith.remsi %scan3A_100, %parallel_loop3A_2481 : i32
        %parallel_loop3A_2483 = arith.constant 0 : i32
        %parallel_loop3A_2484 = arith.cmpi ne, %parallel_loop3A_2482, %parallel_loop3A_2483 : i32
        %parallel_loop3A_2485 = arith.constant 0 : i32
        %parallel_loop3A_2486 = arith.cmpi slt, %parallel_loop3A_2482, %parallel_loop3A_2485 : i32
        %parallel_loop3A_2487 = arith.constant 0 : i32
        %parallel_loop3A_2488 = arith.cmpi slt, %parallel_loop3A_2481, %parallel_loop3A_2487 : i32
        %parallel_loop3A_2489 = arith.xori %parallel_loop3A_2486, %parallel_loop3A_2488 : i1
        %parallel_loop3A_2490 = arith.andi %parallel_loop3A_2489, %parallel_loop3A_2484 : i1
        %parallel_loop3A_2491 = arith.addi %parallel_loop3A_2482, %parallel_loop3A_2481 : i32
        %parallel_loop3A_2492 = arith.select %parallel_loop3A_2490, %parallel_loop3A_2491, %parallel_loop3A_2482 : i32
        %parallel_loop3A_2493 = arith.constant 16 : i32
        %parallel_loop3A_2494 = arith.muli %parallel_loop3A_138, %parallel_loop3A_2493 : i32
        %parallel_loop3A_2495 = arith.constant 9 : i32
        %parallel_loop3A_2496 = arith.addi %parallel_loop3A_2494, %parallel_loop3A_2495 : i32
        %parallel_loop3A_2497 = arith.index_cast %parallel_loop3A_2492 : i32 to index
        %parallel_loop3A_2498 = arith.index_cast %parallel_loop3A_2496 : i32 to index
        %parallel_loop3A_2499 = arith.constant 96 : index
        %parallel_loop3A_2500 = tpu.vector_load %arg6[%parallel_loop3A_2497, %parallel_loop3A_2498, %parallel_loop3A_2499] {strides = array<i32>} : memref<2x256x128xf32, #tpu.memory_space<vmem>>, vector<1x1x16xf32>,
        %parallel_loop3A_2501 = vector.shape_cast %parallel_loop3A_2500 : vector<1x1x16xf32> to vector<16xf32>
        %parallel_loop3A_2502 = arith.constant 2 : i32
        %parallel_loop3A_2503 = arith.constant 0 : i32
        %parallel_loop3A_2504 = arith.cmpi eq, %parallel_loop3A_2502, %parallel_loop3A_2503 : i32
        %parallel_loop3A_2505 = arith.constant 1 : i32
        %parallel_loop3A_2506 = arith.select %parallel_loop3A_2504, %parallel_loop3A_2505, %parallel_loop3A_2502 : i32
        %parallel_loop3A_2507 = arith.remsi %scan3A_100, %parallel_loop3A_2506 : i32
        %parallel_loop3A_2508 = arith.constant 0 : i32
        %parallel_loop3A_2509 = arith.cmpi ne, %parallel_loop3A_2507, %parallel_loop3A_2508 : i32
        %parallel_loop3A_2510 = arith.constant 0 : i32
        %parallel_loop3A_2511 = arith.cmpi slt, %parallel_loop3A_2507, %parallel_loop3A_2510 : i32
        %parallel_loop3A_2512 = arith.constant 0 : i32
        %parallel_loop3A_2513 = arith.cmpi slt, %parallel_loop3A_2506, %parallel_loop3A_2512 : i32
        %parallel_loop3A_2514 = arith.xori %parallel_loop3A_2511, %parallel_loop3A_2513 : i1
        %parallel_loop3A_2515 = arith.andi %parallel_loop3A_2514, %parallel_loop3A_2509 : i1
        %parallel_loop3A_2516 = arith.addi %parallel_loop3A_2507, %parallel_loop3A_2506 : i32
        %parallel_loop3A_2517 = arith.select %parallel_loop3A_2515, %parallel_loop3A_2516, %parallel_loop3A_2507 : i32
        %parallel_loop3A_2518 = arith.constant 16 : i32
        %parallel_loop3A_2519 = arith.muli %parallel_loop3A_138, %parallel_loop3A_2518 : i32
        %parallel_loop3A_2520 = arith.constant 9 : i32
        %parallel_loop3A_2521 = arith.addi %parallel_loop3A_2519, %parallel_loop3A_2520 : i32
        %parallel_loop3A_2522 = arith.index_cast %parallel_loop3A_2517 : i32 to index
        %parallel_loop3A_2523 = arith.index_cast %parallel_loop3A_2521 : i32 to index
        %parallel_loop3A_2524 = arith.constant 112 : index
        %parallel_loop3A_2525 = tpu.vector_load %arg6[%parallel_loop3A_2522, %parallel_loop3A_2523, %parallel_loop3A_2524] {strides = array<i32>} : memref<2x256x128xf32, #tpu.memory_space<vmem>>, vector<1x1x16xf32>,
        %parallel_loop3A_2526 = vector.shape_cast %parallel_loop3A_2525 : vector<1x1x16xf32> to vector<16xf32>
        %parallel_loop3A_2527 = arith.index_cast %parallel_loop3A_2326 : i32 to index
        %parallel_loop3A_2528 = arith.constant 0 : index
        %parallel_loop3A_2529 = tpu.vector_load %arg7[%parallel_loop3A_2527, %parallel_loop3A_2528] {strides = array<i32>} : memref<128x128xf32, #tpu.memory_space<vmem>>, vector<1x16xf32>,
        %parallel_loop3A_2530 = vector.shape_cast %parallel_loop3A_2529 : vector<1x16xf32> to vector<16xf32>
        %parallel_loop3A_2531 = vector.shape_cast %parallel_loop3A_2351 : vector<16xf32> to vector<1x16xf32>
        tpu.vector_store %arg7[%parallel_loop3A_2527, %parallel_loop3A_2528], %parallel_loop3A_2531 {add = true, strides = array<i32>} : memref<128x128xf32, #tpu.memory_space<vmem>>, vector<1x16xf32>,
        %parallel_loop3A_2532 = arith.index_cast %parallel_loop3A_2326 : i32 to index
        %parallel_loop3A_2533 = arith.constant 16 : index
        %parallel_loop3A_2534 = tpu.vector_load %arg7[%parallel_loop3A_2532, %parallel_loop3A_2533] {strides = array<i32>} : memref<128x128xf32, #tpu.memory_space<vmem>>, vector<1x16xf32>,
        %parallel_loop3A_2535 = vector.shape_cast %parallel_loop3A_2534 : vector<1x16xf32> to vector<16xf32>
        %parallel_loop3A_2536 = vector.shape_cast %parallel_loop3A_2376 : vector<16xf32> to vector<1x16xf32>
        tpu.vector_store %arg7[%parallel_loop3A_2532, %parallel_loop3A_2533], %parallel_loop3A_2536 {add = true, strides = array<i32>} : memref<128x128xf32, #tpu.memory_space<vmem>>, vector<1x16xf32>,
        %parallel_loop3A_2537 = arith.index_cast %parallel_loop3A_2326 : i32 to index
        %parallel_loop3A_2538 = arith.constant 32 : index
        %parallel_loop3A_2539 = tpu.vector_load %arg7[%parallel_loop3A_2537, %parallel_loop3A_2538] {strides = array<i32>} : memref<128x128xf32, #tpu.memory_space<vmem>>, vector<1x16xf32>,
        %parallel_loop3A_2540 = vector.shape_cast %parallel_loop3A_2539 : vector<1x16xf32> to vector<16xf32>
        %parallel_loop3A_2541 = vector.shape_cast %parallel_loop3A_2401 : vector<16xf32> to vector<1x16xf32>
        tpu.vector_store %arg7[%parallel_loop3A_2537, %parallel_loop3A_2538], %parallel_loop3A_2541 {add = true, strides = array<i32>} : memref<128x128xf32, #tpu.memory_space<vmem>>, vector<1x16xf32>,
        %parallel_loop3A_2542 = arith.index_cast %parallel_loop3A_2326 : i32 to index
        %parallel_loop3A_2543 = arith.constant 48 : index
        %parallel_loop3A_2544 = tpu.vector_load %arg7[%parallel_loop3A_2542, %parallel_loop3A_2543] {strides = array<i32>} : memref<128x128xf32, #tpu.memory_space<vmem>>, vector<1x16xf32>,
        %parallel_loop3A_2545 = vector.shape_cast %parallel_loop3A_2544 : vector<1x16xf32> to vector<16xf32>
        %parallel_loop3A_2546 = vector.shape_cast %parallel_loop3A_2426 : vector<16xf32> to vector<1x16xf32>
        tpu.vector_store %arg7[%parallel_loop3A_2542, %parallel_loop3A_2543], %parallel_loop3A_2546 {add = true, strides = array<i32>} : memref<128x128xf32, #tpu.memory_space<vmem>>, vector<1x16xf32>,
        %parallel_loop3A_2547 = arith.index_cast %parallel_loop3A_2326 : i32 to index
        %parallel_loop3A_2548 = arith.constant 64 : index
        %parallel_loop3A_2549 = tpu.vector_load %arg7[%parallel_loop3A_2547, %parallel_loop3A_2548] {strides = array<i32>} : memref<128x128xf32, #tpu.memory_space<vmem>>, vector<1x16xf32>,
        %parallel_loop3A_2550 = vector.shape_cast %parallel_loop3A_2549 : vector<1x16xf32> to vector<16xf32>
        %parallel_loop3A_2551 = vector.shape_cast %parallel_loop3A_2451 : vector<16xf32> to vector<1x16xf32>
        tpu.vector_store %arg7[%parallel_loop3A_2547, %parallel_loop3A_2548], %parallel_loop3A_2551 {add = true, strides = array<i32>} : memref<128x128xf32, #tpu.memory_space<vmem>>, vector<1x16xf32>,
        %parallel_loop3A_2552 = arith.index_cast %parallel_loop3A_2326 : i32 to index
        %parallel_loop3A_2553 = arith.constant 80 : index
        %parallel_loop3A_2554 = tpu.vector_load %arg7[%parallel_loop3A_2552, %parallel_loop3A_2553] {strides = array<i32>} : memref<128x128xf32, #tpu.memory_space<vmem>>, vector<1x16xf32>,
        %parallel_loop3A_2555 = vector.shape_cast %parallel_loop3A_2554 : vector<1x16xf32> to vector<16xf32>
        %parallel_loop3A_2556 = vector.shape_cast %parallel_loop3A_2476 : vector<16xf32> to vector<1x16xf32>
        tpu.vector_store %arg7[%parallel_loop3A_2552, %parallel_loop3A_2553], %parallel_loop3A_2556 {add = true, strides = array<i32>} : memref<128x128xf32, #tpu.memory_space<vmem>>, vector<1x16xf32>,
        %parallel_loop3A_2557 = arith.index_cast %parallel_loop3A_2326 : i32 to index
        %parallel_loop3A_2558 = arith.constant 96 : index
        %parallel_loop3A_2559 = tpu.vector_load %arg7[%parallel_loop3A_2557, %parallel_loop3A_2558] {strides = array<i32>} : memref<128x128xf32, #tpu.memory_space<vmem>>, vector<1x16xf32>,
        %parallel_loop3A_2560 = vector.shape_cast %parallel_loop3A_2559 : vector<1x16xf32> to vector<16xf32>
        %parallel_loop3A_2561 = vector.shape_cast %parallel_loop3A_2501 : vector<16xf32> to vector<1x16xf32>
        tpu.vector_store %arg7[%parallel_loop3A_2557, %parallel_loop3A_2558], %parallel_loop3A_2561 {add = true, strides = array<i32>} : memref<128x128xf32, #tpu.memory_space<vmem>>, vector<1x16xf32>,
        %parallel_loop3A_2562 = arith.index_cast %parallel_loop3A_2326 : i32 to index
        %parallel_loop3A_2563 = arith.constant 112 : index
        %parallel_loop3A_2564 = tpu.vector_load %arg7[%parallel_loop3A_2562, %parallel_loop3A_2563] {strides = array<i32>} : memref<128x128xf32, #tpu.memory_space<vmem>>, vector<1x16xf32>,
        %parallel_loop3A_2565 = vector.shape_cast %parallel_loop3A_2564 : vector<1x16xf32> to vector<16xf32>
        %parallel_loop3A_2566 = vector.shape_cast %parallel_loop3A_2526 : vector<16xf32> to vector<1x16xf32>
        tpu.vector_store %arg7[%parallel_loop3A_2562, %parallel_loop3A_2563], %parallel_loop3A_2566 {add = true, strides = array<i32>} : memref<128x128xf32, #tpu.memory_space<vmem>>, vector<1x16xf32>,
        %parallel_loop3A_2567 = vector.extract_strided_slice %parallel_loop3A_146 {offsets = [10], sizes = [1], strides = [1]} : vector<16xi32> to vector<1xi32>
        %parallel_loop3A_2568 = vector.extract %parallel_loop3A_2567[0] : i32 from vector<1xi32>
        %parallel_loop3A_2569 = arith.constant 2 : i32
        %parallel_loop3A_2570 = arith.constant 0 : i32
        %parallel_loop3A_2571 = arith.cmpi eq, %parallel_loop3A_2569, %parallel_loop3A_2570 : i32
        %parallel_loop3A_2572 = arith.constant 1 : i32
        %parallel_loop3A_2573 = arith.select %parallel_loop3A_2571, %parallel_loop3A_2572, %parallel_loop3A_2569 : i32
        %parallel_loop3A_2574 = arith.remsi %scan3A_100, %parallel_loop3A_2573 : i32
        %parallel_loop3A_2575 = arith.constant 0 : i32
        %parallel_loop3A_2576 = arith.cmpi ne, %parallel_loop3A_2574, %parallel_loop3A_2575 : i32
        %parallel_loop3A_2577 = arith.constant 0 : i32
        %parallel_loop3A_2578 = arith.cmpi slt, %parallel_loop3A_2574, %parallel_loop3A_2577 : i32
        %parallel_loop3A_2579 = arith.constant 0 : i32
        %parallel_loop3A_2580 = arith.cmpi slt, %parallel_loop3A_2573, %parallel_loop3A_2579 : i32
        %parallel_loop3A_2581 = arith.xori %parallel_loop3A_2578, %parallel_loop3A_2580 : i1
        %parallel_loop3A_2582 = arith.andi %parallel_loop3A_2581, %parallel_loop3A_2576 : i1
        %parallel_loop3A_2583 = arith.addi %parallel_loop3A_2574, %parallel_loop3A_2573 : i32
        %parallel_loop3A_2584 = arith.select %parallel_loop3A_2582, %parallel_loop3A_2583, %parallel_loop3A_2574 : i32
        %parallel_loop3A_2585 = arith.constant 16 : i32
        %parallel_loop3A_2586 = arith.muli %parallel_loop3A_138, %parallel_loop3A_2585 : i32
        %parallel_loop3A_2587 = arith.constant 10 : i32
        %parallel_loop3A_2588 = arith.addi %parallel_loop3A_2586, %parallel_loop3A_2587 : i32
        %parallel_loop3A_2589 = arith.index_cast %parallel_loop3A_2584 : i32 to index
        %parallel_loop3A_2590 = arith.index_cast %parallel_loop3A_2588 : i32 to index
        %parallel_loop3A_2591 = arith.constant 0 : index
        %parallel_loop3A_2592 = tpu.vector_load %arg6[%parallel_loop3A_2589, %parallel_loop3A_2590, %parallel_loop3A_2591] {strides = array<i32>} : memref<2x256x128xf32, #tpu.memory_space<vmem>>, vector<1x1x16xf32>,
        %parallel_loop3A_2593 = vector.shape_cast %parallel_loop3A_2592 : vector<1x1x16xf32> to vector<16xf32>
        %parallel_loop3A_2594 = arith.constant 2 : i32
        %parallel_loop3A_2595 = arith.constant 0 : i32
        %parallel_loop3A_2596 = arith.cmpi eq, %parallel_loop3A_2594, %parallel_loop3A_2595 : i32
        %parallel_loop3A_2597 = arith.constant 1 : i32
        %parallel_loop3A_2598 = arith.select %parallel_loop3A_2596, %parallel_loop3A_2597, %parallel_loop3A_2594 : i32
        %parallel_loop3A_2599 = arith.remsi %scan3A_100, %parallel_loop3A_2598 : i32
        %parallel_loop3A_2600 = arith.constant 0 : i32
        %parallel_loop3A_2601 = arith.cmpi ne, %parallel_loop3A_2599, %parallel_loop3A_2600 : i32
        %parallel_loop3A_2602 = arith.constant 0 : i32
        %parallel_loop3A_2603 = arith.cmpi slt, %parallel_loop3A_2599, %parallel_loop3A_2602 : i32
        %parallel_loop3A_2604 = arith.constant 0 : i32
        %parallel_loop3A_2605 = arith.cmpi slt, %parallel_loop3A_2598, %parallel_loop3A_2604 : i32
        %parallel_loop3A_2606 = arith.xori %parallel_loop3A_2603, %parallel_loop3A_2605 : i1
        %parallel_loop3A_2607 = arith.andi %parallel_loop3A_2606, %parallel_loop3A_2601 : i1
        %parallel_loop3A_2608 = arith.addi %parallel_loop3A_2599, %parallel_loop3A_2598 : i32
        %parallel_loop3A_2609 = arith.select %parallel_loop3A_2607, %parallel_loop3A_2608, %parallel_loop3A_2599 : i32
        %parallel_loop3A_2610 = arith.constant 16 : i32
        %parallel_loop3A_2611 = arith.muli %parallel_loop3A_138, %parallel_loop3A_2610 : i32
        %parallel_loop3A_2612 = arith.constant 10 : i32
        %parallel_loop3A_2613 = arith.addi %parallel_loop3A_2611, %parallel_loop3A_2612 : i32
        %parallel_loop3A_2614 = arith.index_cast %parallel_loop3A_2609 : i32 to index
        %parallel_loop3A_2615 = arith.index_cast %parallel_loop3A_2613 : i32 to index
        %parallel_loop3A_2616 = arith.constant 16 : index
        %parallel_loop3A_2617 = tpu.vector_load %arg6[%parallel_loop3A_2614, %parallel_loop3A_2615, %parallel_loop3A_2616] {strides = array<i32>} : memref<2x256x128xf32, #tpu.memory_space<vmem>>, vector<1x1x16xf32>,
        %parallel_loop3A_2618 = vector.shape_cast %parallel_loop3A_2617 : vector<1x1x16xf32> to vector<16xf32>
        %parallel_loop3A_2619 = arith.constant 2 : i32
        %parallel_loop3A_2620 = arith.constant 0 : i32
        %parallel_loop3A_2621 = arith.cmpi eq, %parallel_loop3A_2619, %parallel_loop3A_2620 : i32
        %parallel_loop3A_2622 = arith.constant 1 : i32
        %parallel_loop3A_2623 = arith.select %parallel_loop3A_2621, %parallel_loop3A_2622, %parallel_loop3A_2619 : i32
        %parallel_loop3A_2624 = arith.remsi %scan3A_100, %parallel_loop3A_2623 : i32
        %parallel_loop3A_2625 = arith.constant 0 : i32
        %parallel_loop3A_2626 = arith.cmpi ne, %parallel_loop3A_2624, %parallel_loop3A_2625 : i32
        %parallel_loop3A_2627 = arith.constant 0 : i32
        %parallel_loop3A_2628 = arith.cmpi slt, %parallel_loop3A_2624, %parallel_loop3A_2627 : i32
        %parallel_loop3A_2629 = arith.constant 0 : i32
        %parallel_loop3A_2630 = arith.cmpi slt, %parallel_loop3A_2623, %parallel_loop3A_2629 : i32
        %parallel_loop3A_2631 = arith.xori %parallel_loop3A_2628, %parallel_loop3A_2630 : i1
        %parallel_loop3A_2632 = arith.andi %parallel_loop3A_2631, %parallel_loop3A_2626 : i1
        %parallel_loop3A_2633 = arith.addi %parallel_loop3A_2624, %parallel_loop3A_2623 : i32
        %parallel_loop3A_2634 = arith.select %parallel_loop3A_2632, %parallel_loop3A_2633, %parallel_loop3A_2624 : i32
        %parallel_loop3A_2635 = arith.constant 16 : i32
        %parallel_loop3A_2636 = arith.muli %parallel_loop3A_138, %parallel_loop3A_2635 : i32
        %parallel_loop3A_2637 = arith.constant 10 : i32
        %parallel_loop3A_2638 = arith.addi %parallel_loop3A_2636, %parallel_loop3A_2637 : i32
        %parallel_loop3A_2639 = arith.index_cast %parallel_loop3A_2634 : i32 to index
        %parallel_loop3A_2640 = arith.index_cast %parallel_loop3A_2638 : i32 to index
        %parallel_loop3A_2641 = arith.constant 32 : index
        %parallel_loop3A_2642 = tpu.vector_load %arg6[%parallel_loop3A_2639, %parallel_loop3A_2640, %parallel_loop3A_2641] {strides = array<i32>} : memref<2x256x128xf32, #tpu.memory_space<vmem>>, vector<1x1x16xf32>,
        %parallel_loop3A_2643 = vector.shape_cast %parallel_loop3A_2642 : vector<1x1x16xf32> to vector<16xf32>
        %parallel_loop3A_2644 = arith.constant 2 : i32
        %parallel_loop3A_2645 = arith.constant 0 : i32
        %parallel_loop3A_2646 = arith.cmpi eq, %parallel_loop3A_2644, %parallel_loop3A_2645 : i32
        %parallel_loop3A_2647 = arith.constant 1 : i32
        %parallel_loop3A_2648 = arith.select %parallel_loop3A_2646, %parallel_loop3A_2647, %parallel_loop3A_2644 : i32
        %parallel_loop3A_2649 = arith.remsi %scan3A_100, %parallel_loop3A_2648 : i32
        %parallel_loop3A_2650 = arith.constant 0 : i32
        %parallel_loop3A_2651 = arith.cmpi ne, %parallel_loop3A_2649, %parallel_loop3A_2650 : i32
        %parallel_loop3A_2652 = arith.constant 0 : i32
        %parallel_loop3A_2653 = arith.cmpi slt, %parallel_loop3A_2649, %parallel_loop3A_2652 : i32
        %parallel_loop3A_2654 = arith.constant 0 : i32
        %parallel_loop3A_2655 = arith.cmpi slt, %parallel_loop3A_2648, %parallel_loop3A_2654 : i32
        %parallel_loop3A_2656 = arith.xori %parallel_loop3A_2653, %parallel_loop3A_2655 : i1
        %parallel_loop3A_2657 = arith.andi %parallel_loop3A_2656, %parallel_loop3A_2651 : i1
        %parallel_loop3A_2658 = arith.addi %parallel_loop3A_2649, %parallel_loop3A_2648 : i32
        %parallel_loop3A_2659 = arith.select %parallel_loop3A_2657, %parallel_loop3A_2658, %parallel_loop3A_2649 : i32
        %parallel_loop3A_2660 = arith.constant 16 : i32
        %parallel_loop3A_2661 = arith.muli %parallel_loop3A_138, %parallel_loop3A_2660 : i32
        %parallel_loop3A_2662 = arith.constant 10 : i32
        %parallel_loop3A_2663 = arith.addi %parallel_loop3A_2661, %parallel_loop3A_2662 : i32
        %parallel_loop3A_2664 = arith.index_cast %parallel_loop3A_2659 : i32 to index
        %parallel_loop3A_2665 = arith.index_cast %parallel_loop3A_2663 : i32 to index
        %parallel_loop3A_2666 = arith.constant 48 : index
        %parallel_loop3A_2667 = tpu.vector_load %arg6[%parallel_loop3A_2664, %parallel_loop3A_2665, %parallel_loop3A_2666] {strides = array<i32>} : memref<2x256x128xf32, #tpu.memory_space<vmem>>, vector<1x1x16xf32>,
        %parallel_loop3A_2668 = vector.shape_cast %parallel_loop3A_2667 : vector<1x1x16xf32> to vector<16xf32>
        %parallel_loop3A_2669 = arith.constant 2 : i32
        %parallel_loop3A_2670 = arith.constant 0 : i32
        %parallel_loop3A_2671 = arith.cmpi eq, %parallel_loop3A_2669, %parallel_loop3A_2670 : i32
        %parallel_loop3A_2672 = arith.constant 1 : i32
        %parallel_loop3A_2673 = arith.select %parallel_loop3A_2671, %parallel_loop3A_2672, %parallel_loop3A_2669 : i32
        %parallel_loop3A_2674 = arith.remsi %scan3A_100, %parallel_loop3A_2673 : i32
        %parallel_loop3A_2675 = arith.constant 0 : i32
        %parallel_loop3A_2676 = arith.cmpi ne, %parallel_loop3A_2674, %parallel_loop3A_2675 : i32
        %parallel_loop3A_2677 = arith.constant 0 : i32
        %parallel_loop3A_2678 = arith.cmpi slt, %parallel_loop3A_2674, %parallel_loop3A_2677 : i32
        %parallel_loop3A_2679 = arith.constant 0 : i32
        %parallel_loop3A_2680 = arith.cmpi slt, %parallel_loop3A_2673, %parallel_loop3A_2679 : i32
        %parallel_loop3A_2681 = arith.xori %parallel_loop3A_2678, %parallel_loop3A_2680 : i1
        %parallel_loop3A_2682 = arith.andi %parallel_loop3A_2681, %parallel_loop3A_2676 : i1
        %parallel_loop3A_2683 = arith.addi %parallel_loop3A_2674, %parallel_loop3A_2673 : i32
        %parallel_loop3A_2684 = arith.select %parallel_loop3A_2682, %parallel_loop3A_2683, %parallel_loop3A_2674 : i32
        %parallel_loop3A_2685 = arith.constant 16 : i32
        %parallel_loop3A_2686 = arith.muli %parallel_loop3A_138, %parallel_loop3A_2685 : i32
        %parallel_loop3A_2687 = arith.constant 10 : i32
        %parallel_loop3A_2688 = arith.addi %parallel_loop3A_2686, %parallel_loop3A_2687 : i32
        %parallel_loop3A_2689 = arith.index_cast %parallel_loop3A_2684 : i32 to index
        %parallel_loop3A_2690 = arith.index_cast %parallel_loop3A_2688 : i32 to index
        %parallel_loop3A_2691 = arith.constant 64 : index
        %parallel_loop3A_2692 = tpu.vector_load %arg6[%parallel_loop3A_2689, %parallel_loop3A_2690, %parallel_loop3A_2691] {strides = array<i32>} : memref<2x256x128xf32, #tpu.memory_space<vmem>>, vector<1x1x16xf32>,
        %parallel_loop3A_2693 = vector.shape_cast %parallel_loop3A_2692 : vector<1x1x16xf32> to vector<16xf32>
        %parallel_loop3A_2694 = arith.constant 2 : i32
        %parallel_loop3A_2695 = arith.constant 0 : i32
        %parallel_loop3A_2696 = arith.cmpi eq, %parallel_loop3A_2694, %parallel_loop3A_2695 : i32
        %parallel_loop3A_2697 = arith.constant 1 : i32
        %parallel_loop3A_2698 = arith.select %parallel_loop3A_2696, %parallel_loop3A_2697, %parallel_loop3A_2694 : i32
        %parallel_loop3A_2699 = arith.remsi %scan3A_100, %parallel_loop3A_2698 : i32
        %parallel_loop3A_2700 = arith.constant 0 : i32
        %parallel_loop3A_2701 = arith.cmpi ne, %parallel_loop3A_2699, %parallel_loop3A_2700 : i32
        %parallel_loop3A_2702 = arith.constant 0 : i32
        %parallel_loop3A_2703 = arith.cmpi slt, %parallel_loop3A_2699, %parallel_loop3A_2702 : i32
        %parallel_loop3A_2704 = arith.constant 0 : i32
        %parallel_loop3A_2705 = arith.cmpi slt, %parallel_loop3A_2698, %parallel_loop3A_2704 : i32
        %parallel_loop3A_2706 = arith.xori %parallel_loop3A_2703, %parallel_loop3A_2705 : i1
        %parallel_loop3A_2707 = arith.andi %parallel_loop3A_2706, %parallel_loop3A_2701 : i1
        %parallel_loop3A_2708 = arith.addi %parallel_loop3A_2699, %parallel_loop3A_2698 : i32
        %parallel_loop3A_2709 = arith.select %parallel_loop3A_2707, %parallel_loop3A_2708, %parallel_loop3A_2699 : i32
        %parallel_loop3A_2710 = arith.constant 16 : i32
        %parallel_loop3A_2711 = arith.muli %parallel_loop3A_138, %parallel_loop3A_2710 : i32
        %parallel_loop3A_2712 = arith.constant 10 : i32
        %parallel_loop3A_2713 = arith.addi %parallel_loop3A_2711, %parallel_loop3A_2712 : i32
        %parallel_loop3A_2714 = arith.index_cast %parallel_loop3A_2709 : i32 to index
        %parallel_loop3A_2715 = arith.index_cast %parallel_loop3A_2713 : i32 to index
        %parallel_loop3A_2716 = arith.constant 80 : index
        %parallel_loop3A_2717 = tpu.vector_load %arg6[%parallel_loop3A_2714, %parallel_loop3A_2715, %parallel_loop3A_2716] {strides = array<i32>} : memref<2x256x128xf32, #tpu.memory_space<vmem>>, vector<1x1x16xf32>,
        %parallel_loop3A_2718 = vector.shape_cast %parallel_loop3A_2717 : vector<1x1x16xf32> to vector<16xf32>
        %parallel_loop3A_2719 = arith.constant 2 : i32
        %parallel_loop3A_2720 = arith.constant 0 : i32
        %parallel_loop3A_2721 = arith.cmpi eq, %parallel_loop3A_2719, %parallel_loop3A_2720 : i32
        %parallel_loop3A_2722 = arith.constant 1 : i32
        %parallel_loop3A_2723 = arith.select %parallel_loop3A_2721, %parallel_loop3A_2722, %parallel_loop3A_2719 : i32
        %parallel_loop3A_2724 = arith.remsi %scan3A_100, %parallel_loop3A_2723 : i32
        %parallel_loop3A_2725 = arith.constant 0 : i32
        %parallel_loop3A_2726 = arith.cmpi ne, %parallel_loop3A_2724, %parallel_loop3A_2725 : i32
        %parallel_loop3A_2727 = arith.constant 0 : i32
        %parallel_loop3A_2728 = arith.cmpi slt, %parallel_loop3A_2724, %parallel_loop3A_2727 : i32
        %parallel_loop3A_2729 = arith.constant 0 : i32
        %parallel_loop3A_2730 = arith.cmpi slt, %parallel_loop3A_2723, %parallel_loop3A_2729 : i32
        %parallel_loop3A_2731 = arith.xori %parallel_loop3A_2728, %parallel_loop3A_2730 : i1
        %parallel_loop3A_2732 = arith.andi %parallel_loop3A_2731, %parallel_loop3A_2726 : i1
        %parallel_loop3A_2733 = arith.addi %parallel_loop3A_2724, %parallel_loop3A_2723 : i32
        %parallel_loop3A_2734 = arith.select %parallel_loop3A_2732, %parallel_loop3A_2733, %parallel_loop3A_2724 : i32
        %parallel_loop3A_2735 = arith.constant 16 : i32
        %parallel_loop3A_2736 = arith.muli %parallel_loop3A_138, %parallel_loop3A_2735 : i32
        %parallel_loop3A_2737 = arith.constant 10 : i32
        %parallel_loop3A_2738 = arith.addi %parallel_loop3A_2736, %parallel_loop3A_2737 : i32
        %parallel_loop3A_2739 = arith.index_cast %parallel_loop3A_2734 : i32 to index
        %parallel_loop3A_2740 = arith.index_cast %parallel_loop3A_2738 : i32 to index
        %parallel_loop3A_2741 = arith.constant 96 : index
        %parallel_loop3A_2742 = tpu.vector_load %arg6[%parallel_loop3A_2739, %parallel_loop3A_2740, %parallel_loop3A_2741] {strides = array<i32>} : memref<2x256x128xf32, #tpu.memory_space<vmem>>, vector<1x1x16xf32>,
        %parallel_loop3A_2743 = vector.shape_cast %parallel_loop3A_2742 : vector<1x1x16xf32> to vector<16xf32>
        %parallel_loop3A_2744 = arith.constant 2 : i32
        %parallel_loop3A_2745 = arith.constant 0 : i32
        %parallel_loop3A_2746 = arith.cmpi eq, %parallel_loop3A_2744, %parallel_loop3A_2745 : i32
        %parallel_loop3A_2747 = arith.constant 1 : i32
        %parallel_loop3A_2748 = arith.select %parallel_loop3A_2746, %parallel_loop3A_2747, %parallel_loop3A_2744 : i32
        %parallel_loop3A_2749 = arith.remsi %scan3A_100, %parallel_loop3A_2748 : i32
        %parallel_loop3A_2750 = arith.constant 0 : i32
        %parallel_loop3A_2751 = arith.cmpi ne, %parallel_loop3A_2749, %parallel_loop3A_2750 : i32
        %parallel_loop3A_2752 = arith.constant 0 : i32
        %parallel_loop3A_2753 = arith.cmpi slt, %parallel_loop3A_2749, %parallel_loop3A_2752 : i32
        %parallel_loop3A_2754 = arith.constant 0 : i32
        %parallel_loop3A_2755 = arith.cmpi slt, %parallel_loop3A_2748, %parallel_loop3A_2754 : i32
        %parallel_loop3A_2756 = arith.xori %parallel_loop3A_2753, %parallel_loop3A_2755 : i1
        %parallel_loop3A_2757 = arith.andi %parallel_loop3A_2756, %parallel_loop3A_2751 : i1
        %parallel_loop3A_2758 = arith.addi %parallel_loop3A_2749, %parallel_loop3A_2748 : i32
        %parallel_loop3A_2759 = arith.select %parallel_loop3A_2757, %parallel_loop3A_2758, %parallel_loop3A_2749 : i32
        %parallel_loop3A_2760 = arith.constant 16 : i32
        %parallel_loop3A_2761 = arith.muli %parallel_loop3A_138, %parallel_loop3A_2760 : i32
        %parallel_loop3A_2762 = arith.constant 10 : i32
        %parallel_loop3A_2763 = arith.addi %parallel_loop3A_2761, %parallel_loop3A_2762 : i32
        %parallel_loop3A_2764 = arith.index_cast %parallel_loop3A_2759 : i32 to index
        %parallel_loop3A_2765 = arith.index_cast %parallel_loop3A_2763 : i32 to index
        %parallel_loop3A_2766 = arith.constant 112 : index
        %parallel_loop3A_2767 = tpu.vector_load %arg6[%parallel_loop3A_2764, %parallel_loop3A_2765, %parallel_loop3A_2766] {strides = array<i32>} : memref<2x256x128xf32, #tpu.memory_space<vmem>>, vector<1x1x16xf32>,
        %parallel_loop3A_2768 = vector.shape_cast %parallel_loop3A_2767 : vector<1x1x16xf32> to vector<16xf32>
        %parallel_loop3A_2769 = arith.index_cast %parallel_loop3A_2568 : i32 to index
        %parallel_loop3A_2770 = arith.constant 0 : index
        %parallel_loop3A_2771 = tpu.vector_load %arg7[%parallel_loop3A_2769, %parallel_loop3A_2770] {strides = array<i32>} : memref<128x128xf32, #tpu.memory_space<vmem>>, vector<1x16xf32>,
        %parallel_loop3A_2772 = vector.shape_cast %parallel_loop3A_2771 : vector<1x16xf32> to vector<16xf32>
        %parallel_loop3A_2773 = vector.shape_cast %parallel_loop3A_2593 : vector<16xf32> to vector<1x16xf32>
        tpu.vector_store %arg7[%parallel_loop3A_2769, %parallel_loop3A_2770], %parallel_loop3A_2773 {add = true, strides = array<i32>} : memref<128x128xf32, #tpu.memory_space<vmem>>, vector<1x16xf32>,
        %parallel_loop3A_2774 = arith.index_cast %parallel_loop3A_2568 : i32 to index
        %parallel_loop3A_2775 = arith.constant 16 : index
        %parallel_loop3A_2776 = tpu.vector_load %arg7[%parallel_loop3A_2774, %parallel_loop3A_2775] {strides = array<i32>} : memref<128x128xf32, #tpu.memory_space<vmem>>, vector<1x16xf32>,
        %parallel_loop3A_2777 = vector.shape_cast %parallel_loop3A_2776 : vector<1x16xf32> to vector<16xf32>
        %parallel_loop3A_2778 = vector.shape_cast %parallel_loop3A_2618 : vector<16xf32> to vector<1x16xf32>
        tpu.vector_store %arg7[%parallel_loop3A_2774, %parallel_loop3A_2775], %parallel_loop3A_2778 {add = true, strides = array<i32>} : memref<128x128xf32, #tpu.memory_space<vmem>>, vector<1x16xf32>,
        %parallel_loop3A_2779 = arith.index_cast %parallel_loop3A_2568 : i32 to index
        %parallel_loop3A_2780 = arith.constant 32 : index
        %parallel_loop3A_2781 = tpu.vector_load %arg7[%parallel_loop3A_2779, %parallel_loop3A_2780] {strides = array<i32>} : memref<128x128xf32, #tpu.memory_space<vmem>>, vector<1x16xf32>,
        %parallel_loop3A_2782 = vector.shape_cast %parallel_loop3A_2781 : vector<1x16xf32> to vector<16xf32>
        %parallel_loop3A_2783 = vector.shape_cast %parallel_loop3A_2643 : vector<16xf32> to vector<1x16xf32>
        tpu.vector_store %arg7[%parallel_loop3A_2779, %parallel_loop3A_2780], %parallel_loop3A_2783 {add = true, strides = array<i32>} : memref<128x128xf32, #tpu.memory_space<vmem>>, vector<1x16xf32>,
        %parallel_loop3A_2784 = arith.index_cast %parallel_loop3A_2568 : i32 to index
        %parallel_loop3A_2785 = arith.constant 48 : index
        %parallel_loop3A_2786 = tpu.vector_load %arg7[%parallel_loop3A_2784, %parallel_loop3A_2785] {strides = array<i32>} : memref<128x128xf32, #tpu.memory_space<vmem>>, vector<1x16xf32>,
        %parallel_loop3A_2787 = vector.shape_cast %parallel_loop3A_2786 : vector<1x16xf32> to vector<16xf32>
        %parallel_loop3A_2788 = vector.shape_cast %parallel_loop3A_2668 : vector<16xf32> to vector<1x16xf32>
        tpu.vector_store %arg7[%parallel_loop3A_2784, %parallel_loop3A_2785], %parallel_loop3A_2788 {add = true, strides = array<i32>} : memref<128x128xf32, #tpu.memory_space<vmem>>, vector<1x16xf32>,
        %parallel_loop3A_2789 = arith.index_cast %parallel_loop3A_2568 : i32 to index
        %parallel_loop3A_2790 = arith.constant 64 : index
        %parallel_loop3A_2791 = tpu.vector_load %arg7[%parallel_loop3A_2789, %parallel_loop3A_2790] {strides = array<i32>} : memref<128x128xf32, #tpu.memory_space<vmem>>, vector<1x16xf32>,
        %parallel_loop3A_2792 = vector.shape_cast %parallel_loop3A_2791 : vector<1x16xf32> to vector<16xf32>
        %parallel_loop3A_2793 = vector.shape_cast %parallel_loop3A_2693 : vector<16xf32> to vector<1x16xf32>
        tpu.vector_store %arg7[%parallel_loop3A_2789, %parallel_loop3A_2790], %parallel_loop3A_2793 {add = true, strides = array<i32>} : memref<128x128xf32, #tpu.memory_space<vmem>>, vector<1x16xf32>,
        %parallel_loop3A_2794 = arith.index_cast %parallel_loop3A_2568 : i32 to index
        %parallel_loop3A_2795 = arith.constant 80 : index
        %parallel_loop3A_2796 = tpu.vector_load %arg7[%parallel_loop3A_2794, %parallel_loop3A_2795] {strides = array<i32>} : memref<128x128xf32, #tpu.memory_space<vmem>>, vector<1x16xf32>,
        %parallel_loop3A_2797 = vector.shape_cast %parallel_loop3A_2796 : vector<1x16xf32> to vector<16xf32>
        %parallel_loop3A_2798 = vector.shape_cast %parallel_loop3A_2718 : vector<16xf32> to vector<1x16xf32>
        tpu.vector_store %arg7[%parallel_loop3A_2794, %parallel_loop3A_2795], %parallel_loop3A_2798 {add = true, strides = array<i32>} : memref<128x128xf32, #tpu.memory_space<vmem>>, vector<1x16xf32>,
        %parallel_loop3A_2799 = arith.index_cast %parallel_loop3A_2568 : i32 to index
        %parallel_loop3A_2800 = arith.constant 96 : index
        %parallel_loop3A_2801 = tpu.vector_load %arg7[%parallel_loop3A_2799, %parallel_loop3A_2800] {strides = array<i32>} : memref<128x128xf32, #tpu.memory_space<vmem>>, vector<1x16xf32>,
        %parallel_loop3A_2802 = vector.shape_cast %parallel_loop3A_2801 : vector<1x16xf32> to vector<16xf32>
        %parallel_loop3A_2803 = vector.shape_cast %parallel_loop3A_2743 : vector<16xf32> to vector<1x16xf32>
        tpu.vector_store %arg7[%parallel_loop3A_2799, %parallel_loop3A_2800], %parallel_loop3A_2803 {add = true, strides = array<i32>} : memref<128x128xf32, #tpu.memory_space<vmem>>, vector<1x16xf32>,
        %parallel_loop3A_2804 = arith.index_cast %parallel_loop3A_2568 : i32 to index
        %parallel_loop3A_2805 = arith.constant 112 : index
        %parallel_loop3A_2806 = tpu.vector_load %arg7[%parallel_loop3A_2804, %parallel_loop3A_2805] {strides = array<i32>} : memref<128x128xf32, #tpu.memory_space<vmem>>, vector<1x16xf32>,
        %parallel_loop3A_2807 = vector.shape_cast %parallel_loop3A_2806 : vector<1x16xf32> to vector<16xf32>
        %parallel_loop3A_2808 = vector.shape_cast %parallel_loop3A_2768 : vector<16xf32> to vector<1x16xf32>
        tpu.vector_store %arg7[%parallel_loop3A_2804, %parallel_loop3A_2805], %parallel_loop3A_2808 {add = true, strides = array<i32>} : memref<128x128xf32, #tpu.memory_space<vmem>>, vector<1x16xf32>,
        %parallel_loop3A_2809 = vector.extract_strided_slice %parallel_loop3A_146 {offsets = [11], sizes = [1], strides = [1]} : vector<16xi32> to vector<1xi32>
        %parallel_loop3A_2810 = vector.extract %parallel_loop3A_2809[0] : i32 from vector<1xi32>
        %parallel_loop3A_2811 = arith.constant 2 : i32
        %parallel_loop3A_2812 = arith.constant 0 : i32
        %parallel_loop3A_2813 = arith.cmpi eq, %parallel_loop3A_2811, %parallel_loop3A_2812 : i32
        %parallel_loop3A_2814 = arith.constant 1 : i32
        %parallel_loop3A_2815 = arith.select %parallel_loop3A_2813, %parallel_loop3A_2814, %parallel_loop3A_2811 : i32
        %parallel_loop3A_2816 = arith.remsi %scan3A_100, %parallel_loop3A_2815 : i32
        %parallel_loop3A_2817 = arith.constant 0 : i32
        %parallel_loop3A_2818 = arith.cmpi ne, %parallel_loop3A_2816, %parallel_loop3A_2817 : i32
        %parallel_loop3A_2819 = arith.constant 0 : i32
        %parallel_loop3A_2820 = arith.cmpi slt, %parallel_loop3A_2816, %parallel_loop3A_2819 : i32
        %parallel_loop3A_2821 = arith.constant 0 : i32
        %parallel_loop3A_2822 = arith.cmpi slt, %parallel_loop3A_2815, %parallel_loop3A_2821 : i32
        %parallel_loop3A_2823 = arith.xori %parallel_loop3A_2820, %parallel_loop3A_2822 : i1
        %parallel_loop3A_2824 = arith.andi %parallel_loop3A_2823, %parallel_loop3A_2818 : i1
        %parallel_loop3A_2825 = arith.addi %parallel_loop3A_2816, %parallel_loop3A_2815 : i32
        %parallel_loop3A_2826 = arith.select %parallel_loop3A_2824, %parallel_loop3A_2825, %parallel_loop3A_2816 : i32
        %parallel_loop3A_2827 = arith.constant 16 : i32
        %parallel_loop3A_2828 = arith.muli %parallel_loop3A_138, %parallel_loop3A_2827 : i32
        %parallel_loop3A_2829 = arith.constant 11 : i32
        %parallel_loop3A_2830 = arith.addi %parallel_loop3A_2828, %parallel_loop3A_2829 : i32
        %parallel_loop3A_2831 = arith.index_cast %parallel_loop3A_2826 : i32 to index
        %parallel_loop3A_2832 = arith.index_cast %parallel_loop3A_2830 : i32 to index
        %parallel_loop3A_2833 = arith.constant 0 : index
        %parallel_loop3A_2834 = tpu.vector_load %arg6[%parallel_loop3A_2831, %parallel_loop3A_2832, %parallel_loop3A_2833] {strides = array<i32>} : memref<2x256x128xf32, #tpu.memory_space<vmem>>, vector<1x1x16xf32>,
        %parallel_loop3A_2835 = vector.shape_cast %parallel_loop3A_2834 : vector<1x1x16xf32> to vector<16xf32>
        %parallel_loop3A_2836 = arith.constant 2 : i32
        %parallel_loop3A_2837 = arith.constant 0 : i32
        %parallel_loop3A_2838 = arith.cmpi eq, %parallel_loop3A_2836, %parallel_loop3A_2837 : i32
        %parallel_loop3A_2839 = arith.constant 1 : i32
        %parallel_loop3A_2840 = arith.select %parallel_loop3A_2838, %parallel_loop3A_2839, %parallel_loop3A_2836 : i32
        %parallel_loop3A_2841 = arith.remsi %scan3A_100, %parallel_loop3A_2840 : i32
        %parallel_loop3A_2842 = arith.constant 0 : i32
        %parallel_loop3A_2843 = arith.cmpi ne, %parallel_loop3A_2841, %parallel_loop3A_2842 : i32
        %parallel_loop3A_2844 = arith.constant 0 : i32
        %parallel_loop3A_2845 = arith.cmpi slt, %parallel_loop3A_2841, %parallel_loop3A_2844 : i32
        %parallel_loop3A_2846 = arith.constant 0 : i32
        %parallel_loop3A_2847 = arith.cmpi slt, %parallel_loop3A_2840, %parallel_loop3A_2846 : i32
        %parallel_loop3A_2848 = arith.xori %parallel_loop3A_2845, %parallel_loop3A_2847 : i1
        %parallel_loop3A_2849 = arith.andi %parallel_loop3A_2848, %parallel_loop3A_2843 : i1
        %parallel_loop3A_2850 = arith.addi %parallel_loop3A_2841, %parallel_loop3A_2840 : i32
        %parallel_loop3A_2851 = arith.select %parallel_loop3A_2849, %parallel_loop3A_2850, %parallel_loop3A_2841 : i32
        %parallel_loop3A_2852 = arith.constant 16 : i32
        %parallel_loop3A_2853 = arith.muli %parallel_loop3A_138, %parallel_loop3A_2852 : i32
        %parallel_loop3A_2854 = arith.constant 11 : i32
        %parallel_loop3A_2855 = arith.addi %parallel_loop3A_2853, %parallel_loop3A_2854 : i32
        %parallel_loop3A_2856 = arith.index_cast %parallel_loop3A_2851 : i32 to index
        %parallel_loop3A_2857 = arith.index_cast %parallel_loop3A_2855 : i32 to index
        %parallel_loop3A_2858 = arith.constant 16 : index
        %parallel_loop3A_2859 = tpu.vector_load %arg6[%parallel_loop3A_2856, %parallel_loop3A_2857, %parallel_loop3A_2858] {strides = array<i32>} : memref<2x256x128xf32, #tpu.memory_space<vmem>>, vector<1x1x16xf32>,
        %parallel_loop3A_2860 = vector.shape_cast %parallel_loop3A_2859 : vector<1x1x16xf32> to vector<16xf32>
        %parallel_loop3A_2861 = arith.constant 2 : i32
        %parallel_loop3A_2862 = arith.constant 0 : i32
        %parallel_loop3A_2863 = arith.cmpi eq, %parallel_loop3A_2861, %parallel_loop3A_2862 : i32
        %parallel_loop3A_2864 = arith.constant 1 : i32
        %parallel_loop3A_2865 = arith.select %parallel_loop3A_2863, %parallel_loop3A_2864, %parallel_loop3A_2861 : i32
        %parallel_loop3A_2866 = arith.remsi %scan3A_100, %parallel_loop3A_2865 : i32
        %parallel_loop3A_2867 = arith.constant 0 : i32
        %parallel_loop3A_2868 = arith.cmpi ne, %parallel_loop3A_2866, %parallel_loop3A_2867 : i32
        %parallel_loop3A_2869 = arith.constant 0 : i32
        %parallel_loop3A_2870 = arith.cmpi slt, %parallel_loop3A_2866, %parallel_loop3A_2869 : i32
        %parallel_loop3A_2871 = arith.constant 0 : i32
        %parallel_loop3A_2872 = arith.cmpi slt, %parallel_loop3A_2865, %parallel_loop3A_2871 : i32
        %parallel_loop3A_2873 = arith.xori %parallel_loop3A_2870, %parallel_loop3A_2872 : i1
        %parallel_loop3A_2874 = arith.andi %parallel_loop3A_2873, %parallel_loop3A_2868 : i1
        %parallel_loop3A_2875 = arith.addi %parallel_loop3A_2866, %parallel_loop3A_2865 : i32
        %parallel_loop3A_2876 = arith.select %parallel_loop3A_2874, %parallel_loop3A_2875, %parallel_loop3A_2866 : i32
        %parallel_loop3A_2877 = arith.constant 16 : i32
        %parallel_loop3A_2878 = arith.muli %parallel_loop3A_138, %parallel_loop3A_2877 : i32
        %parallel_loop3A_2879 = arith.constant 11 : i32
        %parallel_loop3A_2880 = arith.addi %parallel_loop3A_2878, %parallel_loop3A_2879 : i32
        %parallel_loop3A_2881 = arith.index_cast %parallel_loop3A_2876 : i32 to index
        %parallel_loop3A_2882 = arith.index_cast %parallel_loop3A_2880 : i32 to index
        %parallel_loop3A_2883 = arith.constant 32 : index
        %parallel_loop3A_2884 = tpu.vector_load %arg6[%parallel_loop3A_2881, %parallel_loop3A_2882, %parallel_loop3A_2883] {strides = array<i32>} : memref<2x256x128xf32, #tpu.memory_space<vmem>>, vector<1x1x16xf32>,
        %parallel_loop3A_2885 = vector.shape_cast %parallel_loop3A_2884 : vector<1x1x16xf32> to vector<16xf32>
        %parallel_loop3A_2886 = arith.constant 2 : i32
        %parallel_loop3A_2887 = arith.constant 0 : i32
        %parallel_loop3A_2888 = arith.cmpi eq, %parallel_loop3A_2886, %parallel_loop3A_2887 : i32
        %parallel_loop3A_2889 = arith.constant 1 : i32
        %parallel_loop3A_2890 = arith.select %parallel_loop3A_2888, %parallel_loop3A_2889, %parallel_loop3A_2886 : i32
        %parallel_loop3A_2891 = arith.remsi %scan3A_100, %parallel_loop3A_2890 : i32
        %parallel_loop3A_2892 = arith.constant 0 : i32
        %parallel_loop3A_2893 = arith.cmpi ne, %parallel_loop3A_2891, %parallel_loop3A_2892 : i32
        %parallel_loop3A_2894 = arith.constant 0 : i32
        %parallel_loop3A_2895 = arith.cmpi slt, %parallel_loop3A_2891, %parallel_loop3A_2894 : i32
        %parallel_loop3A_2896 = arith.constant 0 : i32
        %parallel_loop3A_2897 = arith.cmpi slt, %parallel_loop3A_2890, %parallel_loop3A_2896 : i32
        %parallel_loop3A_2898 = arith.xori %parallel_loop3A_2895, %parallel_loop3A_2897 : i1
        %parallel_loop3A_2899 = arith.andi %parallel_loop3A_2898, %parallel_loop3A_2893 : i1
        %parallel_loop3A_2900 = arith.addi %parallel_loop3A_2891, %parallel_loop3A_2890 : i32
        %parallel_loop3A_2901 = arith.select %parallel_loop3A_2899, %parallel_loop3A_2900, %parallel_loop3A_2891 : i32
        %parallel_loop3A_2902 = arith.constant 16 : i32
        %parallel_loop3A_2903 = arith.muli %parallel_loop3A_138, %parallel_loop3A_2902 : i32
        %parallel_loop3A_2904 = arith.constant 11 : i32
        %parallel_loop3A_2905 = arith.addi %parallel_loop3A_2903, %parallel_loop3A_2904 : i32
        %parallel_loop3A_2906 = arith.index_cast %parallel_loop3A_2901 : i32 to index
        %parallel_loop3A_2907 = arith.index_cast %parallel_loop3A_2905 : i32 to index
        %parallel_loop3A_2908 = arith.constant 48 : index
        %parallel_loop3A_2909 = tpu.vector_load %arg6[%parallel_loop3A_2906, %parallel_loop3A_2907, %parallel_loop3A_2908] {strides = array<i32>} : memref<2x256x128xf32, #tpu.memory_space<vmem>>, vector<1x1x16xf32>,
        %parallel_loop3A_2910 = vector.shape_cast %parallel_loop3A_2909 : vector<1x1x16xf32> to vector<16xf32>
        %parallel_loop3A_2911 = arith.constant 2 : i32
        %parallel_loop3A_2912 = arith.constant 0 : i32
        %parallel_loop3A_2913 = arith.cmpi eq, %parallel_loop3A_2911, %parallel_loop3A_2912 : i32
        %parallel_loop3A_2914 = arith.constant 1 : i32
        %parallel_loop3A_2915 = arith.select %parallel_loop3A_2913, %parallel_loop3A_2914, %parallel_loop3A_2911 : i32
        %parallel_loop3A_2916 = arith.remsi %scan3A_100, %parallel_loop3A_2915 : i32
        %parallel_loop3A_2917 = arith.constant 0 : i32
        %parallel_loop3A_2918 = arith.cmpi ne, %parallel_loop3A_2916, %parallel_loop3A_2917 : i32
        %parallel_loop3A_2919 = arith.constant 0 : i32
        %parallel_loop3A_2920 = arith.cmpi slt, %parallel_loop3A_2916, %parallel_loop3A_2919 : i32
        %parallel_loop3A_2921 = arith.constant 0 : i32
        %parallel_loop3A_2922 = arith.cmpi slt, %parallel_loop3A_2915, %parallel_loop3A_2921 : i32
        %parallel_loop3A_2923 = arith.xori %parallel_loop3A_2920, %parallel_loop3A_2922 : i1
        %parallel_loop3A_2924 = arith.andi %parallel_loop3A_2923, %parallel_loop3A_2918 : i1
        %parallel_loop3A_2925 = arith.addi %parallel_loop3A_2916, %parallel_loop3A_2915 : i32
        %parallel_loop3A_2926 = arith.select %parallel_loop3A_2924, %parallel_loop3A_2925, %parallel_loop3A_2916 : i32
        %parallel_loop3A_2927 = arith.constant 16 : i32
        %parallel_loop3A_2928 = arith.muli %parallel_loop3A_138, %parallel_loop3A_2927 : i32
        %parallel_loop3A_2929 = arith.constant 11 : i32
        %parallel_loop3A_2930 = arith.addi %parallel_loop3A_2928, %parallel_loop3A_2929 : i32
        %parallel_loop3A_2931 = arith.index_cast %parallel_loop3A_2926 : i32 to index
        %parallel_loop3A_2932 = arith.index_cast %parallel_loop3A_2930 : i32 to index
        %parallel_loop3A_2933 = arith.constant 64 : index
        %parallel_loop3A_2934 = tpu.vector_load %arg6[%parallel_loop3A_2931, %parallel_loop3A_2932, %parallel_loop3A_2933] {strides = array<i32>} : memref<2x256x128xf32, #tpu.memory_space<vmem>>, vector<1x1x16xf32>,
        %parallel_loop3A_2935 = vector.shape_cast %parallel_loop3A_2934 : vector<1x1x16xf32> to vector<16xf32>
        %parallel_loop3A_2936 = arith.constant 2 : i32
        %parallel_loop3A_2937 = arith.constant 0 : i32
        %parallel_loop3A_2938 = arith.cmpi eq, %parallel_loop3A_2936, %parallel_loop3A_2937 : i32
        %parallel_loop3A_2939 = arith.constant 1 : i32
        %parallel_loop3A_2940 = arith.select %parallel_loop3A_2938, %parallel_loop3A_2939, %parallel_loop3A_2936 : i32
        %parallel_loop3A_2941 = arith.remsi %scan3A_100, %parallel_loop3A_2940 : i32
        %parallel_loop3A_2942 = arith.constant 0 : i32
        %parallel_loop3A_2943 = arith.cmpi ne, %parallel_loop3A_2941, %parallel_loop3A_2942 : i32
        %parallel_loop3A_2944 = arith.constant 0 : i32
        %parallel_loop3A_2945 = arith.cmpi slt, %parallel_loop3A_2941, %parallel_loop3A_2944 : i32
        %parallel_loop3A_2946 = arith.constant 0 : i32
        %parallel_loop3A_2947 = arith.cmpi slt, %parallel_loop3A_2940, %parallel_loop3A_2946 : i32
        %parallel_loop3A_2948 = arith.xori %parallel_loop3A_2945, %parallel_loop3A_2947 : i1
        %parallel_loop3A_2949 = arith.andi %parallel_loop3A_2948, %parallel_loop3A_2943 : i1
        %parallel_loop3A_2950 = arith.addi %parallel_loop3A_2941, %parallel_loop3A_2940 : i32
        %parallel_loop3A_2951 = arith.select %parallel_loop3A_2949, %parallel_loop3A_2950, %parallel_loop3A_2941 : i32
        %parallel_loop3A_2952 = arith.constant 16 : i32
        %parallel_loop3A_2953 = arith.muli %parallel_loop3A_138, %parallel_loop3A_2952 : i32
        %parallel_loop3A_2954 = arith.constant 11 : i32
        %parallel_loop3A_2955 = arith.addi %parallel_loop3A_2953, %parallel_loop3A_2954 : i32
        %parallel_loop3A_2956 = arith.index_cast %parallel_loop3A_2951 : i32 to index
        %parallel_loop3A_2957 = arith.index_cast %parallel_loop3A_2955 : i32 to index
        %parallel_loop3A_2958 = arith.constant 80 : index
        %parallel_loop3A_2959 = tpu.vector_load %arg6[%parallel_loop3A_2956, %parallel_loop3A_2957, %parallel_loop3A_2958] {strides = array<i32>} : memref<2x256x128xf32, #tpu.memory_space<vmem>>, vector<1x1x16xf32>,
        %parallel_loop3A_2960 = vector.shape_cast %parallel_loop3A_2959 : vector<1x1x16xf32> to vector<16xf32>
        %parallel_loop3A_2961 = arith.constant 2 : i32
        %parallel_loop3A_2962 = arith.constant 0 : i32
        %parallel_loop3A_2963 = arith.cmpi eq, %parallel_loop3A_2961, %parallel_loop3A_2962 : i32
        %parallel_loop3A_2964 = arith.constant 1 : i32
        %parallel_loop3A_2965 = arith.select %parallel_loop3A_2963, %parallel_loop3A_2964, %parallel_loop3A_2961 : i32
        %parallel_loop3A_2966 = arith.remsi %scan3A_100, %parallel_loop3A_2965 : i32
        %parallel_loop3A_2967 = arith.constant 0 : i32
        %parallel_loop3A_2968 = arith.cmpi ne, %parallel_loop3A_2966, %parallel_loop3A_2967 : i32
        %parallel_loop3A_2969 = arith.constant 0 : i32
        %parallel_loop3A_2970 = arith.cmpi slt, %parallel_loop3A_2966, %parallel_loop3A_2969 : i32
        %parallel_loop3A_2971 = arith.constant 0 : i32
        %parallel_loop3A_2972 = arith.cmpi slt, %parallel_loop3A_2965, %parallel_loop3A_2971 : i32
        %parallel_loop3A_2973 = arith.xori %parallel_loop3A_2970, %parallel_loop3A_2972 : i1
        %parallel_loop3A_2974 = arith.andi %parallel_loop3A_2973, %parallel_loop3A_2968 : i1
        %parallel_loop3A_2975 = arith.addi %parallel_loop3A_2966, %parallel_loop3A_2965 : i32
        %parallel_loop3A_2976 = arith.select %parallel_loop3A_2974, %parallel_loop3A_2975, %parallel_loop3A_2966 : i32
        %parallel_loop3A_2977 = arith.constant 16 : i32
        %parallel_loop3A_2978 = arith.muli %parallel_loop3A_138, %parallel_loop3A_2977 : i32
        %parallel_loop3A_2979 = arith.constant 11 : i32
        %parallel_loop3A_2980 = arith.addi %parallel_loop3A_2978, %parallel_loop3A_2979 : i32
        %parallel_loop3A_2981 = arith.index_cast %parallel_loop3A_2976 : i32 to index
        %parallel_loop3A_2982 = arith.index_cast %parallel_loop3A_2980 : i32 to index
        %parallel_loop3A_2983 = arith.constant 96 : index
        %parallel_loop3A_2984 = tpu.vector_load %arg6[%parallel_loop3A_2981, %parallel_loop3A_2982, %parallel_loop3A_2983] {strides = array<i32>} : memref<2x256x128xf32, #tpu.memory_space<vmem>>, vector<1x1x16xf32>,
        %parallel_loop3A_2985 = vector.shape_cast %parallel_loop3A_2984 : vector<1x1x16xf32> to vector<16xf32>
        %parallel_loop3A_2986 = arith.constant 2 : i32
        %parallel_loop3A_2987 = arith.constant 0 : i32
        %parallel_loop3A_2988 = arith.cmpi eq, %parallel_loop3A_2986, %parallel_loop3A_2987 : i32
        %parallel_loop3A_2989 = arith.constant 1 : i32
        %parallel_loop3A_2990 = arith.select %parallel_loop3A_2988, %parallel_loop3A_2989, %parallel_loop3A_2986 : i32
        %parallel_loop3A_2991 = arith.remsi %scan3A_100, %parallel_loop3A_2990 : i32
        %parallel_loop3A_2992 = arith.constant 0 : i32
        %parallel_loop3A_2993 = arith.cmpi ne, %parallel_loop3A_2991, %parallel_loop3A_2992 : i32
        %parallel_loop3A_2994 = arith.constant 0 : i32
        %parallel_loop3A_2995 = arith.cmpi slt, %parallel_loop3A_2991, %parallel_loop3A_2994 : i32
        %parallel_loop3A_2996 = arith.constant 0 : i32
        %parallel_loop3A_2997 = arith.cmpi slt, %parallel_loop3A_2990, %parallel_loop3A_2996 : i32
        %parallel_loop3A_2998 = arith.xori %parallel_loop3A_2995, %parallel_loop3A_2997 : i1
        %parallel_loop3A_2999 = arith.andi %parallel_loop3A_2998, %parallel_loop3A_2993 : i1
        %parallel_loop3A_3000 = arith.addi %parallel_loop3A_2991, %parallel_loop3A_2990 : i32
        %parallel_loop3A_3001 = arith.select %parallel_loop3A_2999, %parallel_loop3A_3000, %parallel_loop3A_2991 : i32
        %parallel_loop3A_3002 = arith.constant 16 : i32
        %parallel_loop3A_3003 = arith.muli %parallel_loop3A_138, %parallel_loop3A_3002 : i32
        %parallel_loop3A_3004 = arith.constant 11 : i32
        %parallel_loop3A_3005 = arith.addi %parallel_loop3A_3003, %parallel_loop3A_3004 : i32
        %parallel_loop3A_3006 = arith.index_cast %parallel_loop3A_3001 : i32 to index
        %parallel_loop3A_3007 = arith.index_cast %parallel_loop3A_3005 : i32 to index
        %parallel_loop3A_3008 = arith.constant 112 : index
        %parallel_loop3A_3009 = tpu.vector_load %arg6[%parallel_loop3A_3006, %parallel_loop3A_3007, %parallel_loop3A_3008] {strides = array<i32>} : memref<2x256x128xf32, #tpu.memory_space<vmem>>, vector<1x1x16xf32>,
        %parallel_loop3A_3010 = vector.shape_cast %parallel_loop3A_3009 : vector<1x1x16xf32> to vector<16xf32>
        %parallel_loop3A_3011 = arith.index_cast %parallel_loop3A_2810 : i32 to index
        %parallel_loop3A_3012 = arith.constant 0 : index
        %parallel_loop3A_3013 = tpu.vector_load %arg7[%parallel_loop3A_3011, %parallel_loop3A_3012] {strides = array<i32>} : memref<128x128xf32, #tpu.memory_space<vmem>>, vector<1x16xf32>,
        %parallel_loop3A_3014 = vector.shape_cast %parallel_loop3A_3013 : vector<1x16xf32> to vector<16xf32>
        %parallel_loop3A_3015 = vector.shape_cast %parallel_loop3A_2835 : vector<16xf32> to vector<1x16xf32>
        tpu.vector_store %arg7[%parallel_loop3A_3011, %parallel_loop3A_3012], %parallel_loop3A_3015 {add = true, strides = array<i32>} : memref<128x128xf32, #tpu.memory_space<vmem>>, vector<1x16xf32>,
        %parallel_loop3A_3016 = arith.index_cast %parallel_loop3A_2810 : i32 to index
        %parallel_loop3A_3017 = arith.constant 16 : index
        %parallel_loop3A_3018 = tpu.vector_load %arg7[%parallel_loop3A_3016, %parallel_loop3A_3017] {strides = array<i32>} : memref<128x128xf32, #tpu.memory_space<vmem>>, vector<1x16xf32>,
        %parallel_loop3A_3019 = vector.shape_cast %parallel_loop3A_3018 : vector<1x16xf32> to vector<16xf32>
        %parallel_loop3A_3020 = vector.shape_cast %parallel_loop3A_2860 : vector<16xf32> to vector<1x16xf32>
        tpu.vector_store %arg7[%parallel_loop3A_3016, %parallel_loop3A_3017], %parallel_loop3A_3020 {add = true, strides = array<i32>} : memref<128x128xf32, #tpu.memory_space<vmem>>, vector<1x16xf32>,
        %parallel_loop3A_3021 = arith.index_cast %parallel_loop3A_2810 : i32 to index
        %parallel_loop3A_3022 = arith.constant 32 : index
        %parallel_loop3A_3023 = tpu.vector_load %arg7[%parallel_loop3A_3021, %parallel_loop3A_3022] {strides = array<i32>} : memref<128x128xf32, #tpu.memory_space<vmem>>, vector<1x16xf32>,
        %parallel_loop3A_3024 = vector.shape_cast %parallel_loop3A_3023 : vector<1x16xf32> to vector<16xf32>
        %parallel_loop3A_3025 = vector.shape_cast %parallel_loop3A_2885 : vector<16xf32> to vector<1x16xf32>
        tpu.vector_store %arg7[%parallel_loop3A_3021, %parallel_loop3A_3022], %parallel_loop3A_3025 {add = true, strides = array<i32>} : memref<128x128xf32, #tpu.memory_space<vmem>>, vector<1x16xf32>,
        %parallel_loop3A_3026 = arith.index_cast %parallel_loop3A_2810 : i32 to index
        %parallel_loop3A_3027 = arith.constant 48 : index
        %parallel_loop3A_3028 = tpu.vector_load %arg7[%parallel_loop3A_3026, %parallel_loop3A_3027] {strides = array<i32>} : memref<128x128xf32, #tpu.memory_space<vmem>>, vector<1x16xf32>,
        %parallel_loop3A_3029 = vector.shape_cast %parallel_loop3A_3028 : vector<1x16xf32> to vector<16xf32>
        %parallel_loop3A_3030 = vector.shape_cast %parallel_loop3A_2910 : vector<16xf32> to vector<1x16xf32>
        tpu.vector_store %arg7[%parallel_loop3A_3026, %parallel_loop3A_3027], %parallel_loop3A_3030 {add = true, strides = array<i32>} : memref<128x128xf32, #tpu.memory_space<vmem>>, vector<1x16xf32>,
        %parallel_loop3A_3031 = arith.index_cast %parallel_loop3A_2810 : i32 to index
        %parallel_loop3A_3032 = arith.constant 64 : index
        %parallel_loop3A_3033 = tpu.vector_load %arg7[%parallel_loop3A_3031, %parallel_loop3A_3032] {strides = array<i32>} : memref<128x128xf32, #tpu.memory_space<vmem>>, vector<1x16xf32>,
        %parallel_loop3A_3034 = vector.shape_cast %parallel_loop3A_3033 : vector<1x16xf32> to vector<16xf32>
        %parallel_loop3A_3035 = vector.shape_cast %parallel_loop3A_2935 : vector<16xf32> to vector<1x16xf32>
        tpu.vector_store %arg7[%parallel_loop3A_3031, %parallel_loop3A_3032], %parallel_loop3A_3035 {add = true, strides = array<i32>} : memref<128x128xf32, #tpu.memory_space<vmem>>, vector<1x16xf32>,
        %parallel_loop3A_3036 = arith.index_cast %parallel_loop3A_2810 : i32 to index
        %parallel_loop3A_3037 = arith.constant 80 : index
        %parallel_loop3A_3038 = tpu.vector_load %arg7[%parallel_loop3A_3036, %parallel_loop3A_3037] {strides = array<i32>} : memref<128x128xf32, #tpu.memory_space<vmem>>, vector<1x16xf32>,
        %parallel_loop3A_3039 = vector.shape_cast %parallel_loop3A_3038 : vector<1x16xf32> to vector<16xf32>
        %parallel_loop3A_3040 = vector.shape_cast %parallel_loop3A_2960 : vector<16xf32> to vector<1x16xf32>
        tpu.vector_store %arg7[%parallel_loop3A_3036, %parallel_loop3A_3037], %parallel_loop3A_3040 {add = true, strides = array<i32>} : memref<128x128xf32, #tpu.memory_space<vmem>>, vector<1x16xf32>,
        %parallel_loop3A_3041 = arith.index_cast %parallel_loop3A_2810 : i32 to index
        %parallel_loop3A_3042 = arith.constant 96 : index
        %parallel_loop3A_3043 = tpu.vector_load %arg7[%parallel_loop3A_3041, %parallel_loop3A_3042] {strides = array<i32>} : memref<128x128xf32, #tpu.memory_space<vmem>>, vector<1x16xf32>,
        %parallel_loop3A_3044 = vector.shape_cast %parallel_loop3A_3043 : vector<1x16xf32> to vector<16xf32>
        %parallel_loop3A_3045 = vector.shape_cast %parallel_loop3A_2985 : vector<16xf32> to vector<1x16xf32>
        tpu.vector_store %arg7[%parallel_loop3A_3041, %parallel_loop3A_3042], %parallel_loop3A_3045 {add = true, strides = array<i32>} : memref<128x128xf32, #tpu.memory_space<vmem>>, vector<1x16xf32>,
        %parallel_loop3A_3046 = arith.index_cast %parallel_loop3A_2810 : i32 to index
        %parallel_loop3A_3047 = arith.constant 112 : index
        %parallel_loop3A_3048 = tpu.vector_load %arg7[%parallel_loop3A_3046, %parallel_loop3A_3047] {strides = array<i32>} : memref<128x128xf32, #tpu.memory_space<vmem>>, vector<1x16xf32>,
        %parallel_loop3A_3049 = vector.shape_cast %parallel_loop3A_3048 : vector<1x16xf32> to vector<16xf32>
        %parallel_loop3A_3050 = vector.shape_cast %parallel_loop3A_3010 : vector<16xf32> to vector<1x16xf32>
        tpu.vector_store %arg7[%parallel_loop3A_3046, %parallel_loop3A_3047], %parallel_loop3A_3050 {add = true, strides = array<i32>} : memref<128x128xf32, #tpu.memory_space<vmem>>, vector<1x16xf32>,
        %parallel_loop3A_3051 = vector.extract_strided_slice %parallel_loop3A_146 {offsets = [12], sizes = [1], strides = [1]} : vector<16xi32> to vector<1xi32>
        %parallel_loop3A_3052 = vector.extract %parallel_loop3A_3051[0] : i32 from vector<1xi32>
        %parallel_loop3A_3053 = arith.constant 2 : i32
        %parallel_loop3A_3054 = arith.constant 0 : i32
        %parallel_loop3A_3055 = arith.cmpi eq, %parallel_loop3A_3053, %parallel_loop3A_3054 : i32
        %parallel_loop3A_3056 = arith.constant 1 : i32
        %parallel_loop3A_3057 = arith.select %parallel_loop3A_3055, %parallel_loop3A_3056, %parallel_loop3A_3053 : i32
        %parallel_loop3A_3058 = arith.remsi %scan3A_100, %parallel_loop3A_3057 : i32
        %parallel_loop3A_3059 = arith.constant 0 : i32
        %parallel_loop3A_3060 = arith.cmpi ne, %parallel_loop3A_3058, %parallel_loop3A_3059 : i32
        %parallel_loop3A_3061 = arith.constant 0 : i32
        %parallel_loop3A_3062 = arith.cmpi slt, %parallel_loop3A_3058, %parallel_loop3A_3061 : i32
        %parallel_loop3A_3063 = arith.constant 0 : i32
        %parallel_loop3A_3064 = arith.cmpi slt, %parallel_loop3A_3057, %parallel_loop3A_3063 : i32
        %parallel_loop3A_3065 = arith.xori %parallel_loop3A_3062, %parallel_loop3A_3064 : i1
        %parallel_loop3A_3066 = arith.andi %parallel_loop3A_3065, %parallel_loop3A_3060 : i1
        %parallel_loop3A_3067 = arith.addi %parallel_loop3A_3058, %parallel_loop3A_3057 : i32
        %parallel_loop3A_3068 = arith.select %parallel_loop3A_3066, %parallel_loop3A_3067, %parallel_loop3A_3058 : i32
        %parallel_loop3A_3069 = arith.constant 16 : i32
        %parallel_loop3A_3070 = arith.muli %parallel_loop3A_138, %parallel_loop3A_3069 : i32
        %parallel_loop3A_3071 = arith.constant 12 : i32
        %parallel_loop3A_3072 = arith.addi %parallel_loop3A_3070, %parallel_loop3A_3071 : i32
        %parallel_loop3A_3073 = arith.index_cast %parallel_loop3A_3068 : i32 to index
        %parallel_loop3A_3074 = arith.index_cast %parallel_loop3A_3072 : i32 to index
        %parallel_loop3A_3075 = arith.constant 0 : index
        %parallel_loop3A_3076 = tpu.vector_load %arg6[%parallel_loop3A_3073, %parallel_loop3A_3074, %parallel_loop3A_3075] {strides = array<i32>} : memref<2x256x128xf32, #tpu.memory_space<vmem>>, vector<1x1x16xf32>,
        %parallel_loop3A_3077 = vector.shape_cast %parallel_loop3A_3076 : vector<1x1x16xf32> to vector<16xf32>
        %parallel_loop3A_3078 = arith.constant 2 : i32
        %parallel_loop3A_3079 = arith.constant 0 : i32
        %parallel_loop3A_3080 = arith.cmpi eq, %parallel_loop3A_3078, %parallel_loop3A_3079 : i32
        %parallel_loop3A_3081 = arith.constant 1 : i32
        %parallel_loop3A_3082 = arith.select %parallel_loop3A_3080, %parallel_loop3A_3081, %parallel_loop3A_3078 : i32
        %parallel_loop3A_3083 = arith.remsi %scan3A_100, %parallel_loop3A_3082 : i32
        %parallel_loop3A_3084 = arith.constant 0 : i32
        %parallel_loop3A_3085 = arith.cmpi ne, %parallel_loop3A_3083, %parallel_loop3A_3084 : i32
        %parallel_loop3A_3086 = arith.constant 0 : i32
        %parallel_loop3A_3087 = arith.cmpi slt, %parallel_loop3A_3083, %parallel_loop3A_3086 : i32
        %parallel_loop3A_3088 = arith.constant 0 : i32
        %parallel_loop3A_3089 = arith.cmpi slt, %parallel_loop3A_3082, %parallel_loop3A_3088 : i32
        %parallel_loop3A_3090 = arith.xori %parallel_loop3A_3087, %parallel_loop3A_3089 : i1
        %parallel_loop3A_3091 = arith.andi %parallel_loop3A_3090, %parallel_loop3A_3085 : i1
        %parallel_loop3A_3092 = arith.addi %parallel_loop3A_3083, %parallel_loop3A_3082 : i32
        %parallel_loop3A_3093 = arith.select %parallel_loop3A_3091, %parallel_loop3A_3092, %parallel_loop3A_3083 : i32
        %parallel_loop3A_3094 = arith.constant 16 : i32
        %parallel_loop3A_3095 = arith.muli %parallel_loop3A_138, %parallel_loop3A_3094 : i32
        %parallel_loop3A_3096 = arith.constant 12 : i32
        %parallel_loop3A_3097 = arith.addi %parallel_loop3A_3095, %parallel_loop3A_3096 : i32
        %parallel_loop3A_3098 = arith.index_cast %parallel_loop3A_3093 : i32 to index
        %parallel_loop3A_3099 = arith.index_cast %parallel_loop3A_3097 : i32 to index
        %parallel_loop3A_3100 = arith.constant 16 : index
        %parallel_loop3A_3101 = tpu.vector_load %arg6[%parallel_loop3A_3098, %parallel_loop3A_3099, %parallel_loop3A_3100] {strides = array<i32>} : memref<2x256x128xf32, #tpu.memory_space<vmem>>, vector<1x1x16xf32>,
        %parallel_loop3A_3102 = vector.shape_cast %parallel_loop3A_3101 : vector<1x1x16xf32> to vector<16xf32>
        %parallel_loop3A_3103 = arith.constant 2 : i32
        %parallel_loop3A_3104 = arith.constant 0 : i32
        %parallel_loop3A_3105 = arith.cmpi eq, %parallel_loop3A_3103, %parallel_loop3A_3104 : i32
        %parallel_loop3A_3106 = arith.constant 1 : i32
        %parallel_loop3A_3107 = arith.select %parallel_loop3A_3105, %parallel_loop3A_3106, %parallel_loop3A_3103 : i32
        %parallel_loop3A_3108 = arith.remsi %scan3A_100, %parallel_loop3A_3107 : i32
        %parallel_loop3A_3109 = arith.constant 0 : i32
        %parallel_loop3A_3110 = arith.cmpi ne, %parallel_loop3A_3108, %parallel_loop3A_3109 : i32
        %parallel_loop3A_3111 = arith.constant 0 : i32
        %parallel_loop3A_3112 = arith.cmpi slt, %parallel_loop3A_3108, %parallel_loop3A_3111 : i32
        %parallel_loop3A_3113 = arith.constant 0 : i32
        %parallel_loop3A_3114 = arith.cmpi slt, %parallel_loop3A_3107, %parallel_loop3A_3113 : i32
        %parallel_loop3A_3115 = arith.xori %parallel_loop3A_3112, %parallel_loop3A_3114 : i1
        %parallel_loop3A_3116 = arith.andi %parallel_loop3A_3115, %parallel_loop3A_3110 : i1
        %parallel_loop3A_3117 = arith.addi %parallel_loop3A_3108, %parallel_loop3A_3107 : i32
        %parallel_loop3A_3118 = arith.select %parallel_loop3A_3116, %parallel_loop3A_3117, %parallel_loop3A_3108 : i32
        %parallel_loop3A_3119 = arith.constant 16 : i32
        %parallel_loop3A_3120 = arith.muli %parallel_loop3A_138, %parallel_loop3A_3119 : i32
        %parallel_loop3A_3121 = arith.constant 12 : i32
        %parallel_loop3A_3122 = arith.addi %parallel_loop3A_3120, %parallel_loop3A_3121 : i32
        %parallel_loop3A_3123 = arith.index_cast %parallel_loop3A_3118 : i32 to index
        %parallel_loop3A_3124 = arith.index_cast %parallel_loop3A_3122 : i32 to index
        %parallel_loop3A_3125 = arith.constant 32 : index
        %parallel_loop3A_3126 = tpu.vector_load %arg6[%parallel_loop3A_3123, %parallel_loop3A_3124, %parallel_loop3A_3125] {strides = array<i32>} : memref<2x256x128xf32, #tpu.memory_space<vmem>>, vector<1x1x16xf32>,
        %parallel_loop3A_3127 = vector.shape_cast %parallel_loop3A_3126 : vector<1x1x16xf32> to vector<16xf32>
        %parallel_loop3A_3128 = arith.constant 2 : i32
        %parallel_loop3A_3129 = arith.constant 0 : i32
        %parallel_loop3A_3130 = arith.cmpi eq, %parallel_loop3A_3128, %parallel_loop3A_3129 : i32
        %parallel_loop3A_3131 = arith.constant 1 : i32
        %parallel_loop3A_3132 = arith.select %parallel_loop3A_3130, %parallel_loop3A_3131, %parallel_loop3A_3128 : i32
        %parallel_loop3A_3133 = arith.remsi %scan3A_100, %parallel_loop3A_3132 : i32
        %parallel_loop3A_3134 = arith.constant 0 : i32
        %parallel_loop3A_3135 = arith.cmpi ne, %parallel_loop3A_3133, %parallel_loop3A_3134 : i32
        %parallel_loop3A_3136 = arith.constant 0 : i32
        %parallel_loop3A_3137 = arith.cmpi slt, %parallel_loop3A_3133, %parallel_loop3A_3136 : i32
        %parallel_loop3A_3138 = arith.constant 0 : i32
        %parallel_loop3A_3139 = arith.cmpi slt, %parallel_loop3A_3132, %parallel_loop3A_3138 : i32
        %parallel_loop3A_3140 = arith.xori %parallel_loop3A_3137, %parallel_loop3A_3139 : i1
        %parallel_loop3A_3141 = arith.andi %parallel_loop3A_3140, %parallel_loop3A_3135 : i1
        %parallel_loop3A_3142 = arith.addi %parallel_loop3A_3133, %parallel_loop3A_3132 : i32
        %parallel_loop3A_3143 = arith.select %parallel_loop3A_3141, %parallel_loop3A_3142, %parallel_loop3A_3133 : i32
        %parallel_loop3A_3144 = arith.constant 16 : i32
        %parallel_loop3A_3145 = arith.muli %parallel_loop3A_138, %parallel_loop3A_3144 : i32
        %parallel_loop3A_3146 = arith.constant 12 : i32
        %parallel_loop3A_3147 = arith.addi %parallel_loop3A_3145, %parallel_loop3A_3146 : i32
        %parallel_loop3A_3148 = arith.index_cast %parallel_loop3A_3143 : i32 to index
        %parallel_loop3A_3149 = arith.index_cast %parallel_loop3A_3147 : i32 to index
        %parallel_loop3A_3150 = arith.constant 48 : index
        %parallel_loop3A_3151 = tpu.vector_load %arg6[%parallel_loop3A_3148, %parallel_loop3A_3149, %parallel_loop3A_3150] {strides = array<i32>} : memref<2x256x128xf32, #tpu.memory_space<vmem>>, vector<1x1x16xf32>,
        %parallel_loop3A_3152 = vector.shape_cast %parallel_loop3A_3151 : vector<1x1x16xf32> to vector<16xf32>
        %parallel_loop3A_3153 = arith.constant 2 : i32
        %parallel_loop3A_3154 = arith.constant 0 : i32
        %parallel_loop3A_3155 = arith.cmpi eq, %parallel_loop3A_3153, %parallel_loop3A_3154 : i32
        %parallel_loop3A_3156 = arith.constant 1 : i32
        %parallel_loop3A_3157 = arith.select %parallel_loop3A_3155, %parallel_loop3A_3156, %parallel_loop3A_3153 : i32
        %parallel_loop3A_3158 = arith.remsi %scan3A_100, %parallel_loop3A_3157 : i32
        %parallel_loop3A_3159 = arith.constant 0 : i32
        %parallel_loop3A_3160 = arith.cmpi ne, %parallel_loop3A_3158, %parallel_loop3A_3159 : i32
        %parallel_loop3A_3161 = arith.constant 0 : i32
        %parallel_loop3A_3162 = arith.cmpi slt, %parallel_loop3A_3158, %parallel_loop3A_3161 : i32
        %parallel_loop3A_3163 = arith.constant 0 : i32
        %parallel_loop3A_3164 = arith.cmpi slt, %parallel_loop3A_3157, %parallel_loop3A_3163 : i32
        %parallel_loop3A_3165 = arith.xori %parallel_loop3A_3162, %parallel_loop3A_3164 : i1
        %parallel_loop3A_3166 = arith.andi %parallel_loop3A_3165, %parallel_loop3A_3160 : i1
        %parallel_loop3A_3167 = arith.addi %parallel_loop3A_3158, %parallel_loop3A_3157 : i32
        %parallel_loop3A_3168 = arith.select %parallel_loop3A_3166, %parallel_loop3A_3167, %parallel_loop3A_3158 : i32
        %parallel_loop3A_3169 = arith.constant 16 : i32
        %parallel_loop3A_3170 = arith.muli %parallel_loop3A_138, %parallel_loop3A_3169 : i32
        %parallel_loop3A_3171 = arith.constant 12 : i32
        %parallel_loop3A_3172 = arith.addi %parallel_loop3A_3170, %parallel_loop3A_3171 : i32
        %parallel_loop3A_3173 = arith.index_cast %parallel_loop3A_3168 : i32 to index
        %parallel_loop3A_3174 = arith.index_cast %parallel_loop3A_3172 : i32 to index
        %parallel_loop3A_3175 = arith.constant 64 : index
        %parallel_loop3A_3176 = tpu.vector_load %arg6[%parallel_loop3A_3173, %parallel_loop3A_3174, %parallel_loop3A_3175] {strides = array<i32>} : memref<2x256x128xf32, #tpu.memory_space<vmem>>, vector<1x1x16xf32>,
        %parallel_loop3A_3177 = vector.shape_cast %parallel_loop3A_3176 : vector<1x1x16xf32> to vector<16xf32>
        %parallel_loop3A_3178 = arith.constant 2 : i32
        %parallel_loop3A_3179 = arith.constant 0 : i32
        %parallel_loop3A_3180 = arith.cmpi eq, %parallel_loop3A_3178, %parallel_loop3A_3179 : i32
        %parallel_loop3A_3181 = arith.constant 1 : i32
        %parallel_loop3A_3182 = arith.select %parallel_loop3A_3180, %parallel_loop3A_3181, %parallel_loop3A_3178 : i32
        %parallel_loop3A_3183 = arith.remsi %scan3A_100, %parallel_loop3A_3182 : i32
        %parallel_loop3A_3184 = arith.constant 0 : i32
        %parallel_loop3A_3185 = arith.cmpi ne, %parallel_loop3A_3183, %parallel_loop3A_3184 : i32
        %parallel_loop3A_3186 = arith.constant 0 : i32
        %parallel_loop3A_3187 = arith.cmpi slt, %parallel_loop3A_3183, %parallel_loop3A_3186 : i32
        %parallel_loop3A_3188 = arith.constant 0 : i32
        %parallel_loop3A_3189 = arith.cmpi slt, %parallel_loop3A_3182, %parallel_loop3A_3188 : i32
        %parallel_loop3A_3190 = arith.xori %parallel_loop3A_3187, %parallel_loop3A_3189 : i1
        %parallel_loop3A_3191 = arith.andi %parallel_loop3A_3190, %parallel_loop3A_3185 : i1
        %parallel_loop3A_3192 = arith.addi %parallel_loop3A_3183, %parallel_loop3A_3182 : i32
        %parallel_loop3A_3193 = arith.select %parallel_loop3A_3191, %parallel_loop3A_3192, %parallel_loop3A_3183 : i32
        %parallel_loop3A_3194 = arith.constant 16 : i32
        %parallel_loop3A_3195 = arith.muli %parallel_loop3A_138, %parallel_loop3A_3194 : i32
        %parallel_loop3A_3196 = arith.constant 12 : i32
        %parallel_loop3A_3197 = arith.addi %parallel_loop3A_3195, %parallel_loop3A_3196 : i32
        %parallel_loop3A_3198 = arith.index_cast %parallel_loop3A_3193 : i32 to index
        %parallel_loop3A_3199 = arith.index_cast %parallel_loop3A_3197 : i32 to index
        %parallel_loop3A_3200 = arith.constant 80 : index
        %parallel_loop3A_3201 = tpu.vector_load %arg6[%parallel_loop3A_3198, %parallel_loop3A_3199, %parallel_loop3A_3200] {strides = array<i32>} : memref<2x256x128xf32, #tpu.memory_space<vmem>>, vector<1x1x16xf32>,
        %parallel_loop3A_3202 = vector.shape_cast %parallel_loop3A_3201 : vector<1x1x16xf32> to vector<16xf32>
        %parallel_loop3A_3203 = arith.constant 2 : i32
        %parallel_loop3A_3204 = arith.constant 0 : i32
        %parallel_loop3A_3205 = arith.cmpi eq, %parallel_loop3A_3203, %parallel_loop3A_3204 : i32
        %parallel_loop3A_3206 = arith.constant 1 : i32
        %parallel_loop3A_3207 = arith.select %parallel_loop3A_3205, %parallel_loop3A_3206, %parallel_loop3A_3203 : i32
        %parallel_loop3A_3208 = arith.remsi %scan3A_100, %parallel_loop3A_3207 : i32
        %parallel_loop3A_3209 = arith.constant 0 : i32
        %parallel_loop3A_3210 = arith.cmpi ne, %parallel_loop3A_3208, %parallel_loop3A_3209 : i32
        %parallel_loop3A_3211 = arith.constant 0 : i32
        %parallel_loop3A_3212 = arith.cmpi slt, %parallel_loop3A_3208, %parallel_loop3A_3211 : i32
        %parallel_loop3A_3213 = arith.constant 0 : i32
        %parallel_loop3A_3214 = arith.cmpi slt, %parallel_loop3A_3207, %parallel_loop3A_3213 : i32
        %parallel_loop3A_3215 = arith.xori %parallel_loop3A_3212, %parallel_loop3A_3214 : i1
        %parallel_loop3A_3216 = arith.andi %parallel_loop3A_3215, %parallel_loop3A_3210 : i1
        %parallel_loop3A_3217 = arith.addi %parallel_loop3A_3208, %parallel_loop3A_3207 : i32
        %parallel_loop3A_3218 = arith.select %parallel_loop3A_3216, %parallel_loop3A_3217, %parallel_loop3A_3208 : i32
        %parallel_loop3A_3219 = arith.constant 16 : i32
        %parallel_loop3A_3220 = arith.muli %parallel_loop3A_138, %parallel_loop3A_3219 : i32
        %parallel_loop3A_3221 = arith.constant 12 : i32
        %parallel_loop3A_3222 = arith.addi %parallel_loop3A_3220, %parallel_loop3A_3221 : i32
        %parallel_loop3A_3223 = arith.index_cast %parallel_loop3A_3218 : i32 to index
        %parallel_loop3A_3224 = arith.index_cast %parallel_loop3A_3222 : i32 to index
        %parallel_loop3A_3225 = arith.constant 96 : index
        %parallel_loop3A_3226 = tpu.vector_load %arg6[%parallel_loop3A_3223, %parallel_loop3A_3224, %parallel_loop3A_3225] {strides = array<i32>} : memref<2x256x128xf32, #tpu.memory_space<vmem>>, vector<1x1x16xf32>,
        %parallel_loop3A_3227 = vector.shape_cast %parallel_loop3A_3226 : vector<1x1x16xf32> to vector<16xf32>
        %parallel_loop3A_3228 = arith.constant 2 : i32
        %parallel_loop3A_3229 = arith.constant 0 : i32
        %parallel_loop3A_3230 = arith.cmpi eq, %parallel_loop3A_3228, %parallel_loop3A_3229 : i32
        %parallel_loop3A_3231 = arith.constant 1 : i32
        %parallel_loop3A_3232 = arith.select %parallel_loop3A_3230, %parallel_loop3A_3231, %parallel_loop3A_3228 : i32
        %parallel_loop3A_3233 = arith.remsi %scan3A_100, %parallel_loop3A_3232 : i32
        %parallel_loop3A_3234 = arith.constant 0 : i32
        %parallel_loop3A_3235 = arith.cmpi ne, %parallel_loop3A_3233, %parallel_loop3A_3234 : i32
        %parallel_loop3A_3236 = arith.constant 0 : i32
        %parallel_loop3A_3237 = arith.cmpi slt, %parallel_loop3A_3233, %parallel_loop3A_3236 : i32
        %parallel_loop3A_3238 = arith.constant 0 : i32
        %parallel_loop3A_3239 = arith.cmpi slt, %parallel_loop3A_3232, %parallel_loop3A_3238 : i32
        %parallel_loop3A_3240 = arith.xori %parallel_loop3A_3237, %parallel_loop3A_3239 : i1
        %parallel_loop3A_3241 = arith.andi %parallel_loop3A_3240, %parallel_loop3A_3235 : i1
        %parallel_loop3A_3242 = arith.addi %parallel_loop3A_3233, %parallel_loop3A_3232 : i32
        %parallel_loop3A_3243 = arith.select %parallel_loop3A_3241, %parallel_loop3A_3242, %parallel_loop3A_3233 : i32
        %parallel_loop3A_3244 = arith.constant 16 : i32
        %parallel_loop3A_3245 = arith.muli %parallel_loop3A_138, %parallel_loop3A_3244 : i32
        %parallel_loop3A_3246 = arith.constant 12 : i32
        %parallel_loop3A_3247 = arith.addi %parallel_loop3A_3245, %parallel_loop3A_3246 : i32
        %parallel_loop3A_3248 = arith.index_cast %parallel_loop3A_3243 : i32 to index
        %parallel_loop3A_3249 = arith.index_cast %parallel_loop3A_3247 : i32 to index
        %parallel_loop3A_3250 = arith.constant 112 : index
        %parallel_loop3A_3251 = tpu.vector_load %arg6[%parallel_loop3A_3248, %parallel_loop3A_3249, %parallel_loop3A_3250] {strides = array<i32>} : memref<2x256x128xf32, #tpu.memory_space<vmem>>, vector<1x1x16xf32>,
        %parallel_loop3A_3252 = vector.shape_cast %parallel_loop3A_3251 : vector<1x1x16xf32> to vector<16xf32>
        %parallel_loop3A_3253 = arith.index_cast %parallel_loop3A_3052 : i32 to index
        %parallel_loop3A_3254 = arith.constant 0 : index
        %parallel_loop3A_3255 = tpu.vector_load %arg7[%parallel_loop3A_3253, %parallel_loop3A_3254] {strides = array<i32>} : memref<128x128xf32, #tpu.memory_space<vmem>>, vector<1x16xf32>,
        %parallel_loop3A_3256 = vector.shape_cast %parallel_loop3A_3255 : vector<1x16xf32> to vector<16xf32>
        %parallel_loop3A_3257 = vector.shape_cast %parallel_loop3A_3077 : vector<16xf32> to vector<1x16xf32>
        tpu.vector_store %arg7[%parallel_loop3A_3253, %parallel_loop3A_3254], %parallel_loop3A_3257 {add = true, strides = array<i32>} : memref<128x128xf32, #tpu.memory_space<vmem>>, vector<1x16xf32>,
        %parallel_loop3A_3258 = arith.index_cast %parallel_loop3A_3052 : i32 to index
        %parallel_loop3A_3259 = arith.constant 16 : index
        %parallel_loop3A_3260 = tpu.vector_load %arg7[%parallel_loop3A_3258, %parallel_loop3A_3259] {strides = array<i32>} : memref<128x128xf32, #tpu.memory_space<vmem>>, vector<1x16xf32>,
        %parallel_loop3A_3261 = vector.shape_cast %parallel_loop3A_3260 : vector<1x16xf32> to vector<16xf32>
        %parallel_loop3A_3262 = vector.shape_cast %parallel_loop3A_3102 : vector<16xf32> to vector<1x16xf32>
        tpu.vector_store %arg7[%parallel_loop3A_3258, %parallel_loop3A_3259], %parallel_loop3A_3262 {add = true, strides = array<i32>} : memref<128x128xf32, #tpu.memory_space<vmem>>, vector<1x16xf32>,
        %parallel_loop3A_3263 = arith.index_cast %parallel_loop3A_3052 : i32 to index
        %parallel_loop3A_3264 = arith.constant 32 : index
        %parallel_loop3A_3265 = tpu.vector_load %arg7[%parallel_loop3A_3263, %parallel_loop3A_3264] {strides = array<i32>} : memref<128x128xf32, #tpu.memory_space<vmem>>, vector<1x16xf32>,
        %parallel_loop3A_3266 = vector.shape_cast %parallel_loop3A_3265 : vector<1x16xf32> to vector<16xf32>
        %parallel_loop3A_3267 = vector.shape_cast %parallel_loop3A_3127 : vector<16xf32> to vector<1x16xf32>
        tpu.vector_store %arg7[%parallel_loop3A_3263, %parallel_loop3A_3264], %parallel_loop3A_3267 {add = true, strides = array<i32>} : memref<128x128xf32, #tpu.memory_space<vmem>>, vector<1x16xf32>,
        %parallel_loop3A_3268 = arith.index_cast %parallel_loop3A_3052 : i32 to index
        %parallel_loop3A_3269 = arith.constant 48 : index
        %parallel_loop3A_3270 = tpu.vector_load %arg7[%parallel_loop3A_3268, %parallel_loop3A_3269] {strides = array<i32>} : memref<128x128xf32, #tpu.memory_space<vmem>>, vector<1x16xf32>,
        %parallel_loop3A_3271 = vector.shape_cast %parallel_loop3A_3270 : vector<1x16xf32> to vector<16xf32>
        %parallel_loop3A_3272 = vector.shape_cast %parallel_loop3A_3152 : vector<16xf32> to vector<1x16xf32>
        tpu.vector_store %arg7[%parallel_loop3A_3268, %parallel_loop3A_3269], %parallel_loop3A_3272 {add = true, strides = array<i32>} : memref<128x128xf32, #tpu.memory_space<vmem>>, vector<1x16xf32>,
        %parallel_loop3A_3273 = arith.index_cast %parallel_loop3A_3052 : i32 to index
        %parallel_loop3A_3274 = arith.constant 64 : index
        %parallel_loop3A_3275 = tpu.vector_load %arg7[%parallel_loop3A_3273, %parallel_loop3A_3274] {strides = array<i32>} : memref<128x128xf32, #tpu.memory_space<vmem>>, vector<1x16xf32>,
        %parallel_loop3A_3276 = vector.shape_cast %parallel_loop3A_3275 : vector<1x16xf32> to vector<16xf32>
        %parallel_loop3A_3277 = vector.shape_cast %parallel_loop3A_3177 : vector<16xf32> to vector<1x16xf32>
        tpu.vector_store %arg7[%parallel_loop3A_3273, %parallel_loop3A_3274], %parallel_loop3A_3277 {add = true, strides = array<i32>} : memref<128x128xf32, #tpu.memory_space<vmem>>, vector<1x16xf32>,
        %parallel_loop3A_3278 = arith.index_cast %parallel_loop3A_3052 : i32 to index
        %parallel_loop3A_3279 = arith.constant 80 : index
        %parallel_loop3A_3280 = tpu.vector_load %arg7[%parallel_loop3A_3278, %parallel_loop3A_3279] {strides = array<i32>} : memref<128x128xf32, #tpu.memory_space<vmem>>, vector<1x16xf32>,
        %parallel_loop3A_3281 = vector.shape_cast %parallel_loop3A_3280 : vector<1x16xf32> to vector<16xf32>
        %parallel_loop3A_3282 = vector.shape_cast %parallel_loop3A_3202 : vector<16xf32> to vector<1x16xf32>
        tpu.vector_store %arg7[%parallel_loop3A_3278, %parallel_loop3A_3279], %parallel_loop3A_3282 {add = true, strides = array<i32>} : memref<128x128xf32, #tpu.memory_space<vmem>>, vector<1x16xf32>,
        %parallel_loop3A_3283 = arith.index_cast %parallel_loop3A_3052 : i32 to index
        %parallel_loop3A_3284 = arith.constant 96 : index
        %parallel_loop3A_3285 = tpu.vector_load %arg7[%parallel_loop3A_3283, %parallel_loop3A_3284] {strides = array<i32>} : memref<128x128xf32, #tpu.memory_space<vmem>>, vector<1x16xf32>,
        %parallel_loop3A_3286 = vector.shape_cast %parallel_loop3A_3285 : vector<1x16xf32> to vector<16xf32>
        %parallel_loop3A_3287 = vector.shape_cast %parallel_loop3A_3227 : vector<16xf32> to vector<1x16xf32>
        tpu.vector_store %arg7[%parallel_loop3A_3283, %parallel_loop3A_3284], %parallel_loop3A_3287 {add = true, strides = array<i32>} : memref<128x128xf32, #tpu.memory_space<vmem>>, vector<1x16xf32>,
        %parallel_loop3A_3288 = arith.index_cast %parallel_loop3A_3052 : i32 to index
        %parallel_loop3A_3289 = arith.constant 112 : index
        %parallel_loop3A_3290 = tpu.vector_load %arg7[%parallel_loop3A_3288, %parallel_loop3A_3289] {strides = array<i32>} : memref<128x128xf32, #tpu.memory_space<vmem>>, vector<1x16xf32>,
        %parallel_loop3A_3291 = vector.shape_cast %parallel_loop3A_3290 : vector<1x16xf32> to vector<16xf32>
        %parallel_loop3A_3292 = vector.shape_cast %parallel_loop3A_3252 : vector<16xf32> to vector<1x16xf32>
        tpu.vector_store %arg7[%parallel_loop3A_3288, %parallel_loop3A_3289], %parallel_loop3A_3292 {add = true, strides = array<i32>} : memref<128x128xf32, #tpu.memory_space<vmem>>, vector<1x16xf32>,
        %parallel_loop3A_3293 = vector.extract_strided_slice %parallel_loop3A_146 {offsets = [13], sizes = [1], strides = [1]} : vector<16xi32> to vector<1xi32>
        %parallel_loop3A_3294 = vector.extract %parallel_loop3A_3293[0] : i32 from vector<1xi32>
        %parallel_loop3A_3295 = arith.constant 2 : i32
        %parallel_loop3A_3296 = arith.constant 0 : i32
        %parallel_loop3A_3297 = arith.cmpi eq, %parallel_loop3A_3295, %parallel_loop3A_3296 : i32
        %parallel_loop3A_3298 = arith.constant 1 : i32
        %parallel_loop3A_3299 = arith.select %parallel_loop3A_3297, %parallel_loop3A_3298, %parallel_loop3A_3295 : i32
        %parallel_loop3A_3300 = arith.remsi %scan3A_100, %parallel_loop3A_3299 : i32
        %parallel_loop3A_3301 = arith.constant 0 : i32
        %parallel_loop3A_3302 = arith.cmpi ne, %parallel_loop3A_3300, %parallel_loop3A_3301 : i32
        %parallel_loop3A_3303 = arith.constant 0 : i32
        %parallel_loop3A_3304 = arith.cmpi slt, %parallel_loop3A_3300, %parallel_loop3A_3303 : i32
        %parallel_loop3A_3305 = arith.constant 0 : i32
        %parallel_loop3A_3306 = arith.cmpi slt, %parallel_loop3A_3299, %parallel_loop3A_3305 : i32
        %parallel_loop3A_3307 = arith.xori %parallel_loop3A_3304, %parallel_loop3A_3306 : i1
        %parallel_loop3A_3308 = arith.andi %parallel_loop3A_3307, %parallel_loop3A_3302 : i1
        %parallel_loop3A_3309 = arith.addi %parallel_loop3A_3300, %parallel_loop3A_3299 : i32
        %parallel_loop3A_3310 = arith.select %parallel_loop3A_3308, %parallel_loop3A_3309, %parallel_loop3A_3300 : i32
        %parallel_loop3A_3311 = arith.constant 16 : i32
        %parallel_loop3A_3312 = arith.muli %parallel_loop3A_138, %parallel_loop3A_3311 : i32
        %parallel_loop3A_3313 = arith.constant 13 : i32
        %parallel_loop3A_3314 = arith.addi %parallel_loop3A_3312, %parallel_loop3A_3313 : i32
        %parallel_loop3A_3315 = arith.index_cast %parallel_loop3A_3310 : i32 to index
        %parallel_loop3A_3316 = arith.index_cast %parallel_loop3A_3314 : i32 to index
        %parallel_loop3A_3317 = arith.constant 0 : index
        %parallel_loop3A_3318 = tpu.vector_load %arg6[%parallel_loop3A_3315, %parallel_loop3A_3316, %parallel_loop3A_3317] {strides = array<i32>} : memref<2x256x128xf32, #tpu.memory_space<vmem>>, vector<1x1x16xf32>,
        %parallel_loop3A_3319 = vector.shape_cast %parallel_loop3A_3318 : vector<1x1x16xf32> to vector<16xf32>
        %parallel_loop3A_3320 = arith.constant 2 : i32
        %parallel_loop3A_3321 = arith.constant 0 : i32
        %parallel_loop3A_3322 = arith.cmpi eq, %parallel_loop3A_3320, %parallel_loop3A_3321 : i32
        %parallel_loop3A_3323 = arith.constant 1 : i32
        %parallel_loop3A_3324 = arith.select %parallel_loop3A_3322, %parallel_loop3A_3323, %parallel_loop3A_3320 : i32
        %parallel_loop3A_3325 = arith.remsi %scan3A_100, %parallel_loop3A_3324 : i32
        %parallel_loop3A_3326 = arith.constant 0 : i32
        %parallel_loop3A_3327 = arith.cmpi ne, %parallel_loop3A_3325, %parallel_loop3A_3326 : i32
        %parallel_loop3A_3328 = arith.constant 0 : i32
        %parallel_loop3A_3329 = arith.cmpi slt, %parallel_loop3A_3325, %parallel_loop3A_3328 : i32
        %parallel_loop3A_3330 = arith.constant 0 : i32
        %parallel_loop3A_3331 = arith.cmpi slt, %parallel_loop3A_3324, %parallel_loop3A_3330 : i32
        %parallel_loop3A_3332 = arith.xori %parallel_loop3A_3329, %parallel_loop3A_3331 : i1
        %parallel_loop3A_3333 = arith.andi %parallel_loop3A_3332, %parallel_loop3A_3327 : i1
        %parallel_loop3A_3334 = arith.addi %parallel_loop3A_3325, %parallel_loop3A_3324 : i32
        %parallel_loop3A_3335 = arith.select %parallel_loop3A_3333, %parallel_loop3A_3334, %parallel_loop3A_3325 : i32
        %parallel_loop3A_3336 = arith.constant 16 : i32
        %parallel_loop3A_3337 = arith.muli %parallel_loop3A_138, %parallel_loop3A_3336 : i32
        %parallel_loop3A_3338 = arith.constant 13 : i32
        %parallel_loop3A_3339 = arith.addi %parallel_loop3A_3337, %parallel_loop3A_3338 : i32
        %parallel_loop3A_3340 = arith.index_cast %parallel_loop3A_3335 : i32 to index
        %parallel_loop3A_3341 = arith.index_cast %parallel_loop3A_3339 : i32 to index
        %parallel_loop3A_3342 = arith.constant 16 : index
        %parallel_loop3A_3343 = tpu.vector_load %arg6[%parallel_loop3A_3340, %parallel_loop3A_3341, %parallel_loop3A_3342] {strides = array<i32>} : memref<2x256x128xf32, #tpu.memory_space<vmem>>, vector<1x1x16xf32>,
        %parallel_loop3A_3344 = vector.shape_cast %parallel_loop3A_3343 : vector<1x1x16xf32> to vector<16xf32>
        %parallel_loop3A_3345 = arith.constant 2 : i32
        %parallel_loop3A_3346 = arith.constant 0 : i32
        %parallel_loop3A_3347 = arith.cmpi eq, %parallel_loop3A_3345, %parallel_loop3A_3346 : i32
        %parallel_loop3A_3348 = arith.constant 1 : i32
        %parallel_loop3A_3349 = arith.select %parallel_loop3A_3347, %parallel_loop3A_3348, %parallel_loop3A_3345 : i32
        %parallel_loop3A_3350 = arith.remsi %scan3A_100, %parallel_loop3A_3349 : i32
        %parallel_loop3A_3351 = arith.constant 0 : i32
        %parallel_loop3A_3352 = arith.cmpi ne, %parallel_loop3A_3350, %parallel_loop3A_3351 : i32
        %parallel_loop3A_3353 = arith.constant 0 : i32
        %parallel_loop3A_3354 = arith.cmpi slt, %parallel_loop3A_3350, %parallel_loop3A_3353 : i32
        %parallel_loop3A_3355 = arith.constant 0 : i32
        %parallel_loop3A_3356 = arith.cmpi slt, %parallel_loop3A_3349, %parallel_loop3A_3355 : i32
        %parallel_loop3A_3357 = arith.xori %parallel_loop3A_3354, %parallel_loop3A_3356 : i1
        %parallel_loop3A_3358 = arith.andi %parallel_loop3A_3357, %parallel_loop3A_3352 : i1
        %parallel_loop3A_3359 = arith.addi %parallel_loop3A_3350, %parallel_loop3A_3349 : i32
        %parallel_loop3A_3360 = arith.select %parallel_loop3A_3358, %parallel_loop3A_3359, %parallel_loop3A_3350 : i32
        %parallel_loop3A_3361 = arith.constant 16 : i32
        %parallel_loop3A_3362 = arith.muli %parallel_loop3A_138, %parallel_loop3A_3361 : i32
        %parallel_loop3A_3363 = arith.constant 13 : i32
        %parallel_loop3A_3364 = arith.addi %parallel_loop3A_3362, %parallel_loop3A_3363 : i32
        %parallel_loop3A_3365 = arith.index_cast %parallel_loop3A_3360 : i32 to index
        %parallel_loop3A_3366 = arith.index_cast %parallel_loop3A_3364 : i32 to index
        %parallel_loop3A_3367 = arith.constant 32 : index
        %parallel_loop3A_3368 = tpu.vector_load %arg6[%parallel_loop3A_3365, %parallel_loop3A_3366, %parallel_loop3A_3367] {strides = array<i32>} : memref<2x256x128xf32, #tpu.memory_space<vmem>>, vector<1x1x16xf32>,
        %parallel_loop3A_3369 = vector.shape_cast %parallel_loop3A_3368 : vector<1x1x16xf32> to vector<16xf32>
        %parallel_loop3A_3370 = arith.constant 2 : i32
        %parallel_loop3A_3371 = arith.constant 0 : i32
        %parallel_loop3A_3372 = arith.cmpi eq, %parallel_loop3A_3370, %parallel_loop3A_3371 : i32
        %parallel_loop3A_3373 = arith.constant 1 : i32
        %parallel_loop3A_3374 = arith.select %parallel_loop3A_3372, %parallel_loop3A_3373, %parallel_loop3A_3370 : i32
        %parallel_loop3A_3375 = arith.remsi %scan3A_100, %parallel_loop3A_3374 : i32
        %parallel_loop3A_3376 = arith.constant 0 : i32
        %parallel_loop3A_3377 = arith.cmpi ne, %parallel_loop3A_3375, %parallel_loop3A_3376 : i32
        %parallel_loop3A_3378 = arith.constant 0 : i32
        %parallel_loop3A_3379 = arith.cmpi slt, %parallel_loop3A_3375, %parallel_loop3A_3378 : i32
        %parallel_loop3A_3380 = arith.constant 0 : i32
        %parallel_loop3A_3381 = arith.cmpi slt, %parallel_loop3A_3374, %parallel_loop3A_3380 : i32
        %parallel_loop3A_3382 = arith.xori %parallel_loop3A_3379, %parallel_loop3A_3381 : i1
        %parallel_loop3A_3383 = arith.andi %parallel_loop3A_3382, %parallel_loop3A_3377 : i1
        %parallel_loop3A_3384 = arith.addi %parallel_loop3A_3375, %parallel_loop3A_3374 : i32
        %parallel_loop3A_3385 = arith.select %parallel_loop3A_3383, %parallel_loop3A_3384, %parallel_loop3A_3375 : i32
        %parallel_loop3A_3386 = arith.constant 16 : i32
        %parallel_loop3A_3387 = arith.muli %parallel_loop3A_138, %parallel_loop3A_3386 : i32
        %parallel_loop3A_3388 = arith.constant 13 : i32
        %parallel_loop3A_3389 = arith.addi %parallel_loop3A_3387, %parallel_loop3A_3388 : i32
        %parallel_loop3A_3390 = arith.index_cast %parallel_loop3A_3385 : i32 to index
        %parallel_loop3A_3391 = arith.index_cast %parallel_loop3A_3389 : i32 to index
        %parallel_loop3A_3392 = arith.constant 48 : index
        %parallel_loop3A_3393 = tpu.vector_load %arg6[%parallel_loop3A_3390, %parallel_loop3A_3391, %parallel_loop3A_3392] {strides = array<i32>} : memref<2x256x128xf32, #tpu.memory_space<vmem>>, vector<1x1x16xf32>,
        %parallel_loop3A_3394 = vector.shape_cast %parallel_loop3A_3393 : vector<1x1x16xf32> to vector<16xf32>
        %parallel_loop3A_3395 = arith.constant 2 : i32
        %parallel_loop3A_3396 = arith.constant 0 : i32
        %parallel_loop3A_3397 = arith.cmpi eq, %parallel_loop3A_3395, %parallel_loop3A_3396 : i32
        %parallel_loop3A_3398 = arith.constant 1 : i32
        %parallel_loop3A_3399 = arith.select %parallel_loop3A_3397, %parallel_loop3A_3398, %parallel_loop3A_3395 : i32
        %parallel_loop3A_3400 = arith.remsi %scan3A_100, %parallel_loop3A_3399 : i32
        %parallel_loop3A_3401 = arith.constant 0 : i32
        %parallel_loop3A_3402 = arith.cmpi ne, %parallel_loop3A_3400, %parallel_loop3A_3401 : i32
        %parallel_loop3A_3403 = arith.constant 0 : i32
        %parallel_loop3A_3404 = arith.cmpi slt, %parallel_loop3A_3400, %parallel_loop3A_3403 : i32
        %parallel_loop3A_3405 = arith.constant 0 : i32
        %parallel_loop3A_3406 = arith.cmpi slt, %parallel_loop3A_3399, %parallel_loop3A_3405 : i32
        %parallel_loop3A_3407 = arith.xori %parallel_loop3A_3404, %parallel_loop3A_3406 : i1
        %parallel_loop3A_3408 = arith.andi %parallel_loop3A_3407, %parallel_loop3A_3402 : i1
        %parallel_loop3A_3409 = arith.addi %parallel_loop3A_3400, %parallel_loop3A_3399 : i32
        %parallel_loop3A_3410 = arith.select %parallel_loop3A_3408, %parallel_loop3A_3409, %parallel_loop3A_3400 : i32
        %parallel_loop3A_3411 = arith.constant 16 : i32
        %parallel_loop3A_3412 = arith.muli %parallel_loop3A_138, %parallel_loop3A_3411 : i32
        %parallel_loop3A_3413 = arith.constant 13 : i32
        %parallel_loop3A_3414 = arith.addi %parallel_loop3A_3412, %parallel_loop3A_3413 : i32
        %parallel_loop3A_3415 = arith.index_cast %parallel_loop3A_3410 : i32 to index
        %parallel_loop3A_3416 = arith.index_cast %parallel_loop3A_3414 : i32 to index
        %parallel_loop3A_3417 = arith.constant 64 : index
        %parallel_loop3A_3418 = tpu.vector_load %arg6[%parallel_loop3A_3415, %parallel_loop3A_3416, %parallel_loop3A_3417] {strides = array<i32>} : memref<2x256x128xf32, #tpu.memory_space<vmem>>, vector<1x1x16xf32>,
        %parallel_loop3A_3419 = vector.shape_cast %parallel_loop3A_3418 : vector<1x1x16xf32> to vector<16xf32>
        %parallel_loop3A_3420 = arith.constant 2 : i32
        %parallel_loop3A_3421 = arith.constant 0 : i32
        %parallel_loop3A_3422 = arith.cmpi eq, %parallel_loop3A_3420, %parallel_loop3A_3421 : i32
        %parallel_loop3A_3423 = arith.constant 1 : i32
        %parallel_loop3A_3424 = arith.select %parallel_loop3A_3422, %parallel_loop3A_3423, %parallel_loop3A_3420 : i32
        %parallel_loop3A_3425 = arith.remsi %scan3A_100, %parallel_loop3A_3424 : i32
        %parallel_loop3A_3426 = arith.constant 0 : i32
        %parallel_loop3A_3427 = arith.cmpi ne, %parallel_loop3A_3425, %parallel_loop3A_3426 : i32
        %parallel_loop3A_3428 = arith.constant 0 : i32
        %parallel_loop3A_3429 = arith.cmpi slt, %parallel_loop3A_3425, %parallel_loop3A_3428 : i32
        %parallel_loop3A_3430 = arith.constant 0 : i32
        %parallel_loop3A_3431 = arith.cmpi slt, %parallel_loop3A_3424, %parallel_loop3A_3430 : i32
        %parallel_loop3A_3432 = arith.xori %parallel_loop3A_3429, %parallel_loop3A_3431 : i1
        %parallel_loop3A_3433 = arith.andi %parallel_loop3A_3432, %parallel_loop3A_3427 : i1
        %parallel_loop3A_3434 = arith.addi %parallel_loop3A_3425, %parallel_loop3A_3424 : i32
        %parallel_loop3A_3435 = arith.select %parallel_loop3A_3433, %parallel_loop3A_3434, %parallel_loop3A_3425 : i32
        %parallel_loop3A_3436 = arith.constant 16 : i32
        %parallel_loop3A_3437 = arith.muli %parallel_loop3A_138, %parallel_loop3A_3436 : i32
        %parallel_loop3A_3438 = arith.constant 13 : i32
        %parallel_loop3A_3439 = arith.addi %parallel_loop3A_3437, %parallel_loop3A_3438 : i32
        %parallel_loop3A_3440 = arith.index_cast %parallel_loop3A_3435 : i32 to index
        %parallel_loop3A_3441 = arith.index_cast %parallel_loop3A_3439 : i32 to index
        %parallel_loop3A_3442 = arith.constant 80 : index
        %parallel_loop3A_3443 = tpu.vector_load %arg6[%parallel_loop3A_3440, %parallel_loop3A_3441, %parallel_loop3A_3442] {strides = array<i32>} : memref<2x256x128xf32, #tpu.memory_space<vmem>>, vector<1x1x16xf32>,
        %parallel_loop3A_3444 = vector.shape_cast %parallel_loop3A_3443 : vector<1x1x16xf32> to vector<16xf32>
        %parallel_loop3A_3445 = arith.constant 2 : i32
        %parallel_loop3A_3446 = arith.constant 0 : i32
        %parallel_loop3A_3447 = arith.cmpi eq, %parallel_loop3A_3445, %parallel_loop3A_3446 : i32
        %parallel_loop3A_3448 = arith.constant 1 : i32
        %parallel_loop3A_3449 = arith.select %parallel_loop3A_3447, %parallel_loop3A_3448, %parallel_loop3A_3445 : i32
        %parallel_loop3A_3450 = arith.remsi %scan3A_100, %parallel_loop3A_3449 : i32
        %parallel_loop3A_3451 = arith.constant 0 : i32
        %parallel_loop3A_3452 = arith.cmpi ne, %parallel_loop3A_3450, %parallel_loop3A_3451 : i32
        %parallel_loop3A_3453 = arith.constant 0 : i32
        %parallel_loop3A_3454 = arith.cmpi slt, %parallel_loop3A_3450, %parallel_loop3A_3453 : i32
        %parallel_loop3A_3455 = arith.constant 0 : i32
        %parallel_loop3A_3456 = arith.cmpi slt, %parallel_loop3A_3449, %parallel_loop3A_3455 : i32
        %parallel_loop3A_3457 = arith.xori %parallel_loop3A_3454, %parallel_loop3A_3456 : i1
        %parallel_loop3A_3458 = arith.andi %parallel_loop3A_3457, %parallel_loop3A_3452 : i1
        %parallel_loop3A_3459 = arith.addi %parallel_loop3A_3450, %parallel_loop3A_3449 : i32
        %parallel_loop3A_3460 = arith.select %parallel_loop3A_3458, %parallel_loop3A_3459, %parallel_loop3A_3450 : i32
        %parallel_loop3A_3461 = arith.constant 16 : i32
        %parallel_loop3A_3462 = arith.muli %parallel_loop3A_138, %parallel_loop3A_3461 : i32
        %parallel_loop3A_3463 = arith.constant 13 : i32
        %parallel_loop3A_3464 = arith.addi %parallel_loop3A_3462, %parallel_loop3A_3463 : i32
        %parallel_loop3A_3465 = arith.index_cast %parallel_loop3A_3460 : i32 to index
        %parallel_loop3A_3466 = arith.index_cast %parallel_loop3A_3464 : i32 to index
        %parallel_loop3A_3467 = arith.constant 96 : index
        %parallel_loop3A_3468 = tpu.vector_load %arg6[%parallel_loop3A_3465, %parallel_loop3A_3466, %parallel_loop3A_3467] {strides = array<i32>} : memref<2x256x128xf32, #tpu.memory_space<vmem>>, vector<1x1x16xf32>,
        %parallel_loop3A_3469 = vector.shape_cast %parallel_loop3A_3468 : vector<1x1x16xf32> to vector<16xf32>
        %parallel_loop3A_3470 = arith.constant 2 : i32
        %parallel_loop3A_3471 = arith.constant 0 : i32
        %parallel_loop3A_3472 = arith.cmpi eq, %parallel_loop3A_3470, %parallel_loop3A_3471 : i32
        %parallel_loop3A_3473 = arith.constant 1 : i32
        %parallel_loop3A_3474 = arith.select %parallel_loop3A_3472, %parallel_loop3A_3473, %parallel_loop3A_3470 : i32
        %parallel_loop3A_3475 = arith.remsi %scan3A_100, %parallel_loop3A_3474 : i32
        %parallel_loop3A_3476 = arith.constant 0 : i32
        %parallel_loop3A_3477 = arith.cmpi ne, %parallel_loop3A_3475, %parallel_loop3A_3476 : i32
        %parallel_loop3A_3478 = arith.constant 0 : i32
        %parallel_loop3A_3479 = arith.cmpi slt, %parallel_loop3A_3475, %parallel_loop3A_3478 : i32
        %parallel_loop3A_3480 = arith.constant 0 : i32
        %parallel_loop3A_3481 = arith.cmpi slt, %parallel_loop3A_3474, %parallel_loop3A_3480 : i32
        %parallel_loop3A_3482 = arith.xori %parallel_loop3A_3479, %parallel_loop3A_3481 : i1
        %parallel_loop3A_3483 = arith.andi %parallel_loop3A_3482, %parallel_loop3A_3477 : i1
        %parallel_loop3A_3484 = arith.addi %parallel_loop3A_3475, %parallel_loop3A_3474 : i32
        %parallel_loop3A_3485 = arith.select %parallel_loop3A_3483, %parallel_loop3A_3484, %parallel_loop3A_3475 : i32
        %parallel_loop3A_3486 = arith.constant 16 : i32
        %parallel_loop3A_3487 = arith.muli %parallel_loop3A_138, %parallel_loop3A_3486 : i32
        %parallel_loop3A_3488 = arith.constant 13 : i32
        %parallel_loop3A_3489 = arith.addi %parallel_loop3A_3487, %parallel_loop3A_3488 : i32
        %parallel_loop3A_3490 = arith.index_cast %parallel_loop3A_3485 : i32 to index
        %parallel_loop3A_3491 = arith.index_cast %parallel_loop3A_3489 : i32 to index
        %parallel_loop3A_3492 = arith.constant 112 : index
        %parallel_loop3A_3493 = tpu.vector_load %arg6[%parallel_loop3A_3490, %parallel_loop3A_3491, %parallel_loop3A_3492] {strides = array<i32>} : memref<2x256x128xf32, #tpu.memory_space<vmem>>, vector<1x1x16xf32>,
        %parallel_loop3A_3494 = vector.shape_cast %parallel_loop3A_3493 : vector<1x1x16xf32> to vector<16xf32>
        %parallel_loop3A_3495 = arith.index_cast %parallel_loop3A_3294 : i32 to index
        %parallel_loop3A_3496 = arith.constant 0 : index
        %parallel_loop3A_3497 = tpu.vector_load %arg7[%parallel_loop3A_3495, %parallel_loop3A_3496] {strides = array<i32>} : memref<128x128xf32, #tpu.memory_space<vmem>>, vector<1x16xf32>,
        %parallel_loop3A_3498 = vector.shape_cast %parallel_loop3A_3497 : vector<1x16xf32> to vector<16xf32>
        %parallel_loop3A_3499 = vector.shape_cast %parallel_loop3A_3319 : vector<16xf32> to vector<1x16xf32>
        tpu.vector_store %arg7[%parallel_loop3A_3495, %parallel_loop3A_3496], %parallel_loop3A_3499 {add = true, strides = array<i32>} : memref<128x128xf32, #tpu.memory_space<vmem>>, vector<1x16xf32>,
        %parallel_loop3A_3500 = arith.index_cast %parallel_loop3A_3294 : i32 to index
        %parallel_loop3A_3501 = arith.constant 16 : index
        %parallel_loop3A_3502 = tpu.vector_load %arg7[%parallel_loop3A_3500, %parallel_loop3A_3501] {strides = array<i32>} : memref<128x128xf32, #tpu.memory_space<vmem>>, vector<1x16xf32>,
        %parallel_loop3A_3503 = vector.shape_cast %parallel_loop3A_3502 : vector<1x16xf32> to vector<16xf32>
        %parallel_loop3A_3504 = vector.shape_cast %parallel_loop3A_3344 : vector<16xf32> to vector<1x16xf32>
        tpu.vector_store %arg7[%parallel_loop3A_3500, %parallel_loop3A_3501], %parallel_loop3A_3504 {add = true, strides = array<i32>} : memref<128x128xf32, #tpu.memory_space<vmem>>, vector<1x16xf32>,
        %parallel_loop3A_3505 = arith.index_cast %parallel_loop3A_3294 : i32 to index
        %parallel_loop3A_3506 = arith.constant 32 : index
        %parallel_loop3A_3507 = tpu.vector_load %arg7[%parallel_loop3A_3505, %parallel_loop3A_3506] {strides = array<i32>} : memref<128x128xf32, #tpu.memory_space<vmem>>, vector<1x16xf32>,
        %parallel_loop3A_3508 = vector.shape_cast %parallel_loop3A_3507 : vector<1x16xf32> to vector<16xf32>
        %parallel_loop3A_3509 = vector.shape_cast %parallel_loop3A_3369 : vector<16xf32> to vector<1x16xf32>
        tpu.vector_store %arg7[%parallel_loop3A_3505, %parallel_loop3A_3506], %parallel_loop3A_3509 {add = true, strides = array<i32>} : memref<128x128xf32, #tpu.memory_space<vmem>>, vector<1x16xf32>,
        %parallel_loop3A_3510 = arith.index_cast %parallel_loop3A_3294 : i32 to index
        %parallel_loop3A_3511 = arith.constant 48 : index
        %parallel_loop3A_3512 = tpu.vector_load %arg7[%parallel_loop3A_3510, %parallel_loop3A_3511] {strides = array<i32>} : memref<128x128xf32, #tpu.memory_space<vmem>>, vector<1x16xf32>,
        %parallel_loop3A_3513 = vector.shape_cast %parallel_loop3A_3512 : vector<1x16xf32> to vector<16xf32>
        %parallel_loop3A_3514 = vector.shape_cast %parallel_loop3A_3394 : vector<16xf32> to vector<1x16xf32>
        tpu.vector_store %arg7[%parallel_loop3A_3510, %parallel_loop3A_3511], %parallel_loop3A_3514 {add = true, strides = array<i32>} : memref<128x128xf32, #tpu.memory_space<vmem>>, vector<1x16xf32>,
        %parallel_loop3A_3515 = arith.index_cast %parallel_loop3A_3294 : i32 to index
        %parallel_loop3A_3516 = arith.constant 64 : index
        %parallel_loop3A_3517 = tpu.vector_load %arg7[%parallel_loop3A_3515, %parallel_loop3A_3516] {strides = array<i32>} : memref<128x128xf32, #tpu.memory_space<vmem>>, vector<1x16xf32>,
        %parallel_loop3A_3518 = vector.shape_cast %parallel_loop3A_3517 : vector<1x16xf32> to vector<16xf32>
        %parallel_loop3A_3519 = vector.shape_cast %parallel_loop3A_3419 : vector<16xf32> to vector<1x16xf32>
        tpu.vector_store %arg7[%parallel_loop3A_3515, %parallel_loop3A_3516], %parallel_loop3A_3519 {add = true, strides = array<i32>} : memref<128x128xf32, #tpu.memory_space<vmem>>, vector<1x16xf32>,
        %parallel_loop3A_3520 = arith.index_cast %parallel_loop3A_3294 : i32 to index
        %parallel_loop3A_3521 = arith.constant 80 : index
        %parallel_loop3A_3522 = tpu.vector_load %arg7[%parallel_loop3A_3520, %parallel_loop3A_3521] {strides = array<i32>} : memref<128x128xf32, #tpu.memory_space<vmem>>, vector<1x16xf32>,
        %parallel_loop3A_3523 = vector.shape_cast %parallel_loop3A_3522 : vector<1x16xf32> to vector<16xf32>
        %parallel_loop3A_3524 = vector.shape_cast %parallel_loop3A_3444 : vector<16xf32> to vector<1x16xf32>
        tpu.vector_store %arg7[%parallel_loop3A_3520, %parallel_loop3A_3521], %parallel_loop3A_3524 {add = true, strides = array<i32>} : memref<128x128xf32, #tpu.memory_space<vmem>>, vector<1x16xf32>,
        %parallel_loop3A_3525 = arith.index_cast %parallel_loop3A_3294 : i32 to index
        %parallel_loop3A_3526 = arith.constant 96 : index
        %parallel_loop3A_3527 = tpu.vector_load %arg7[%parallel_loop3A_3525, %parallel_loop3A_3526] {strides = array<i32>} : memref<128x128xf32, #tpu.memory_space<vmem>>, vector<1x16xf32>,
        %parallel_loop3A_3528 = vector.shape_cast %parallel_loop3A_3527 : vector<1x16xf32> to vector<16xf32>
        %parallel_loop3A_3529 = vector.shape_cast %parallel_loop3A_3469 : vector<16xf32> to vector<1x16xf32>
        tpu.vector_store %arg7[%parallel_loop3A_3525, %parallel_loop3A_3526], %parallel_loop3A_3529 {add = true, strides = array<i32>} : memref<128x128xf32, #tpu.memory_space<vmem>>, vector<1x16xf32>,
        %parallel_loop3A_3530 = arith.index_cast %parallel_loop3A_3294 : i32 to index
        %parallel_loop3A_3531 = arith.constant 112 : index
        %parallel_loop3A_3532 = tpu.vector_load %arg7[%parallel_loop3A_3530, %parallel_loop3A_3531] {strides = array<i32>} : memref<128x128xf32, #tpu.memory_space<vmem>>, vector<1x16xf32>,
        %parallel_loop3A_3533 = vector.shape_cast %parallel_loop3A_3532 : vector<1x16xf32> to vector<16xf32>
        %parallel_loop3A_3534 = vector.shape_cast %parallel_loop3A_3494 : vector<16xf32> to vector<1x16xf32>
        tpu.vector_store %arg7[%parallel_loop3A_3530, %parallel_loop3A_3531], %parallel_loop3A_3534 {add = true, strides = array<i32>} : memref<128x128xf32, #tpu.memory_space<vmem>>, vector<1x16xf32>,
        %parallel_loop3A_3535 = vector.extract_strided_slice %parallel_loop3A_146 {offsets = [14], sizes = [1], strides = [1]} : vector<16xi32> to vector<1xi32>
        %parallel_loop3A_3536 = vector.extract %parallel_loop3A_3535[0] : i32 from vector<1xi32>
        %parallel_loop3A_3537 = arith.constant 2 : i32
        %parallel_loop3A_3538 = arith.constant 0 : i32
        %parallel_loop3A_3539 = arith.cmpi eq, %parallel_loop3A_3537, %parallel_loop3A_3538 : i32
        %parallel_loop3A_3540 = arith.constant 1 : i32
        %parallel_loop3A_3541 = arith.select %parallel_loop3A_3539, %parallel_loop3A_3540, %parallel_loop3A_3537 : i32
        %parallel_loop3A_3542 = arith.remsi %scan3A_100, %parallel_loop3A_3541 : i32
        %parallel_loop3A_3543 = arith.constant 0 : i32
        %parallel_loop3A_3544 = arith.cmpi ne, %parallel_loop3A_3542, %parallel_loop3A_3543 : i32
        %parallel_loop3A_3545 = arith.constant 0 : i32
        %parallel_loop3A_3546 = arith.cmpi slt, %parallel_loop3A_3542, %parallel_loop3A_3545 : i32
        %parallel_loop3A_3547 = arith.constant 0 : i32
        %parallel_loop3A_3548 = arith.cmpi slt, %parallel_loop3A_3541, %parallel_loop3A_3547 : i32
        %parallel_loop3A_3549 = arith.xori %parallel_loop3A_3546, %parallel_loop3A_3548 : i1
        %parallel_loop3A_3550 = arith.andi %parallel_loop3A_3549, %parallel_loop3A_3544 : i1
        %parallel_loop3A_3551 = arith.addi %parallel_loop3A_3542, %parallel_loop3A_3541 : i32
        %parallel_loop3A_3552 = arith.select %parallel_loop3A_3550, %parallel_loop3A_3551, %parallel_loop3A_3542 : i32
        %parallel_loop3A_3553 = arith.constant 16 : i32
        %parallel_loop3A_3554 = arith.muli %parallel_loop3A_138, %parallel_loop3A_3553 : i32
        %parallel_loop3A_3555 = arith.constant 14 : i32
        %parallel_loop3A_3556 = arith.addi %parallel_loop3A_3554, %parallel_loop3A_3555 : i32
        %parallel_loop3A_3557 = arith.index_cast %parallel_loop3A_3552 : i32 to index
        %parallel_loop3A_3558 = arith.index_cast %parallel_loop3A_3556 : i32 to index
        %parallel_loop3A_3559 = arith.constant 0 : index
        %parallel_loop3A_3560 = tpu.vector_load %arg6[%parallel_loop3A_3557, %parallel_loop3A_3558, %parallel_loop3A_3559] {strides = array<i32>} : memref<2x256x128xf32, #tpu.memory_space<vmem>>, vector<1x1x16xf32>,
        %parallel_loop3A_3561 = vector.shape_cast %parallel_loop3A_3560 : vector<1x1x16xf32> to vector<16xf32>
        %parallel_loop3A_3562 = arith.constant 2 : i32
        %parallel_loop3A_3563 = arith.constant 0 : i32
        %parallel_loop3A_3564 = arith.cmpi eq, %parallel_loop3A_3562, %parallel_loop3A_3563 : i32
        %parallel_loop3A_3565 = arith.constant 1 : i32
        %parallel_loop3A_3566 = arith.select %parallel_loop3A_3564, %parallel_loop3A_3565, %parallel_loop3A_3562 : i32
        %parallel_loop3A_3567 = arith.remsi %scan3A_100, %parallel_loop3A_3566 : i32
        %parallel_loop3A_3568 = arith.constant 0 : i32
        %parallel_loop3A_3569 = arith.cmpi ne, %parallel_loop3A_3567, %parallel_loop3A_3568 : i32
        %parallel_loop3A_3570 = arith.constant 0 : i32
        %parallel_loop3A_3571 = arith.cmpi slt, %parallel_loop3A_3567, %parallel_loop3A_3570 : i32
        %parallel_loop3A_3572 = arith.constant 0 : i32
        %parallel_loop3A_3573 = arith.cmpi slt, %parallel_loop3A_3566, %parallel_loop3A_3572 : i32
        %parallel_loop3A_3574 = arith.xori %parallel_loop3A_3571, %parallel_loop3A_3573 : i1
        %parallel_loop3A_3575 = arith.andi %parallel_loop3A_3574, %parallel_loop3A_3569 : i1
        %parallel_loop3A_3576 = arith.addi %parallel_loop3A_3567, %parallel_loop3A_3566 : i32
        %parallel_loop3A_3577 = arith.select %parallel_loop3A_3575, %parallel_loop3A_3576, %parallel_loop3A_3567 : i32
        %parallel_loop3A_3578 = arith.constant 16 : i32
        %parallel_loop3A_3579 = arith.muli %parallel_loop3A_138, %parallel_loop3A_3578 : i32
        %parallel_loop3A_3580 = arith.constant 14 : i32
        %parallel_loop3A_3581 = arith.addi %parallel_loop3A_3579, %parallel_loop3A_3580 : i32
        %parallel_loop3A_3582 = arith.index_cast %parallel_loop3A_3577 : i32 to index
        %parallel_loop3A_3583 = arith.index_cast %parallel_loop3A_3581 : i32 to index
        %parallel_loop3A_3584 = arith.constant 16 : index
        %parallel_loop3A_3585 = tpu.vector_load %arg6[%parallel_loop3A_3582, %parallel_loop3A_3583, %parallel_loop3A_3584] {strides = array<i32>} : memref<2x256x128xf32, #tpu.memory_space<vmem>>, vector<1x1x16xf32>,
        %parallel_loop3A_3586 = vector.shape_cast %parallel_loop3A_3585 : vector<1x1x16xf32> to vector<16xf32>
        %parallel_loop3A_3587 = arith.constant 2 : i32
        %parallel_loop3A_3588 = arith.constant 0 : i32
        %parallel_loop3A_3589 = arith.cmpi eq, %parallel_loop3A_3587, %parallel_loop3A_3588 : i32
        %parallel_loop3A_3590 = arith.constant 1 : i32
        %parallel_loop3A_3591 = arith.select %parallel_loop3A_3589, %parallel_loop3A_3590, %parallel_loop3A_3587 : i32
        %parallel_loop3A_3592 = arith.remsi %scan3A_100, %parallel_loop3A_3591 : i32
        %parallel_loop3A_3593 = arith.constant 0 : i32
        %parallel_loop3A_3594 = arith.cmpi ne, %parallel_loop3A_3592, %parallel_loop3A_3593 : i32
        %parallel_loop3A_3595 = arith.constant 0 : i32
        %parallel_loop3A_3596 = arith.cmpi slt, %parallel_loop3A_3592, %parallel_loop3A_3595 : i32
        %parallel_loop3A_3597 = arith.constant 0 : i32
        %parallel_loop3A_3598 = arith.cmpi slt, %parallel_loop3A_3591, %parallel_loop3A_3597 : i32
        %parallel_loop3A_3599 = arith.xori %parallel_loop3A_3596, %parallel_loop3A_3598 : i1
        %parallel_loop3A_3600 = arith.andi %parallel_loop3A_3599, %parallel_loop3A_3594 : i1
        %parallel_loop3A_3601 = arith.addi %parallel_loop3A_3592, %parallel_loop3A_3591 : i32
        %parallel_loop3A_3602 = arith.select %parallel_loop3A_3600, %parallel_loop3A_3601, %parallel_loop3A_3592 : i32
        %parallel_loop3A_3603 = arith.constant 16 : i32
        %parallel_loop3A_3604 = arith.muli %parallel_loop3A_138, %parallel_loop3A_3603 : i32
        %parallel_loop3A_3605 = arith.constant 14 : i32
        %parallel_loop3A_3606 = arith.addi %parallel_loop3A_3604, %parallel_loop3A_3605 : i32
        %parallel_loop3A_3607 = arith.index_cast %parallel_loop3A_3602 : i32 to index
        %parallel_loop3A_3608 = arith.index_cast %parallel_loop3A_3606 : i32 to index
        %parallel_loop3A_3609 = arith.constant 32 : index
        %parallel_loop3A_3610 = tpu.vector_load %arg6[%parallel_loop3A_3607, %parallel_loop3A_3608, %parallel_loop3A_3609] {strides = array<i32>} : memref<2x256x128xf32, #tpu.memory_space<vmem>>, vector<1x1x16xf32>,
        %parallel_loop3A_3611 = vector.shape_cast %parallel_loop3A_3610 : vector<1x1x16xf32> to vector<16xf32>
        %parallel_loop3A_3612 = arith.constant 2 : i32
        %parallel_loop3A_3613 = arith.constant 0 : i32
        %parallel_loop3A_3614 = arith.cmpi eq, %parallel_loop3A_3612, %parallel_loop3A_3613 : i32
        %parallel_loop3A_3615 = arith.constant 1 : i32
        %parallel_loop3A_3616 = arith.select %parallel_loop3A_3614, %parallel_loop3A_3615, %parallel_loop3A_3612 : i32
        %parallel_loop3A_3617 = arith.remsi %scan3A_100, %parallel_loop3A_3616 : i32
        %parallel_loop3A_3618 = arith.constant 0 : i32
        %parallel_loop3A_3619 = arith.cmpi ne, %parallel_loop3A_3617, %parallel_loop3A_3618 : i32
        %parallel_loop3A_3620 = arith.constant 0 : i32
        %parallel_loop3A_3621 = arith.cmpi slt, %parallel_loop3A_3617, %parallel_loop3A_3620 : i32
        %parallel_loop3A_3622 = arith.constant 0 : i32
        %parallel_loop3A_3623 = arith.cmpi slt, %parallel_loop3A_3616, %parallel_loop3A_3622 : i32
        %parallel_loop3A_3624 = arith.xori %parallel_loop3A_3621, %parallel_loop3A_3623 : i1
        %parallel_loop3A_3625 = arith.andi %parallel_loop3A_3624, %parallel_loop3A_3619 : i1
        %parallel_loop3A_3626 = arith.addi %parallel_loop3A_3617, %parallel_loop3A_3616 : i32
        %parallel_loop3A_3627 = arith.select %parallel_loop3A_3625, %parallel_loop3A_3626, %parallel_loop3A_3617 : i32
        %parallel_loop3A_3628 = arith.constant 16 : i32
        %parallel_loop3A_3629 = arith.muli %parallel_loop3A_138, %parallel_loop3A_3628 : i32
        %parallel_loop3A_3630 = arith.constant 14 : i32
        %parallel_loop3A_3631 = arith.addi %parallel_loop3A_3629, %parallel_loop3A_3630 : i32
        %parallel_loop3A_3632 = arith.index_cast %parallel_loop3A_3627 : i32 to index
        %parallel_loop3A_3633 = arith.index_cast %parallel_loop3A_3631 : i32 to index
        %parallel_loop3A_3634 = arith.constant 48 : index
        %parallel_loop3A_3635 = tpu.vector_load %arg6[%parallel_loop3A_3632, %parallel_loop3A_3633, %parallel_loop3A_3634] {strides = array<i32>} : memref<2x256x128xf32, #tpu.memory_space<vmem>>, vector<1x1x16xf32>,
        %parallel_loop3A_3636 = vector.shape_cast %parallel_loop3A_3635 : vector<1x1x16xf32> to vector<16xf32>
        %parallel_loop3A_3637 = arith.constant 2 : i32
        %parallel_loop3A_3638 = arith.constant 0 : i32
        %parallel_loop3A_3639 = arith.cmpi eq, %parallel_loop3A_3637, %parallel_loop3A_3638 : i32
        %parallel_loop3A_3640 = arith.constant 1 : i32
        %parallel_loop3A_3641 = arith.select %parallel_loop3A_3639, %parallel_loop3A_3640, %parallel_loop3A_3637 : i32
        %parallel_loop3A_3642 = arith.remsi %scan3A_100, %parallel_loop3A_3641 : i32
        %parallel_loop3A_3643 = arith.constant 0 : i32
        %parallel_loop3A_3644 = arith.cmpi ne, %parallel_loop3A_3642, %parallel_loop3A_3643 : i32
        %parallel_loop3A_3645 = arith.constant 0 : i32
        %parallel_loop3A_3646 = arith.cmpi slt, %parallel_loop3A_3642, %parallel_loop3A_3645 : i32
        %parallel_loop3A_3647 = arith.constant 0 : i32
        %parallel_loop3A_3648 = arith.cmpi slt, %parallel_loop3A_3641, %parallel_loop3A_3647 : i32
        %parallel_loop3A_3649 = arith.xori %parallel_loop3A_3646, %parallel_loop3A_3648 : i1
        %parallel_loop3A_3650 = arith.andi %parallel_loop3A_3649, %parallel_loop3A_3644 : i1
        %parallel_loop3A_3651 = arith.addi %parallel_loop3A_3642, %parallel_loop3A_3641 : i32
        %parallel_loop3A_3652 = arith.select %parallel_loop3A_3650, %parallel_loop3A_3651, %parallel_loop3A_3642 : i32
        %parallel_loop3A_3653 = arith.constant 16 : i32
        %parallel_loop3A_3654 = arith.muli %parallel_loop3A_138, %parallel_loop3A_3653 : i32
        %parallel_loop3A_3655 = arith.constant 14 : i32
        %parallel_loop3A_3656 = arith.addi %parallel_loop3A_3654, %parallel_loop3A_3655 : i32
        %parallel_loop3A_3657 = arith.index_cast %parallel_loop3A_3652 : i32 to index
        %parallel_loop3A_3658 = arith.index_cast %parallel_loop3A_3656 : i32 to index
        %parallel_loop3A_3659 = arith.constant 64 : index
        %parallel_loop3A_3660 = tpu.vector_load %arg6[%parallel_loop3A_3657, %parallel_loop3A_3658, %parallel_loop3A_3659] {strides = array<i32>} : memref<2x256x128xf32, #tpu.memory_space<vmem>>, vector<1x1x16xf32>,
        %parallel_loop3A_3661 = vector.shape_cast %parallel_loop3A_3660 : vector<1x1x16xf32> to vector<16xf32>
        %parallel_loop3A_3662 = arith.constant 2 : i32
        %parallel_loop3A_3663 = arith.constant 0 : i32
        %parallel_loop3A_3664 = arith.cmpi eq, %parallel_loop3A_3662, %parallel_loop3A_3663 : i32
        %parallel_loop3A_3665 = arith.constant 1 : i32
        %parallel_loop3A_3666 = arith.select %parallel_loop3A_3664, %parallel_loop3A_3665, %parallel_loop3A_3662 : i32
        %parallel_loop3A_3667 = arith.remsi %scan3A_100, %parallel_loop3A_3666 : i32
        %parallel_loop3A_3668 = arith.constant 0 : i32
        %parallel_loop3A_3669 = arith.cmpi ne, %parallel_loop3A_3667, %parallel_loop3A_3668 : i32
        %parallel_loop3A_3670 = arith.constant 0 : i32
        %parallel_loop3A_3671 = arith.cmpi slt, %parallel_loop3A_3667, %parallel_loop3A_3670 : i32
        %parallel_loop3A_3672 = arith.constant 0 : i32
        %parallel_loop3A_3673 = arith.cmpi slt, %parallel_loop3A_3666, %parallel_loop3A_3672 : i32
        %parallel_loop3A_3674 = arith.xori %parallel_loop3A_3671, %parallel_loop3A_3673 : i1
        %parallel_loop3A_3675 = arith.andi %parallel_loop3A_3674, %parallel_loop3A_3669 : i1
        %parallel_loop3A_3676 = arith.addi %parallel_loop3A_3667, %parallel_loop3A_3666 : i32
        %parallel_loop3A_3677 = arith.select %parallel_loop3A_3675, %parallel_loop3A_3676, %parallel_loop3A_3667 : i32
        %parallel_loop3A_3678 = arith.constant 16 : i32
        %parallel_loop3A_3679 = arith.muli %parallel_loop3A_138, %parallel_loop3A_3678 : i32
        %parallel_loop3A_3680 = arith.constant 14 : i32
        %parallel_loop3A_3681 = arith.addi %parallel_loop3A_3679, %parallel_loop3A_3680 : i32
        %parallel_loop3A_3682 = arith.index_cast %parallel_loop3A_3677 : i32 to index
        %parallel_loop3A_3683 = arith.index_cast %parallel_loop3A_3681 : i32 to index
        %parallel_loop3A_3684 = arith.constant 80 : index
        %parallel_loop3A_3685 = tpu.vector_load %arg6[%parallel_loop3A_3682, %parallel_loop3A_3683, %parallel_loop3A_3684] {strides = array<i32>} : memref<2x256x128xf32, #tpu.memory_space<vmem>>, vector<1x1x16xf32>,
        %parallel_loop3A_3686 = vector.shape_cast %parallel_loop3A_3685 : vector<1x1x16xf32> to vector<16xf32>
        %parallel_loop3A_3687 = arith.constant 2 : i32
        %parallel_loop3A_3688 = arith.constant 0 : i32
        %parallel_loop3A_3689 = arith.cmpi eq, %parallel_loop3A_3687, %parallel_loop3A_3688 : i32
        %parallel_loop3A_3690 = arith.constant 1 : i32
        %parallel_loop3A_3691 = arith.select %parallel_loop3A_3689, %parallel_loop3A_3690, %parallel_loop3A_3687 : i32
        %parallel_loop3A_3692 = arith.remsi %scan3A_100, %parallel_loop3A_3691 : i32
        %parallel_loop3A_3693 = arith.constant 0 : i32
        %parallel_loop3A_3694 = arith.cmpi ne, %parallel_loop3A_3692, %parallel_loop3A_3693 : i32
        %parallel_loop3A_3695 = arith.constant 0 : i32
        %parallel_loop3A_3696 = arith.cmpi slt, %parallel_loop3A_3692, %parallel_loop3A_3695 : i32
        %parallel_loop3A_3697 = arith.constant 0 : i32
        %parallel_loop3A_3698 = arith.cmpi slt, %parallel_loop3A_3691, %parallel_loop3A_3697 : i32
        %parallel_loop3A_3699 = arith.xori %parallel_loop3A_3696, %parallel_loop3A_3698 : i1
        %parallel_loop3A_3700 = arith.andi %parallel_loop3A_3699, %parallel_loop3A_3694 : i1
        %parallel_loop3A_3701 = arith.addi %parallel_loop3A_3692, %parallel_loop3A_3691 : i32
        %parallel_loop3A_3702 = arith.select %parallel_loop3A_3700, %parallel_loop3A_3701, %parallel_loop3A_3692 : i32
        %parallel_loop3A_3703 = arith.constant 16 : i32
        %parallel_loop3A_3704 = arith.muli %parallel_loop3A_138, %parallel_loop3A_3703 : i32
        %parallel_loop3A_3705 = arith.constant 14 : i32
        %parallel_loop3A_3706 = arith.addi %parallel_loop3A_3704, %parallel_loop3A_3705 : i32
        %parallel_loop3A_3707 = arith.index_cast %parallel_loop3A_3702 : i32 to index
        %parallel_loop3A_3708 = arith.index_cast %parallel_loop3A_3706 : i32 to index
        %parallel_loop3A_3709 = arith.constant 96 : index
        %parallel_loop3A_3710 = tpu.vector_load %arg6[%parallel_loop3A_3707, %parallel_loop3A_3708, %parallel_loop3A_3709] {strides = array<i32>} : memref<2x256x128xf32, #tpu.memory_space<vmem>>, vector<1x1x16xf32>,
        %parallel_loop3A_3711 = vector.shape_cast %parallel_loop3A_3710 : vector<1x1x16xf32> to vector<16xf32>
        %parallel_loop3A_3712 = arith.constant 2 : i32
        %parallel_loop3A_3713 = arith.constant 0 : i32
        %parallel_loop3A_3714 = arith.cmpi eq, %parallel_loop3A_3712, %parallel_loop3A_3713 : i32
        %parallel_loop3A_3715 = arith.constant 1 : i32
        %parallel_loop3A_3716 = arith.select %parallel_loop3A_3714, %parallel_loop3A_3715, %parallel_loop3A_3712 : i32
        %parallel_loop3A_3717 = arith.remsi %scan3A_100, %parallel_loop3A_3716 : i32
        %parallel_loop3A_3718 = arith.constant 0 : i32
        %parallel_loop3A_3719 = arith.cmpi ne, %parallel_loop3A_3717, %parallel_loop3A_3718 : i32
        %parallel_loop3A_3720 = arith.constant 0 : i32
        %parallel_loop3A_3721 = arith.cmpi slt, %parallel_loop3A_3717, %parallel_loop3A_3720 : i32
        %parallel_loop3A_3722 = arith.constant 0 : i32
        %parallel_loop3A_3723 = arith.cmpi slt, %parallel_loop3A_3716, %parallel_loop3A_3722 : i32
        %parallel_loop3A_3724 = arith.xori %parallel_loop3A_3721, %parallel_loop3A_3723 : i1
        %parallel_loop3A_3725 = arith.andi %parallel_loop3A_3724, %parallel_loop3A_3719 : i1
        %parallel_loop3A_3726 = arith.addi %parallel_loop3A_3717, %parallel_loop3A_3716 : i32
        %parallel_loop3A_3727 = arith.select %parallel_loop3A_3725, %parallel_loop3A_3726, %parallel_loop3A_3717 : i32
        %parallel_loop3A_3728 = arith.constant 16 : i32
        %parallel_loop3A_3729 = arith.muli %parallel_loop3A_138, %parallel_loop3A_3728 : i32
        %parallel_loop3A_3730 = arith.constant 14 : i32
        %parallel_loop3A_3731 = arith.addi %parallel_loop3A_3729, %parallel_loop3A_3730 : i32
        %parallel_loop3A_3732 = arith.index_cast %parallel_loop3A_3727 : i32 to index
        %parallel_loop3A_3733 = arith.index_cast %parallel_loop3A_3731 : i32 to index
        %parallel_loop3A_3734 = arith.constant 112 : index
        %parallel_loop3A_3735 = tpu.vector_load %arg6[%parallel_loop3A_3732, %parallel_loop3A_3733, %parallel_loop3A_3734] {strides = array<i32>} : memref<2x256x128xf32, #tpu.memory_space<vmem>>, vector<1x1x16xf32>,
        %parallel_loop3A_3736 = vector.shape_cast %parallel_loop3A_3735 : vector<1x1x16xf32> to vector<16xf32>
        %parallel_loop3A_3737 = arith.index_cast %parallel_loop3A_3536 : i32 to index
        %parallel_loop3A_3738 = arith.constant 0 : index
        %parallel_loop3A_3739 = tpu.vector_load %arg7[%parallel_loop3A_3737, %parallel_loop3A_3738] {strides = array<i32>} : memref<128x128xf32, #tpu.memory_space<vmem>>, vector<1x16xf32>,
        %parallel_loop3A_3740 = vector.shape_cast %parallel_loop3A_3739 : vector<1x16xf32> to vector<16xf32>
        %parallel_loop3A_3741 = vector.shape_cast %parallel_loop3A_3561 : vector<16xf32> to vector<1x16xf32>
        tpu.vector_store %arg7[%parallel_loop3A_3737, %parallel_loop3A_3738], %parallel_loop3A_3741 {add = true, strides = array<i32>} : memref<128x128xf32, #tpu.memory_space<vmem>>, vector<1x16xf32>,
        %parallel_loop3A_3742 = arith.index_cast %parallel_loop3A_3536 : i32 to index
        %parallel_loop3A_3743 = arith.constant 16 : index
        %parallel_loop3A_3744 = tpu.vector_load %arg7[%parallel_loop3A_3742, %parallel_loop3A_3743] {strides = array<i32>} : memref<128x128xf32, #tpu.memory_space<vmem>>, vector<1x16xf32>,
        %parallel_loop3A_3745 = vector.shape_cast %parallel_loop3A_3744 : vector<1x16xf32> to vector<16xf32>
        %parallel_loop3A_3746 = vector.shape_cast %parallel_loop3A_3586 : vector<16xf32> to vector<1x16xf32>
        tpu.vector_store %arg7[%parallel_loop3A_3742, %parallel_loop3A_3743], %parallel_loop3A_3746 {add = true, strides = array<i32>} : memref<128x128xf32, #tpu.memory_space<vmem>>, vector<1x16xf32>,
        %parallel_loop3A_3747 = arith.index_cast %parallel_loop3A_3536 : i32 to index
        %parallel_loop3A_3748 = arith.constant 32 : index
        %parallel_loop3A_3749 = tpu.vector_load %arg7[%parallel_loop3A_3747, %parallel_loop3A_3748] {strides = array<i32>} : memref<128x128xf32, #tpu.memory_space<vmem>>, vector<1x16xf32>,
        %parallel_loop3A_3750 = vector.shape_cast %parallel_loop3A_3749 : vector<1x16xf32> to vector<16xf32>
        %parallel_loop3A_3751 = vector.shape_cast %parallel_loop3A_3611 : vector<16xf32> to vector<1x16xf32>
        tpu.vector_store %arg7[%parallel_loop3A_3747, %parallel_loop3A_3748], %parallel_loop3A_3751 {add = true, strides = array<i32>} : memref<128x128xf32, #tpu.memory_space<vmem>>, vector<1x16xf32>,
        %parallel_loop3A_3752 = arith.index_cast %parallel_loop3A_3536 : i32 to index
        %parallel_loop3A_3753 = arith.constant 48 : index
        %parallel_loop3A_3754 = tpu.vector_load %arg7[%parallel_loop3A_3752, %parallel_loop3A_3753] {strides = array<i32>} : memref<128x128xf32, #tpu.memory_space<vmem>>, vector<1x16xf32>,
        %parallel_loop3A_3755 = vector.shape_cast %parallel_loop3A_3754 : vector<1x16xf32> to vector<16xf32>
        %parallel_loop3A_3756 = vector.shape_cast %parallel_loop3A_3636 : vector<16xf32> to vector<1x16xf32>
        tpu.vector_store %arg7[%parallel_loop3A_3752, %parallel_loop3A_3753], %parallel_loop3A_3756 {add = true, strides = array<i32>} : memref<128x128xf32, #tpu.memory_space<vmem>>, vector<1x16xf32>,
        %parallel_loop3A_3757 = arith.index_cast %parallel_loop3A_3536 : i32 to index
        %parallel_loop3A_3758 = arith.constant 64 : index
        %parallel_loop3A_3759 = tpu.vector_load %arg7[%parallel_loop3A_3757, %parallel_loop3A_3758] {strides = array<i32>} : memref<128x128xf32, #tpu.memory_space<vmem>>, vector<1x16xf32>,
        %parallel_loop3A_3760 = vector.shape_cast %parallel_loop3A_3759 : vector<1x16xf32> to vector<16xf32>
        %parallel_loop3A_3761 = vector.shape_cast %parallel_loop3A_3661 : vector<16xf32> to vector<1x16xf32>
        tpu.vector_store %arg7[%parallel_loop3A_3757, %parallel_loop3A_3758], %parallel_loop3A_3761 {add = true, strides = array<i32>} : memref<128x128xf32, #tpu.memory_space<vmem>>, vector<1x16xf32>,
        %parallel_loop3A_3762 = arith.index_cast %parallel_loop3A_3536 : i32 to index
        %parallel_loop3A_3763 = arith.constant 80 : index
        %parallel_loop3A_3764 = tpu.vector_load %arg7[%parallel_loop3A_3762, %parallel_loop3A_3763] {strides = array<i32>} : memref<128x128xf32, #tpu.memory_space<vmem>>, vector<1x16xf32>,
        %parallel_loop3A_3765 = vector.shape_cast %parallel_loop3A_3764 : vector<1x16xf32> to vector<16xf32>
        %parallel_loop3A_3766 = vector.shape_cast %parallel_loop3A_3686 : vector<16xf32> to vector<1x16xf32>
        tpu.vector_store %arg7[%parallel_loop3A_3762, %parallel_loop3A_3763], %parallel_loop3A_3766 {add = true, strides = array<i32>} : memref<128x128xf32, #tpu.memory_space<vmem>>, vector<1x16xf32>,
        %parallel_loop3A_3767 = arith.index_cast %parallel_loop3A_3536 : i32 to index
        %parallel_loop3A_3768 = arith.constant 96 : index
        %parallel_loop3A_3769 = tpu.vector_load %arg7[%parallel_loop3A_3767, %parallel_loop3A_3768] {strides = array<i32>} : memref<128x128xf32, #tpu.memory_space<vmem>>, vector<1x16xf32>,
        %parallel_loop3A_3770 = vector.shape_cast %parallel_loop3A_3769 : vector<1x16xf32> to vector<16xf32>
        %parallel_loop3A_3771 = vector.shape_cast %parallel_loop3A_3711 : vector<16xf32> to vector<1x16xf32>
        tpu.vector_store %arg7[%parallel_loop3A_3767, %parallel_loop3A_3768], %parallel_loop3A_3771 {add = true, strides = array<i32>} : memref<128x128xf32, #tpu.memory_space<vmem>>, vector<1x16xf32>,
        %parallel_loop3A_3772 = arith.index_cast %parallel_loop3A_3536 : i32 to index
        %parallel_loop3A_3773 = arith.constant 112 : index
        %parallel_loop3A_3774 = tpu.vector_load %arg7[%parallel_loop3A_3772, %parallel_loop3A_3773] {strides = array<i32>} : memref<128x128xf32, #tpu.memory_space<vmem>>, vector<1x16xf32>,
        %parallel_loop3A_3775 = vector.shape_cast %parallel_loop3A_3774 : vector<1x16xf32> to vector<16xf32>
        %parallel_loop3A_3776 = vector.shape_cast %parallel_loop3A_3736 : vector<16xf32> to vector<1x16xf32>
        tpu.vector_store %arg7[%parallel_loop3A_3772, %parallel_loop3A_3773], %parallel_loop3A_3776 {add = true, strides = array<i32>} : memref<128x128xf32, #tpu.memory_space<vmem>>, vector<1x16xf32>,
        %parallel_loop3A_3777 = vector.extract_strided_slice %parallel_loop3A_146 {offsets = [15], sizes = [1], strides = [1]} : vector<16xi32> to vector<1xi32>
        %parallel_loop3A_3778 = vector.extract %parallel_loop3A_3777[0] : i32 from vector<1xi32>
        %parallel_loop3A_3779 = arith.constant 2 : i32
        %parallel_loop3A_3780 = arith.constant 0 : i32
        %parallel_loop3A_3781 = arith.cmpi eq, %parallel_loop3A_3779, %parallel_loop3A_3780 : i32
        %parallel_loop3A_3782 = arith.constant 1 : i32
        %parallel_loop3A_3783 = arith.select %parallel_loop3A_3781, %parallel_loop3A_3782, %parallel_loop3A_3779 : i32
        %parallel_loop3A_3784 = arith.remsi %scan3A_100, %parallel_loop3A_3783 : i32
        %parallel_loop3A_3785 = arith.constant 0 : i32
        %parallel_loop3A_3786 = arith.cmpi ne, %parallel_loop3A_3784, %parallel_loop3A_3785 : i32
        %parallel_loop3A_3787 = arith.constant 0 : i32
        %parallel_loop3A_3788 = arith.cmpi slt, %parallel_loop3A_3784, %parallel_loop3A_3787 : i32
        %parallel_loop3A_3789 = arith.constant 0 : i32
        %parallel_loop3A_3790 = arith.cmpi slt, %parallel_loop3A_3783, %parallel_loop3A_3789 : i32
        %parallel_loop3A_3791 = arith.xori %parallel_loop3A_3788, %parallel_loop3A_3790 : i1
        %parallel_loop3A_3792 = arith.andi %parallel_loop3A_3791, %parallel_loop3A_3786 : i1
        %parallel_loop3A_3793 = arith.addi %parallel_loop3A_3784, %parallel_loop3A_3783 : i32
        %parallel_loop3A_3794 = arith.select %parallel_loop3A_3792, %parallel_loop3A_3793, %parallel_loop3A_3784 : i32
        %parallel_loop3A_3795 = arith.constant 16 : i32
        %parallel_loop3A_3796 = arith.muli %parallel_loop3A_138, %parallel_loop3A_3795 : i32
        %parallel_loop3A_3797 = arith.constant 15 : i32
        %parallel_loop3A_3798 = arith.addi %parallel_loop3A_3796, %parallel_loop3A_3797 : i32
        %parallel_loop3A_3799 = arith.index_cast %parallel_loop3A_3794 : i32 to index
        %parallel_loop3A_3800 = arith.index_cast %parallel_loop3A_3798 : i32 to index
        %parallel_loop3A_3801 = arith.constant 0 : index
        %parallel_loop3A_3802 = tpu.vector_load %arg6[%parallel_loop3A_3799, %parallel_loop3A_3800, %parallel_loop3A_3801] {strides = array<i32>} : memref<2x256x128xf32, #tpu.memory_space<vmem>>, vector<1x1x16xf32>,
        %parallel_loop3A_3803 = vector.shape_cast %parallel_loop3A_3802 : vector<1x1x16xf32> to vector<16xf32>
        %parallel_loop3A_3804 = arith.constant 2 : i32
        %parallel_loop3A_3805 = arith.constant 0 : i32
        %parallel_loop3A_3806 = arith.cmpi eq, %parallel_loop3A_3804, %parallel_loop3A_3805 : i32
        %parallel_loop3A_3807 = arith.constant 1 : i32
        %parallel_loop3A_3808 = arith.select %parallel_loop3A_3806, %parallel_loop3A_3807, %parallel_loop3A_3804 : i32
        %parallel_loop3A_3809 = arith.remsi %scan3A_100, %parallel_loop3A_3808 : i32
        %parallel_loop3A_3810 = arith.constant 0 : i32
        %parallel_loop3A_3811 = arith.cmpi ne, %parallel_loop3A_3809, %parallel_loop3A_3810 : i32
        %parallel_loop3A_3812 = arith.constant 0 : i32
        %parallel_loop3A_3813 = arith.cmpi slt, %parallel_loop3A_3809, %parallel_loop3A_3812 : i32
        %parallel_loop3A_3814 = arith.constant 0 : i32
        %parallel_loop3A_3815 = arith.cmpi slt, %parallel_loop3A_3808, %parallel_loop3A_3814 : i32
        %parallel_loop3A_3816 = arith.xori %parallel_loop3A_3813, %parallel_loop3A_3815 : i1
        %parallel_loop3A_3817 = arith.andi %parallel_loop3A_3816, %parallel_loop3A_3811 : i1
        %parallel_loop3A_3818 = arith.addi %parallel_loop3A_3809, %parallel_loop3A_3808 : i32
        %parallel_loop3A_3819 = arith.select %parallel_loop3A_3817, %parallel_loop3A_3818, %parallel_loop3A_3809 : i32
        %parallel_loop3A_3820 = arith.constant 16 : i32
        %parallel_loop3A_3821 = arith.muli %parallel_loop3A_138, %parallel_loop3A_3820 : i32
        %parallel_loop3A_3822 = arith.constant 15 : i32
        %parallel_loop3A_3823 = arith.addi %parallel_loop3A_3821, %parallel_loop3A_3822 : i32
        %parallel_loop3A_3824 = arith.index_cast %parallel_loop3A_3819 : i32 to index
        %parallel_loop3A_3825 = arith.index_cast %parallel_loop3A_3823 : i32 to index
        %parallel_loop3A_3826 = arith.constant 16 : index
        %parallel_loop3A_3827 = tpu.vector_load %arg6[%parallel_loop3A_3824, %parallel_loop3A_3825, %parallel_loop3A_3826] {strides = array<i32>} : memref<2x256x128xf32, #tpu.memory_space<vmem>>, vector<1x1x16xf32>,
        %parallel_loop3A_3828 = vector.shape_cast %parallel_loop3A_3827 : vector<1x1x16xf32> to vector<16xf32>
        %parallel_loop3A_3829 = arith.constant 2 : i32
        %parallel_loop3A_3830 = arith.constant 0 : i32
        %parallel_loop3A_3831 = arith.cmpi eq, %parallel_loop3A_3829, %parallel_loop3A_3830 : i32
        %parallel_loop3A_3832 = arith.constant 1 : i32
        %parallel_loop3A_3833 = arith.select %parallel_loop3A_3831, %parallel_loop3A_3832, %parallel_loop3A_3829 : i32
        %parallel_loop3A_3834 = arith.remsi %scan3A_100, %parallel_loop3A_3833 : i32
        %parallel_loop3A_3835 = arith.constant 0 : i32
        %parallel_loop3A_3836 = arith.cmpi ne, %parallel_loop3A_3834, %parallel_loop3A_3835 : i32
        %parallel_loop3A_3837 = arith.constant 0 : i32
        %parallel_loop3A_3838 = arith.cmpi slt, %parallel_loop3A_3834, %parallel_loop3A_3837 : i32
        %parallel_loop3A_3839 = arith.constant 0 : i32
        %parallel_loop3A_3840 = arith.cmpi slt, %parallel_loop3A_3833, %parallel_loop3A_3839 : i32
        %parallel_loop3A_3841 = arith.xori %parallel_loop3A_3838, %parallel_loop3A_3840 : i1
        %parallel_loop3A_3842 = arith.andi %parallel_loop3A_3841, %parallel_loop3A_3836 : i1
        %parallel_loop3A_3843 = arith.addi %parallel_loop3A_3834, %parallel_loop3A_3833 : i32
        %parallel_loop3A_3844 = arith.select %parallel_loop3A_3842, %parallel_loop3A_3843, %parallel_loop3A_3834 : i32
        %parallel_loop3A_3845 = arith.constant 16 : i32
        %parallel_loop3A_3846 = arith.muli %parallel_loop3A_138, %parallel_loop3A_3845 : i32
        %parallel_loop3A_3847 = arith.constant 15 : i32
        %parallel_loop3A_3848 = arith.addi %parallel_loop3A_3846, %parallel_loop3A_3847 : i32
        %parallel_loop3A_3849 = arith.index_cast %parallel_loop3A_3844 : i32 to index
        %parallel_loop3A_3850 = arith.index_cast %parallel_loop3A_3848 : i32 to index
        %parallel_loop3A_3851 = arith.constant 32 : index
        %parallel_loop3A_3852 = tpu.vector_load %arg6[%parallel_loop3A_3849, %parallel_loop3A_3850, %parallel_loop3A_3851] {strides = array<i32>} : memref<2x256x128xf32, #tpu.memory_space<vmem>>, vector<1x1x16xf32>,
        %parallel_loop3A_3853 = vector.shape_cast %parallel_loop3A_3852 : vector<1x1x16xf32> to vector<16xf32>
        %parallel_loop3A_3854 = arith.constant 2 : i32
        %parallel_loop3A_3855 = arith.constant 0 : i32
        %parallel_loop3A_3856 = arith.cmpi eq, %parallel_loop3A_3854, %parallel_loop3A_3855 : i32
        %parallel_loop3A_3857 = arith.constant 1 : i32
        %parallel_loop3A_3858 = arith.select %parallel_loop3A_3856, %parallel_loop3A_3857, %parallel_loop3A_3854 : i32
        %parallel_loop3A_3859 = arith.remsi %scan3A_100, %parallel_loop3A_3858 : i32
        %parallel_loop3A_3860 = arith.constant 0 : i32
        %parallel_loop3A_3861 = arith.cmpi ne, %parallel_loop3A_3859, %parallel_loop3A_3860 : i32
        %parallel_loop3A_3862 = arith.constant 0 : i32
        %parallel_loop3A_3863 = arith.cmpi slt, %parallel_loop3A_3859, %parallel_loop3A_3862 : i32
        %parallel_loop3A_3864 = arith.constant 0 : i32
        %parallel_loop3A_3865 = arith.cmpi slt, %parallel_loop3A_3858, %parallel_loop3A_3864 : i32
        %parallel_loop3A_3866 = arith.xori %parallel_loop3A_3863, %parallel_loop3A_3865 : i1
        %parallel_loop3A_3867 = arith.andi %parallel_loop3A_3866, %parallel_loop3A_3861 : i1
        %parallel_loop3A_3868 = arith.addi %parallel_loop3A_3859, %parallel_loop3A_3858 : i32
        %parallel_loop3A_3869 = arith.select %parallel_loop3A_3867, %parallel_loop3A_3868, %parallel_loop3A_3859 : i32
        %parallel_loop3A_3870 = arith.constant 16 : i32
        %parallel_loop3A_3871 = arith.muli %parallel_loop3A_138, %parallel_loop3A_3870 : i32
        %parallel_loop3A_3872 = arith.constant 15 : i32
        %parallel_loop3A_3873 = arith.addi %parallel_loop3A_3871, %parallel_loop3A_3872 : i32
        %parallel_loop3A_3874 = arith.index_cast %parallel_loop3A_3869 : i32 to index
        %parallel_loop3A_3875 = arith.index_cast %parallel_loop3A_3873 : i32 to index
        %parallel_loop3A_3876 = arith.constant 48 : index
        %parallel_loop3A_3877 = tpu.vector_load %arg6[%parallel_loop3A_3874, %parallel_loop3A_3875, %parallel_loop3A_3876] {strides = array<i32>} : memref<2x256x128xf32, #tpu.memory_space<vmem>>, vector<1x1x16xf32>,
        %parallel_loop3A_3878 = vector.shape_cast %parallel_loop3A_3877 : vector<1x1x16xf32> to vector<16xf32>
        %parallel_loop3A_3879 = arith.constant 2 : i32
        %parallel_loop3A_3880 = arith.constant 0 : i32
        %parallel_loop3A_3881 = arith.cmpi eq, %parallel_loop3A_3879, %parallel_loop3A_3880 : i32
        %parallel_loop3A_3882 = arith.constant 1 : i32
        %parallel_loop3A_3883 = arith.select %parallel_loop3A_3881, %parallel_loop3A_3882, %parallel_loop3A_3879 : i32
        %parallel_loop3A_3884 = arith.remsi %scan3A_100, %parallel_loop3A_3883 : i32
        %parallel_loop3A_3885 = arith.constant 0 : i32
        %parallel_loop3A_3886 = arith.cmpi ne, %parallel_loop3A_3884, %parallel_loop3A_3885 : i32
        %parallel_loop3A_3887 = arith.constant 0 : i32
        %parallel_loop3A_3888 = arith.cmpi slt, %parallel_loop3A_3884, %parallel_loop3A_3887 : i32
        %parallel_loop3A_3889 = arith.constant 0 : i32
        %parallel_loop3A_3890 = arith.cmpi slt, %parallel_loop3A_3883, %parallel_loop3A_3889 : i32
        %parallel_loop3A_3891 = arith.xori %parallel_loop3A_3888, %parallel_loop3A_3890 : i1
        %parallel_loop3A_3892 = arith.andi %parallel_loop3A_3891, %parallel_loop3A_3886 : i1
        %parallel_loop3A_3893 = arith.addi %parallel_loop3A_3884, %parallel_loop3A_3883 : i32
        %parallel_loop3A_3894 = arith.select %parallel_loop3A_3892, %parallel_loop3A_3893, %parallel_loop3A_3884 : i32
        %parallel_loop3A_3895 = arith.constant 16 : i32
        %parallel_loop3A_3896 = arith.muli %parallel_loop3A_138, %parallel_loop3A_3895 : i32
        %parallel_loop3A_3897 = arith.constant 15 : i32
        %parallel_loop3A_3898 = arith.addi %parallel_loop3A_3896, %parallel_loop3A_3897 : i32
        %parallel_loop3A_3899 = arith.index_cast %parallel_loop3A_3894 : i32 to index
        %parallel_loop3A_3900 = arith.index_cast %parallel_loop3A_3898 : i32 to index
        %parallel_loop3A_3901 = arith.constant 64 : index
        %parallel_loop3A_3902 = tpu.vector_load %arg6[%parallel_loop3A_3899, %parallel_loop3A_3900, %parallel_loop3A_3901] {strides = array<i32>} : memref<2x256x128xf32, #tpu.memory_space<vmem>>, vector<1x1x16xf32>,
        %parallel_loop3A_3903 = vector.shape_cast %parallel_loop3A_3902 : vector<1x1x16xf32> to vector<16xf32>
        %parallel_loop3A_3904 = arith.constant 2 : i32
        %parallel_loop3A_3905 = arith.constant 0 : i32
        %parallel_loop3A_3906 = arith.cmpi eq, %parallel_loop3A_3904, %parallel_loop3A_3905 : i32
        %parallel_loop3A_3907 = arith.constant 1 : i32
        %parallel_loop3A_3908 = arith.select %parallel_loop3A_3906, %parallel_loop3A_3907, %parallel_loop3A_3904 : i32
        %parallel_loop3A_3909 = arith.remsi %scan3A_100, %parallel_loop3A_3908 : i32
        %parallel_loop3A_3910 = arith.constant 0 : i32
        %parallel_loop3A_3911 = arith.cmpi ne, %parallel_loop3A_3909, %parallel_loop3A_3910 : i32
        %parallel_loop3A_3912 = arith.constant 0 : i32
        %parallel_loop3A_3913 = arith.cmpi slt, %parallel_loop3A_3909, %parallel_loop3A_3912 : i32
        %parallel_loop3A_3914 = arith.constant 0 : i32
        %parallel_loop3A_3915 = arith.cmpi slt, %parallel_loop3A_3908, %parallel_loop3A_3914 : i32
        %parallel_loop3A_3916 = arith.xori %parallel_loop3A_3913, %parallel_loop3A_3915 : i1
        %parallel_loop3A_3917 = arith.andi %parallel_loop3A_3916, %parallel_loop3A_3911 : i1
        %parallel_loop3A_3918 = arith.addi %parallel_loop3A_3909, %parallel_loop3A_3908 : i32
        %parallel_loop3A_3919 = arith.select %parallel_loop3A_3917, %parallel_loop3A_3918, %parallel_loop3A_3909 : i32
        %parallel_loop3A_3920 = arith.constant 16 : i32
        %parallel_loop3A_3921 = arith.muli %parallel_loop3A_138, %parallel_loop3A_3920 : i32
        %parallel_loop3A_3922 = arith.constant 15 : i32
        %parallel_loop3A_3923 = arith.addi %parallel_loop3A_3921, %parallel_loop3A_3922 : i32
        %parallel_loop3A_3924 = arith.index_cast %parallel_loop3A_3919 : i32 to index
        %parallel_loop3A_3925 = arith.index_cast %parallel_loop3A_3923 : i32 to index
        %parallel_loop3A_3926 = arith.constant 80 : index
        %parallel_loop3A_3927 = tpu.vector_load %arg6[%parallel_loop3A_3924, %parallel_loop3A_3925, %parallel_loop3A_3926] {strides = array<i32>} : memref<2x256x128xf32, #tpu.memory_space<vmem>>, vector<1x1x16xf32>,
        %parallel_loop3A_3928 = vector.shape_cast %parallel_loop3A_3927 : vector<1x1x16xf32> to vector<16xf32>
        %parallel_loop3A_3929 = arith.constant 2 : i32
        %parallel_loop3A_3930 = arith.constant 0 : i32
        %parallel_loop3A_3931 = arith.cmpi eq, %parallel_loop3A_3929, %parallel_loop3A_3930 : i32
        %parallel_loop3A_3932 = arith.constant 1 : i32
        %parallel_loop3A_3933 = arith.select %parallel_loop3A_3931, %parallel_loop3A_3932, %parallel_loop3A_3929 : i32
        %parallel_loop3A_3934 = arith.remsi %scan3A_100, %parallel_loop3A_3933 : i32
        %parallel_loop3A_3935 = arith.constant 0 : i32
        %parallel_loop3A_3936 = arith.cmpi ne, %parallel_loop3A_3934, %parallel_loop3A_3935 : i32
        %parallel_loop3A_3937 = arith.constant 0 : i32
        %parallel_loop3A_3938 = arith.cmpi slt, %parallel_loop3A_3934, %parallel_loop3A_3937 : i32
        %parallel_loop3A_3939 = arith.constant 0 : i32
        %parallel_loop3A_3940 = arith.cmpi slt, %parallel_loop3A_3933, %parallel_loop3A_3939 : i32
        %parallel_loop3A_3941 = arith.xori %parallel_loop3A_3938, %parallel_loop3A_3940 : i1
        %parallel_loop3A_3942 = arith.andi %parallel_loop3A_3941, %parallel_loop3A_3936 : i1
        %parallel_loop3A_3943 = arith.addi %parallel_loop3A_3934, %parallel_loop3A_3933 : i32
        %parallel_loop3A_3944 = arith.select %parallel_loop3A_3942, %parallel_loop3A_3943, %parallel_loop3A_3934 : i32
        %parallel_loop3A_3945 = arith.constant 16 : i32
        %parallel_loop3A_3946 = arith.muli %parallel_loop3A_138, %parallel_loop3A_3945 : i32
        %parallel_loop3A_3947 = arith.constant 15 : i32
        %parallel_loop3A_3948 = arith.addi %parallel_loop3A_3946, %parallel_loop3A_3947 : i32
        %parallel_loop3A_3949 = arith.index_cast %parallel_loop3A_3944 : i32 to index
        %parallel_loop3A_3950 = arith.index_cast %parallel_loop3A_3948 : i32 to index
        %parallel_loop3A_3951 = arith.constant 96 : index
        %parallel_loop3A_3952 = tpu.vector_load %arg6[%parallel_loop3A_3949, %parallel_loop3A_3950, %parallel_loop3A_3951] {strides = array<i32>} : memref<2x256x128xf32, #tpu.memory_space<vmem>>, vector<1x1x16xf32>,
        %parallel_loop3A_3953 = vector.shape_cast %parallel_loop3A_3952 : vector<1x1x16xf32> to vector<16xf32>
        %parallel_loop3A_3954 = arith.constant 2 : i32
        %parallel_loop3A_3955 = arith.constant 0 : i32
        %parallel_loop3A_3956 = arith.cmpi eq, %parallel_loop3A_3954, %parallel_loop3A_3955 : i32
        %parallel_loop3A_3957 = arith.constant 1 : i32
        %parallel_loop3A_3958 = arith.select %parallel_loop3A_3956, %parallel_loop3A_3957, %parallel_loop3A_3954 : i32
        %parallel_loop3A_3959 = arith.remsi %scan3A_100, %parallel_loop3A_3958 : i32
        %parallel_loop3A_3960 = arith.constant 0 : i32
        %parallel_loop3A_3961 = arith.cmpi ne, %parallel_loop3A_3959, %parallel_loop3A_3960 : i32
        %parallel_loop3A_3962 = arith.constant 0 : i32
        %parallel_loop3A_3963 = arith.cmpi slt, %parallel_loop3A_3959, %parallel_loop3A_3962 : i32
        %parallel_loop3A_3964 = arith.constant 0 : i32
        %parallel_loop3A_3965 = arith.cmpi slt, %parallel_loop3A_3958, %parallel_loop3A_3964 : i32
        %parallel_loop3A_3966 = arith.xori %parallel_loop3A_3963, %parallel_loop3A_3965 : i1
        %parallel_loop3A_3967 = arith.andi %parallel_loop3A_3966, %parallel_loop3A_3961 : i1
        %parallel_loop3A_3968 = arith.addi %parallel_loop3A_3959, %parallel_loop3A_3958 : i32
        %parallel_loop3A_3969 = arith.select %parallel_loop3A_3967, %parallel_loop3A_3968, %parallel_loop3A_3959 : i32
        %parallel_loop3A_3970 = arith.constant 16 : i32
        %parallel_loop3A_3971 = arith.muli %parallel_loop3A_138, %parallel_loop3A_3970 : i32
        %parallel_loop3A_3972 = arith.constant 15 : i32
        %parallel_loop3A_3973 = arith.addi %parallel_loop3A_3971, %parallel_loop3A_3972 : i32
        %parallel_loop3A_3974 = arith.index_cast %parallel_loop3A_3969 : i32 to index
        %parallel_loop3A_3975 = arith.index_cast %parallel_loop3A_3973 : i32 to index
        %parallel_loop3A_3976 = arith.constant 112 : index
        %parallel_loop3A_3977 = tpu.vector_load %arg6[%parallel_loop3A_3974, %parallel_loop3A_3975, %parallel_loop3A_3976] {strides = array<i32>} : memref<2x256x128xf32, #tpu.memory_space<vmem>>, vector<1x1x16xf32>,
        %parallel_loop3A_3978 = vector.shape_cast %parallel_loop3A_3977 : vector<1x1x16xf32> to vector<16xf32>
        %parallel_loop3A_3979 = arith.index_cast %parallel_loop3A_3778 : i32 to index
        %parallel_loop3A_3980 = arith.constant 0 : index
        %parallel_loop3A_3981 = tpu.vector_load %arg7[%parallel_loop3A_3979, %parallel_loop3A_3980] {strides = array<i32>} : memref<128x128xf32, #tpu.memory_space<vmem>>, vector<1x16xf32>,
        %parallel_loop3A_3982 = vector.shape_cast %parallel_loop3A_3981 : vector<1x16xf32> to vector<16xf32>
        %parallel_loop3A_3983 = vector.shape_cast %parallel_loop3A_3803 : vector<16xf32> to vector<1x16xf32>
        tpu.vector_store %arg7[%parallel_loop3A_3979, %parallel_loop3A_3980], %parallel_loop3A_3983 {add = true, strides = array<i32>} : memref<128x128xf32, #tpu.memory_space<vmem>>, vector<1x16xf32>,
        %parallel_loop3A_3984 = arith.index_cast %parallel_loop3A_3778 : i32 to index
        %parallel_loop3A_3985 = arith.constant 16 : index
        %parallel_loop3A_3986 = tpu.vector_load %arg7[%parallel_loop3A_3984, %parallel_loop3A_3985] {strides = array<i32>} : memref<128x128xf32, #tpu.memory_space<vmem>>, vector<1x16xf32>,
        %parallel_loop3A_3987 = vector.shape_cast %parallel_loop3A_3986 : vector<1x16xf32> to vector<16xf32>
        %parallel_loop3A_3988 = vector.shape_cast %parallel_loop3A_3828 : vector<16xf32> to vector<1x16xf32>
        tpu.vector_store %arg7[%parallel_loop3A_3984, %parallel_loop3A_3985], %parallel_loop3A_3988 {add = true, strides = array<i32>} : memref<128x128xf32, #tpu.memory_space<vmem>>, vector<1x16xf32>,
        %parallel_loop3A_3989 = arith.index_cast %parallel_loop3A_3778 : i32 to index
        %parallel_loop3A_3990 = arith.constant 32 : index
        %parallel_loop3A_3991 = tpu.vector_load %arg7[%parallel_loop3A_3989, %parallel_loop3A_3990] {strides = array<i32>} : memref<128x128xf32, #tpu.memory_space<vmem>>, vector<1x16xf32>,
        %parallel_loop3A_3992 = vector.shape_cast %parallel_loop3A_3991 : vector<1x16xf32> to vector<16xf32>
        %parallel_loop3A_3993 = vector.shape_cast %parallel_loop3A_3853 : vector<16xf32> to vector<1x16xf32>
        tpu.vector_store %arg7[%parallel_loop3A_3989, %parallel_loop3A_3990], %parallel_loop3A_3993 {add = true, strides = array<i32>} : memref<128x128xf32, #tpu.memory_space<vmem>>, vector<1x16xf32>,
        %parallel_loop3A_3994 = arith.index_cast %parallel_loop3A_3778 : i32 to index
        %parallel_loop3A_3995 = arith.constant 48 : index
        %parallel_loop3A_3996 = tpu.vector_load %arg7[%parallel_loop3A_3994, %parallel_loop3A_3995] {strides = array<i32>} : memref<128x128xf32, #tpu.memory_space<vmem>>, vector<1x16xf32>,
        %parallel_loop3A_3997 = vector.shape_cast %parallel_loop3A_3996 : vector<1x16xf32> to vector<16xf32>
        %parallel_loop3A_3998 = vector.shape_cast %parallel_loop3A_3878 : vector<16xf32> to vector<1x16xf32>
        tpu.vector_store %arg7[%parallel_loop3A_3994, %parallel_loop3A_3995], %parallel_loop3A_3998 {add = true, strides = array<i32>} : memref<128x128xf32, #tpu.memory_space<vmem>>, vector<1x16xf32>,
        %parallel_loop3A_3999 = arith.index_cast %parallel_loop3A_3778 : i32 to index
        %parallel_loop3A_4000 = arith.constant 64 : index
        %parallel_loop3A_4001 = tpu.vector_load %arg7[%parallel_loop3A_3999, %parallel_loop3A_4000] {strides = array<i32>} : memref<128x128xf32, #tpu.memory_space<vmem>>, vector<1x16xf32>,
        %parallel_loop3A_4002 = vector.shape_cast %parallel_loop3A_4001 : vector<1x16xf32> to vector<16xf32>
        %parallel_loop3A_4003 = vector.shape_cast %parallel_loop3A_3903 : vector<16xf32> to vector<1x16xf32>
        tpu.vector_store %arg7[%parallel_loop3A_3999, %parallel_loop3A_4000], %parallel_loop3A_4003 {add = true, strides = array<i32>} : memref<128x128xf32, #tpu.memory_space<vmem>>, vector<1x16xf32>,
        %parallel_loop3A_4004 = arith.index_cast %parallel_loop3A_3778 : i32 to index
        %parallel_loop3A_4005 = arith.constant 80 : index
        %parallel_loop3A_4006 = tpu.vector_load %arg7[%parallel_loop3A_4004, %parallel_loop3A_4005] {strides = array<i32>} : memref<128x128xf32, #tpu.memory_space<vmem>>, vector<1x16xf32>,
        %parallel_loop3A_4007 = vector.shape_cast %parallel_loop3A_4006 : vector<1x16xf32> to vector<16xf32>
        %parallel_loop3A_4008 = vector.shape_cast %parallel_loop3A_3928 : vector<16xf32> to vector<1x16xf32>
        tpu.vector_store %arg7[%parallel_loop3A_4004, %parallel_loop3A_4005], %parallel_loop3A_4008 {add = true, strides = array<i32>} : memref<128x128xf32, #tpu.memory_space<vmem>>, vector<1x16xf32>,
        %parallel_loop3A_4009 = arith.index_cast %parallel_loop3A_3778 : i32 to index
        %parallel_loop3A_4010 = arith.constant 96 : index
        %parallel_loop3A_4011 = tpu.vector_load %arg7[%parallel_loop3A_4009, %parallel_loop3A_4010] {strides = array<i32>} : memref<128x128xf32, #tpu.memory_space<vmem>>, vector<1x16xf32>,
        %parallel_loop3A_4012 = vector.shape_cast %parallel_loop3A_4011 : vector<1x16xf32> to vector<16xf32>
        %parallel_loop3A_4013 = vector.shape_cast %parallel_loop3A_3953 : vector<16xf32> to vector<1x16xf32>
        tpu.vector_store %arg7[%parallel_loop3A_4009, %parallel_loop3A_4010], %parallel_loop3A_4013 {add = true, strides = array<i32>} : memref<128x128xf32, #tpu.memory_space<vmem>>, vector<1x16xf32>,
        %parallel_loop3A_4014 = arith.index_cast %parallel_loop3A_3778 : i32 to index
        %parallel_loop3A_4015 = arith.constant 112 : index
        %parallel_loop3A_4016 = tpu.vector_load %arg7[%parallel_loop3A_4014, %parallel_loop3A_4015] {strides = array<i32>} : memref<128x128xf32, #tpu.memory_space<vmem>>, vector<1x16xf32>,
        %parallel_loop3A_4017 = vector.shape_cast %parallel_loop3A_4016 : vector<1x16xf32> to vector<16xf32>
        %parallel_loop3A_4018 = vector.shape_cast %parallel_loop3A_3978 : vector<16xf32> to vector<1x16xf32>
        tpu.vector_store %arg7[%parallel_loop3A_4014, %parallel_loop3A_4015], %parallel_loop3A_4018 {add = true, strides = array<i32>} : memref<128x128xf32, #tpu.memory_space<vmem>>, vector<1x16xf32>,
      } {sc.loop_unroll_factor = 2 : i64, sc.parallel_access}
    }
    %scan3A_99 = arith.constant 2 : i32
    "tpu.region"() ({
      %run_scoped3A = tpu.sem_alloc : memref<!tpu.dma_semaphore, #tpu.memory_space<semaphore_mem>>
      %dma_start3A_100 = arith.constant 0 : i32
      %dma_start3A_101 = tpu.memref_slice %arg4[%select_n3A, %dma_start3A_100, %mul3A_32] : memref<4x128x1024xf32, #tpu.memory_space<hbm>> -> memref<1x128x128xf32, #tpu.memory_space<hbm>>
      %dma_start3A_102 = tpu.memref_squeeze %dma_start3A_101 : memref<1x128x128xf32, #tpu.memory_space<hbm>> -> memref<128x128xf32, #tpu.memory_space<hbm>>
      %dma_start3A_103 = arith.constant 0 : i32
      %dma_start3A_104 = tpu.memref_slice %arg4[%select_n3A, %dma_start3A_103, %mul3A_32] : memref<4x128x1024xf32, #tpu.memory_space<hbm>> -> memref<1x128x128xf32, #tpu.memory_space<hbm>>
      %dma_start3A_105 = tpu.memref_squeeze %dma_start3A_104 : memref<1x128x128xf32, #tpu.memory_space<hbm>> -> memref<128x128xf32, #tpu.memory_space<hbm>>
      tpu.enqueue_dma source(%arg7 : memref<128x128xf32, #tpu.memory_space<vmem>>) target(%dma_start3A_105 : memref<128x128xf32, #tpu.memory_space<hbm>>) target_semaphore(%run_scoped3A : memref<!tpu.dma_semaphore, #tpu.memory_space<semaphore_mem>>)
      %dma_wait3A_106 = arith.constant 0 : i32
      %dma_wait3A_107 = tpu.memref_slice %arg4[%select_n3A, %dma_wait3A_106, %mul3A_32] : memref<4x128x1024xf32, #tpu.memory_space<hbm>> -> memref<1x128x128xf32, #tpu.memory_space<hbm>>
      %dma_wait3A_108 = tpu.memref_squeeze %dma_wait3A_107 : memref<1x128x128xf32, #tpu.memory_space<hbm>> -> memref<128x128xf32, #tpu.memory_space<hbm>>
      %dma_wait3A_109 = arith.constant 0 : i32
      %dma_wait3A_110 = tpu.memref_slice %arg4[%select_n3A, %dma_wait3A_109, %mul3A_32] : memref<4x128x1024xf32, #tpu.memory_space<hbm>> -> memref<1x128x128xf32, #tpu.memory_space<hbm>>
      %dma_wait3A_111 = tpu.memref_squeeze %dma_wait3A_110 : memref<1x128x128xf32, #tpu.memory_space<hbm>> -> memref<128x128xf32, #tpu.memory_space<hbm>>
      tpu.wait_dma2 semaphore(%run_scoped3A : memref<!tpu.dma_semaphore, #tpu.memory_space<semaphore_mem>>) src(%arg7 : memref<128x128xf32, #tpu.memory_space<vmem>>) dst(%dma_wait3A_111 : memref<128x128xf32, #tpu.memory_space<hbm>>)
      tpu.yield
    }) : () -> ()
    return
  }
}

module attributes {stable_mosaic.version = 14 : i64} {
  func.func @_tc2_body(%arg0: memref<4x128x1024xf32, #tpu.memory_space<vmem>>, %arg1: memref<128x1024xf32, #tpu.memory_space<vmem>>, %arg2: memref<128x1xf32, #tpu.memory_space<vmem>>, %arg3: memref<128x1024xf32, #tpu.memory_space<vmem>>, %arg4: memref<1x128xf32, #tpu.memory_space<vmem>>, %arg5: memref<128x128xf32, #tpu.memory_space<vmem>>, %arg6: memref<128x128xf32, #tpu.memory_space<vmem>>, %arg7: memref<128x128xf32, #tpu.memory_space<vmem>>, %arg8: memref<1x1xf32, #tpu.memory_space<smem>>, %arg9: memref<1x1xf32, #tpu.memory_space<vmem>>) attributes {dimension_semantics = [], scalar_prefetch = 0 : i64, scratch_operands = 0 : i64, tpu.core_type = #tpu.core_type<tc>} {
    %get3A = arith.constant 0 : index
    %get3A_0 = arith.constant 0 : index
    %get3A_1 = arith.constant 0 : index
    %get3A_2 = vector.load %arg0[%get3A, %get3A_0, %get3A_1] : memref<4x128x1024xf32, #tpu.memory_space<vmem>>, vector<4x128x1024xf32>
    %reduce_sum3A = arith.constant dense<0.000000e+00> : vector<128x1024xf32>
    %reduce_sum3A_3 = vector.multi_reduction <add>, %get3A_2, %reduce_sum3A [0] : vector<4x128x1024xf32> to vector<128x1024xf32>
    %get3A_4 = arith.constant 0 : index
    %get3A_5 = arith.constant 0 : index
    %get3A_6 = vector.load %arg1[%get3A_4, %get3A_5] : memref<128x1024xf32, #tpu.memory_space<vmem>>, vector<128x1024xf32>
    %add3A = arith.addf %reduce_sum3A_3, %get3A_6 : vector<128x1024xf32>
    %get3A_7 = arith.constant 0 : index
    %get3A_8 = arith.constant 0 : index
    %get3A_9 = vector.load %arg2[%get3A_7, %get3A_8] : memref<128x1xf32, #tpu.memory_space<vmem>>, vector<128x1xf32>
    %get3A_10 = arith.constant 0 : index
    %get3A_11 = arith.constant 0 : index
    %get3A_12 = vector.load %arg3[%get3A_10, %get3A_11] : memref<128x1024xf32, #tpu.memory_space<vmem>>, vector<128x1024xf32>
    %dot_general3A = arith.constant dense<0.000000e+00> : vector<128x128xf32>
    %dot_general3A_13 = tpu.matmul %add3A, %get3A_12, %dot_general3A {dimension_numbers = #tpu.dot_dimension_numbers<[1], [1], [0], [0], [0, 0, 1, 0], [], []>, transpose_lhs_hint = false} : vector<128x1024xf32>, vector<128x1024xf32>, vector<128x128xf32> -> vector<128x128xf32>
    %get3A_14 = arith.constant 0 : index
    %get3A_15 = arith.constant 0 : index
    %get3A_16 = vector.load %arg4[%get3A_14, %get3A_15] : memref<1x128xf32, #tpu.memory_space<vmem>>, vector<1x128xf32>
    %mul3A = vector.broadcast %get3A_9 : vector<128x1xf32> to vector<128x128xf32>
    %mul3A_17 = vector.broadcast %get3A_16 : vector<1x128xf32> to vector<128x128xf32>
    %mul3A_18 = arith.mulf %mul3A, %mul3A_17 : vector<128x128xf32>
    %add3A_19 = arith.addf %dot_general3A_13, %mul3A_18 : vector<128x128xf32>
    %max3A = arith.constant 1.000000e+00 : f32
    %max3A_20 = vector.broadcast %max3A : f32 to vector<128x1xf32>
    %max3A_21 = arith.maximumf %get3A_9, %max3A_20 : vector<128x1xf32>
    %div3A = vector.broadcast %max3A_21 : vector<128x1xf32> to vector<128x128xf32>
    %div3A_22 = arith.divf %add3A_19, %div3A : vector<128x128xf32>
    %get3A_23 = arith.constant 0 : index
    %get3A_24 = arith.constant 0 : index
    %get3A_25 = vector.load %arg5[%get3A_23, %get3A_24] : memref<128x128xf32, #tpu.memory_space<vmem>>, vector<128x128xf32>
    %dot_general3A_26 = arith.constant dense<0.000000e+00> : vector<128x128xf32>
    %dot_general3A_27 = tpu.matmul %div3A_22, %get3A_25, %dot_general3A_26 {dimension_numbers = #tpu.dot_dimension_numbers<[1], [1], [0], [0], [0, 0, 1, 0], [], []>, transpose_lhs_hint = false} : vector<128x128xf32>, vector<128x128xf32>, vector<128x128xf32> -> vector<128x128xf32>
    %get3A_28 = arith.constant 0 : index
    %get3A_29 = arith.constant 0 : index
    %get3A_30 = vector.load %arg6[%get3A_28, %get3A_29] : memref<128x128xf32, #tpu.memory_space<vmem>>, vector<128x128xf32>
    %iota3A = tpu.iota {dimensions = array<i32: 0>} : vector<128x128xi32>
    %iota3A_31 = tpu.iota {dimensions = array<i32: 1>} : vector<128x128xi32>
    %eq3A = arith.cmpi eq, %iota3A, %iota3A_31 : vector<128x128xi32>
    %convert_element_type3A = arith.extui %eq3A : vector<128x128xi1> to vector<128x128xi32>
    %convert_element_type3A_32 = arith.sitofp %convert_element_type3A : vector<128x128xi32> to vector<128x128xf32>
    %mul3A_33 = arith.mulf %div3A_22, %div3A_22 : vector<128x128xf32>
    %reduce_sum3A_34 = arith.constant dense<0.000000e+00> : vector<128xf32>
    %reduce_sum3A_35 = vector.multi_reduction <add>, %mul3A_33, %reduce_sum3A_34 [1] : vector<128x128xf32> to vector<128xf32>
    %broadcast_in_dim3A = vector.shape_cast %reduce_sum3A_35 : vector<128xf32> to vector<128x1xf32>
    %sqrt3A = math.sqrt %broadcast_in_dim3A : vector<128x1xf32>
    %max3A_36 = arith.constant 9.99999993E-9 : f32
    %max3A_37 = vector.broadcast %max3A_36 : f32 to vector<128x1xf32>
    %max3A_38 = arith.maximumf %sqrt3A, %max3A_37 : vector<128x1xf32>
    %mul3A_39 = arith.mulf %get3A_30, %convert_element_type3A_32 : vector<128x128xf32>
    %reduce_sum3A_40 = arith.constant dense<0.000000e+00> : vector<128xf32>
    %reduce_sum3A_41 = vector.multi_reduction <add>, %mul3A_39, %reduce_sum3A_40 [0] : vector<128x128xf32> to vector<128xf32>
    %broadcast_in_dim3A_42 = vector.shape_cast %reduce_sum3A_41 : vector<128xf32> to vector<1x128xf32>
    %sqrt3A_43 = math.sqrt %broadcast_in_dim3A_42 : vector<1x128xf32>
    %max3A_44 = arith.constant 9.99999993E-9 : f32
    %max3A_45 = vector.broadcast %max3A_44 : f32 to vector<1x128xf32>
    %max3A_46 = arith.maximumf %sqrt3A_43, %max3A_45 : vector<1x128xf32>
    %mul3A_47 = vector.broadcast %max3A_38 : vector<128x1xf32> to vector<128x128xf32>
    %mul3A_48 = vector.broadcast %max3A_46 : vector<1x128xf32> to vector<128x128xf32>
    %mul3A_49 = arith.mulf %mul3A_47, %mul3A_48 : vector<128x128xf32>
    %div3A_50 = arith.divf %dot_general3A_27, %mul3A_49 : vector<128x128xf32>
    %get3A_51 = arith.constant 0 : index
    %get3A_52 = arith.constant 0 : index
    %get3A_53 = memref.load %arg8[%get3A_51, %get3A_52] : memref<1x1xf32, #tpu.memory_space<smem>>
    %sub3A = arith.constant 1.000000e+00 : f32
    %sub3A_54 = vector.broadcast %sub3A : f32 to vector<128x128xf32>
    %sub3A_55 = arith.subf %sub3A_54, %div3A_50 : vector<128x128xf32>
    %neg3A = arith.constant 0.000000e+00 : f32
    %neg3A_56 = vector.broadcast %neg3A : f32 to vector<128x128xf32>
    %neg3A_57 = arith.subf %neg3A_56, %sub3A_55 : vector<128x128xf32>
    %div3A_58 = vector.broadcast %get3A_53 : f32 to vector<128x128xf32>
    %div3A_59 = arith.divf %neg3A_57, %div3A_58 : vector<128x128xf32>
    %get3A_60 = arith.constant 0 : index
    %get3A_61 = arith.constant 0 : index
    %get3A_62 = vector.load %arg7[%get3A_60, %get3A_61] : memref<128x128xf32, #tpu.memory_space<vmem>>, vector<128x128xf32>
    %div3A_63 = arith.divf %div3A_59, %get3A_62 : vector<128x128xf32>
    %reduce_max3A = arith.constant dense<0xFF800000> : vector<128xf32>
    %reduce_max3A_64 = vector.multi_reduction <maximumf>, %div3A_63, %reduce_max3A [1] : vector<128x128xf32> to vector<128xf32>
    %broadcast_in_dim3A_65 = vector.shape_cast %reduce_max3A_64 : vector<128xf32> to vector<128x1xf32>
    %sub3A_66 = vector.broadcast %broadcast_in_dim3A_65 : vector<128x1xf32> to vector<128x128xf32>
    %sub3A_67 = arith.subf %div3A_63, %sub3A_66 : vector<128x128xf32>
    %exp3A = math.exp %sub3A_67 : vector<128x128xf32>
    %reduce_sum3A_68 = arith.constant dense<0.000000e+00> : vector<128xf32>
    %reduce_sum3A_69 = vector.multi_reduction <add>, %exp3A, %reduce_sum3A_68 [1] : vector<128x128xf32> to vector<128xf32>
    %broadcast_in_dim3A_70 = vector.shape_cast %reduce_sum3A_69 : vector<128xf32> to vector<128x1xf32>
    %log3A = math.log %broadcast_in_dim3A_70 : vector<128x1xf32>
    %add3A_71 = arith.addf %log3A, %broadcast_in_dim3A_65 : vector<128x1xf32>
    %mul3A_72 = arith.mulf %div3A_63, %convert_element_type3A_32 : vector<128x128xf32>
    %reduce_sum3A_73 = arith.constant dense<0.000000e+00> : vector<128xf32>
    %reduce_sum3A_74 = vector.multi_reduction <add>, %mul3A_72, %reduce_sum3A_73 [1] : vector<128x128xf32> to vector<128xf32>
    %broadcast_in_dim3A_75 = vector.shape_cast %reduce_sum3A_74 : vector<128xf32> to vector<128x1xf32>
    %sub3A_76 = arith.subf %add3A_71, %broadcast_in_dim3A_75 : vector<128x1xf32>
    %gt3A = arith.constant 0.000000e+00 : f32
    %gt3A_77 = vector.broadcast %gt3A : f32 to vector<128x1xf32>
    %gt3A_78 = arith.cmpf ogt, %get3A_9, %gt3A_77 : vector<128x1xf32>
    %convert_element_type3A_79 = arith.extui %gt3A_78 : vector<128x1xi1> to vector<128x1xi32>
    %convert_element_type3A_80 = arith.sitofp %convert_element_type3A_79 : vector<128x1xi32> to vector<128x1xf32>
    %mul3A_81 = arith.mulf %sub3A_76, %convert_element_type3A_80 : vector<128x1xf32>
    %reduce_sum3A_82 = arith.constant dense<0.000000e+00> : vector<1xf32>
    %reduce_sum3A_83 = vector.multi_reduction <add>, %mul3A_81, %reduce_sum3A_82 [0] : vector<128x1xf32> to vector<1xf32>
    %broadcast_in_dim3A_84 = vector.shape_cast %reduce_sum3A_83 : vector<1xf32> to vector<1x1xf32>
    %div3A_85 = arith.constant 1.280000e+02 : f32
    %div3A_86 = vector.broadcast %div3A_85 : f32 to vector<1x1xf32>
    %div3A_87 = arith.divf %broadcast_in_dim3A_84, %div3A_86 : vector<1x1xf32>
    %swap3A = arith.constant 0 : index
    %swap3A_88 = arith.constant 0 : index
    %swap3A_89 = vector.load %arg9[%swap3A, %swap3A_88] : memref<1x1xf32, #tpu.memory_space<vmem>>, vector<1x1xf32>
    tpu.vector_store %arg9[%swap3A, %swap3A_88], %div3A_87 {strides = array<i32>} : memref<1x1xf32, #tpu.memory_space<vmem>>, vector<1x1xf32>,
    return
  }
}

module attributes {stable_mosaic.version = 14 : i64} {
  func.func @_tc1_body(%arg0: i32, %arg1: memref<1x1x2048xi32, #tpu.memory_space<vmem>>, %arg2: memref<1x1x2048xi32, #tpu.memory_space<vmem>>, %arg3: memref<2048x1024xf32, #tpu.memory_space<vmem>>, %arg4: memref<128x128xf32, #tpu.memory_space<vmem>>, %arg5: memref<128x1024xf32, #tpu.memory_space<vmem>>, %arg6: memref<128x1xf32, #tpu.memory_space<vmem>>, %arg7: memref<128x128xf32, #tpu.memory_space<vmem>>, %arg8: memref<128x128xf32, #tpu.memory_space<vmem>>) attributes {dimension_semantics = [#tpu.dimension_semantics<arbitrary>], iteration_bounds = array<i64: 3>, scalar_prefetch = 0 : i64, scratch_operands = 0 : i64, tpu.core_type = #tpu.core_type<tc>, window_params = [{transform_indices = @transform_0, window_bounds = array<i64: 1, 1, 2048>}, {transform_indices = @transform_1, window_bounds = array<i64: 1, 1, 2048>}, {transform_indices = @transform_2, window_bounds = array<i64: 2048, 1024>}, {pipeline_mode = #tpu.pipeline_mode<synchronous>, transform_indices = @transform_3, window_bounds = array<i64: 128, 128>}, {pipeline_mode = #tpu.pipeline_mode<synchronous>, transform_indices = @transform_4, window_bounds = array<i64: 128, 1024>}, {pipeline_mode = #tpu.pipeline_mode<synchronous>, transform_indices = @transform_5, window_bounds = array<i64: 128, 1>}, {pipeline_mode = #tpu.pipeline_mode<synchronous>, transform_indices = @transform_6, window_bounds = array<i64: 128, 128>}, {pipeline_mode = #tpu.pipeline_mode<synchronous>, transform_indices = @transform_7, window_bounds = array<i64: 128, 128>}]} {
    %eq3A = arith.constant 0 : i32
    %eq3A_0 = arith.cmpi eq, %arg0, %eq3A : i32
    %convert_element_type3A = arith.extui %eq3A_0 : i1 to i32
    %cond3A = arith.constant 0 : i32
    %cond3A_1 = arith.cmpi ne, %convert_element_type3A, %cond3A : i32
    scf.if %cond3A_1 {
      %get3A_27 = arith.constant 0 : index
      %get3A_28 = arith.constant 0 : index
      %get3A_29 = vector.load %arg4[%get3A_27, %get3A_28] : memref<128x128xf32, #tpu.memory_space<vmem>>, vector<128x128xf32>
      %dot_general3A_30 = arith.constant dense<0.000000e+00> : vector<128x128xf32>
      %dot_general3A_31 = tpu.matmul %get3A_29, %get3A_29, %dot_general3A_30 {dimension_numbers = #tpu.dot_dimension_numbers<[1], [1], [0], [0], [0, 0, 1, 0], [], []>, transpose_lhs_hint = false} : vector<128x128xf32>, vector<128x128xf32>, vector<128x128xf32> -> vector<128x128xf32>
      %swap3A = arith.constant 0 : index
      %swap3A_32 = arith.constant 0 : index
      %swap3A_33 = vector.load %arg7[%swap3A, %swap3A_32] : memref<128x128xf32, #tpu.memory_space<vmem>>, vector<128x128xf32>
      tpu.vector_store %arg7[%swap3A, %swap3A_32], %dot_general3A_31 {strides = array<i32>} : memref<128x128xf32, #tpu.memory_space<vmem>>, vector<128x128xf32>,
      %iota3A_34 = tpu.iota {dimensions = array<i32: 0>} : vector<128x128xi32>
      %iota3A_35 = tpu.iota {dimensions = array<i32: 1>} : vector<128x128xi32>
      %eq3A_36 = arith.cmpi eq, %iota3A_34, %iota3A_35 : vector<128x128xi32>
      %convert_element_type3A_37 = arith.extui %eq3A_36 : vector<128x128xi1> to vector<128x128xi32>
      %convert_element_type3A_38 = arith.sitofp %convert_element_type3A_37 : vector<128x128xi32> to vector<128x128xf32>
      %mul3A = arith.mulf %dot_general3A_31, %convert_element_type3A_38 : vector<128x128xf32>
      %reduce_sum3A_39 = arith.constant dense<0.000000e+00> : vector<128xf32>
      %reduce_sum3A_40 = vector.multi_reduction <add>, %mul3A, %reduce_sum3A_39 [1] : vector<128x128xf32> to vector<128xf32>
      %broadcast_in_dim3A_41 = vector.shape_cast %reduce_sum3A_40 : vector<128xf32> to vector<128x1xf32>
      %mul3A_42 = arith.mulf %dot_general3A_31, %convert_element_type3A_38 : vector<128x128xf32>
      %reduce_sum3A_43 = arith.constant dense<0.000000e+00> : vector<128xf32>
      %reduce_sum3A_44 = vector.multi_reduction <add>, %mul3A_42, %reduce_sum3A_43 [0] : vector<128x128xf32> to vector<128xf32>
      %broadcast_in_dim3A_45 = vector.shape_cast %reduce_sum3A_44 : vector<128xf32> to vector<1x128xf32>
      %sqrt3A = math.sqrt %broadcast_in_dim3A_41 : vector<128x1xf32>
      %max3A = arith.constant 9.99999993E-9 : f32
      %max3A_46 = vector.broadcast %max3A : f32 to vector<128x1xf32>
      %max3A_47 = arith.maximumf %sqrt3A, %max3A_46 : vector<128x1xf32>
      %sqrt3A_48 = math.sqrt %broadcast_in_dim3A_45 : vector<1x128xf32>
      %max3A_49 = arith.constant 9.99999993E-9 : f32
      %max3A_50 = vector.broadcast %max3A_49 : f32 to vector<1x128xf32>
      %max3A_51 = arith.maximumf %sqrt3A_48, %max3A_50 : vector<1x128xf32>
      %mul3A_52 = vector.broadcast %max3A_47 : vector<128x1xf32> to vector<128x128xf32>
      %mul3A_53 = vector.broadcast %max3A_51 : vector<1x128xf32> to vector<128x128xf32>
      %mul3A_54 = arith.mulf %mul3A_52, %mul3A_53 : vector<128x128xf32>
      %div3A = arith.divf %dot_general3A_31, %mul3A_54 : vector<128x128xf32>
      %broadcast_in_dim3A_55 = vector.shape_cast %div3A : vector<128x128xf32> to vector<128x128x1xf32>
      %broadcast_in_dim3A_56 = vector.shape_cast %div3A : vector<128x128xf32> to vector<128x1x128xf32>
      %iota3A_57 = tpu.iota {dimensions = array<i32: 1>} : vector<128x128x128xi32>
      %iota3A_58 = tpu.iota {dimensions = array<i32: 2>} : vector<128x128x128xi32>
      %gt3A_59 = vector.broadcast %broadcast_in_dim3A_55 : vector<128x128x1xf32> to vector<128x128x128xf32>
      %gt3A_60 = vector.broadcast %broadcast_in_dim3A_56 : vector<128x1x128xf32> to vector<128x128x128xf32>
      %gt3A_61 = arith.cmpf ogt, %gt3A_59, %gt3A_60 : vector<128x128x128xf32>
      %convert_element_type3A_62 = arith.extui %gt3A_61 : vector<128x128x128xi1> to vector<128x128x128xi32>
      %convert_element_type3A_63 = arith.sitofp %convert_element_type3A_62 : vector<128x128x128xi32> to vector<128x128x128xf32>
      %eq3A_64 = vector.broadcast %broadcast_in_dim3A_55 : vector<128x128x1xf32> to vector<128x128x128xf32>
      %eq3A_65 = vector.broadcast %broadcast_in_dim3A_56 : vector<128x1x128xf32> to vector<128x128x128xf32>
      %eq3A_66 = arith.cmpf oeq, %eq3A_64, %eq3A_65 : vector<128x128x128xf32>
      %lt3A = arith.cmpi slt, %iota3A_57, %iota3A_58 : vector<128x128x128xi32>
      %and3A = arith.andi %eq3A_66, %lt3A : vector<128x128x128xi1>
      %convert_element_type3A_67 = arith.extui %and3A : vector<128x128x128xi1> to vector<128x128x128xi32>
      %convert_element_type3A_68 = arith.sitofp %convert_element_type3A_67 : vector<128x128x128xi32> to vector<128x128x128xf32>
      %add3A = arith.addf %convert_element_type3A_63, %convert_element_type3A_68 : vector<128x128x128xf32>
      %reduce_sum3A_69 = arith.constant dense<0.000000e+00> : vector<128x128xf32>
      %reduce_sum3A_70 = vector.multi_reduction <add>, %add3A, %reduce_sum3A_69 [1] : vector<128x128x128xf32> to vector<128x128xf32>
      %add3A_71 = arith.constant 2.000000e+00 : f32
      %add3A_72 = vector.broadcast %add3A_71 : f32 to vector<128x128xf32>
      %add3A_73 = arith.addf %reduce_sum3A_70, %add3A_72 : vector<128x128xf32>
      %log3A = math.log %add3A_73 : vector<128x128xf32>
      %mul3A_74 = arith.constant 1.44269502 : f32
      %mul3A_75 = vector.broadcast %mul3A_74 : f32 to vector<128x128xf32>
      %mul3A_76 = arith.mulf %log3A, %mul3A_75 : vector<128x128xf32>
      %swap3A_77 = arith.constant 0 : index
      %swap3A_78 = arith.constant 0 : index
      %swap3A_79 = vector.load %arg8[%swap3A_77, %swap3A_78] : memref<128x128xf32, #tpu.memory_space<vmem>>, vector<128x128xf32>
      tpu.vector_store %arg8[%swap3A_77, %swap3A_78], %mul3A_76 {strides = array<i32>} : memref<128x128xf32, #tpu.memory_space<vmem>>, vector<128x128xf32>,
    } else {
    }
    %get3A = arith.constant 0 : index
    %get3A_2 = arith.constant 0 : index
    %get3A_3 = arith.constant 0 : index
    %get3A_4 = vector.load %arg1[%get3A, %get3A_2, %get3A_3] : memref<1x1x2048xi32, #tpu.memory_space<vmem>>, vector<1x1x2048xi32>
    %get3A_5 = vector.shape_cast %get3A_4 : vector<1x1x2048xi32> to vector<1x2048xi32>
    %broadcast_in_dim3A = vector.shape_cast %get3A_5 : vector<1x2048xi32> to vector<1x2048xi32>
    %broadcast_in_dim3A_6 = vector.broadcast %broadcast_in_dim3A : vector<1x2048xi32> to vector<128x2048xi32>
    %iota3A = tpu.iota {dimensions = array<i32: 0>} : vector<128x2048xi32>
    %eq3A_7 = arith.cmpi eq, %broadcast_in_dim3A_6, %iota3A : vector<128x2048xi32>
    %convert_element_type3A_8 = arith.extui %eq3A_7 : vector<128x2048xi1> to vector<128x2048xi32>
    %convert_element_type3A_9 = arith.sitofp %convert_element_type3A_8 : vector<128x2048xi32> to vector<128x2048xf32>
    %get3A_10 = arith.constant 0 : index
    %get3A_11 = arith.constant 0 : index
    %get3A_12 = vector.load %arg3[%get3A_10, %get3A_11] : memref<2048x1024xf32, #tpu.memory_space<vmem>>, vector<2048x1024xf32>
    %dot_general3A = arith.constant dense<0.000000e+00> : vector<128x1024xf32>
    %dot_general3A_13 = tpu.matmul %convert_element_type3A_9, %get3A_12, %dot_general3A {dimension_numbers = #tpu.dot_dimension_numbers<[1], [0], [0], [1], [0, 0, 1, 1], [], []>, transpose_lhs_hint = false} : vector<128x2048xf32>, vector<2048x1024xf32>, vector<128x1024xf32> -> vector<128x1024xf32>
    %convert_element_type3A_14 = arith.extui %eq3A_7 : vector<128x2048xi1> to vector<128x2048xi32>
    %convert_element_type3A_15 = arith.sitofp %convert_element_type3A_14 : vector<128x2048xi32> to vector<128x2048xf32>
    %reduce_sum3A = arith.constant dense<0.000000e+00> : vector<128xf32>
    %reduce_sum3A_16 = vector.multi_reduction <add>, %convert_element_type3A_15, %reduce_sum3A [1] : vector<128x2048xf32> to vector<128xf32>
    %broadcast_in_dim3A_17 = vector.shape_cast %reduce_sum3A_16 : vector<128xf32> to vector<128x1xf32>
    %eq3A_18 = arith.constant 0 : i32
    %eq3A_19 = arith.cmpi eq, %arg0, %eq3A_18 : i32
    %convert_element_type3A_20 = arith.extui %eq3A_19 : i1 to i32
    %cond3A_21 = arith.constant 0 : i32
    %cond3A_22 = arith.cmpi ne, %convert_element_type3A_20, %cond3A_21 : i32
    scf.if %cond3A_22 {
      %get3A_27 = arith.constant 0 : index
      %get3A_28 = arith.constant 0 : index
      %get3A_29 = arith.constant 0 : index
      %get3A_30 = vector.load %arg2[%get3A_27, %get3A_28, %get3A_29] : memref<1x1x2048xi32, #tpu.memory_space<vmem>>, vector<1x1x2048xi32>
      %get3A_31 = vector.shape_cast %get3A_30 : vector<1x1x2048xi32> to vector<1x2048xi32>
      %broadcast_in_dim3A_32 = vector.shape_cast %get3A_31 : vector<1x2048xi32> to vector<1x2048xi32>
      %broadcast_in_dim3A_33 = vector.broadcast %broadcast_in_dim3A_32 : vector<1x2048xi32> to vector<128x2048xi32>
      %iota3A_34 = tpu.iota {dimensions = array<i32: 0>} : vector<128x2048xi32>
      %eq3A_35 = arith.cmpi eq, %broadcast_in_dim3A_33, %iota3A_34 : vector<128x2048xi32>
      %convert_element_type3A_36 = arith.extui %eq3A_35 : vector<128x2048xi1> to vector<128x2048xi32>
      %convert_element_type3A_37 = arith.sitofp %convert_element_type3A_36 : vector<128x2048xi32> to vector<128x2048xf32>
      %reduce_sum3A_38 = arith.constant dense<0.000000e+00> : vector<128xf32>
      %reduce_sum3A_39 = vector.multi_reduction <add>, %convert_element_type3A_37, %reduce_sum3A_38 [1] : vector<128x2048xf32> to vector<128xf32>
      %broadcast_in_dim3A_40 = vector.shape_cast %reduce_sum3A_39 : vector<128xf32> to vector<128x1xf32>
      %swap3A = arith.constant 0 : index
      %swap3A_41 = arith.constant 0 : index
      %swap3A_42 = vector.load %arg5[%swap3A, %swap3A_41] : memref<128x1024xf32, #tpu.memory_space<vmem>>, vector<128x1024xf32>
      tpu.vector_store %arg5[%swap3A, %swap3A_41], %dot_general3A_13 {strides = array<i32>} : memref<128x1024xf32, #tpu.memory_space<vmem>>, vector<128x1024xf32>,
      %add3A = arith.addf %broadcast_in_dim3A_17, %broadcast_in_dim3A_40 : vector<128x1xf32>
      %swap3A_43 = arith.constant 0 : index
      %swap3A_44 = arith.constant 0 : index
      %swap3A_45 = vector.load %arg6[%swap3A_43, %swap3A_44] : memref<128x1xf32, #tpu.memory_space<vmem>>, vector<128x1xf32>
      tpu.vector_store %arg6[%swap3A_43, %swap3A_44], %add3A {strides = array<i32>} : memref<128x1xf32, #tpu.memory_space<vmem>>, vector<128x1xf32>,
    } else {
    }
    %gt3A = arith.constant 0 : i32
    %gt3A_23 = arith.cmpi sgt, %arg0, %gt3A : i32
    %convert_element_type3A_24 = arith.extui %gt3A_23 : i1 to i32
    %cond3A_25 = arith.constant 0 : i32
    %cond3A_26 = arith.cmpi ne, %convert_element_type3A_24, %cond3A_25 : i32
    scf.if %cond3A_26 {
      %get3A_27 = arith.constant 0 : index
      %get3A_28 = arith.constant 0 : index
      %get3A_29 = vector.load %arg5[%get3A_27, %get3A_28] : memref<128x1024xf32, #tpu.memory_space<vmem>>, vector<128x1024xf32>
      %add3A = arith.addf %get3A_29, %dot_general3A_13 : vector<128x1024xf32>
      %swap3A = arith.constant 0 : index
      %swap3A_30 = arith.constant 0 : index
      %swap3A_31 = vector.load %arg5[%swap3A, %swap3A_30] : memref<128x1024xf32, #tpu.memory_space<vmem>>, vector<128x1024xf32>
      tpu.vector_store %arg5[%swap3A, %swap3A_30], %add3A {strides = array<i32>} : memref<128x1024xf32, #tpu.memory_space<vmem>>, vector<128x1024xf32>,
      %get3A_32 = arith.constant 0 : index
      %get3A_33 = arith.constant 0 : index
      %get3A_34 = vector.load %arg6[%get3A_32, %get3A_33] : memref<128x1xf32, #tpu.memory_space<vmem>>, vector<128x1xf32>
      %add3A_35 = arith.addf %get3A_34, %broadcast_in_dim3A_17 : vector<128x1xf32>
      %swap3A_36 = arith.constant 0 : index
      %swap3A_37 = arith.constant 0 : index
      %swap3A_38 = vector.load %arg6[%swap3A_36, %swap3A_37] : memref<128x1xf32, #tpu.memory_space<vmem>>, vector<128x1xf32>
      tpu.vector_store %arg6[%swap3A_36, %swap3A_37], %add3A_35 {strides = array<i32>} : memref<128x1xf32, #tpu.memory_space<vmem>>, vector<128x1xf32>,
    } else {
    }
    return
  }
  func.func @transform_0(%arg0: i32) -> (i32, i32, i32) {
    %add3A = arith.constant 1 : i32
    %add3A_0 = arith.addi %arg0, %add3A : i32
    %c0_i32 = arith.constant 0 : i32
    %c0_i32_1 = arith.constant 0 : i32
    %c0_i32_2 = arith.constant 0 : i32
    return %add3A_0, %c0_i32, %c0_i32_1 : i32, i32, i32
  }
  func.func @transform_1(%arg0: i32) -> (i32, i32, i32) {
    %c0_i32 = arith.constant 0 : i32
    %c0_i32_0 = arith.constant 0 : i32
    %c0_i32_1 = arith.constant 0 : i32
    %c0_i32_2 = arith.constant 0 : i32
    return %c0_i32, %c0_i32_0, %c0_i32_1 : i32, i32, i32
  }
  func.func @transform_2(%arg0: i32) -> (i32, i32) {
    %add3A = arith.constant 1 : i32
    %add3A_0 = arith.addi %arg0, %add3A : i32
    %c0_i32 = arith.constant 0 : i32
    %c0_i32_1 = arith.constant 0 : i32
    return %add3A_0, %c0_i32 : i32, i32
  }
  func.func @transform_3(%arg0: i32) -> (i32, i32) {
    %c0_i32 = arith.constant 0 : i32
    %c0_i32_0 = arith.constant 0 : i32
    %c0_i32_1 = arith.constant 0 : i32
    return %c0_i32, %c0_i32_0 : i32, i32
  }
  func.func @transform_4(%arg0: i32) -> (i32, i32) {
    %c0_i32 = arith.constant 0 : i32
    %c0_i32_0 = arith.constant 0 : i32
    %c0_i32_1 = arith.constant 0 : i32
    return %c0_i32, %c0_i32_0 : i32, i32
  }
  func.func @transform_5(%arg0: i32) -> (i32, i32) {
    %c0_i32 = arith.constant 0 : i32
    %c0_i32_0 = arith.constant 0 : i32
    %c0_i32_1 = arith.constant 0 : i32
    return %c0_i32, %c0_i32_0 : i32, i32
  }
  func.func @transform_6(%arg0: i32) -> (i32, i32) {
    %c0_i32 = arith.constant 0 : i32
    %c0_i32_0 = arith.constant 0 : i32
    %c0_i32_1 = arith.constant 0 : i32
    return %c0_i32, %c0_i32_0 : i32, i32
  }
  func.func @transform_7(%arg0: i32) -> (i32, i32) {
    %c0_i32 = arith.constant 0 : i32
    %c0_i32_0 = arith.constant 0 : i32
    %c0_i32_1 = arith.constant 0 : i32
    return %c0_i32, %c0_i32_0 : i32, i32
  }
}

</mosaic_0001>

<sc_bundles>
// kernel: kernel.5.cloned.1.call-start
scs
__scs_entry_jumppad:
0x0: {  	(pc) =	sbr.rel $0x88, $3  }
0x1: {  	(tag) =	ssettag $0x0;
	lr =	simm.s32 $0x1  }
0x2: {  	[smem:$0x3F9B] =	sst lr;
	_ =	strace $0xD0000000  }
0x3: {  	_ = 	snop  }
0x4: {  	_ = 	snop  }
0x5: {  	_ = 	snop  }
0x6: {  	_ = 	snop  }
0x7: {  	_ = 	snop  }
__scs_overlays_trampoline_lowered:
0x8: {  	[smem:$0x3FAA] =	sst s0  }
0x9: {  	[smem:$0x3FAB] =	sst s1  }
0xa: {  	[smem:$0x3FAC] =	sst s2  }
0xb: {  	[smem:$0x3FAD] =	sst s3  }
0xc: {  	[smem:$0x3FAE] =	sst s4  }
0xd: {  	[smem:$0x3FAF] =	sst s5  }
0xe: {  	[smem:$0x3FB0] =	sst s6  }
0xf: {  	[smem:$0x3FB1] =	sst s7  }
0x10: {  	[smem:$0x3FB2] =	sst s8  }
0x11: {  	[smem:$0x3FB3] =	sst s9;
	s0 =	simm.s32 @!p0 $0x0  }
0x12: {  	s1 =	sld [smem:$0x3F99];
	s0 =	simm.s32 @p0 $0x1  }
0x13: {  	[smem:$0x3FB4] =	sst s0;
	s0 =	simm.s32 @!p1 $0x0  }
0x14: {  	s2 =	sld [smem:$0x3F98];
	s0 =	simm.s32 @p1 $0x1  }
0x15: {  	[smem:$0x3FB5] =	sst s0;
	s0 =	simm.s32 @!p2 $0x0  }
0x16: {  	s3 =	sld [smem:$0x3FDB];
	s0 =	simm.s32 @p2 $0x1  }
0x17: {  	s4 =	simm.s32 $0x1BF5;
	[smem:$0x3FB7] =	sst s0  }
0x18: {  	s0 =	sld [smem:$0x3F9A];
	_ =	swait.ge [sflag:s4], $0x0  }
0x19: {  	s7 =	sld [smem:$0x3F9B]  }
0x1a: {  	s8 =	sadd.s32 $0xFFFFE003, lr  }
0x1b: {  	s9 =	sadd.s32 $0xFFFFFEF7, lr;
	s5 =	simm.s32 $0xFFFFFFFF;
	p2 =	slt.u32 s8, $0xFFFFF086  }
0x1c: {  	p1 =	slt.u32 s9, $0xF7A;
	s5 =	simm.s32 @!p2 $0x0  }
0x1d: {  	s5 =	simm.s32 @p1 $0x1;
	p0 =	seq.s32 s7, s2  }
0x1e: {  	s7 =	smul.u32 @!p0 $0xF7A, s2;
	p2 =	seq.s32 @!p0 s5, $0x0  }
0x1f: {  	s9 =	smul.u32 $0xF7A, s1;
	s8 =	simm.s32 @!p0 $0x1BF5;
	p2 =	por !p2, p0  }
0x20: {  	[sflag:s8] =	ssyncset.s32 @!p0 $0xFFFFF086;
	s6 =	sadd.s32 @!p0 s3, s7;
	s7 =	simm.s32 @!p0 $0x108  }
0x21: {  	s3 =	sadd.s32 s3, s9;
	s6 =	sadd.s32 @!p0 $0x88, s6;
	s7 =	simm.s32 @p2 $0x1082  }
0x22: {  	[simem:s7], [sflag:s8] =	dma.local @!p0 [hbm:s6], $0xF7A  }
0x23: {  	s9 =	sor.u32 $0xD0000000, s2;
	s6 =	simm.s32 $0x108;
	_ =	swait.ge @!p0 [sflag:s8], $0x0  }
0x24: {  	s3 =	sadd.s32 $0x88, s3;
	s6 =	simm.s32 @!p1 $0x1082;
	[sflag:s4] =	ssyncset.s32 $0xFFFFF086  }
0x25: {  	[simem:s6], [sflag:s4] =	dma.local [hbm:s3], $0xF7A  }
0x26: {  	[smem:$0x3F9B] =	sst s1;
	(tag) =	ssettag s2;
	_ =	strace s9  }
0x27: {  	s1 =	sld [smem:$0x3FAB]  }
0x28: {  	s2 =	sld [smem:$0x3FAC]  }
0x29: {  	s4 =	sld [smem:$0x3FAE]  }
0x2a: {  	p0 =	seq.s32 s5, $0x0;
	s5 =	sld [smem:$0x3FAF]  }
0x2b: {  	s6 =	sld [smem:$0x3FB0]  }
0x2c: {  	s7 =	sld [smem:$0x3FB1]  }
0x2d: {  	s3 =	simm.s32 $0x108;
	s8 =	sld [smem:$0x3FB2]  }
0x2e: {  	s3 =	simm.s32 @!p0 $0x1082;
	s9 =	sld [smem:$0x3FB3]  }
0x2f: {  	lr =	sadd.s32 s0, s3;
	s0 =	sld [smem:$0x3FAA]  }
0x30: {  	s3 =	sld [smem:$0x3FAD]  }
0x31: {  	[smem:$0x3FB6] =	sst s10  }
0x32: {  	s10 =	sld [smem:$0x3FB4];
	_ =	sdelay $0x3  }
0x33: {  	p0 =	seq.s32 s10, $0x1;
	s10 =	sld [smem:$0x3FB6];
	_ =	sdelay $0x3  }
0x34: {  	[smem:$0x3FB6] =	sst s10  }
0x35: {  	s10 =	sld [smem:$0x3FB5];
	_ =	sdelay $0x3  }
0x36: {  	p1 =	seq.s32 s10, $0x1;
	s10 =	sld [smem:$0x3FB6];
	_ =	sdelay $0x3  }
0x37: {  	[smem:$0x3FB6] =	sst s10  }
0x38: {  	s10 =	sld [smem:$0x3FB7]  }
0x39: {  	_ = 	snop;
	(pc) =	sbr.ind lr, $3  }
0x3a: {  	_ = 	snop  }
0x3b: {  	_ = 	snop  }
0x3c: {  	p2 =	seq.s32 s10, $0x1;
	s10 =	sld [smem:$0x3FB6]  }
0x3d: {  	_ =	shalt  }
0x3e: {  	_ =	shalt  }
0x3f: {  	_ =	shalt  }
0x40: {  	_ =	shalt  }
0x41: {  	_ =	shalt  }
0x42: {  	_ =	shalt  }
0x43: {  	_ =	shalt  }
0x44: {  	_ =	shalt  }
0x45: {  	_ =	shalt  }
0x46: {  	_ =	shalt  }
0x47: {  	_ =	shalt  }
0x48: {  	_ =	shalt  }
0x49: {  	_ =	shalt  }
0x4a: {  	_ =	shalt  }
0x4b: {  	_ =	shalt  }
0x4c: {  	_ =	shalt  }
0x4d: {  	_ =	shalt  }
0x4e: {  	_ =	shalt  }
0x4f: {  	_ =	shalt  }
0x50: {  	_ =	shalt  }
0x51: {  	_ =	shalt  }
0x52: {  	_ =	shalt  }
0x53: {  	_ =	shalt  }
0x54: {  	_ =	shalt  }
0x55: {  	_ =	shalt  }
0x56: {  	_ =	shalt  }
0x57: {  	_ =	shalt  }
0x58: {  	_ =	shalt  }
0x59: {  	_ =	shalt  }
0x5a: {  	_ =	shalt  }
0x5b: {  	_ =	shalt  }
0x5c: {  	_ =	shalt  }
0x5d: {  	_ =	shalt  }
0x5e: {  	_ =	shalt  }
0x5f: {  	_ =	shalt  }
0x60: {  	_ =	shalt  }
0x61: {  	_ =	shalt  }
0x62: {  	_ =	shalt  }
0x63: {  	_ =	shalt  }
0x64: {  	_ =	shalt  }
0x65: {  	_ =	shalt  }
0x66: {  	_ =	shalt  }
0x67: {  	_ =	shalt  }
0x68: {  	_ =	shalt  }
0x69: {  	_ =	shalt  }
0x6a: {  	_ =	shalt  }
0x6b: {  	_ =	shalt  }
0x6c: {  	_ =	shalt  }
0x6d: {  	_ =	shalt  }
0x6e: {  	_ =	shalt  }
0x6f: {  	_ =	shalt  }
0x70: {  	_ =	shalt  }
0x71: {  	_ =	shalt  }
0x72: {  	_ =	shalt  }
0x73: {  	_ =	shalt  }
0x74: {  	_ =	shalt  }
0x75: {  	_ =	shalt  }
0x76: {  	_ =	shalt  }
0x77: {  	_ =	shalt  }
0x78: {  	_ =	shalt  }
0x79: {  	_ =	shalt  }
0x7a: {  	_ =	shalt  }
0x7b: {  	_ =	shalt  }
0x7c: {  	_ =	shalt  }
0x7d: {  	_ =	shalt  }
0x7e: {  	_ =	shalt  }
0x7f: {  	_ =	shalt  }
0x80: {  	_ =	shalt  }
0x81: {  	_ =	shalt  }
0x82: {  	_ =	shalt  }
0x83: {  	_ =	shalt  }
0x84: {  	_ =	shalt  }
0x85: {  	_ =	shalt  }
0x86: {  	_ =	shalt  }
0x87: {  	_ =	shalt  }
.Lfunc_end0:
.L_simem_size_0:
called_computation_lowered:
.L_overlay_start_0:
0x88: {  	s2 =	sld [smem:$0x3FD9]  }
0x89: {  	s3 =	sld [smem:$0x3FFE];
	_ =	sdelay $0x1  }
0x8a: {  	s1 =	srdreg.scid  }
0x8b: {  	s0 =	sand.u32 $0x1, s1  }
0x8c: {  	s17 =	sshll.u32 s0, $0xA;
	s2 =	sadd.s32 s3, s2  }
0x8d: {  	s2 =	sadd.s32 s2, s17  }
0x8e: {  	[smem:$0x3FC2] =	sst s2  }
0x8f: {  	_ = 	snop  }
0x90: {  	s2 =	sld [smem:$0x3FC9]  }
0x91: {  	s18 =	sld [smem:$0x3FC8];
	(tm) =	ssettm $0x1  }
0x92: {  	s4 =	sld [smem:$0x3FFB];
	_ =	sdelay $0x3  }
0x93: {  	_ =	strace s4  }
0x94: {  	s4 =	sld [smem:$0x3FFC];
	_ =	sdelay $0x3  }
0x95: {  	_ =	strace s4  }
0x96: {  	s4 =	sld [smem:$0x3FFD];
	_ =	sdelay $0x3  }
0x97: {  	_ =	strace s4  }
0x98: {  	_ =	strace $0x8FFFFFFF  }
0x99: {  	s19 =	sld [smem:$0x3FDB];
	_ =	sdelay $0x1  }
0x9a: {  	s5 =	simm.s32 $_scs_section_size  }
0x9b: {  	s6 =	simm.s32 $_size__tile_overlayer_lowered;
	s7 =	simm.s32 $_tile_overlayer_lowered  }
0x9c: {  	s22 =	simm.s32 $0x1BFF;
	s21 =	sshll.u32 s7, $0x1;
	s4 =	sadd.s32 s5, s19  }
0x9d: {  	s8 =	simm.s32 $0x0;
	s20 =	sshll.u32 s6, $0x1;
	s6 =	sadd.s32 s21, s4  }
0x9e: {  	[timem:s8], [sflag:s22] =	dma.local [hbm:s6], s20  }
0x9f: {  	_ =	swait.ge [sflag:s22], s20  }
0xa0: {  	s5 =	ssub.s32 $0x0, s20;
	[sflag:s22] =	ssyncset.done $0x0  }
0xa1: {  	[sflag:s22] =	ssyncadd.s32 s5;
	_ =	sdelay $0x1  }
0xa2: {  	s23 =	simm.s32 $0x1B8B  }
0xa3: {  	_ =	swait.ge [sflag:s23], $0x1  }
0xa4: {  	[sflag:s23] =	ssyncset.done $0x0  }
0xa5: {  	s25 =	simm.s32 $0x1B8E;
	s24 =	sld [smem:$0x3FFE];
	[sflag:s23] =	ssyncadd.s32 $0xFFFFFFFF  }
0xa6: {  	s26 =	simm.s32 $execute0_lowered;
	[smem:$0x3FD2] =	sst s25  }
0xa7: {  	s6 =	sshll.u32 s26, $0x1;
	_ =	strace $0x80000046;
	[dreg:$0x1] =	wrdreg $0xFFFFFFFF  }
0xa8: {  	s28 =	simm.s32 $_size_execute0_lowered;
	s4 =	sadd.s32 s4, s6;
	[dreg:$0x0] =	wrdreg $0x0  }
0xa9: {  	s6 =	sshll.u32 s28, $0x1;
	[dreg:$0x2] =	wrdreg s4  }
0xaa: {  	[dreg:$0x3] =	wrdreg s6  }
0xab: {  	[dreg:$0x4] =	wrdreg $0xC0  }
0xac: {  	_ =	task [dreg:s8], $0x5FFFF  }
0xad: {  	[dreg:$0x1] =	wrdreg $0xFFFFFFFF  }
0xae: {  	[dreg:$0x0] =	wrdreg $0x60  }
0xaf: {  	[dreg:$0x2] =	wrdreg s2  }
0xb0: {  	[dreg:$0x3] =	wrdreg s18  }
0xb1: {  	[dreg:$0x4] =	wrdreg s24  }
0xb2: {  	[dreg:$0x5] =	wrdreg $0x9  }
0xb3: {  	_ =	task.clear_ibuf [dreg:s8], $0x6FFFF;
	_ =	strace $0x90000046  }
0xb4: {  	s29 =	simm.s32 $0x9;
	_ =	strace $0x80000048  }
0xb5: {  	_ =	swait.ge [sflag:s29], $0x1  }
0xb6: {  	[sflag:s29] =	ssyncadd.s32 $0xFFFFFFFF  }
0xb7: {  	_ =	strace $0x90000048  }
0xb8: {  	_ =	sfence  }
0xb9: {  	s30 =	sld [smem:$0x0];
	_ =	sdelay $0x2  }
0xba: {  	s31 =	sshll.u32 s1, $0xD;
	s1 =	sshrl.u32 s1, $0x2  }
0xbb: {  	s3 =	sand.u32 $0x4000, s31;
	s1 =	sadd.s32 s1, s30  }
0xbc: {  	s0 =	sor.u32 s3, s0;
	s1 =	sshll.u32 s1, $0x11  }
0xbd: {  	s0 =	sor.u32 s1, s0  }
0xbe: {  	s0 =	sadd.s32 $0x8F2B, s0  }
0xbf: {  	[sflag:s0] =	ssyncadd.remote.s32 $0x1  }
0xc0: {  	_ =	sfence.sel $0xFFFF  }
0xc1: {  	[dreg:$0x0] =	wrdreg $0xFFFFFFFF;
	(pc) =	sbr.abs _section_cstart, $3  }
0xc2: {  	[dreg:$0x1] =	wrdreg $0xFFFFFFFF  }
0xc3: {  	_ =	task.clear_ibuf [dreg:s8], $0x2FFFF;
	_ =	strace $0x9FFFFFFF  }
0xc4: {  	(tm) =	ssettm $0x7FFFFFFF  }
0xc5: {  	_ =	shalt  }
tec
execute0_lowered:
.L_overlay_start_1:
0x0: {  	(tag) =	ssettag $0x1  }
0x1: {  	s4 =	rddreg [dreg:$0x0];
	s0 =	stileid.u32  }
0x2: {  	s3 =	rddreg [dreg:$0x1];
	s1 =	srdreg.scid  }
0x3: {  	s5 =	rddreg [dreg:$0x2];
	s11 =	simm.s32 $0x2000;
	s12 =	simm.s32 $0x1  }
0x4: {  	s13 =	simm.s32 $0x2;
	s14 =	simm.s32 $0x10200;
	s15 =	simm.s32 $0x3  }
0x5: {  	s16 =	simm.s32 $0x0;
	s2 =	sshll.u32 s0, $0x1;
	s6 =	sand.u32 $0x1, s1  }
0x6: {  	s1 =	rddreg [dreg:$0x3];
	s7 =	sshrl.u32 s0, $0x2;
	s2 =	sand.u32 $0x6, s2  }
0x7: {  	s9 =	sshll.u32 s7, $0x11;
	s10 =	sshll.u32 s7, $0x13;
	s29 =	ssub.s32 $0x2, s6  }
0x8: {  	s7 =	sshll.u32 s7, $0x8;
	s8 =	sor.u32 s6, s2;
	s2 =	simm.s32 $0x0  }
0x9: {  	s31 =	sshrl.u32 s29, $0x1;
	s8 =	sshll.u32 s8, $0xA;
	[smem:$0x7FF] =	sst s2  }
0xa: {  	s3 =	sadd.s32 s3, s7;
	s9 =	sor.u32 s9, s8;
	_ =	strace $0x80000047  }
0xb: {  	s30 =	sor.u32 s10, s8;
	s8 =	ssub.s32 s29, s31;
	s10 =	simm.s32 $0x400  }
0xc: {  	s9 =	sshrl.u32 s9, $0x3;
	s6 =	sshrl.u32 s30, $0x3;
	s7 =	smax.u32 s8, $0x1  }
0xd: {  	s8 =	simm.s32 $0x80;
	s9 =	sadd.s32 s9, s5;
	s4 =	sadd.s32 s4, s6  }
0xe: {  	v0 =	vimm.f32 $0.0e+00;
	s5 =	sadd.s32 $0x8000, s4;
	s6 =	sadd.s32 $0x1000, s9;
	s9 =	simm.s32 $0x200  }
.LBB2_1:
0xf: {  	[tilespmem:s2], [sflag:$0x1] =	stream.strided.gather [hbm4b:s3+s8], $0x200, s9, s8, $0x38;
	[tilespmem:$0x14200] =	vst v63  }
0x10: {  	s17 =	simm.s32 $0x0;
	s18 =	simm.s32 $0x200  }
0x11: {  	[tilespmem:s9], [sflag:$0x2] =	stream.strided.gather [hbm4b:s4+s10], $0x8000, s11, s10, $0x38;
	[tilespmem:$0x14200] =	vst v63  }
.LBB2_2:
0x12: {  	p0 =	sne.s32 s18, $0xFE00;
	[tilespmem:s17+$0x10270] =	vst v0  }
0x13: {  	[tilespmem:s17+$0x10200] =	vst v0  }
0x14: {  	[tilespmem:s17+$0x10210] =	vst v0  }
.Ltmp0:
0x15: {  	[tilespmem:s17+$0x10220] =	vst v0;
	(pc) =	sbr.rel @p0 .LBB2_2-.Ltmp0, $4  }
0x16: {  	[tilespmem:s17+$0x10230] =	vst v0  }
0x17: {  	[tilespmem:s17+$0x10240] =	vst v0  }
0x18: {  	[tilespmem:s17+$0x10250] =	vst v0  }
0x19: {  	[tilespmem:s17+$0x10260] =	vst v0;
	s17 =	sshra.s32 s18, $0x2;
	s18 =	sadd.s32 $0x200, s18  }
0x1a: {  	[tilespmem:s17+$0x10270] =	vst v0  }
0x1b: {  	[tilespmem:s17+$0x10200] =	vst v0  }
0x1c: {  	[tilespmem:s17+$0x10210] =	vst v0  }
0x1d: {  	[tilespmem:s17+$0x10220] =	vst v0  }
0x1e: {  	[tilespmem:s17+$0x10230] =	vst v0  }
0x1f: {  	[tilespmem:s17+$0x10240] =	vst v0  }
0x20: {  	[tilespmem:s17+$0x10250] =	vst v0  }
0x21: {  	[tilespmem:s17+$0x10260] =	vst v0  }
0x22: {  	_ =	swait.ge [sflag:s12], $0x200  }
0x23: {  	[sflag:s12] =	ssyncset.done $0x0  }
0x24: {  	s17 =	simm.s32 $0x0;
	p1 =	por $0x1, $0x1;
	[sflag:s12] =	ssyncadd.s32 $0xFFFFFE00  }
.LBB2_5:
0x25: {  	_ =	swait.ge [sflag:s13], $0x8000  }
0x26: {  	s18 =	simm.s32 @p1 $0x400;
	s19 =	simm.s32 @p1 $0x2000;
	[sflag:s13] =	ssyncset.done $0x0  }
0x27: {  	s20 =	simm.s32 @p1 $0x8200;
	s30 =	sshll.u32 s17, $0xF;
	[sflag:s13] =	ssyncadd.s32 $0xFFFF8000  }
0x28: {  	[tilespmem:s20], [sflag:$0x2] =	stream.strided.gather @p1 [hbm4b:s5+s18], $0x8000, s19, s18, $0x38;
	[tilespmem:$0x14200] =	vst v63  }
0x29: {  	s31 =	sshll.u32 s17, $0x8;
	s18 =	sand.u32 $0x3FFF8000, s30  }
0x2a: {  	s17 =	sand.u32 $0x3FFFFF00, s31;
	s18 =	sor.u32 $0x200, s18  }
0x2b: {  	p0 =	por p1, p1;
	[dreg:$0x4] =	wrdreg s17;
	s17 =	simm.s32 $0x0;
	v1 =	vmov s18  }
.LBB2_6:
0x2c: {  	s20 =	sshll.u32 s17, $0x4  }
0x2d: {  	s18 =	rddreg [dreg:$0x4];
	s19 =	sand.u32 $0x80, s20  }
0x2e: {  	s21 =	sand.u32 $0x60, s20;
	s19 =	sadd.s32 s19, s18  }
0x2f: {  	s18 =	sadd.s32 s21, s19  }
0x30: {  	v2 =	vld [tilespmem:s18+$0x0];
	_ =	sdelay $0x4  }
0x31: {  	v2 =	vshll.u32 v2, $0x9  }
0x32: {  	v2 =	vshra.s32 v2, $0x2  }
0x33: {  	(v2sf) =	vpush v2, $0x0;
	_ =	sdelay $0x5  }
0x34: {  	s24 =	sshll.u32 s17, $0xB  }
0x35: {  	s18 =	sand.u32 $0x3FFFF800, s24  }
0x36: {  	v3 =	vld.idx.msk [tilespmem:v1+s18+$0x0 ss:$0x1], $0xffff  }
0x37: {  	v4 =	vld.idx.msk [tilespmem:v1+s18+$0x10 ss:$0x1], $0xffff  }
0x38: {  	v5 =	vld.idx.msk [tilespmem:v1+s18+$0x20 ss:$0x1], $0xffff  }
0x39: {  	v6 =	vld.idx.msk [tilespmem:v1+s18+$0x30 ss:$0x1], $0xffff  }
0x3a: {  	v7 =	vld.idx.msk [tilespmem:v1+s18+$0x40 ss:$0x1], $0xffff  }
0x3b: {  	v8 =	vld.idx.msk [tilespmem:v1+s18+$0x50 ss:$0x1], $0xffff  }
0x3c: {  	v9 =	vld.idx.msk [tilespmem:v1+s18+$0x60 ss:$0x1], $0xffff  }
0x3d: {  	v10 =	vld.idx.msk [tilespmem:v1+s18+$0x70 ss:$0x1], $0xffff;
	s25 =	spop (v2sf)  }
0x3e: {  	(v2sf) =	vpush v2, $0x1;
	[tilespmem:s25+$0x10200] =	vst.add.f32.msk $0xffff, v3  }
0x3f: {  	[tilespmem:s25+$0x10210] =	vst.add.f32.msk $0xffff, v4  }
0x40: {  	[tilespmem:s25+$0x10220] =	vst.add.f32.msk $0xffff, v5  }
0x41: {  	[tilespmem:s25+$0x10230] =	vst.add.f32.msk $0xffff, v6  }
0x42: {  	[tilespmem:s25+$0x10240] =	vst.add.f32.msk $0xffff, v7  }
0x43: {  	[tilespmem:s25+$0x10250] =	vst.add.f32.msk $0xffff, v8  }
0x44: {  	[tilespmem:s25+$0x10260] =	vst.add.f32.msk $0xffff, v9  }
0x45: {  	[tilespmem:s25+$0x10270] =	vst.add.f32.msk $0xffff, v10  }
0x46: {  	v3 =	vld.idx.msk [tilespmem:v1+s18+$0x80 ss:$0x1], $0xffff  }
0x47: {  	v4 =	vld.idx.msk [tilespmem:v1+s18+$0x90 ss:$0x1], $0xffff  }
0x48: {  	v5 =	vld.idx.msk [tilespmem:v1+s18+$0xA0 ss:$0x1], $0xffff  }
0x49: {  	v6 =	vld.idx.msk [tilespmem:v1+s18+$0xB0 ss:$0x1], $0xffff  }
0x4a: {  	v7 =	vld.idx.msk [tilespmem:v1+s18+$0xC0 ss:$0x1], $0xffff  }
0x4b: {  	v8 =	vld.idx.msk [tilespmem:v1+s18+$0xD0 ss:$0x1], $0xffff  }
0x4c: {  	v9 =	vld.idx.msk [tilespmem:v1+s18+$0xE0 ss:$0x1], $0xffff  }
0x4d: {  	v10 =	vld.idx.msk [tilespmem:v1+s18+$0xF0 ss:$0x1], $0xffff;
	s26 =	spop (v2sf)  }
0x4e: {  	(v2sf) =	vpush v2, $0x2;
	[tilespmem:s26+$0x10200] =	vst.add.f32.msk $0xffff, v3  }
0x4f: {  	[tilespmem:s26+$0x10210] =	vst.add.f32.msk $0xffff, v4  }
0x50: {  	[tilespmem:s26+$0x10220] =	vst.add.f32.msk $0xffff, v5  }
0x51: {  	[tilespmem:s26+$0x10230] =	vst.add.f32.msk $0xffff, v6  }
0x52: {  	[tilespmem:s26+$0x10240] =	vst.add.f32.msk $0xffff, v7  }
0x53: {  	[tilespmem:s26+$0x10250] =	vst.add.f32.msk $0xffff, v8  }
0x54: {  	[tilespmem:s26+$0x10260] =	vst.add.f32.msk $0xffff, v9  }
0x55: {  	[tilespmem:s26+$0x10270] =	vst.add.f32.msk $0xffff, v10  }
0x56: {  	v3 =	vld.idx.msk [tilespmem:v1+s18+$0x100 ss:$0x1], $0xffff  }
0x57: {  	v4 =	vld.idx.msk [tilespmem:v1+s18+$0x110 ss:$0x1], $0xffff  }
0x58: {  	v5 =	vld.idx.msk [tilespmem:v1+s18+$0x120 ss:$0x1], $0xffff  }
0x59: {  	v6 =	vld.idx.msk [tilespmem:v1+s18+$0x130 ss:$0x1], $0xffff  }
0x5a: {  	v7 =	vld.idx.msk [tilespmem:v1+s18+$0x140 ss:$0x1], $0xffff  }
0x5b: {  	v8 =	vld.idx.msk [tilespmem:v1+s18+$0x150 ss:$0x1], $0xffff  }
0x5c: {  	v9 =	vld.idx.msk [tilespmem:v1+s18+$0x160 ss:$0x1], $0xffff  }
0x5d: {  	v10 =	vld.idx.msk [tilespmem:v1+s18+$0x170 ss:$0x1], $0xffff;
	s28 =	spop (v2sf)  }
0x5e: {  	(v2sf) =	vpush v2, $0x3;
	[tilespmem:s28+$0x10200] =	vst.add.f32.msk $0xffff, v3  }
0x5f: {  	[tilespmem:s28+$0x10210] =	vst.add.f32.msk $0xffff, v4  }
0x60: {  	[tilespmem:s28+$0x10220] =	vst.add.f32.msk $0xffff, v5  }
0x61: {  	[tilespmem:s28+$0x10230] =	vst.add.f32.msk $0xffff, v6  }
0x62: {  	[tilespmem:s28+$0x10240] =	vst.add.f32.msk $0xffff, v7  }
0x63: {  	[tilespmem:s28+$0x10250] =	vst.add.f32.msk $0xffff, v8  }
0x64: {  	[tilespmem:s28+$0x10260] =	vst.add.f32.msk $0xffff, v9  }
0x65: {  	[tilespmem:s28+$0x10270] =	vst.add.f32.msk $0xffff, v10  }
0x66: {  	v3 =	vld.idx.msk [tilespmem:v1+s18+$0x180 ss:$0x1], $0xffff  }
0x67: {  	v4 =	vld.idx.msk [tilespmem:v1+s18+$0x190 ss:$0x1], $0xffff  }
0x68: {  	v5 =	vld.idx.msk [tilespmem:v1+s18+$0x1A0 ss:$0x1], $0xffff  }
0x69: {  	v6 =	vld.idx.msk [tilespmem:v1+s18+$0x1B0 ss:$0x1], $0xffff  }
0x6a: {  	v7 =	vld.idx.msk [tilespmem:v1+s18+$0x1C0 ss:$0x1], $0xffff  }
0x6b: {  	v8 =	vld.idx.msk [tilespmem:v1+s18+$0x1D0 ss:$0x1], $0xffff  }
0x6c: {  	v9 =	vld.idx.msk [tilespmem:v1+s18+$0x1E0 ss:$0x1], $0xffff  }
0x6d: {  	v10 =	vld.idx.msk [tilespmem:v1+s18+$0x1F0 ss:$0x1], $0xffff;
	s29 =	spop (v2sf)  }
0x6e: {  	[tilespmem:s29+$0x10200] =	vst.add.f32.msk $0xffff, v3  }
0x6f: {  	[tilespmem:s29+$0x10210] =	vst.add.f32.msk $0xffff, v4  }
0x70: {  	[tilespmem:s29+$0x10220] =	vst.add.f32.msk $0xffff, v5  }
0x71: {  	[tilespmem:s29+$0x10230] =	vst.add.f32.msk $0xffff, v6  }
0x72: {  	[tilespmem:s29+$0x10240] =	vst.add.f32.msk $0xffff, v7  }
0x73: {  	[tilespmem:s29+$0x10250] =	vst.add.f32.msk $0xffff, v8  }
0x74: {  	[tilespmem:s29+$0x10260] =	vst.add.f32.msk $0xffff, v9  }
0x75: {  	[tilespmem:s29+$0x10270] =	vst.add.f32.msk $0xffff, v10  }
0x76: {  	v3 =	vld.idx.msk [tilespmem:v1+s18+$0x200 ss:$0x1], $0xffff  }
0x77: {  	v4 =	vld.idx.msk [tilespmem:v1+s18+$0x210 ss:$0x1], $0xffff  }
0x78: {  	v5 =	vld.idx.msk [tilespmem:v1+s18+$0x220 ss:$0x1], $0xffff  }
0x79: {  	v6 =	vld.idx.msk [tilespmem:v1+s18+$0x230 ss:$0x1], $0xffff  }
0x7a: {  	v7 =	vld.idx.msk [tilespmem:v1+s18+$0x240 ss:$0x1], $0xffff  }
0x7b: {  	v8 =	vld.idx.msk [tilespmem:v1+s18+$0x250 ss:$0x1], $0xffff;
	(v2sf) =	vpush v2, $0x4;
	_ =	sdelay $0xd  }
0x7c: {  	v55 =	vld.idx.msk [tilespmem:v1+s18+$0x260 ss:$0x1], $0xffff  }
0x7d: {  	v56 =	vld.idx.msk [tilespmem:v1+s18+$0x270 ss:$0x1], $0xffff;
	s30 =	spop (v2sf)  }
0x7e: {  	(v2sf) =	vpush v2, $0x5;
	[tilespmem:s30+$0x10200] =	vst.add.f32.msk $0xffff, v3  }
0x7f: {  	[tilespmem:s30+$0x10210] =	vst.add.f32.msk $0xffff, v4  }
0x80: {  	[tilespmem:s30+$0x10220] =	vst.add.f32.msk $0xffff, v5  }
0x81: {  	[tilespmem:s30+$0x10230] =	vst.add.f32.msk $0xffff, v6  }
0x82: {  	[tilespmem:s30+$0x10240] =	vst.add.f32.msk $0xffff, v7  }
0x83: {  	[tilespmem:s30+$0x10250] =	vst.add.f32.msk $0xffff, v8  }
0x84: {  	[tilespmem:s30+$0x10260] =	vst.add.f32.msk $0xffff, v55  }
0x85: {  	[tilespmem:s30+$0x10270] =	vst.add.f32.msk $0xffff, v56  }
0x86: {  	v3 =	vld.idx.msk [tilespmem:v1+s18+$0x280 ss:$0x1], $0xffff  }
0x87: {  	v4 =	vld.idx.msk [tilespmem:v1+s18+$0x290 ss:$0x1], $0xffff  }
0x88: {  	v5 =	vld.idx.msk [tilespmem:v1+s18+$0x2A0 ss:$0x1], $0xffff  }
0x89: {  	v6 =	vld.idx.msk [tilespmem:v1+s18+$0x2B0 ss:$0x1], $0xffff  }
0x8a: {  	v7 =	vld.idx.msk [tilespmem:v1+s18+$0x2C0 ss:$0x1], $0xffff  }
0x8b: {  	v8 =	vld.idx.msk [tilespmem:v1+s18+$0x2D0 ss:$0x1], $0xffff  }
0x8c: {  	v9 =	vld.idx.msk [tilespmem:v1+s18+$0x2E0 ss:$0x1], $0xffff  }
0x8d: {  	v10 =	vld.idx.msk [tilespmem:v1+s18+$0x2F0 ss:$0x1], $0xffff;
	s31 =	spop (v2sf)  }
0x8e: {  	(v2sf) =	vpush v2, $0x6;
	[tilespmem:s31+$0x10200] =	vst.add.f32.msk $0xffff, v3  }
0x8f: {  	[tilespmem:s31+$0x10210] =	vst.add.f32.msk $0xffff, v4  }
0x90: {  	[tilespmem:s31+$0x10220] =	vst.add.f32.msk $0xffff, v5  }
0x91: {  	[tilespmem:s31+$0x10230] =	vst.add.f32.msk $0xffff, v6  }
0x92: {  	[tilespmem:s31+$0x10240] =	vst.add.f32.msk $0xffff, v7  }
0x93: {  	[tilespmem:s31+$0x10250] =	vst.add.f32.msk $0xffff, v8  }
0x94: {  	[tilespmem:s31+$0x10260] =	vst.add.f32.msk $0xffff, v9  }
0x95: {  	[tilespmem:s31+$0x10270] =	vst.add.f32.msk $0xffff, v10  }
0x96: {  	v3 =	vld.idx.msk [tilespmem:v1+s18+$0x300 ss:$0x1], $0xffff  }
0x97: {  	v4 =	vld.idx.msk [tilespmem:v1+s18+$0x310 ss:$0x1], $0xffff  }
0x98: {  	v5 =	vld.idx.msk [tilespmem:v1+s18+$0x320 ss:$0x1], $0xffff  }
0x99: {  	v6 =	vld.idx.msk [tilespmem:v1+s18+$0x330 ss:$0x1], $0xffff  }
0x9a: {  	v7 =	vld.idx.msk [tilespmem:v1+s18+$0x340 ss:$0x1], $0xffff  }
0x9b: {  	v8 =	vld.idx.msk [tilespmem:v1+s18+$0x350 ss:$0x1], $0xffff  }
0x9c: {  	v9 =	vld.idx.msk [tilespmem:v1+s18+$0x360 ss:$0x1], $0xffff  }
0x9d: {  	v10 =	vld.idx.msk [tilespmem:v1+s18+$0x370 ss:$0x1], $0xffff;
	s22 =	spop (v2sf)  }
0x9e: {  	(v2sf) =	vpush v2, $0x7;
	[tilespmem:s22+$0x10200] =	vst.add.f32.msk $0xffff, v3  }
0x9f: {  	[tilespmem:s22+$0x10210] =	vst.add.f32.msk $0xffff, v4  }
0xa0: {  	[tilespmem:s22+$0x10220] =	vst.add.f32.msk $0xffff, v5  }
0xa1: {  	[tilespmem:s22+$0x10230] =	vst.add.f32.msk $0xffff, v6  }
0xa2: {  	[tilespmem:s22+$0x10240] =	vst.add.f32.msk $0xffff, v7  }
0xa3: {  	[tilespmem:s22+$0x10250] =	vst.add.f32.msk $0xffff, v8  }
0xa4: {  	[tilespmem:s22+$0x10260] =	vst.add.f32.msk $0xffff, v9  }
0xa5: {  	[tilespmem:s22+$0x10270] =	vst.add.f32.msk $0xffff, v10  }
0xa6: {  	v3 =	vld.idx.msk [tilespmem:v1+s18+$0x380 ss:$0x1], $0xffff  }
0xa7: {  	v4 =	vld.idx.msk [tilespmem:v1+s18+$0x390 ss:$0x1], $0xffff  }
0xa8: {  	v5 =	vld.idx.msk [tilespmem:v1+s18+$0x3A0 ss:$0x1], $0xffff  }
0xa9: {  	v6 =	vld.idx.msk [tilespmem:v1+s18+$0x3B0 ss:$0x1], $0xffff  }
0xaa: {  	v7 =	vld.idx.msk [tilespmem:v1+s18+$0x3C0 ss:$0x1], $0xffff  }
0xab: {  	v8 =	vld.idx.msk [tilespmem:v1+s18+$0x3D0 ss:$0x1], $0xffff  }
0xac: {  	v9 =	vld.idx.msk [tilespmem:v1+s18+$0x3E0 ss:$0x1], $0xffff  }
0xad: {  	v10 =	vld.idx.msk [tilespmem:v1+s18+$0x3F0 ss:$0x1], $0xffff;
	s23 =	spop (v2sf)  }
0xae: {  	(v2sf) =	vpush v2, $0x8;
	[tilespmem:s23+$0x10200] =	vst.add.f32.msk $0xffff, v3  }
0xaf: {  	[tilespmem:s23+$0x10210] =	vst.add.f32.msk $0xffff, v4  }
0xb0: {  	[tilespmem:s23+$0x10220] =	vst.add.f32.msk $0xffff, v5  }
0xb1: {  	[tilespmem:s23+$0x10230] =	vst.add.f32.msk $0xffff, v6  }
0xb2: {  	[tilespmem:s23+$0x10240] =	vst.add.f32.msk $0xffff, v7  }
0xb3: {  	[tilespmem:s23+$0x10250] =	vst.add.f32.msk $0xffff, v8  }
0xb4: {  	[tilespmem:s23+$0x10260] =	vst.add.f32.msk $0xffff, v9  }
0xb5: {  	[tilespmem:s23+$0x10270] =	vst.add.f32.msk $0xffff, v10  }
0xb6: {  	v3 =	vld.idx.msk [tilespmem:v1+s18+$0x400 ss:$0x1], $0xffff  }
0xb7: {  	v4 =	vld.idx.msk [tilespmem:v1+s18+$0x410 ss:$0x1], $0xffff  }
0xb8: {  	v5 =	vld.idx.msk [tilespmem:v1+s18+$0x420 ss:$0x1], $0xffff  }
0xb9: {  	v6 =	vld.idx.msk [tilespmem:v1+s18+$0x430 ss:$0x1], $0xffff  }
0xba: {  	v7 =	vld.idx.msk [tilespmem:v1+s18+$0x440 ss:$0x1], $0xffff  }
0xbb: {  	v8 =	vld.idx.msk [tilespmem:v1+s18+$0x450 ss:$0x1], $0xffff  }
0xbc: {  	v9 =	vld.idx.msk [tilespmem:v1+s18+$0x460 ss:$0x1], $0xffff  }
0xbd: {  	v10 =	vld.idx.msk [tilespmem:v1+s18+$0x470 ss:$0x1], $0xffff;
	s24 =	spop (v2sf)  }
0xbe: {  	[tilespmem:s24+$0x10200] =	vst.add.f32.msk $0xffff, v3  }
0xbf: {  	[tilespmem:s24+$0x10210] =	vst.add.f32.msk $0xffff, v4  }
0xc0: {  	[tilespmem:s24+$0x10220] =	vst.add.f32.msk $0xffff, v5  }
0xc1: {  	[tilespmem:s24+$0x10230] =	vst.add.f32.msk $0xffff, v6  }
0xc2: {  	[tilespmem:s24+$0x10240] =	vst.add.f32.msk $0xffff, v7  }
0xc3: {  	[tilespmem:s24+$0x10250] =	vst.add.f32.msk $0xffff, v8  }
0xc4: {  	[tilespmem:s24+$0x10260] =	vst.add.f32.msk $0xffff, v9  }
0xc5: {  	(v2sf) =	vpush v2, $0x9;
	[tilespmem:s24+$0x10270] =	vst.add.f32.msk $0xffff, v10  }
0xc6: {  	v3 =	vld.idx.msk [tilespmem:v1+s18+$0x480 ss:$0x1], $0xffff  }
0xc7: {  	v4 =	vld.idx.msk [tilespmem:v1+s18+$0x490 ss:$0x1], $0xffff  }
0xc8: {  	v5 =	vld.idx.msk [tilespmem:v1+s18+$0x4A0 ss:$0x1], $0xffff  }
0xc9: {  	v6 =	vld.idx.msk [tilespmem:v1+s18+$0x4B0 ss:$0x1], $0xffff  }
0xca: {  	v7 =	vld.idx.msk [tilespmem:v1+s18+$0x4C0 ss:$0x1], $0xffff  }
0xcb: {  	s20 =	sor.u32 $0x10, s20;
	v8 =	vld.idx.msk [tilespmem:v1+s18+$0x4D0 ss:$0x1], $0xffff  }
0xcc: {  	s22 =	sand.u32 $0x70, s20;
	s20 =	sshll.u32 s20, $0x7;
	v9 =	vld.idx.msk [tilespmem:v1+s18+$0x4E0 ss:$0x1], $0xffff  }
0xcd: {  	s24 =	sand.u32 $0x3FFFF800, s20;
	v10 =	vld.idx.msk [tilespmem:v1+s18+$0x4F0 ss:$0x1], $0xffff  }
0xce: {  	v57 =	vld.idx.msk [tilespmem:v1+s24+$0x10 ss:$0x1], $0xffff  }
0xcf: {  	v58 =	vld.idx.msk [tilespmem:v1+s24+$0x20 ss:$0x1], $0xffff  }
0xd0: {  	v59 =	vld.idx.msk [tilespmem:v1+s24+$0x30 ss:$0x1], $0xffff  }
0xd1: {  	v60 =	vld.idx.msk [tilespmem:v1+s24+$0x40 ss:$0x1], $0xffff  }
0xd2: {  	v61 =	vld.idx.msk [tilespmem:v1+s24+$0x50 ss:$0x1], $0xffff  }
0xd3: {  	v62 =	vld.idx.msk [tilespmem:v1+s24+$0x60 ss:$0x1], $0xffff  }
0xd4: {  	v63 =	vld.idx.msk [tilespmem:v1+s24+$0x70 ss:$0x1], $0xffff;
	s25 =	spop (v2sf)  }
0xd5: {  	(v2sf) =	vpush v2, $0xA;
	[tilespmem:s25+$0x10200] =	vst.add.f32.msk $0xffff, v3  }
0xd6: {  	[tilespmem:s25+$0x10210] =	vst.add.f32.msk $0xffff, v4  }
0xd7: {  	[tilespmem:s25+$0x10220] =	vst.add.f32.msk $0xffff, v5  }
0xd8: {  	[tilespmem:s25+$0x10230] =	vst.add.f32.msk $0xffff, v6  }
0xd9: {  	[tilespmem:s25+$0x10240] =	vst.add.f32.msk $0xffff, v7  }
0xda: {  	[tilespmem:s25+$0x10250] =	vst.add.f32.msk $0xffff, v8  }
0xdb: {  	[tilespmem:s25+$0x10260] =	vst.add.f32.msk $0xffff, v9  }
0xdc: {  	[tilespmem:s25+$0x10270] =	vst.add.f32.msk $0xffff, v10  }
0xdd: {  	v3 =	vld.idx.msk [tilespmem:v1+s18+$0x500 ss:$0x1], $0xffff  }
0xde: {  	v4 =	vld.idx.msk [tilespmem:v1+s18+$0x510 ss:$0x1], $0xffff  }
0xdf: {  	v5 =	vld.idx.msk [tilespmem:v1+s18+$0x520 ss:$0x1], $0xffff  }
0xe0: {  	v6 =	vld.idx.msk [tilespmem:v1+s18+$0x530 ss:$0x1], $0xffff  }
0xe1: {  	v7 =	vld.idx.msk [tilespmem:v1+s18+$0x540 ss:$0x1], $0xffff  }
0xe2: {  	v8 =	vld.idx.msk [tilespmem:v1+s18+$0x550 ss:$0x1], $0xffff  }
0xe3: {  	v9 =	vld.idx.msk [tilespmem:v1+s18+$0x560 ss:$0x1], $0xffff  }
0xe4: {  	v10 =	vld.idx.msk [tilespmem:v1+s18+$0x570 ss:$0x1], $0xffff;
	s26 =	spop (v2sf);
	(v2sf) =	vpush v2, $0xB  }
0xe5: {  	[tilespmem:s26+$0x10200] =	vst.add.f32.msk $0xffff, v3  }
0xe6: {  	[tilespmem:s26+$0x10210] =	vst.add.f32.msk $0xffff, v4  }
0xe7: {  	[tilespmem:s26+$0x10220] =	vst.add.f32.msk $0xffff, v5  }
0xe8: {  	[tilespmem:s26+$0x10230] =	vst.add.f32.msk $0xffff, v6  }
0xe9: {  	[tilespmem:s26+$0x10240] =	vst.add.f32.msk $0xffff, v7  }
0xea: {  	[tilespmem:s26+$0x10250] =	vst.add.f32.msk $0xffff, v8  }
0xeb: {  	[tilespmem:s26+$0x10260] =	vst.add.f32.msk $0xffff, v9  }
0xec: {  	[tilespmem:s26+$0x10270] =	vst.add.f32.msk $0xffff, v10  }
0xed: {  	v3 =	vld.idx.msk [tilespmem:v1+s18+$0x580 ss:$0x1], $0xffff  }
0xee: {  	v4 =	vld.idx.msk [tilespmem:v1+s18+$0x590 ss:$0x1], $0xffff  }
0xef: {  	v5 =	vld.idx.msk [tilespmem:v1+s18+$0x5A0 ss:$0x1], $0xffff  }
0xf0: {  	v6 =	vld.idx.msk [tilespmem:v1+s18+$0x5B0 ss:$0x1], $0xffff  }
0xf1: {  	v7 =	vld.idx.msk [tilespmem:v1+s18+$0x5C0 ss:$0x1], $0xffff  }
0xf2: {  	v8 =	vld.idx.msk [tilespmem:v1+s18+$0x5D0 ss:$0x1], $0xffff  }
0xf3: {  	v9 =	vld.idx.msk [tilespmem:v1+s18+$0x5E0 ss:$0x1], $0xffff;
	s28 =	spop (v2sf);
	(v2sf) =	vpush v2, $0xC  }
0xf4: {  	v10 =	vld.idx.msk [tilespmem:v1+s18+$0x5F0 ss:$0x1], $0xffff  }
0xf5: {  	[tilespmem:s28+$0x10200] =	vst.add.f32.msk $0xffff, v3  }
0xf6: {  	[tilespmem:s28+$0x10210] =	vst.add.f32.msk $0xffff, v4  }
0xf7: {  	[tilespmem:s28+$0x10220] =	vst.add.f32.msk $0xffff, v5  }
0xf8: {  	[tilespmem:s28+$0x10230] =	vst.add.f32.msk $0xffff, v6  }
0xf9: {  	[tilespmem:s28+$0x10240] =	vst.add.f32.msk $0xffff, v7  }
0xfa: {  	[tilespmem:s28+$0x10250] =	vst.add.f32.msk $0xffff, v8  }
0xfb: {  	[tilespmem:s28+$0x10260] =	vst.add.f32.msk $0xffff, v9  }
0xfc: {  	[tilespmem:s28+$0x10270] =	vst.add.f32.msk $0xffff, v10  }
0xfd: {  	v3 =	vld.idx.msk [tilespmem:v1+s18+$0x600 ss:$0x1], $0xffff  }
0xfe: {  	v4 =	vld.idx.msk [tilespmem:v1+s18+$0x610 ss:$0x1], $0xffff  }
0xff: {  	v5 =	vld.idx.msk [tilespmem:v1+s18+$0x620 ss:$0x1], $0xffff  }
0x100: {  	v6 =	vld.idx.msk [tilespmem:v1+s18+$0x630 ss:$0x1], $0xffff  }
0x101: {  	v7 =	vld.idx.msk [tilespmem:v1+s18+$0x640 ss:$0x1], $0xffff  }
0x102: {  	v8 =	vld.idx.msk [tilespmem:v1+s18+$0x650 ss:$0x1], $0xffff;
	s29 =	spop (v2sf);
	(v2sf) =	vpush v2, $0xD  }
0x103: {  	v9 =	vld.idx.msk [tilespmem:v1+s18+$0x660 ss:$0x1], $0xffff  }
0x104: {  	v10 =	vld.idx.msk [tilespmem:v1+s18+$0x670 ss:$0x1], $0xffff  }
0x105: {  	[tilespmem:s29+$0x10200] =	vst.add.f32.msk $0xffff, v3  }
0x106: {  	[tilespmem:s29+$0x10210] =	vst.add.f32.msk $0xffff, v4  }
0x107: {  	[tilespmem:s29+$0x10220] =	vst.add.f32.msk $0xffff, v5  }
0x108: {  	[tilespmem:s29+$0x10230] =	vst.add.f32.msk $0xffff, v6  }
0x109: {  	[tilespmem:s29+$0x10240] =	vst.add.f32.msk $0xffff, v7  }
0x10a: {  	[tilespmem:s29+$0x10250] =	vst.add.f32.msk $0xffff, v8  }
0x10b: {  	[tilespmem:s29+$0x10260] =	vst.add.f32.msk $0xffff, v9  }
0x10c: {  	[tilespmem:s29+$0x10270] =	vst.add.f32.msk $0xffff, v10  }
0x10d: {  	v3 =	vld.idx.msk [tilespmem:v1+s18+$0x680 ss:$0x1], $0xffff  }
0x10e: {  	v4 =	vld.idx.msk [tilespmem:v1+s18+$0x690 ss:$0x1], $0xffff  }
0x10f: {  	v5 =	vld.idx.msk [tilespmem:v1+s18+$0x6A0 ss:$0x1], $0xffff  }
0x110: {  	v6 =	vld.idx.msk [tilespmem:v1+s18+$0x6B0 ss:$0x1], $0xffff  }
0x111: {  	v7 =	vld.idx.msk [tilespmem:v1+s18+$0x6C0 ss:$0x1], $0xffff;
	s30 =	spop (v2sf);
	(v2sf) =	vpush v2, $0xE  }
0x112: {  	v8 =	vld.idx.msk [tilespmem:v1+s18+$0x6D0 ss:$0x1], $0xffff  }
0x113: {  	v9 =	vld.idx.msk [tilespmem:v1+s18+$0x6E0 ss:$0x1], $0xffff  }
0x114: {  	v10 =	vld.idx.msk [tilespmem:v1+s18+$0x6F0 ss:$0x1], $0xffff  }
0x115: {  	[tilespmem:s30+$0x10200] =	vst.add.f32.msk $0xffff, v3  }
0x116: {  	[tilespmem:s30+$0x10210] =	vst.add.f32.msk $0xffff, v4  }
0x117: {  	[tilespmem:s30+$0x10220] =	vst.add.f32.msk $0xffff, v5  }
0x118: {  	[tilespmem:s30+$0x10230] =	vst.add.f32.msk $0xffff, v6  }
0x119: {  	[tilespmem:s30+$0x10240] =	vst.add.f32.msk $0xffff, v7  }
0x11a: {  	[tilespmem:s30+$0x10250] =	vst.add.f32.msk $0xffff, v8  }
0x11b: {  	[tilespmem:s30+$0x10260] =	vst.add.f32.msk $0xffff, v9  }
0x11c: {  	[tilespmem:s30+$0x10270] =	vst.add.f32.msk $0xffff, v10  }
0x11d: {  	v3 =	vld.idx.msk [tilespmem:v1+s18+$0x700 ss:$0x1], $0xffff  }
0x11e: {  	v4 =	vld.idx.msk [tilespmem:v1+s18+$0x710 ss:$0x1], $0xffff  }
0x11f: {  	v5 =	vld.idx.msk [tilespmem:v1+s18+$0x720 ss:$0x1], $0xffff  }
0x120: {  	v6 =	vld.idx.msk [tilespmem:v1+s18+$0x730 ss:$0x1], $0xffff;
	s31 =	spop (v2sf);
	(v2sf) =	vpush v2, $0xF  }
0x121: {  	v7 =	vld.idx.msk [tilespmem:v1+s18+$0x740 ss:$0x1], $0xffff  }
0x122: {  	v8 =	vld.idx.msk [tilespmem:v1+s18+$0x750 ss:$0x1], $0xffff  }
0x123: {  	v9 =	vld.idx.msk [tilespmem:v1+s18+$0x760 ss:$0x1], $0xffff  }
0x124: {  	s19 =	sadd.s32 s22, s19;
	v10 =	vld.idx.msk [tilespmem:v1+s18+$0x770 ss:$0x1], $0xffff  }
0x125: {  	v2 =	vld [tilespmem:s19+$0x0]  }
0x126: {  	[tilespmem:s31+$0x10200] =	vst.add.f32.msk $0xffff, v3  }
0x127: {  	[tilespmem:s31+$0x10210] =	vst.add.f32.msk $0xffff, v4  }
0x128: {  	[tilespmem:s31+$0x10220] =	vst.add.f32.msk $0xffff, v5  }
0x129: {  	[tilespmem:s31+$0x10230] =	vst.add.f32.msk $0xffff, v6  }
0x12a: {  	[tilespmem:s31+$0x10240] =	vst.add.f32.msk $0xffff, v7  }
0x12b: {  	[tilespmem:s31+$0x10250] =	vst.add.f32.msk $0xffff, v8  }
0x12c: {  	[tilespmem:s31+$0x10260] =	vst.add.f32.msk $0xffff, v9  }
0x12d: {  	[tilespmem:s31+$0x10270] =	vst.add.f32.msk $0xffff, v10;
	v2 =	vshll.u32 v2, $0x9  }
0x12e: {  	v3 =	vld.idx.msk [tilespmem:v1+s18+$0x780 ss:$0x1], $0xffff;
	v2 =	vshra.s32 v2, $0x2  }
0x12f: {  	v4 =	vld.idx.msk [tilespmem:v1+s18+$0x790 ss:$0x1], $0xffff;
	s23 =	spop (v2sf);
	(v2sf) =	vpush v2, $0x0  }
0x130: {  	v5 =	vld.idx.msk [tilespmem:v1+s18+$0x7A0 ss:$0x1], $0xffff  }
0x131: {  	v6 =	vld.idx.msk [tilespmem:v1+s18+$0x7B0 ss:$0x1], $0xffff  }
0x132: {  	v7 =	vld.idx.msk [tilespmem:v1+s18+$0x7C0 ss:$0x1], $0xffff  }
0x133: {  	v8 =	vld.idx.msk [tilespmem:v1+s18+$0x7D0 ss:$0x1], $0xffff  }
0x134: {  	v9 =	vld.idx.msk [tilespmem:v1+s18+$0x7E0 ss:$0x1], $0xffff  }
0x135: {  	v10 =	vld.idx.msk [tilespmem:v1+s18+$0x7F0 ss:$0x1], $0xffff  }
0x136: {  	[tilespmem:s23+$0x10200] =	vst.add.f32.msk $0xffff, v3  }
0x137: {  	[tilespmem:s23+$0x10210] =	vst.add.f32.msk $0xffff, v4  }
0x138: {  	[tilespmem:s23+$0x10220] =	vst.add.f32.msk $0xffff, v5  }
0x139: {  	[tilespmem:s23+$0x10230] =	vst.add.f32.msk $0xffff, v6  }
0x13a: {  	v3 =	vld.idx.msk [tilespmem:v1+s24+$0x0 ss:$0x1], $0xffff  }
0x13b: {  	[tilespmem:s23+$0x10240] =	vst.add.f32.msk $0xffff, v7  }
0x13c: {  	[tilespmem:s23+$0x10250] =	vst.add.f32.msk $0xffff, v8  }
0x13d: {  	[tilespmem:s23+$0x10260] =	vst.add.f32.msk $0xffff, v9  }
0x13e: {  	[tilespmem:s23+$0x10270] =	vst.add.f32.msk $0xffff, v10;
	s25 =	spop (v2sf)  }
0x13f: {  	(v2sf) =	vpush v2, $0x1;
	[tilespmem:s25+$0x10200] =	vst.add.f32.msk $0xffff, v3  }
0x140: {  	[tilespmem:s25+$0x10210] =	vst.add.f32.msk $0xffff, v57  }
0x141: {  	[tilespmem:s25+$0x10220] =	vst.add.f32.msk $0xffff, v58  }
0x142: {  	[tilespmem:s25+$0x10230] =	vst.add.f32.msk $0xffff, v59  }
0x143: {  	[tilespmem:s25+$0x10240] =	vst.add.f32.msk $0xffff, v60  }
0x144: {  	[tilespmem:s25+$0x10250] =	vst.add.f32.msk $0xffff, v61  }
0x145: {  	[tilespmem:s25+$0x10260] =	vst.add.f32.msk $0xffff, v62  }
0x146: {  	[tilespmem:s25+$0x10270] =	vst.add.f32.msk $0xffff, v63  }
0x147: {  	v3 =	vld.idx.msk [tilespmem:v1+s18+$0x880 ss:$0x1], $0xffff  }
0x148: {  	v4 =	vld.idx.msk [tilespmem:v1+s18+$0x890 ss:$0x1], $0xffff  }
0x149: {  	v5 =	vld.idx.msk [tilespmem:v1+s18+$0x8A0 ss:$0x1], $0xffff  }
0x14a: {  	v6 =	vld.idx.msk [tilespmem:v1+s18+$0x8B0 ss:$0x1], $0xffff  }
0x14b: {  	v7 =	vld.idx.msk [tilespmem:v1+s18+$0x8C0 ss:$0x1], $0xffff  }
0x14c: {  	v8 =	vld.idx.msk [tilespmem:v1+s18+$0x8D0 ss:$0x1], $0xffff  }
0x14d: {  	v9 =	vld.idx.msk [tilespmem:v1+s18+$0x8E0 ss:$0x1], $0xffff  }
0x14e: {  	v10 =	vld.idx.msk [tilespmem:v1+s18+$0x8F0 ss:$0x1], $0xffff;
	s26 =	spop (v2sf)  }
0x14f: {  	(v2sf) =	vpush v2, $0x2;
	[tilespmem:s26+$0x10200] =	vst.add.f32.msk $0xffff, v3  }
0x150: {  	[tilespmem:s26+$0x10210] =	vst.add.f32.msk $0xffff, v4  }
0x151: {  	[tilespmem:s26+$0x10220] =	vst.add.f32.msk $0xffff, v5  }
0x152: {  	[tilespmem:s26+$0x10230] =	vst.add.f32.msk $0xffff, v6  }
0x153: {  	[tilespmem:s26+$0x10240] =	vst.add.f32.msk $0xffff, v7  }
0x154: {  	[tilespmem:s26+$0x10250] =	vst.add.f32.msk $0xffff, v8  }
0x155: {  	[tilespmem:s26+$0x10260] =	vst.add.f32.msk $0xffff, v9  }
0x156: {  	[tilespmem:s26+$0x10270] =	vst.add.f32.msk $0xffff, v10  }
0x157: {  	v3 =	vld.idx.msk [tilespmem:v1+s18+$0x900 ss:$0x1], $0xffff  }
0x158: {  	v4 =	vld.idx.msk [tilespmem:v1+s18+$0x910 ss:$0x1], $0xffff  }
0x159: {  	v5 =	vld.idx.msk [tilespmem:v1+s18+$0x920 ss:$0x1], $0xffff  }
0x15a: {  	v6 =	vld.idx.msk [tilespmem:v1+s18+$0x930 ss:$0x1], $0xffff  }
0x15b: {  	v7 =	vld.idx.msk [tilespmem:v1+s18+$0x940 ss:$0x1], $0xffff  }
0x15c: {  	v8 =	vld.idx.msk [tilespmem:v1+s18+$0x950 ss:$0x1], $0xffff  }
0x15d: {  	v9 =	vld.idx.msk [tilespmem:v1+s18+$0x960 ss:$0x1], $0xffff  }
0x15e: {  	v10 =	vld.idx.msk [tilespmem:v1+s18+$0x970 ss:$0x1], $0xffff;
	s28 =	spop (v2sf)  }
0x15f: {  	(v2sf) =	vpush v2, $0x3;
	[tilespmem:s28+$0x10200] =	vst.add.f32.msk $0xffff, v3  }
0x160: {  	[tilespmem:s28+$0x10210] =	vst.add.f32.msk $0xffff, v4  }
0x161: {  	[tilespmem:s28+$0x10220] =	vst.add.f32.msk $0xffff, v5  }
0x162: {  	[tilespmem:s28+$0x10230] =	vst.add.f32.msk $0xffff, v6  }
0x163: {  	[tilespmem:s28+$0x10240] =	vst.add.f32.msk $0xffff, v7  }
0x164: {  	[tilespmem:s28+$0x10250] =	vst.add.f32.msk $0xffff, v8  }
0x165: {  	[tilespmem:s28+$0x10260] =	vst.add.f32.msk $0xffff, v9  }
0x166: {  	[tilespmem:s28+$0x10270] =	vst.add.f32.msk $0xffff, v10  }
0x167: {  	v3 =	vld.idx.msk [tilespmem:v1+s18+$0x980 ss:$0x1], $0xffff  }
0x168: {  	v4 =	vld.idx.msk [tilespmem:v1+s18+$0x990 ss:$0x1], $0xffff  }
0x169: {  	v5 =	vld.idx.msk [tilespmem:v1+s18+$0x9A0 ss:$0x1], $0xffff  }
0x16a: {  	v6 =	vld.idx.msk [tilespmem:v1+s18+$0x9B0 ss:$0x1], $0xffff  }
0x16b: {  	v7 =	vld.idx.msk [tilespmem:v1+s18+$0x9C0 ss:$0x1], $0xffff  }
0x16c: {  	v8 =	vld.idx.msk [tilespmem:v1+s18+$0x9D0 ss:$0x1], $0xffff  }
0x16d: {  	v9 =	vld.idx.msk [tilespmem:v1+s18+$0x9E0 ss:$0x1], $0xffff  }
0x16e: {  	v10 =	vld.idx.msk [tilespmem:v1+s18+$0x9F0 ss:$0x1], $0xffff;
	s29 =	spop (v2sf)  }
0x16f: {  	(v2sf) =	vpush v2, $0x4;
	[tilespmem:s29+$0x10200] =	vst.add.f32.msk $0xffff, v3  }
0x170: {  	[tilespmem:s29+$0x10210] =	vst.add.f32.msk $0xffff, v4  }
0x171: {  	[tilespmem:s29+$0x10220] =	vst.add.f32.msk $0xffff, v5  }
0x172: {  	[tilespmem:s29+$0x10230] =	vst.add.f32.msk $0xffff, v6  }
0x173: {  	[tilespmem:s29+$0x10240] =	vst.add.f32.msk $0xffff, v7  }
0x174: {  	[tilespmem:s29+$0x10250] =	vst.add.f32.msk $0xffff, v8  }
0x175: {  	[tilespmem:s29+$0x10260] =	vst.add.f32.msk $0xffff, v9  }
0x176: {  	[tilespmem:s29+$0x10270] =	vst.add.f32.msk $0xffff, v10  }
0x177: {  	v3 =	vld.idx.msk [tilespmem:v1+s18+$0xA00 ss:$0x1], $0xffff  }
0x178: {  	v4 =	vld.idx.msk [tilespmem:v1+s18+$0xA10 ss:$0x1], $0xffff  }
0x179: {  	v5 =	vld.idx.msk [tilespmem:v1+s18+$0xA20 ss:$0x1], $0xffff  }
0x17a: {  	v6 =	vld.idx.msk [tilespmem:v1+s18+$0xA30 ss:$0x1], $0xffff  }
0x17b: {  	v7 =	vld.idx.msk [tilespmem:v1+s18+$0xA40 ss:$0x1], $0xffff  }
0x17c: {  	v8 =	vld.idx.msk [tilespmem:v1+s18+$0xA50 ss:$0x1], $0xffff  }
0x17d: {  	v9 =	vld.idx.msk [tilespmem:v1+s18+$0xA60 ss:$0x1], $0xffff  }
0x17e: {  	v10 =	vld.idx.msk [tilespmem:v1+s18+$0xA70 ss:$0x1], $0xffff;
	s30 =	spop (v2sf)  }
0x17f: {  	(v2sf) =	vpush v2, $0x5;
	[tilespmem:s30+$0x10200] =	vst.add.f32.msk $0xffff, v3  }
0x180: {  	[tilespmem:s30+$0x10210] =	vst.add.f32.msk $0xffff, v4  }
0x181: {  	[tilespmem:s30+$0x10220] =	vst.add.f32.msk $0xffff, v5  }
0x182: {  	[tilespmem:s30+$0x10230] =	vst.add.f32.msk $0xffff, v6  }
0x183: {  	[tilespmem:s30+$0x10240] =	vst.add.f32.msk $0xffff, v7  }
0x184: {  	[tilespmem:s30+$0x10250] =	vst.add.f32.msk $0xffff, v8  }
0x185: {  	[tilespmem:s30+$0x10260] =	vst.add.f32.msk $0xffff, v9  }
0x186: {  	[tilespmem:s30+$0x10270] =	vst.add.f32.msk $0xffff, v10  }
0x187: {  	v3 =	vld.idx.msk [tilespmem:v1+s18+$0xA80 ss:$0x1], $0xffff  }
0x188: {  	v4 =	vld.idx.msk [tilespmem:v1+s18+$0xA90 ss:$0x1], $0xffff  }
0x189: {  	v5 =	vld.idx.msk [tilespmem:v1+s18+$0xAA0 ss:$0x1], $0xffff  }
0x18a: {  	v6 =	vld.idx.msk [tilespmem:v1+s18+$0xAB0 ss:$0x1], $0xffff  }
0x18b: {  	v7 =	vld.idx.msk [tilespmem:v1+s18+$0xAC0 ss:$0x1], $0xffff  }
0x18c: {  	v8 =	vld.idx.msk [tilespmem:v1+s18+$0xAD0 ss:$0x1], $0xffff  }
0x18d: {  	v9 =	vld.idx.msk [tilespmem:v1+s18+$0xAE0 ss:$0x1], $0xffff  }
0x18e: {  	v10 =	vld.idx.msk [tilespmem:v1+s18+$0xAF0 ss:$0x1], $0xffff;
	s31 =	spop (v2sf)  }
0x18f: {  	(v2sf) =	vpush v2, $0x6;
	[tilespmem:s31+$0x10200] =	vst.add.f32.msk $0xffff, v3  }
0x190: {  	[tilespmem:s31+$0x10210] =	vst.add.f32.msk $0xffff, v4  }
0x191: {  	[tilespmem:s31+$0x10220] =	vst.add.f32.msk $0xffff, v5  }
0x192: {  	[tilespmem:s31+$0x10230] =	vst.add.f32.msk $0xffff, v6  }
0x193: {  	[tilespmem:s31+$0x10240] =	vst.add.f32.msk $0xffff, v7  }
0x194: {  	[tilespmem:s31+$0x10250] =	vst.add.f32.msk $0xffff, v8  }
0x195: {  	[tilespmem:s31+$0x10260] =	vst.add.f32.msk $0xffff, v9  }
0x196: {  	[tilespmem:s31+$0x10270] =	vst.add.f32.msk $0xffff, v10  }
0x197: {  	v3 =	vld.idx.msk [tilespmem:v1+s18+$0xB00 ss:$0x1], $0xffff  }
0x198: {  	v4 =	vld.idx.msk [tilespmem:v1+s18+$0xB10 ss:$0x1], $0xffff  }
0x199: {  	v5 =	vld.idx.msk [tilespmem:v1+s18+$0xB20 ss:$0x1], $0xffff  }
0x19a: {  	v6 =	vld.idx.msk [tilespmem:v1+s18+$0xB30 ss:$0x1], $0xffff  }
0x19b: {  	v7 =	vld.idx.msk [tilespmem:v1+s18+$0xB40 ss:$0x1], $0xffff  }
0x19c: {  	v8 =	vld.idx.msk [tilespmem:v1+s18+$0xB50 ss:$0x1], $0xffff  }
0x19d: {  	v9 =	vld.idx.msk [tilespmem:v1+s18+$0xB60 ss:$0x1], $0xffff  }
0x19e: {  	v10 =	vld.idx.msk [tilespmem:v1+s18+$0xB70 ss:$0x1], $0xffff;
	s20 =	spop (v2sf)  }
0x19f: {  	(v2sf) =	vpush v2, $0x7;
	[tilespmem:s20+$0x10200] =	vst.add.f32.msk $0xffff, v3  }
0x1a0: {  	[tilespmem:s20+$0x10210] =	vst.add.f32.msk $0xffff, v4  }
0x1a1: {  	[tilespmem:s20+$0x10220] =	vst.add.f32.msk $0xffff, v5  }
0x1a2: {  	[tilespmem:s20+$0x10230] =	vst.add.f32.msk $0xffff, v6  }
0x1a3: {  	[tilespmem:s20+$0x10240] =	vst.add.f32.msk $0xffff, v7  }
0x1a4: {  	[tilespmem:s20+$0x10250] =	vst.add.f32.msk $0xffff, v8  }
0x1a5: {  	[tilespmem:s20+$0x10260] =	vst.add.f32.msk $0xffff, v9  }
0x1a6: {  	[tilespmem:s20+$0x10270] =	vst.add.f32.msk $0xffff, v10  }
0x1a7: {  	v3 =	vld.idx.msk [tilespmem:v1+s18+$0xB80 ss:$0x1], $0xffff  }
0x1a8: {  	v4 =	vld.idx.msk [tilespmem:v1+s18+$0xB90 ss:$0x1], $0xffff  }
0x1a9: {  	v5 =	vld.idx.msk [tilespmem:v1+s18+$0xBA0 ss:$0x1], $0xffff  }
0x1aa: {  	v6 =	vld.idx.msk [tilespmem:v1+s18+$0xBB0 ss:$0x1], $0xffff  }
0x1ab: {  	v7 =	vld.idx.msk [tilespmem:v1+s18+$0xBC0 ss:$0x1], $0xffff  }
0x1ac: {  	v8 =	vld.idx.msk [tilespmem:v1+s18+$0xBD0 ss:$0x1], $0xffff  }
0x1ad: {  	v9 =	vld.idx.msk [tilespmem:v1+s18+$0xBE0 ss:$0x1], $0xffff  }
0x1ae: {  	v10 =	vld.idx.msk [tilespmem:v1+s18+$0xBF0 ss:$0x1], $0xffff;
	s21 =	spop (v2sf)  }
0x1af: {  	(v2sf) =	vpush v2, $0x8;
	[tilespmem:s21+$0x10200] =	vst.add.f32.msk $0xffff, v3  }
0x1b0: {  	[tilespmem:s21+$0x10210] =	vst.add.f32.msk $0xffff, v4  }
0x1b1: {  	[tilespmem:s21+$0x10220] =	vst.add.f32.msk $0xffff, v5  }
0x1b2: {  	[tilespmem:s21+$0x10230] =	vst.add.f32.msk $0xffff, v6  }
0x1b3: {  	[tilespmem:s21+$0x10240] =	vst.add.f32.msk $0xffff, v7  }
0x1b4: {  	[tilespmem:s21+$0x10250] =	vst.add.f32.msk $0xffff, v8  }
0x1b5: {  	[tilespmem:s21+$0x10260] =	vst.add.f32.msk $0xffff, v9  }
0x1b6: {  	[tilespmem:s21+$0x10270] =	vst.add.f32.msk $0xffff, v10  }
0x1b7: {  	v3 =	vld.idx.msk [tilespmem:v1+s18+$0xC00 ss:$0x1], $0xffff  }
0x1b8: {  	v4 =	vld.idx.msk [tilespmem:v1+s18+$0xC10 ss:$0x1], $0xffff  }
0x1b9: {  	v5 =	vld.idx.msk [tilespmem:v1+s18+$0xC20 ss:$0x1], $0xffff  }
0x1ba: {  	v6 =	vld.idx.msk [tilespmem:v1+s18+$0xC30 ss:$0x1], $0xffff  }
0x1bb: {  	v7 =	vld.idx.msk [tilespmem:v1+s18+$0xC40 ss:$0x1], $0xffff  }
0x1bc: {  	v8 =	vld.idx.msk [tilespmem:v1+s18+$0xC50 ss:$0x1], $0xffff  }
0x1bd: {  	v9 =	vld.idx.msk [tilespmem:v1+s18+$0xC60 ss:$0x1], $0xffff  }
0x1be: {  	v10 =	vld.idx.msk [tilespmem:v1+s18+$0xC70 ss:$0x1], $0xffff;
	s22 =	spop (v2sf)  }
0x1bf: {  	(v2sf) =	vpush v2, $0x9;
	[tilespmem:s22+$0x10200] =	vst.add.f32.msk $0xffff, v3  }
0x1c0: {  	[tilespmem:s22+$0x10210] =	vst.add.f32.msk $0xffff, v4  }
0x1c1: {  	[tilespmem:s22+$0x10220] =	vst.add.f32.msk $0xffff, v5  }
0x1c2: {  	[tilespmem:s22+$0x10230] =	vst.add.f32.msk $0xffff, v6  }
0x1c3: {  	[tilespmem:s22+$0x10240] =	vst.add.f32.msk $0xffff, v7  }
0x1c4: {  	[tilespmem:s22+$0x10250] =	vst.add.f32.msk $0xffff, v8  }
0x1c5: {  	[tilespmem:s22+$0x10260] =	vst.add.f32.msk $0xffff, v9  }
0x1c6: {  	[tilespmem:s22+$0x10270] =	vst.add.f32.msk $0xffff, v10  }
0x1c7: {  	v3 =	vld.idx.msk [tilespmem:v1+s18+$0xC80 ss:$0x1], $0xffff  }
0x1c8: {  	v4 =	vld.idx.msk [tilespmem:v1+s18+$0xC90 ss:$0x1], $0xffff  }
0x1c9: {  	v5 =	vld.idx.msk [tilespmem:v1+s18+$0xCA0 ss:$0x1], $0xffff  }
0x1ca: {  	v6 =	vld.idx.msk [tilespmem:v1+s18+$0xCB0 ss:$0x1], $0xffff  }
0x1cb: {  	v7 =	vld.idx.msk [tilespmem:v1+s18+$0xCC0 ss:$0x1], $0xffff  }
0x1cc: {  	v8 =	vld.idx.msk [tilespmem:v1+s18+$0xCD0 ss:$0x1], $0xffff  }
0x1cd: {  	v9 =	vld.idx.msk [tilespmem:v1+s18+$0xCE0 ss:$0x1], $0xffff  }
0x1ce: {  	v10 =	vld.idx.msk [tilespmem:v1+s18+$0xCF0 ss:$0x1], $0xffff;
	s23 =	spop (v2sf)  }
0x1cf: {  	(v2sf) =	vpush v2, $0xA;
	[tilespmem:s23+$0x10200] =	vst.add.f32.msk $0xffff, v3  }
0x1d0: {  	[tilespmem:s23+$0x10210] =	vst.add.f32.msk $0xffff, v4  }
0x1d1: {  	[tilespmem:s23+$0x10220] =	vst.add.f32.msk $0xffff, v5  }
0x1d2: {  	[tilespmem:s23+$0x10230] =	vst.add.f32.msk $0xffff, v6  }
0x1d3: {  	[tilespmem:s23+$0x10240] =	vst.add.f32.msk $0xffff, v7  }
0x1d4: {  	[tilespmem:s23+$0x10250] =	vst.add.f32.msk $0xffff, v8  }
0x1d5: {  	[tilespmem:s23+$0x10260] =	vst.add.f32.msk $0xffff, v9  }
0x1d6: {  	[tilespmem:s23+$0x10270] =	vst.add.f32.msk $0xffff, v10  }
0x1d7: {  	v3 =	vld.idx.msk [tilespmem:v1+s18+$0xD00 ss:$0x1], $0xffff  }
0x1d8: {  	v4 =	vld.idx.msk [tilespmem:v1+s18+$0xD10 ss:$0x1], $0xffff  }
0x1d9: {  	v5 =	vld.idx.msk [tilespmem:v1+s18+$0xD20 ss:$0x1], $0xffff  }
0x1da: {  	v6 =	vld.idx.msk [tilespmem:v1+s18+$0xD30 ss:$0x1], $0xffff  }
0x1db: {  	v7 =	vld.idx.msk [tilespmem:v1+s18+$0xD40 ss:$0x1], $0xffff  }
0x1dc: {  	v8 =	vld.idx.msk [tilespmem:v1+s18+$0xD50 ss:$0x1], $0xffff  }
0x1dd: {  	v9 =	vld.idx.msk [tilespmem:v1+s18+$0xD60 ss:$0x1], $0xffff  }
0x1de: {  	v10 =	vld.idx.msk [tilespmem:v1+s18+$0xD70 ss:$0x1], $0xffff;
	s24 =	spop (v2sf)  }
0x1df: {  	(v2sf) =	vpush v2, $0xB;
	[tilespmem:s24+$0x10200] =	vst.add.f32.msk $0xffff, v3  }
0x1e0: {  	[tilespmem:s24+$0x10210] =	vst.add.f32.msk $0xffff, v4  }
0x1e1: {  	[tilespmem:s24+$0x10220] =	vst.add.f32.msk $0xffff, v5  }
0x1e2: {  	[tilespmem:s24+$0x10230] =	vst.add.f32.msk $0xffff, v6  }
0x1e3: {  	[tilespmem:s24+$0x10240] =	vst.add.f32.msk $0xffff, v7  }
0x1e4: {  	[tilespmem:s24+$0x10250] =	vst.add.f32.msk $0xffff, v8  }
0x1e5: {  	[tilespmem:s24+$0x10260] =	vst.add.f32.msk $0xffff, v9  }
0x1e6: {  	[tilespmem:s24+$0x10270] =	vst.add.f32.msk $0xffff, v10  }
0x1e7: {  	v3 =	vld.idx.msk [tilespmem:v1+s18+$0xD80 ss:$0x1], $0xffff  }
0x1e8: {  	v4 =	vld.idx.msk [tilespmem:v1+s18+$0xD90 ss:$0x1], $0xffff  }
0x1e9: {  	v5 =	vld.idx.msk [tilespmem:v1+s18+$0xDA0 ss:$0x1], $0xffff  }
0x1ea: {  	v6 =	vld.idx.msk [tilespmem:v1+s18+$0xDB0 ss:$0x1], $0xffff  }
0x1eb: {  	v7 =	vld.idx.msk [tilespmem:v1+s18+$0xDC0 ss:$0x1], $0xffff  }
0x1ec: {  	v8 =	vld.idx.msk [tilespmem:v1+s18+$0xDD0 ss:$0x1], $0xffff  }
0x1ed: {  	v9 =	vld.idx.msk [tilespmem:v1+s18+$0xDE0 ss:$0x1], $0xffff  }
0x1ee: {  	v10 =	vld.idx.msk [tilespmem:v1+s18+$0xDF0 ss:$0x1], $0xffff;
	s25 =	spop (v2sf)  }
0x1ef: {  	(v2sf) =	vpush v2, $0xC;
	[tilespmem:s25+$0x10200] =	vst.add.f32.msk $0xffff, v3  }
0x1f0: {  	[tilespmem:s25+$0x10210] =	vst.add.f32.msk $0xffff, v4  }
0x1f1: {  	[tilespmem:s25+$0x10220] =	vst.add.f32.msk $0xffff, v5  }
0x1f2: {  	[tilespmem:s25+$0x10230] =	vst.add.f32.msk $0xffff, v6  }
0x1f3: {  	[tilespmem:s25+$0x10240] =	vst.add.f32.msk $0xffff, v7  }
0x1f4: {  	[tilespmem:s25+$0x10250] =	vst.add.f32.msk $0xffff, v8  }
0x1f5: {  	[tilespmem:s25+$0x10260] =	vst.add.f32.msk $0xffff, v9  }
0x1f6: {  	[tilespmem:s25+$0x10270] =	vst.add.f32.msk $0xffff, v10  }
0x1f7: {  	v3 =	vld.idx.msk [tilespmem:v1+s18+$0xE00 ss:$0x1], $0xffff  }
0x1f8: {  	v4 =	vld.idx.msk [tilespmem:v1+s18+$0xE10 ss:$0x1], $0xffff  }
0x1f9: {  	v5 =	vld.idx.msk [tilespmem:v1+s18+$0xE20 ss:$0x1], $0xffff  }
0x1fa: {  	v6 =	vld.idx.msk [tilespmem:v1+s18+$0xE30 ss:$0x1], $0xffff  }
0x1fb: {  	v7 =	vld.idx.msk [tilespmem:v1+s18+$0xE40 ss:$0x1], $0xffff  }
0x1fc: {  	v8 =	vld.idx.msk [tilespmem:v1+s18+$0xE50 ss:$0x1], $0xffff  }
0x1fd: {  	v9 =	vld.idx.msk [tilespmem:v1+s18+$0xE60 ss:$0x1], $0xffff  }
0x1fe: {  	v10 =	vld.idx.msk [tilespmem:v1+s18+$0xE70 ss:$0x1], $0xffff;
	s26 =	spop (v2sf)  }
0x1ff: {  	(v2sf) =	vpush v2, $0xD;
	[tilespmem:s26+$0x10200] =	vst.add.f32.msk $0xffff, v3  }
0x200: {  	[tilespmem:s26+$0x10210] =	vst.add.f32.msk $0xffff, v4  }
0x201: {  	[tilespmem:s26+$0x10220] =	vst.add.f32.msk $0xffff, v5  }
0x202: {  	[tilespmem:s26+$0x10230] =	vst.add.f32.msk $0xffff, v6  }
0x203: {  	[tilespmem:s26+$0x10240] =	vst.add.f32.msk $0xffff, v7  }
0x204: {  	[tilespmem:s26+$0x10250] =	vst.add.f32.msk $0xffff, v8  }
0x205: {  	[tilespmem:s26+$0x10260] =	vst.add.f32.msk $0xffff, v9  }
0x206: {  	[tilespmem:s26+$0x10270] =	vst.add.f32.msk $0xffff, v10  }
0x207: {  	v3 =	vld.idx.msk [tilespmem:v1+s18+$0xE80 ss:$0x1], $0xffff  }
0x208: {  	v4 =	vld.idx.msk [tilespmem:v1+s18+$0xE90 ss:$0x1], $0xffff  }
0x209: {  	v5 =	vld.idx.msk [tilespmem:v1+s18+$0xEA0 ss:$0x1], $0xffff  }
0x20a: {  	v6 =	vld.idx.msk [tilespmem:v1+s18+$0xEB0 ss:$0x1], $0xffff  }
0x20b: {  	v7 =	vld.idx.msk [tilespmem:v1+s18+$0xEC0 ss:$0x1], $0xffff  }
0x20c: {  	v8 =	vld.idx.msk [tilespmem:v1+s18+$0xED0 ss:$0x1], $0xffff  }
0x20d: {  	v9 =	vld.idx.msk [tilespmem:v1+s18+$0xEE0 ss:$0x1], $0xffff  }
0x20e: {  	v10 =	vld.idx.msk [tilespmem:v1+s18+$0xEF0 ss:$0x1], $0xffff;
	s28 =	spop (v2sf)  }
0x20f: {  	(v2sf) =	vpush v2, $0xE;
	[tilespmem:s28+$0x10200] =	vst.add.f32.msk $0xffff, v3  }
0x210: {  	[tilespmem:s28+$0x10210] =	vst.add.f32.msk $0xffff, v4  }
0x211: {  	[tilespmem:s28+$0x10220] =	vst.add.f32.msk $0xffff, v5  }
0x212: {  	[tilespmem:s28+$0x10230] =	vst.add.f32.msk $0xffff, v6  }
0x213: {  	[tilespmem:s28+$0x10240] =	vst.add.f32.msk $0xffff, v7  }
0x214: {  	[tilespmem:s28+$0x10250] =	vst.add.f32.msk $0xffff, v8  }
0x215: {  	[tilespmem:s28+$0x10260] =	vst.add.f32.msk $0xffff, v9  }
0x216: {  	[tilespmem:s28+$0x10270] =	vst.add.f32.msk $0xffff, v10  }
0x217: {  	v3 =	vld.idx.msk [tilespmem:v1+s18+$0xF00 ss:$0x1], $0xffff  }
0x218: {  	v4 =	vld.idx.msk [tilespmem:v1+s18+$0xF10 ss:$0x1], $0xffff  }
0x219: {  	v5 =	vld.idx.msk [tilespmem:v1+s18+$0xF20 ss:$0x1], $0xffff  }
0x21a: {  	v6 =	vld.idx.msk [tilespmem:v1+s18+$0xF30 ss:$0x1], $0xffff  }
0x21b: {  	v7 =	vld.idx.msk [tilespmem:v1+s18+$0xF40 ss:$0x1], $0xffff  }
0x21c: {  	v8 =	vld.idx.msk [tilespmem:v1+s18+$0xF50 ss:$0x1], $0xffff  }
0x21d: {  	v9 =	vld.idx.msk [tilespmem:v1+s18+$0xF60 ss:$0x1], $0xffff  }
0x21e: {  	v10 =	vld.idx.msk [tilespmem:v1+s18+$0xF70 ss:$0x1], $0xffff;
	s29 =	spop (v2sf)  }
0x21f: {  	(v2sf) =	vpush v2, $0xF;
	[tilespmem:s29+$0x10200] =	vst.add.f32.msk $0xffff, v3  }
0x220: {  	[tilespmem:s29+$0x10210] =	vst.add.f32.msk $0xffff, v4  }
0x221: {  	[tilespmem:s29+$0x10220] =	vst.add.f32.msk $0xffff, v5  }
0x222: {  	[tilespmem:s29+$0x10230] =	vst.add.f32.msk $0xffff, v6  }
0x223: {  	[tilespmem:s29+$0x10240] =	vst.add.f32.msk $0xffff, v7  }
0x224: {  	[tilespmem:s29+$0x10250] =	vst.add.f32.msk $0xffff, v8  }
0x225: {  	[tilespmem:s29+$0x10260] =	vst.add.f32.msk $0xffff, v9  }
0x226: {  	[tilespmem:s29+$0x10270] =	vst.add.f32.msk $0xffff, v10  }
0x227: {  	v2 =	vld.idx.msk [tilespmem:v1+s18+$0xF80 ss:$0x1], $0xffff  }
0x228: {  	v3 =	vld.idx.msk [tilespmem:v1+s18+$0xF90 ss:$0x1], $0xffff  }
0x229: {  	v4 =	vld.idx.msk [tilespmem:v1+s18+$0xFA0 ss:$0x1], $0xffff  }
0x22a: {  	v5 =	vld.idx.msk [tilespmem:v1+s18+$0xFB0 ss:$0x1], $0xffff  }
0x22b: {  	v6 =	vld.idx.msk [tilespmem:v1+s18+$0xFC0 ss:$0x1], $0xffff  }
0x22c: {  	v7 =	vld.idx.msk [tilespmem:v1+s18+$0xFD0 ss:$0x1], $0xffff  }
0x22d: {  	v8 =	vld.idx.msk [tilespmem:v1+s18+$0xFE0 ss:$0x1], $0xffff  }
0x22e: {  	v9 =	vld.idx.msk [tilespmem:v1+s18+$0xFF0 ss:$0x1], $0xffff;
	s30 =	spop (v2sf)  }
0x22f: {  	[tilespmem:s30+$0x10200] =	vst.add.f32.msk $0xffff, v2  }
0x230: {  	[tilespmem:s30+$0x10210] =	vst.add.f32.msk $0xffff, v3  }
0x231: {  	p1 =	slt.u32 s17, $0xE;
	[tilespmem:s30+$0x10220] =	vst.add.f32.msk $0xffff, v4  }
.Ltmp1:
0x232: {  	[tilespmem:s30+$0x10230] =	vst.add.f32.msk $0xffff, v5;
	(pc) =	sbr.rel @p1 .LBB2_6-.Ltmp1, $4  }
0x233: {  	[tilespmem:s30+$0x10240] =	vst.add.f32.msk $0xffff, v6  }
0x234: {  	[tilespmem:s30+$0x10250] =	vst.add.f32.msk $0xffff, v7  }
0x235: {  	s31 =	sadd.s32 $0x2, s17;
	[tilespmem:s30+$0x10260] =	vst.add.f32.msk $0xffff, v8  }
0x236: {  	s17 =	smov.u32 s31;
	[tilespmem:s30+$0x10270] =	vst.add.f32.msk $0xffff, v9  }
.Ltmp2:
0x237: {  	(pc) =	sbr.rel @p0 .LBB2_5-.Ltmp2, $2  }
0x238: {  	_ =	sdelay $0x2  }
0x239: {  	s17 =	simm.s32 $0x1;
	p1 =	por $0x0, $0x0  }
0x23a: {  	s16 =	sadd.s32 $0x1, s16  }
0x23b: {  	p0 =	sne.s32 s16, s7  }
.Ltmp3:
0x23c: {  	_ = 	snop;
	(pc) =	sbr.rel @p0 .LBB2_1-.Ltmp3, $4  }
0x23d: {  	[hbm4b:s6+s10] =	stream.strided.scatter [tilespmem:s14], [sflag:$0x3], $0x4000, s11, s10, $0x38;
	[tilespmem:$0x14200] =	vst v63  }
0x23e: {  	_ =	swait.ge [sflag:s15], $0x4000  }
0x23f: {  	[sflag:s15] =	ssyncset.done $0x0  }
0x240: {  	[sflag:s15] =	ssyncadd.s32 $0xFFFFC000  }
0x241: {  	_ =	sfence.sel $0x180000  }
0x242: {  	[bflag:$0x0] =	sbarrier.arrive $0xFFFF  }
0x243: {  	p0 =	sne.s32 s0, $0x0;
	_ =	strace $0x90000047  }
0x244: {  	s0 =	sadd.s32 @!p0 $0x100000, s1;
	[bflag:$0x2] =	sbarrier.arrive $0xFFFF  }
0x245: {  	[sflag:s0] =	ssyncadd.tile.s32 @!p0 $0x1;
	_ =	shalt  }
.Lfunc_end2:
_tile_overlayer_lowered:
.L_overlay_start_2:
0x246: {  	(tag) =	ssettag $0x2  }
0x247: {  	s0 =	rddreg [dreg:$0x0];
	s2 =	stileid.u32  }
0x248: {  	s1 =	rddreg [dreg:$0x1];
	p0 =	sne.s32 s2, $0x0  }
0x249: {  	s3 =	rddreg [dreg:$0x2];
	[bflag:$0x3] =	sbarrier.arrive $0xFFFF;
	s2 =	simm.s32 @!p0 $0x1C03  }
0x24a: {  	[timem:s3], [sflag:s2] =	dma.local @!p0 [hbm:s0], s1  }
0x24b: {  	s0 =	simm.s32 @!p0 $0x3  }
0x24c: {  	_ =	swait.ge @!p0 [sflag:s0], s1  }
0x24d: {  	s1 =	ssub.s32 @!p0 $0x0, s1;
	[sflag:s0] =	ssyncset.done @!p0 $0x0  }
0x24e: {  	[sflag:s0] =	ssyncadd.s32 @!p0 s1  }
0x24f: {  	[bflag:$0x3] =	sbarrier.arrive $0xFFFF  }
0x250: {  	_ =	shalt  }

</sc_bundles>
